<compile_context>
chip_gen: v7x
topology: tpu7x:2x2x1
jax: 0.10.2.dev20260603
libtpu: 0.0.44.dev20260713+nightly
codegen_flags: <defaults>
</compile_context>

<pallas_src>
import functools

import jax
import jax.numpy as jnp
from jax import lax
from jax.experimental import pallas as pl
from jax.experimental.pallas import tpu as pltpu
from jax.experimental.pallas import tpu_sc as plsc

_B = 16384
_D = 64
_NCTX = 14
_NI = 6
_L = 16
_PD = 128

_NW = 32
_RPW = _B // _NW
_C = 16
_NCHUNK = _RPW // _C
_CI = _C * _NI
_CO = _C * _NCTX


def _sc_scores(ci, co, emb_i2, emb_o2):
  mesh = plsc.VectorSubcoreMesh(core_axis_name="c", subcore_axis_name="s")

  @functools.partial(
      pl.kernel,
      mesh=mesh,
      out_type=jax.ShapeDtypeStruct((_B * _L,), jnp.float32),
      scratch_types=[
          pltpu.VMEM((_RPW * _NI + _L,), jnp.int32),
          pltpu.VMEM((_RPW * _NCTX + _L,), jnp.int32),
          pltpu.VMEM((_CI,), jnp.int32),
          pltpu.VMEM((_CI,), jnp.int32),
          pltpu.VMEM((_CO,), jnp.int32),
          pltpu.VMEM((_CO,), jnp.int32),
          pltpu.VMEM((_CI, _PD), jnp.float32),
          pltpu.VMEM((_CI, _PD), jnp.float32),
          pltpu.VMEM((_CO, _PD), jnp.float32),
          pltpu.VMEM((_CO, _PD), jnp.float32),
          pltpu.VMEM((_RPW * _L,), jnp.float32),
          pltpu.SemaphoreType.DMA,
          pltpu.SemaphoreType.DMA,
      ],
  )
  def k(ci_hbm, co_hbm, ei_hbm, eo_hbm, out_hbm,
        iia, ioa, pki0, pki1, pko0, pko1, ri0, ri1, ro0, ro1, outv,
        sem0, sem1):
    wid = lax.axis_index("s") * 2 + lax.axis_index("c")
    row0 = wid * _RPW
    iot = lax.iota(jnp.int32, _L)
    pki = (pki0, pki1)
    pko = (pko0, pko1)
    ri = (ri0, ri1)
    ro = (ro0, ro1)
    sems = (sem0, sem1)

    pltpu.sync_copy(ci_hbm.at[pl.ds(row0 * _NI, _RPW * _NI)],
                    iia.at[pl.ds(0, _RPW * _NI)])
    pltpu.sync_copy(co_hbm.at[pl.ds(row0 * _NCTX, _RPW * _NCTX)],
                    ioa.at[pl.ds(0, _RPW * _NCTX)])

    def fire(g, b):
      for kk in range(_CI // _L):
        raw = iia[pl.ds(g * _CI + kk * _L, _L)]
        pki[b][pl.ds(kk * _L, _L)] = lax.shift_right_logical(raw, 1)
      for kk in range(_CO // _L):
        raw = ioa[pl.ds(g * _CO + kk * _L, _L)]
        pko[b][pl.ds(kk * _L, _L)] = lax.shift_right_logical(raw, 1)
      pltpu.async_copy(ei_hbm.at[pki[b]], ri[b], sems[b])
      pltpu.async_copy(eo_hbm.at[pko[b]], ro[b], sems[b])

    def drain(b):
      pltpu.make_async_copy(ei_hbm.at[pl.ds(0, _CI)], ri[b], sems[b]).wait()
      pltpu.make_async_copy(eo_hbm.at[pl.ds(0, _CO)], ro[b], sems[b]).wait()

    def compute(g, b):
      rib = ri[b]
      rob = ro[b]

      def row_body(r, c2):
        gb = g * _C + r
        ho = (ioa[pl.ds(gb * _NCTX, _L)] & 1) * _D
        hi = (iia[pl.ds(gb * _NI, _L)] & 1) * _D
        ob = r * _NCTX
        ib = r * _NI
        h0 = ho[0]
        acc = [rob[ob, pl.ds(h0 + d * _L, _L)] for d in range(4)]
        for t in range(1, _NCTX):
          ht = ho[t]
          for d in range(4):
            acc[d] = acc[d] + rob[ob + t, pl.ds(ht + d * _L, _L)]
        res = jnp.zeros((_L,), jnp.float32)
        for j in range(_NI):
          hj = hi[j]
          p = acc[0] * rib[ib + j, pl.ds(hj, _L)]
          for d in range(1, 4):
            p = p + acc[d] * rib[ib + j, pl.ds(hj + d * _L, _L)]
          for sh in (8, 4, 2, 1):
            p = p + p.at[iot ^ sh].get(mode="promise_in_bounds")
          if j > 0:
            p = -p
          res = jnp.where(iot == j, p, res)
        outv[pl.ds(gb * _L, _L)] = res
        return c2

      lax.fori_loop(0, _C, row_body, 0)

    fire(0, 0)
    fire(1, 1)

    def outer(gg, carry):
      g0 = gg * 2
      drain(0)
      compute(g0, 0)
      pl.when(g0 + 2 < _NCHUNK)(lambda: fire(g0 + 2, 0))
      drain(1)
      compute(g0 + 1, 1)
      pl.when(g0 + 3 < _NCHUNK)(lambda: fire(g0 + 3, 1))
      return carry

    lax.fori_loop(0, _NCHUNK // 2, outer, 0)
    pltpu.sync_copy(outv, out_hbm.at[pl.ds(row0 * _L, _RPW * _L)])

  return k(ci, co, emb_i2, emb_o2)


def _logsig_tc(z):
  def body(z_ref, o_ref):
    v = z_ref[...]
    o_ref[...] = jnp.minimum(v, 0.0) - jnp.log1p(jnp.exp(-jnp.abs(v)))

  return pl.pallas_call(
      body, out_shape=jax.ShapeDtypeStruct(z.shape, z.dtype))(z)


def kernel(x, emb_i, emb_o):
  xi = x.astype(jnp.int32)
  ci = jnp.concatenate([xi[:, :1], xi[:, 15:]], axis=1).reshape(-1)
  co = xi[:, 1:15].reshape(-1)
  emb_i2 = emb_i.reshape(-1, _PD)
  emb_o2 = emb_o.reshape(-1, _PD)
  out1d = _sc_scores(ci, co, emb_i2, emb_o2)
  y = _logsig_tc(out1d.reshape(_B // 8, _L * 8))
  return y.reshape(_B, _L)[:, :_NI].reshape(_B, 1, _NI)

# --- scband reference (transcript-rebuilt; emitter-appended) ---
"""Pipeline reference for scband-cbow-27006754357982 (READ-ONLY COPY).

The authoritative reference and input builder live on the scoring server;
editing this copy changes nothing except your own understanding.
"""

import jax, jax.numpy as jnp
import numpy as np

TOKEN_NUM = 1000000
WIN_WIDTH = 15
EMB_DIM = 64
BATCH = 16384
COLS = 20

def setup_inputs(seed: int = 0) -> dict:
    key = jax.random.key(seed)
    k1, k2, k3 = jax.random.split(key, 3)
    x = jax.random.randint(k1, (BATCH, COLS), 0, TOKEN_NUM)
    emb_i = jax.random.normal(k2, (TOKEN_NUM + 10, EMB_DIM), dtype=jnp.float32) * 0.02
    emb_o = jax.random.normal(k3, (TOKEN_NUM + 10, EMB_DIM), dtype=jnp.float32) * 0.02
    return {"x": x, "emb_i": emb_i, "emb_o": emb_o}

def reference(x, emb_i, emb_o):
    # center token embedding from emb_i: [B, 1, D]
    center_x = jnp.take(emb_i, x[:, 0:1], axis=0)
    # context token embeddings from emb_o: [B, win_width-1, D]
    context_x = jnp.take(emb_o, x[:, 1:WIN_WIDTH], axis=0)
    # negative samples from emb_i: [B, n_neg, D]
    neg_x = jnp.take(emb_i, x[:, WIN_WIDTH:], axis=0)
    # sum context: [B, 1, D]
    context_x = jnp.sum(context_x, axis=1, keepdims=True)
    # transpose: [B, D, 1] and [B, D, n_neg]
    center_t = jnp.transpose(center_x, (0, 2, 1))
    neg_t = jnp.transpose(neg_x, (0, 2, 1))
    # batched matmuls
    y_oi = jnp.matmul(context_x, center_t)          # [B, 1, 1]
    y_on = jnp.matmul(context_x, neg_t) * -1.0      # [B, 1, n_neg]
    y = jnp.concatenate([y_oi, y_on], axis=2)       # [B, 1, 1 + n_neg]
    y = jax.nn.log_sigmoid(y)
    return y

if __name__ == "__main__":
    import jax
    _d = setup_inputs()
    print(jax.jit(kernel)(*tuple(_d.values())))

</pallas_src>

<mosaic_0001>
#map = affine_map<(d0, d1) -> (0)>
#map1 = affine_map<(d0, d1) -> (0, 0)>
module attributes {stable_mosaic.version = 14 : i64} {
  func.func @k(%arg0: i32, %arg1: i32, %arg2: memref<98304xi32, #tpu.memory_space<hbm>>, %arg3: memref<229376xi32, #tpu.memory_space<hbm>>, %arg4: memref<500005x128xf32, #tpu.memory_space<hbm>>, %arg5: memref<500005x128xf32, #tpu.memory_space<hbm>>, %arg6: memref<262144xf32, #tpu.memory_space<hbm>>, %arg7: memref<3088xi32, #tpu.memory_space<vmem>>, %arg8: memref<7184xi32, #tpu.memory_space<vmem>>, %arg9: memref<96xi32, #tpu.memory_space<vmem>>, %arg10: memref<96xi32, #tpu.memory_space<vmem>>, %arg11: memref<224xi32, #tpu.memory_space<vmem>>, %arg12: memref<224xi32, #tpu.memory_space<vmem>>, %arg13: memref<96x128xf32, #tpu.memory_space<vmem>>, %arg14: memref<96x128xf32, #tpu.memory_space<vmem>>, %arg15: memref<224x128xf32, #tpu.memory_space<vmem>>, %arg16: memref<224x128xf32, #tpu.memory_space<vmem>>, %arg17: memref<8192xf32, #tpu.memory_space<vmem>>, %arg18: memref<!tpu.dma_semaphore, #tpu.memory_space<semaphore_mem>>, %arg19: memref<!tpu.dma_semaphore, #tpu.memory_space<semaphore_mem>>) attributes {dimension_semantics = [#tpu.dimension_semantics<core_parallel>, #tpu.dimension_semantics<subcore_parallel>], iteration_bounds = array<i64: 2, 16>, scalar_prefetch = 0 : i64, scratch_operands = 13 : i64, tpu.core_type = #tpu.core_type<sc_vector_subcore>, window_params = [{transform_indices = #map}, {transform_indices = #map}, {transform_indices = #map1}, {transform_indices = #map1}, {transform_indices = #map}]} {
    %mul3A = arith.constant 2 : i32
    %mul3A_0 = arith.muli %arg1, %mul3A : i32
    %add3A = arith.addi %mul3A_0, %arg0 : i32
    %mul3A_1 = arith.constant 512 : i32
    %mul3A_2 = arith.muli %add3A, %mul3A_1 : i32
    %iota3A = tpu.iota {dimensions = array<i32: 0>} : vector<16xi32>
    %mul3A_3 = arith.constant 6 : i32
    %mul3A_4 = arith.muli %mul3A_2, %mul3A_3 : i32
    "tpu.region"() ({
      %run_scoped3A = tpu.sem_alloc : memref<!tpu.dma_semaphore, #tpu.memory_space<semaphore_mem>>
      %dma_start3A_422 = arith.constant 0 : i32
      %dma_start3A_423 = tpu.memref_slice %arg7[%dma_start3A_422] : memref<3088xi32, #tpu.memory_space<vmem>> -> memref<3072xi32, #tpu.memory_space<vmem>>
      %dma_start3A_424 = tpu.memref_slice %arg2[%mul3A_4] : memref<98304xi32, #tpu.memory_space<hbm>> -> memref<3072xi32, #tpu.memory_space<hbm>>
      %dma_start3A_425 = arith.constant 0 : i32
      %dma_start3A_426 = tpu.memref_slice %arg7[%dma_start3A_425] : memref<3088xi32, #tpu.memory_space<vmem>> -> memref<3072xi32, #tpu.memory_space<vmem>>
      %dma_start3A_427 = tpu.memref_slice %arg2[%mul3A_4] : memref<98304xi32, #tpu.memory_space<hbm>> -> memref<3072xi32, #tpu.memory_space<hbm>>
      tpu.enqueue_dma source(%dma_start3A_427 : memref<3072xi32, #tpu.memory_space<hbm>>) target(%dma_start3A_426 : memref<3072xi32, #tpu.memory_space<vmem>>) target_semaphore(%run_scoped3A : memref<!tpu.dma_semaphore, #tpu.memory_space<semaphore_mem>>)
      %dma_wait3A = arith.constant 0 : i32
      %dma_wait3A_428 = tpu.memref_slice %arg7[%dma_wait3A] : memref<3088xi32, #tpu.memory_space<vmem>> -> memref<3072xi32, #tpu.memory_space<vmem>>
      %dma_wait3A_429 = tpu.memref_slice %arg2[%mul3A_4] : memref<98304xi32, #tpu.memory_space<hbm>> -> memref<3072xi32, #tpu.memory_space<hbm>>
      %dma_wait3A_430 = arith.constant 0 : i32
      %dma_wait3A_431 = tpu.memref_slice %arg7[%dma_wait3A_430] : memref<3088xi32, #tpu.memory_space<vmem>> -> memref<3072xi32, #tpu.memory_space<vmem>>
      %dma_wait3A_432 = tpu.memref_slice %arg2[%mul3A_4] : memref<98304xi32, #tpu.memory_space<hbm>> -> memref<3072xi32, #tpu.memory_space<hbm>>
      tpu.wait_dma2 semaphore(%run_scoped3A : memref<!tpu.dma_semaphore, #tpu.memory_space<semaphore_mem>>) src(%dma_wait3A_432 : memref<3072xi32, #tpu.memory_space<hbm>>) dst(%dma_wait3A_431 : memref<3072xi32, #tpu.memory_space<vmem>>)
      tpu.yield
    }) : () -> ()
    %mul3A_5 = arith.constant 14 : i32
    %mul3A_6 = arith.muli %mul3A_2, %mul3A_5 : i32
    "tpu.region"() ({
      %run_scoped3A = tpu.sem_alloc : memref<!tpu.dma_semaphore, #tpu.memory_space<semaphore_mem>>
      %dma_start3A_422 = arith.constant 0 : i32
      %dma_start3A_423 = tpu.memref_slice %arg8[%dma_start3A_422] : memref<7184xi32, #tpu.memory_space<vmem>> -> memref<7168xi32, #tpu.memory_space<vmem>>
      %dma_start3A_424 = tpu.memref_slice %arg3[%mul3A_6] : memref<229376xi32, #tpu.memory_space<hbm>> -> memref<7168xi32, #tpu.memory_space<hbm>>
      %dma_start3A_425 = arith.constant 0 : i32
      %dma_start3A_426 = tpu.memref_slice %arg8[%dma_start3A_425] : memref<7184xi32, #tpu.memory_space<vmem>> -> memref<7168xi32, #tpu.memory_space<vmem>>
      %dma_start3A_427 = tpu.memref_slice %arg3[%mul3A_6] : memref<229376xi32, #tpu.memory_space<hbm>> -> memref<7168xi32, #tpu.memory_space<hbm>>
      tpu.enqueue_dma source(%dma_start3A_427 : memref<7168xi32, #tpu.memory_space<hbm>>) target(%dma_start3A_426 : memref<7168xi32, #tpu.memory_space<vmem>>) target_semaphore(%run_scoped3A : memref<!tpu.dma_semaphore, #tpu.memory_space<semaphore_mem>>)
      %dma_wait3A = arith.constant 0 : i32
      %dma_wait3A_428 = tpu.memref_slice %arg8[%dma_wait3A] : memref<7184xi32, #tpu.memory_space<vmem>> -> memref<7168xi32, #tpu.memory_space<vmem>>
      %dma_wait3A_429 = tpu.memref_slice %arg3[%mul3A_6] : memref<229376xi32, #tpu.memory_space<hbm>> -> memref<7168xi32, #tpu.memory_space<hbm>>
      %dma_wait3A_430 = arith.constant 0 : i32
      %dma_wait3A_431 = tpu.memref_slice %arg8[%dma_wait3A_430] : memref<7184xi32, #tpu.memory_space<vmem>> -> memref<7168xi32, #tpu.memory_space<vmem>>
      %dma_wait3A_432 = tpu.memref_slice %arg3[%mul3A_6] : memref<229376xi32, #tpu.memory_space<hbm>> -> memref<7168xi32, #tpu.memory_space<hbm>>
      tpu.wait_dma2 semaphore(%run_scoped3A : memref<!tpu.dma_semaphore, #tpu.memory_space<semaphore_mem>>) src(%dma_wait3A_432 : memref<7168xi32, #tpu.memory_space<hbm>>) dst(%dma_wait3A_431 : memref<7168xi32, #tpu.memory_space<vmem>>)
      tpu.yield
    }) : () -> ()
    %get3A = arith.constant 0 : index
    %get3A_7 = tpu.vector_load %arg7[%get3A] {strides = array<i32>} : memref<3088xi32, #tpu.memory_space<vmem>>, vector<16xi32>,
    %get3A_8 = vector.shape_cast %get3A_7 : vector<16xi32> to vector<16xi32>
    %shift_right_logical3A = arith.constant 1 : i32
    %shift_right_logical3A_9 = vector.broadcast %shift_right_logical3A : i32 to vector<16xi32>
    %shift_right_logical3A_10 = arith.shrui %get3A_8, %shift_right_logical3A_9 : vector<16xi32>
    %swap3A = arith.constant 0 : index
    %swap3A_11 = tpu.vector_load %arg9[%swap3A] {strides = array<i32>} : memref<96xi32, #tpu.memory_space<vmem>>, vector<16xi32>,
    %swap3A_12 = vector.shape_cast %swap3A_11 : vector<16xi32> to vector<16xi32>
    %swap3A_13 = vector.shape_cast %shift_right_logical3A_10 : vector<16xi32> to vector<16xi32>
    tpu.vector_store %arg9[%swap3A], %swap3A_13 {strides = array<i32>} : memref<96xi32, #tpu.memory_space<vmem>>, vector<16xi32>,
    %get3A_14 = arith.constant 16 : index
    %get3A_15 = tpu.vector_load %arg7[%get3A_14] {strides = array<i32>} : memref<3088xi32, #tpu.memory_space<vmem>>, vector<16xi32>,
    %get3A_16 = vector.shape_cast %get3A_15 : vector<16xi32> to vector<16xi32>
    %shift_right_logical3A_17 = arith.constant 1 : i32
    %shift_right_logical3A_18 = vector.broadcast %shift_right_logical3A_17 : i32 to vector<16xi32>
    %shift_right_logical3A_19 = arith.shrui %get3A_16, %shift_right_logical3A_18 : vector<16xi32>
    %swap3A_20 = arith.constant 16 : index
    %swap3A_21 = tpu.vector_load %arg9[%swap3A_20] {strides = array<i32>} : memref<96xi32, #tpu.memory_space<vmem>>, vector<16xi32>,
    %swap3A_22 = vector.shape_cast %swap3A_21 : vector<16xi32> to vector<16xi32>
    %swap3A_23 = vector.shape_cast %shift_right_logical3A_19 : vector<16xi32> to vector<16xi32>
    tpu.vector_store %arg9[%swap3A_20], %swap3A_23 {strides = array<i32>} : memref<96xi32, #tpu.memory_space<vmem>>, vector<16xi32>,
    %get3A_24 = arith.constant 32 : index
    %get3A_25 = tpu.vector_load %arg7[%get3A_24] {strides = array<i32>} : memref<3088xi32, #tpu.memory_space<vmem>>, vector<16xi32>,
    %get3A_26 = vector.shape_cast %get3A_25 : vector<16xi32> to vector<16xi32>
    %shift_right_logical3A_27 = arith.constant 1 : i32
    %shift_right_logical3A_28 = vector.broadcast %shift_right_logical3A_27 : i32 to vector<16xi32>
    %shift_right_logical3A_29 = arith.shrui %get3A_26, %shift_right_logical3A_28 : vector<16xi32>
    %swap3A_30 = arith.constant 32 : index
    %swap3A_31 = tpu.vector_load %arg9[%swap3A_30] {strides = array<i32>} : memref<96xi32, #tpu.memory_space<vmem>>, vector<16xi32>,
    %swap3A_32 = vector.shape_cast %swap3A_31 : vector<16xi32> to vector<16xi32>
    %swap3A_33 = vector.shape_cast %shift_right_logical3A_29 : vector<16xi32> to vector<16xi32>
    tpu.vector_store %arg9[%swap3A_30], %swap3A_33 {strides = array<i32>} : memref<96xi32, #tpu.memory_space<vmem>>, vector<16xi32>,
    %get3A_34 = arith.constant 48 : index
    %get3A_35 = tpu.vector_load %arg7[%get3A_34] {strides = array<i32>} : memref<3088xi32, #tpu.memory_space<vmem>>, vector<16xi32>,
    %get3A_36 = vector.shape_cast %get3A_35 : vector<16xi32> to vector<16xi32>
    %shift_right_logical3A_37 = arith.constant 1 : i32
    %shift_right_logical3A_38 = vector.broadcast %shift_right_logical3A_37 : i32 to vector<16xi32>
    %shift_right_logical3A_39 = arith.shrui %get3A_36, %shift_right_logical3A_38 : vector<16xi32>
    %swap3A_40 = arith.constant 48 : index
    %swap3A_41 = tpu.vector_load %arg9[%swap3A_40] {strides = array<i32>} : memref<96xi32, #tpu.memory_space<vmem>>, vector<16xi32>,
    %swap3A_42 = vector.shape_cast %swap3A_41 : vector<16xi32> to vector<16xi32>
    %swap3A_43 = vector.shape_cast %shift_right_logical3A_39 : vector<16xi32> to vector<16xi32>
    tpu.vector_store %arg9[%swap3A_40], %swap3A_43 {strides = array<i32>} : memref<96xi32, #tpu.memory_space<vmem>>, vector<16xi32>,
    %get3A_44 = arith.constant 64 : index
    %get3A_45 = tpu.vector_load %arg7[%get3A_44] {strides = array<i32>} : memref<3088xi32, #tpu.memory_space<vmem>>, vector<16xi32>,
    %get3A_46 = vector.shape_cast %get3A_45 : vector<16xi32> to vector<16xi32>
    %shift_right_logical3A_47 = arith.constant 1 : i32
    %shift_right_logical3A_48 = vector.broadcast %shift_right_logical3A_47 : i32 to vector<16xi32>
    %shift_right_logical3A_49 = arith.shrui %get3A_46, %shift_right_logical3A_48 : vector<16xi32>
    %swap3A_50 = arith.constant 64 : index
    %swap3A_51 = tpu.vector_load %arg9[%swap3A_50] {strides = array<i32>} : memref<96xi32, #tpu.memory_space<vmem>>, vector<16xi32>,
    %swap3A_52 = vector.shape_cast %swap3A_51 : vector<16xi32> to vector<16xi32>
    %swap3A_53 = vector.shape_cast %shift_right_logical3A_49 : vector<16xi32> to vector<16xi32>
    tpu.vector_store %arg9[%swap3A_50], %swap3A_53 {strides = array<i32>} : memref<96xi32, #tpu.memory_space<vmem>>, vector<16xi32>,
    %get3A_54 = arith.constant 80 : index
    %get3A_55 = tpu.vector_load %arg7[%get3A_54] {strides = array<i32>} : memref<3088xi32, #tpu.memory_space<vmem>>, vector<16xi32>,
    %get3A_56 = vector.shape_cast %get3A_55 : vector<16xi32> to vector<16xi32>
    %shift_right_logical3A_57 = arith.constant 1 : i32
    %shift_right_logical3A_58 = vector.broadcast %shift_right_logical3A_57 : i32 to vector<16xi32>
    %shift_right_logical3A_59 = arith.shrui %get3A_56, %shift_right_logical3A_58 : vector<16xi32>
    %swap3A_60 = arith.constant 80 : index
    %swap3A_61 = tpu.vector_load %arg9[%swap3A_60] {strides = array<i32>} : memref<96xi32, #tpu.memory_space<vmem>>, vector<16xi32>,
    %swap3A_62 = vector.shape_cast %swap3A_61 : vector<16xi32> to vector<16xi32>
    %swap3A_63 = vector.shape_cast %shift_right_logical3A_59 : vector<16xi32> to vector<16xi32>
    tpu.vector_store %arg9[%swap3A_60], %swap3A_63 {strides = array<i32>} : memref<96xi32, #tpu.memory_space<vmem>>, vector<16xi32>,
    %get3A_64 = arith.constant 0 : index
    %get3A_65 = tpu.vector_load %arg8[%get3A_64] {strides = array<i32>} : memref<7184xi32, #tpu.memory_space<vmem>>, vector<16xi32>,
    %get3A_66 = vector.shape_cast %get3A_65 : vector<16xi32> to vector<16xi32>
    %shift_right_logical3A_67 = arith.constant 1 : i32
    %shift_right_logical3A_68 = vector.broadcast %shift_right_logical3A_67 : i32 to vector<16xi32>
    %shift_right_logical3A_69 = arith.shrui %get3A_66, %shift_right_logical3A_68 : vector<16xi32>
    %swap3A_70 = arith.constant 0 : index
    %swap3A_71 = tpu.vector_load %arg11[%swap3A_70] {strides = array<i32>} : memref<224xi32, #tpu.memory_space<vmem>>, vector<16xi32>,
    %swap3A_72 = vector.shape_cast %swap3A_71 : vector<16xi32> to vector<16xi32>
    %swap3A_73 = vector.shape_cast %shift_right_logical3A_69 : vector<16xi32> to vector<16xi32>
    tpu.vector_store %arg11[%swap3A_70], %swap3A_73 {strides = array<i32>} : memref<224xi32, #tpu.memory_space<vmem>>, vector<16xi32>,
    %get3A_74 = arith.constant 16 : index
    %get3A_75 = tpu.vector_load %arg8[%get3A_74] {strides = array<i32>} : memref<7184xi32, #tpu.memory_space<vmem>>, vector<16xi32>,
    %get3A_76 = vector.shape_cast %get3A_75 : vector<16xi32> to vector<16xi32>
    %shift_right_logical3A_77 = arith.constant 1 : i32
    %shift_right_logical3A_78 = vector.broadcast %shift_right_logical3A_77 : i32 to vector<16xi32>
    %shift_right_logical3A_79 = arith.shrui %get3A_76, %shift_right_logical3A_78 : vector<16xi32>
    %swap3A_80 = arith.constant 16 : index
    %swap3A_81 = tpu.vector_load %arg11[%swap3A_80] {strides = array<i32>} : memref<224xi32, #tpu.memory_space<vmem>>, vector<16xi32>,
    %swap3A_82 = vector.shape_cast %swap3A_81 : vector<16xi32> to vector<16xi32>
    %swap3A_83 = vector.shape_cast %shift_right_logical3A_79 : vector<16xi32> to vector<16xi32>
    tpu.vector_store %arg11[%swap3A_80], %swap3A_83 {strides = array<i32>} : memref<224xi32, #tpu.memory_space<vmem>>, vector<16xi32>,
    %get3A_84 = arith.constant 32 : index
    %get3A_85 = tpu.vector_load %arg8[%get3A_84] {strides = array<i32>} : memref<7184xi32, #tpu.memory_space<vmem>>, vector<16xi32>,
    %get3A_86 = vector.shape_cast %get3A_85 : vector<16xi32> to vector<16xi32>
    %shift_right_logical3A_87 = arith.constant 1 : i32
    %shift_right_logical3A_88 = vector.broadcast %shift_right_logical3A_87 : i32 to vector<16xi32>
    %shift_right_logical3A_89 = arith.shrui %get3A_86, %shift_right_logical3A_88 : vector<16xi32>
    %swap3A_90 = arith.constant 32 : index
    %swap3A_91 = tpu.vector_load %arg11[%swap3A_90] {strides = array<i32>} : memref<224xi32, #tpu.memory_space<vmem>>, vector<16xi32>,
    %swap3A_92 = vector.shape_cast %swap3A_91 : vector<16xi32> to vector<16xi32>
    %swap3A_93 = vector.shape_cast %shift_right_logical3A_89 : vector<16xi32> to vector<16xi32>
    tpu.vector_store %arg11[%swap3A_90], %swap3A_93 {strides = array<i32>} : memref<224xi32, #tpu.memory_space<vmem>>, vector<16xi32>,
    %get3A_94 = arith.constant 48 : index
    %get3A_95 = tpu.vector_load %arg8[%get3A_94] {strides = array<i32>} : memref<7184xi32, #tpu.memory_space<vmem>>, vector<16xi32>,
    %get3A_96 = vector.shape_cast %get3A_95 : vector<16xi32> to vector<16xi32>
    %shift_right_logical3A_97 = arith.constant 1 : i32
    %shift_right_logical3A_98 = vector.broadcast %shift_right_logical3A_97 : i32 to vector<16xi32>
    %shift_right_logical3A_99 = arith.shrui %get3A_96, %shift_right_logical3A_98 : vector<16xi32>
    %swap3A_100 = arith.constant 48 : index
    %swap3A_101 = tpu.vector_load %arg11[%swap3A_100] {strides = array<i32>} : memref<224xi32, #tpu.memory_space<vmem>>, vector<16xi32>,
    %swap3A_102 = vector.shape_cast %swap3A_101 : vector<16xi32> to vector<16xi32>
    %swap3A_103 = vector.shape_cast %shift_right_logical3A_99 : vector<16xi32> to vector<16xi32>
    tpu.vector_store %arg11[%swap3A_100], %swap3A_103 {strides = array<i32>} : memref<224xi32, #tpu.memory_space<vmem>>, vector<16xi32>,
    %get3A_104 = arith.constant 64 : index
    %get3A_105 = tpu.vector_load %arg8[%get3A_104] {strides = array<i32>} : memref<7184xi32, #tpu.memory_space<vmem>>, vector<16xi32>,
    %get3A_106 = vector.shape_cast %get3A_105 : vector<16xi32> to vector<16xi32>
    %shift_right_logical3A_107 = arith.constant 1 : i32
    %shift_right_logical3A_108 = vector.broadcast %shift_right_logical3A_107 : i32 to vector<16xi32>
    %shift_right_logical3A_109 = arith.shrui %get3A_106, %shift_right_logical3A_108 : vector<16xi32>
    %swap3A_110 = arith.constant 64 : index
    %swap3A_111 = tpu.vector_load %arg11[%swap3A_110] {strides = array<i32>} : memref<224xi32, #tpu.memory_space<vmem>>, vector<16xi32>,
    %swap3A_112 = vector.shape_cast %swap3A_111 : vector<16xi32> to vector<16xi32>
    %swap3A_113 = vector.shape_cast %shift_right_logical3A_109 : vector<16xi32> to vector<16xi32>
    tpu.vector_store %arg11[%swap3A_110], %swap3A_113 {strides = array<i32>} : memref<224xi32, #tpu.memory_space<vmem>>, vector<16xi32>,
    %get3A_114 = arith.constant 80 : index
    %get3A_115 = tpu.vector_load %arg8[%get3A_114] {strides = array<i32>} : memref<7184xi32, #tpu.memory_space<vmem>>, vector<16xi32>,
    %get3A_116 = vector.shape_cast %get3A_115 : vector<16xi32> to vector<16xi32>
    %shift_right_logical3A_117 = arith.constant 1 : i32
    %shift_right_logical3A_118 = vector.broadcast %shift_right_logical3A_117 : i32 to vector<16xi32>
    %shift_right_logical3A_119 = arith.shrui %get3A_116, %shift_right_logical3A_118 : vector<16xi32>
    %swap3A_120 = arith.constant 80 : index
    %swap3A_121 = tpu.vector_load %arg11[%swap3A_120] {strides = array<i32>} : memref<224xi32, #tpu.memory_space<vmem>>, vector<16xi32>,
    %swap3A_122 = vector.shape_cast %swap3A_121 : vector<16xi32> to vector<16xi32>
    %swap3A_123 = vector.shape_cast %shift_right_logical3A_119 : vector<16xi32> to vector<16xi32>
    tpu.vector_store %arg11[%swap3A_120], %swap3A_123 {strides = array<i32>} : memref<224xi32, #tpu.memory_space<vmem>>, vector<16xi32>,
    %get3A_124 = arith.constant 96 : index
    %get3A_125 = tpu.vector_load %arg8[%get3A_124] {strides = array<i32>} : memref<7184xi32, #tpu.memory_space<vmem>>, vector<16xi32>,
    %get3A_126 = vector.shape_cast %get3A_125 : vector<16xi32> to vector<16xi32>
    %shift_right_logical3A_127 = arith.constant 1 : i32
    %shift_right_logical3A_128 = vector.broadcast %shift_right_logical3A_127 : i32 to vector<16xi32>
    %shift_right_logical3A_129 = arith.shrui %get3A_126, %shift_right_logical3A_128 : vector<16xi32>
    %swap3A_130 = arith.constant 96 : index
    %swap3A_131 = tpu.vector_load %arg11[%swap3A_130] {strides = array<i32>} : memref<224xi32, #tpu.memory_space<vmem>>, vector<16xi32>,
    %swap3A_132 = vector.shape_cast %swap3A_131 : vector<16xi32> to vector<16xi32>
    %swap3A_133 = vector.shape_cast %shift_right_logical3A_129 : vector<16xi32> to vector<16xi32>
    tpu.vector_store %arg11[%swap3A_130], %swap3A_133 {strides = array<i32>} : memref<224xi32, #tpu.memory_space<vmem>>, vector<16xi32>,
    %get3A_134 = arith.constant 112 : index
    %get3A_135 = tpu.vector_load %arg8[%get3A_134] {strides = array<i32>} : memref<7184xi32, #tpu.memory_space<vmem>>, vector<16xi32>,
    %get3A_136 = vector.shape_cast %get3A_135 : vector<16xi32> to vector<16xi32>
    %shift_right_logical3A_137 = arith.constant 1 : i32
    %shift_right_logical3A_138 = vector.broadcast %shift_right_logical3A_137 : i32 to vector<16xi32>
    %shift_right_logical3A_139 = arith.shrui %get3A_136, %shift_right_logical3A_138 : vector<16xi32>
    %swap3A_140 = arith.constant 112 : index
    %swap3A_141 = tpu.vector_load %arg11[%swap3A_140] {strides = array<i32>} : memref<224xi32, #tpu.memory_space<vmem>>, vector<16xi32>,
    %swap3A_142 = vector.shape_cast %swap3A_141 : vector<16xi32> to vector<16xi32>
    %swap3A_143 = vector.shape_cast %shift_right_logical3A_139 : vector<16xi32> to vector<16xi32>
    tpu.vector_store %arg11[%swap3A_140], %swap3A_143 {strides = array<i32>} : memref<224xi32, #tpu.memory_space<vmem>>, vector<16xi32>,
    %get3A_144 = arith.constant 128 : index
    %get3A_145 = tpu.vector_load %arg8[%get3A_144] {strides = array<i32>} : memref<7184xi32, #tpu.memory_space<vmem>>, vector<16xi32>,
    %get3A_146 = vector.shape_cast %get3A_145 : vector<16xi32> to vector<16xi32>
    %shift_right_logical3A_147 = arith.constant 1 : i32
    %shift_right_logical3A_148 = vector.broadcast %shift_right_logical3A_147 : i32 to vector<16xi32>
    %shift_right_logical3A_149 = arith.shrui %get3A_146, %shift_right_logical3A_148 : vector<16xi32>
    %swap3A_150 = arith.constant 128 : index
    %swap3A_151 = tpu.vector_load %arg11[%swap3A_150] {strides = array<i32>} : memref<224xi32, #tpu.memory_space<vmem>>, vector<16xi32>,
    %swap3A_152 = vector.shape_cast %swap3A_151 : vector<16xi32> to vector<16xi32>
    %swap3A_153 = vector.shape_cast %shift_right_logical3A_149 : vector<16xi32> to vector<16xi32>
    tpu.vector_store %arg11[%swap3A_150], %swap3A_153 {strides = array<i32>} : memref<224xi32, #tpu.memory_space<vmem>>, vector<16xi32>,
    %get3A_154 = arith.constant 144 : index
    %get3A_155 = tpu.vector_load %arg8[%get3A_154] {strides = array<i32>} : memref<7184xi32, #tpu.memory_space<vmem>>, vector<16xi32>,
    %get3A_156 = vector.shape_cast %get3A_155 : vector<16xi32> to vector<16xi32>
    %shift_right_logical3A_157 = arith.constant 1 : i32
    %shift_right_logical3A_158 = vector.broadcast %shift_right_logical3A_157 : i32 to vector<16xi32>
    %shift_right_logical3A_159 = arith.shrui %get3A_156, %shift_right_logical3A_158 : vector<16xi32>
    %swap3A_160 = arith.constant 144 : index
    %swap3A_161 = tpu.vector_load %arg11[%swap3A_160] {strides = array<i32>} : memref<224xi32, #tpu.memory_space<vmem>>, vector<16xi32>,
    %swap3A_162 = vector.shape_cast %swap3A_161 : vector<16xi32> to vector<16xi32>
    %swap3A_163 = vector.shape_cast %shift_right_logical3A_159 : vector<16xi32> to vector<16xi32>
    tpu.vector_store %arg11[%swap3A_160], %swap3A_163 {strides = array<i32>} : memref<224xi32, #tpu.memory_space<vmem>>, vector<16xi32>,
    %get3A_164 = arith.constant 160 : index
    %get3A_165 = tpu.vector_load %arg8[%get3A_164] {strides = array<i32>} : memref<7184xi32, #tpu.memory_space<vmem>>, vector<16xi32>,
    %get3A_166 = vector.shape_cast %get3A_165 : vector<16xi32> to vector<16xi32>
    %shift_right_logical3A_167 = arith.constant 1 : i32
    %shift_right_logical3A_168 = vector.broadcast %shift_right_logical3A_167 : i32 to vector<16xi32>
    %shift_right_logical3A_169 = arith.shrui %get3A_166, %shift_right_logical3A_168 : vector<16xi32>
    %swap3A_170 = arith.constant 160 : index
    %swap3A_171 = tpu.vector_load %arg11[%swap3A_170] {strides = array<i32>} : memref<224xi32, #tpu.memory_space<vmem>>, vector<16xi32>,
    %swap3A_172 = vector.shape_cast %swap3A_171 : vector<16xi32> to vector<16xi32>
    %swap3A_173 = vector.shape_cast %shift_right_logical3A_169 : vector<16xi32> to vector<16xi32>
    tpu.vector_store %arg11[%swap3A_170], %swap3A_173 {strides = array<i32>} : memref<224xi32, #tpu.memory_space<vmem>>, vector<16xi32>,
    %get3A_174 = arith.constant 176 : index
    %get3A_175 = tpu.vector_load %arg8[%get3A_174] {strides = array<i32>} : memref<7184xi32, #tpu.memory_space<vmem>>, vector<16xi32>,
    %get3A_176 = vector.shape_cast %get3A_175 : vector<16xi32> to vector<16xi32>
    %shift_right_logical3A_177 = arith.constant 1 : i32
    %shift_right_logical3A_178 = vector.broadcast %shift_right_logical3A_177 : i32 to vector<16xi32>
    %shift_right_logical3A_179 = arith.shrui %get3A_176, %shift_right_logical3A_178 : vector<16xi32>
    %swap3A_180 = arith.constant 176 : index
    %swap3A_181 = tpu.vector_load %arg11[%swap3A_180] {strides = array<i32>} : memref<224xi32, #tpu.memory_space<vmem>>, vector<16xi32>,
    %swap3A_182 = vector.shape_cast %swap3A_181 : vector<16xi32> to vector<16xi32>
    %swap3A_183 = vector.shape_cast %shift_right_logical3A_179 : vector<16xi32> to vector<16xi32>
    tpu.vector_store %arg11[%swap3A_180], %swap3A_183 {strides = array<i32>} : memref<224xi32, #tpu.memory_space<vmem>>, vector<16xi32>,
    %get3A_184 = arith.constant 192 : index
    %get3A_185 = tpu.vector_load %arg8[%get3A_184] {strides = array<i32>} : memref<7184xi32, #tpu.memory_space<vmem>>, vector<16xi32>,
    %get3A_186 = vector.shape_cast %get3A_185 : vector<16xi32> to vector<16xi32>
    %shift_right_logical3A_187 = arith.constant 1 : i32
    %shift_right_logical3A_188 = vector.broadcast %shift_right_logical3A_187 : i32 to vector<16xi32>
    %shift_right_logical3A_189 = arith.shrui %get3A_186, %shift_right_logical3A_188 : vector<16xi32>
    %swap3A_190 = arith.constant 192 : index
    %swap3A_191 = tpu.vector_load %arg11[%swap3A_190] {strides = array<i32>} : memref<224xi32, #tpu.memory_space<vmem>>, vector<16xi32>,
    %swap3A_192 = vector.shape_cast %swap3A_191 : vector<16xi32> to vector<16xi32>
    %swap3A_193 = vector.shape_cast %shift_right_logical3A_189 : vector<16xi32> to vector<16xi32>
    tpu.vector_store %arg11[%swap3A_190], %swap3A_193 {strides = array<i32>} : memref<224xi32, #tpu.memory_space<vmem>>, vector<16xi32>,
    %get3A_194 = arith.constant 208 : index
    %get3A_195 = tpu.vector_load %arg8[%get3A_194] {strides = array<i32>} : memref<7184xi32, #tpu.memory_space<vmem>>, vector<16xi32>,
    %get3A_196 = vector.shape_cast %get3A_195 : vector<16xi32> to vector<16xi32>
    %shift_right_logical3A_197 = arith.constant 1 : i32
    %shift_right_logical3A_198 = vector.broadcast %shift_right_logical3A_197 : i32 to vector<16xi32>
    %shift_right_logical3A_199 = arith.shrui %get3A_196, %shift_right_logical3A_198 : vector<16xi32>
    %swap3A_200 = arith.constant 208 : index
    %swap3A_201 = tpu.vector_load %arg11[%swap3A_200] {strides = array<i32>} : memref<224xi32, #tpu.memory_space<vmem>>, vector<16xi32>,
    %swap3A_202 = vector.shape_cast %swap3A_201 : vector<16xi32> to vector<16xi32>
    %swap3A_203 = vector.shape_cast %shift_right_logical3A_199 : vector<16xi32> to vector<16xi32>
    tpu.vector_store %arg11[%swap3A_200], %swap3A_203 {strides = array<i32>} : memref<224xi32, #tpu.memory_space<vmem>>, vector<16xi32>,
    %dma_start3A = arith.constant 0 : i32
    %dma_start3A_204 = arith.constant 0 : i32
    %dma_start3A_205 = tpu.memref_slice %arg4[%dma_start3A, %dma_start3A_204] : memref<500005x128xf32, #tpu.memory_space<hbm>> -> memref<500005x128xf32, #tpu.memory_space<hbm>>
    tpu.enqueue_indirect_dma source(%dma_start3A_205 : memref<500005x128xf32, #tpu.memory_space<hbm>>) target(%arg13 : memref<96x128xf32, #tpu.memory_space<vmem>>) offsets(%arg9 : memref<96xi32, #tpu.memory_space<vmem>>) semaphore(%arg18 : memref<!tpu.dma_semaphore, #tpu.memory_space<semaphore_mem>>)
    %dma_start3A_206 = arith.constant 0 : i32
    %dma_start3A_207 = arith.constant 0 : i32
    %dma_start3A_208 = tpu.memref_slice %arg5[%dma_start3A_206, %dma_start3A_207] : memref<500005x128xf32, #tpu.memory_space<hbm>> -> memref<500005x128xf32, #tpu.memory_space<hbm>>
    tpu.enqueue_indirect_dma source(%dma_start3A_208 : memref<500005x128xf32, #tpu.memory_space<hbm>>) target(%arg15 : memref<224x128xf32, #tpu.memory_space<vmem>>) offsets(%arg11 : memref<224xi32, #tpu.memory_space<vmem>>) semaphore(%arg18 : memref<!tpu.dma_semaphore, #tpu.memory_space<semaphore_mem>>)
    %get3A_209 = arith.constant 96 : index
    %get3A_210 = tpu.vector_load %arg7[%get3A_209] {strides = array<i32>} : memref<3088xi32, #tpu.memory_space<vmem>>, vector<16xi32>,
    %get3A_211 = vector.shape_cast %get3A_210 : vector<16xi32> to vector<16xi32>
    %shift_right_logical3A_212 = arith.constant 1 : i32
    %shift_right_logical3A_213 = vector.broadcast %shift_right_logical3A_212 : i32 to vector<16xi32>
    %shift_right_logical3A_214 = arith.shrui %get3A_211, %shift_right_logical3A_213 : vector<16xi32>
    %swap3A_215 = arith.constant 0 : index
    %swap3A_216 = tpu.vector_load %arg10[%swap3A_215] {strides = array<i32>} : memref<96xi32, #tpu.memory_space<vmem>>, vector<16xi32>,
    %swap3A_217 = vector.shape_cast %swap3A_216 : vector<16xi32> to vector<16xi32>
    %swap3A_218 = vector.shape_cast %shift_right_logical3A_214 : vector<16xi32> to vector<16xi32>
    tpu.vector_store %arg10[%swap3A_215], %swap3A_218 {strides = array<i32>} : memref<96xi32, #tpu.memory_space<vmem>>, vector<16xi32>,
    %get3A_219 = arith.constant 112 : index
    %get3A_220 = tpu.vector_load %arg7[%get3A_219] {strides = array<i32>} : memref<3088xi32, #tpu.memory_space<vmem>>, vector<16xi32>,
    %get3A_221 = vector.shape_cast %get3A_220 : vector<16xi32> to vector<16xi32>
    %shift_right_logical3A_222 = arith.constant 1 : i32
    %shift_right_logical3A_223 = vector.broadcast %shift_right_logical3A_222 : i32 to vector<16xi32>
    %shift_right_logical3A_224 = arith.shrui %get3A_221, %shift_right_logical3A_223 : vector<16xi32>
    %swap3A_225 = arith.constant 16 : index
    %swap3A_226 = tpu.vector_load %arg10[%swap3A_225] {strides = array<i32>} : memref<96xi32, #tpu.memory_space<vmem>>, vector<16xi32>,
    %swap3A_227 = vector.shape_cast %swap3A_226 : vector<16xi32> to vector<16xi32>
    %swap3A_228 = vector.shape_cast %shift_right_logical3A_224 : vector<16xi32> to vector<16xi32>
    tpu.vector_store %arg10[%swap3A_225], %swap3A_228 {strides = array<i32>} : memref<96xi32, #tpu.memory_space<vmem>>, vector<16xi32>,
    %get3A_229 = arith.constant 128 : index
    %get3A_230 = tpu.vector_load %arg7[%get3A_229] {strides = array<i32>} : memref<3088xi32, #tpu.memory_space<vmem>>, vector<16xi32>,
    %get3A_231 = vector.shape_cast %get3A_230 : vector<16xi32> to vector<16xi32>
    %shift_right_logical3A_232 = arith.constant 1 : i32
    %shift_right_logical3A_233 = vector.broadcast %shift_right_logical3A_232 : i32 to vector<16xi32>
    %shift_right_logical3A_234 = arith.shrui %get3A_231, %shift_right_logical3A_233 : vector<16xi32>
    %swap3A_235 = arith.constant 32 : index
    %swap3A_236 = tpu.vector_load %arg10[%swap3A_235] {strides = array<i32>} : memref<96xi32, #tpu.memory_space<vmem>>, vector<16xi32>,
    %swap3A_237 = vector.shape_cast %swap3A_236 : vector<16xi32> to vector<16xi32>
    %swap3A_238 = vector.shape_cast %shift_right_logical3A_234 : vector<16xi32> to vector<16xi32>
    tpu.vector_store %arg10[%swap3A_235], %swap3A_238 {strides = array<i32>} : memref<96xi32, #tpu.memory_space<vmem>>, vector<16xi32>,
    %get3A_239 = arith.constant 144 : index
    %get3A_240 = tpu.vector_load %arg7[%get3A_239] {strides = array<i32>} : memref<3088xi32, #tpu.memory_space<vmem>>, vector<16xi32>,
    %get3A_241 = vector.shape_cast %get3A_240 : vector<16xi32> to vector<16xi32>
    %shift_right_logical3A_242 = arith.constant 1 : i32
    %shift_right_logical3A_243 = vector.broadcast %shift_right_logical3A_242 : i32 to vector<16xi32>
    %shift_right_logical3A_244 = arith.shrui %get3A_241, %shift_right_logical3A_243 : vector<16xi32>
    %swap3A_245 = arith.constant 48 : index
    %swap3A_246 = tpu.vector_load %arg10[%swap3A_245] {strides = array<i32>} : memref<96xi32, #tpu.memory_space<vmem>>, vector<16xi32>,
    %swap3A_247 = vector.shape_cast %swap3A_246 : vector<16xi32> to vector<16xi32>
    %swap3A_248 = vector.shape_cast %shift_right_logical3A_244 : vector<16xi32> to vector<16xi32>
    tpu.vector_store %arg10[%swap3A_245], %swap3A_248 {strides = array<i32>} : memref<96xi32, #tpu.memory_space<vmem>>, vector<16xi32>,
    %get3A_249 = arith.constant 160 : index
    %get3A_250 = tpu.vector_load %arg7[%get3A_249] {strides = array<i32>} : memref<3088xi32, #tpu.memory_space<vmem>>, vector<16xi32>,
    %get3A_251 = vector.shape_cast %get3A_250 : vector<16xi32> to vector<16xi32>
    %shift_right_logical3A_252 = arith.constant 1 : i32
    %shift_right_logical3A_253 = vector.broadcast %shift_right_logical3A_252 : i32 to vector<16xi32>
    %shift_right_logical3A_254 = arith.shrui %get3A_251, %shift_right_logical3A_253 : vector<16xi32>
    %swap3A_255 = arith.constant 64 : index
    %swap3A_256 = tpu.vector_load %arg10[%swap3A_255] {strides = array<i32>} : memref<96xi32, #tpu.memory_space<vmem>>, vector<16xi32>,
    %swap3A_257 = vector.shape_cast %swap3A_256 : vector<16xi32> to vector<16xi32>
    %swap3A_258 = vector.shape_cast %shift_right_logical3A_254 : vector<16xi32> to vector<16xi32>
    tpu.vector_store %arg10[%swap3A_255], %swap3A_258 {strides = array<i32>} : memref<96xi32, #tpu.memory_space<vmem>>, vector<16xi32>,
    %get3A_259 = arith.constant 176 : index
    %get3A_260 = tpu.vector_load %arg7[%get3A_259] {strides = array<i32>} : memref<3088xi32, #tpu.memory_space<vmem>>, vector<16xi32>,
    %get3A_261 = vector.shape_cast %get3A_260 : vector<16xi32> to vector<16xi32>
    %shift_right_logical3A_262 = arith.constant 1 : i32
    %shift_right_logical3A_263 = vector.broadcast %shift_right_logical3A_262 : i32 to vector<16xi32>
    %shift_right_logical3A_264 = arith.shrui %get3A_261, %shift_right_logical3A_263 : vector<16xi32>
    %swap3A_265 = arith.constant 80 : index
    %swap3A_266 = tpu.vector_load %arg10[%swap3A_265] {strides = array<i32>} : memref<96xi32, #tpu.memory_space<vmem>>, vector<16xi32>,
    %swap3A_267 = vector.shape_cast %swap3A_266 : vector<16xi32> to vector<16xi32>
    %swap3A_268 = vector.shape_cast %shift_right_logical3A_264 : vector<16xi32> to vector<16xi32>
    tpu.vector_store %arg10[%swap3A_265], %swap3A_268 {strides = array<i32>} : memref<96xi32, #tpu.memory_space<vmem>>, vector<16xi32>,
    %get3A_269 = arith.constant 224 : index
    %get3A_270 = tpu.vector_load %arg8[%get3A_269] {strides = array<i32>} : memref<7184xi32, #tpu.memory_space<vmem>>, vector<16xi32>,
    %get3A_271 = vector.shape_cast %get3A_270 : vector<16xi32> to vector<16xi32>
    %shift_right_logical3A_272 = arith.constant 1 : i32
    %shift_right_logical3A_273 = vector.broadcast %shift_right_logical3A_272 : i32 to vector<16xi32>
    %shift_right_logical3A_274 = arith.shrui %get3A_271, %shift_right_logical3A_273 : vector<16xi32>
    %swap3A_275 = arith.constant 0 : index
    %swap3A_276 = tpu.vector_load %arg12[%swap3A_275] {strides = array<i32>} : memref<224xi32, #tpu.memory_space<vmem>>, vector<16xi32>,
    %swap3A_277 = vector.shape_cast %swap3A_276 : vector<16xi32> to vector<16xi32>
    %swap3A_278 = vector.shape_cast %shift_right_logical3A_274 : vector<16xi32> to vector<16xi32>
    tpu.vector_store %arg12[%swap3A_275], %swap3A_278 {strides = array<i32>} : memref<224xi32, #tpu.memory_space<vmem>>, vector<16xi32>,
    %get3A_279 = arith.constant 240 : index
    %get3A_280 = tpu.vector_load %arg8[%get3A_279] {strides = array<i32>} : memref<7184xi32, #tpu.memory_space<vmem>>, vector<16xi32>,
    %get3A_281 = vector.shape_cast %get3A_280 : vector<16xi32> to vector<16xi32>
    %shift_right_logical3A_282 = arith.constant 1 : i32
    %shift_right_logical3A_283 = vector.broadcast %shift_right_logical3A_282 : i32 to vector<16xi32>
    %shift_right_logical3A_284 = arith.shrui %get3A_281, %shift_right_logical3A_283 : vector<16xi32>
    %swap3A_285 = arith.constant 16 : index
    %swap3A_286 = tpu.vector_load %arg12[%swap3A_285] {strides = array<i32>} : memref<224xi32, #tpu.memory_space<vmem>>, vector<16xi32>,
    %swap3A_287 = vector.shape_cast %swap3A_286 : vector<16xi32> to vector<16xi32>
    %swap3A_288 = vector.shape_cast %shift_right_logical3A_284 : vector<16xi32> to vector<16xi32>
    tpu.vector_store %arg12[%swap3A_285], %swap3A_288 {strides = array<i32>} : memref<224xi32, #tpu.memory_space<vmem>>, vector<16xi32>,
    %get3A_289 = arith.constant 256 : index
    %get3A_290 = tpu.vector_load %arg8[%get3A_289] {strides = array<i32>} : memref<7184xi32, #tpu.memory_space<vmem>>, vector<16xi32>,
    %get3A_291 = vector.shape_cast %get3A_290 : vector<16xi32> to vector<16xi32>
    %shift_right_logical3A_292 = arith.constant 1 : i32
    %shift_right_logical3A_293 = vector.broadcast %shift_right_logical3A_292 : i32 to vector<16xi32>
    %shift_right_logical3A_294 = arith.shrui %get3A_291, %shift_right_logical3A_293 : vector<16xi32>
    %swap3A_295 = arith.constant 32 : index
    %swap3A_296 = tpu.vector_load %arg12[%swap3A_295] {strides = array<i32>} : memref<224xi32, #tpu.memory_space<vmem>>, vector<16xi32>,
    %swap3A_297 = vector.shape_cast %swap3A_296 : vector<16xi32> to vector<16xi32>
    %swap3A_298 = vector.shape_cast %shift_right_logical3A_294 : vector<16xi32> to vector<16xi32>
    tpu.vector_store %arg12[%swap3A_295], %swap3A_298 {strides = array<i32>} : memref<224xi32, #tpu.memory_space<vmem>>, vector<16xi32>,
    %get3A_299 = arith.constant 272 : index
    %get3A_300 = tpu.vector_load %arg8[%get3A_299] {strides = array<i32>} : memref<7184xi32, #tpu.memory_space<vmem>>, vector<16xi32>,
    %get3A_301 = vector.shape_cast %get3A_300 : vector<16xi32> to vector<16xi32>
    %shift_right_logical3A_302 = arith.constant 1 : i32
    %shift_right_logical3A_303 = vector.broadcast %shift_right_logical3A_302 : i32 to vector<16xi32>
    %shift_right_logical3A_304 = arith.shrui %get3A_301, %shift_right_logical3A_303 : vector<16xi32>
    %swap3A_305 = arith.constant 48 : index
    %swap3A_306 = tpu.vector_load %arg12[%swap3A_305] {strides = array<i32>} : memref<224xi32, #tpu.memory_space<vmem>>, vector<16xi32>,
    %swap3A_307 = vector.shape_cast %swap3A_306 : vector<16xi32> to vector<16xi32>
    %swap3A_308 = vector.shape_cast %shift_right_logical3A_304 : vector<16xi32> to vector<16xi32>
    tpu.vector_store %arg12[%swap3A_305], %swap3A_308 {strides = array<i32>} : memref<224xi32, #tpu.memory_space<vmem>>, vector<16xi32>,
    %get3A_309 = arith.constant 288 : index
    %get3A_310 = tpu.vector_load %arg8[%get3A_309] {strides = array<i32>} : memref<7184xi32, #tpu.memory_space<vmem>>, vector<16xi32>,
    %get3A_311 = vector.shape_cast %get3A_310 : vector<16xi32> to vector<16xi32>
    %shift_right_logical3A_312 = arith.constant 1 : i32
    %shift_right_logical3A_313 = vector.broadcast %shift_right_logical3A_312 : i32 to vector<16xi32>
    %shift_right_logical3A_314 = arith.shrui %get3A_311, %shift_right_logical3A_313 : vector<16xi32>
    %swap3A_315 = arith.constant 64 : index
    %swap3A_316 = tpu.vector_load %arg12[%swap3A_315] {strides = array<i32>} : memref<224xi32, #tpu.memory_space<vmem>>, vector<16xi32>,
    %swap3A_317 = vector.shape_cast %swap3A_316 : vector<16xi32> to vector<16xi32>
    %swap3A_318 = vector.shape_cast %shift_right_logical3A_314 : vector<16xi32> to vector<16xi32>
    tpu.vector_store %arg12[%swap3A_315], %swap3A_318 {strides = array<i32>} : memref<224xi32, #tpu.memory_space<vmem>>, vector<16xi32>,
    %get3A_319 = arith.constant 304 : index
    %get3A_320 = tpu.vector_load %arg8[%get3A_319] {strides = array<i32>} : memref<7184xi32, #tpu.memory_space<vmem>>, vector<16xi32>,
    %get3A_321 = vector.shape_cast %get3A_320 : vector<16xi32> to vector<16xi32>
    %shift_right_logical3A_322 = arith.constant 1 : i32
    %shift_right_logical3A_323 = vector.broadcast %shift_right_logical3A_322 : i32 to vector<16xi32>
    %shift_right_logical3A_324 = arith.shrui %get3A_321, %shift_right_logical3A_323 : vector<16xi32>
    %swap3A_325 = arith.constant 80 : index
    %swap3A_326 = tpu.vector_load %arg12[%swap3A_325] {strides = array<i32>} : memref<224xi32, #tpu.memory_space<vmem>>, vector<16xi32>,
    %swap3A_327 = vector.shape_cast %swap3A_326 : vector<16xi32> to vector<16xi32>
    %swap3A_328 = vector.shape_cast %shift_right_logical3A_324 : vector<16xi32> to vector<16xi32>
    tpu.vector_store %arg12[%swap3A_325], %swap3A_328 {strides = array<i32>} : memref<224xi32, #tpu.memory_space<vmem>>, vector<16xi32>,
    %get3A_329 = arith.constant 320 : index
    %get3A_330 = tpu.vector_load %arg8[%get3A_329] {strides = array<i32>} : memref<7184xi32, #tpu.memory_space<vmem>>, vector<16xi32>,
    %get3A_331 = vector.shape_cast %get3A_330 : vector<16xi32> to vector<16xi32>
    %shift_right_logical3A_332 = arith.constant 1 : i32
    %shift_right_logical3A_333 = vector.broadcast %shift_right_logical3A_332 : i32 to vector<16xi32>
    %shift_right_logical3A_334 = arith.shrui %get3A_331, %shift_right_logical3A_333 : vector<16xi32>
    %swap3A_335 = arith.constant 96 : index
    %swap3A_336 = tpu.vector_load %arg12[%swap3A_335] {strides = array<i32>} : memref<224xi32, #tpu.memory_space<vmem>>, vector<16xi32>,
    %swap3A_337 = vector.shape_cast %swap3A_336 : vector<16xi32> to vector<16xi32>
    %swap3A_338 = vector.shape_cast %shift_right_logical3A_334 : vector<16xi32> to vector<16xi32>
    tpu.vector_store %arg12[%swap3A_335], %swap3A_338 {strides = array<i32>} : memref<224xi32, #tpu.memory_space<vmem>>, vector<16xi32>,
    %get3A_339 = arith.constant 336 : index
    %get3A_340 = tpu.vector_load %arg8[%get3A_339] {strides = array<i32>} : memref<7184xi32, #tpu.memory_space<vmem>>, vector<16xi32>,
    %get3A_341 = vector.shape_cast %get3A_340 : vector<16xi32> to vector<16xi32>
    %shift_right_logical3A_342 = arith.constant 1 : i32
    %shift_right_logical3A_343 = vector.broadcast %shift_right_logical3A_342 : i32 to vector<16xi32>
    %shift_right_logical3A_344 = arith.shrui %get3A_341, %shift_right_logical3A_343 : vector<16xi32>
    %swap3A_345 = arith.constant 112 : index
    %swap3A_346 = tpu.vector_load %arg12[%swap3A_345] {strides = array<i32>} : memref<224xi32, #tpu.memory_space<vmem>>, vector<16xi32>,
    %swap3A_347 = vector.shape_cast %swap3A_346 : vector<16xi32> to vector<16xi32>
    %swap3A_348 = vector.shape_cast %shift_right_logical3A_344 : vector<16xi32> to vector<16xi32>
    tpu.vector_store %arg12[%swap3A_345], %swap3A_348 {strides = array<i32>} : memref<224xi32, #tpu.memory_space<vmem>>, vector<16xi32>,
    %get3A_349 = arith.constant 352 : index
    %get3A_350 = tpu.vector_load %arg8[%get3A_349] {strides = array<i32>} : memref<7184xi32, #tpu.memory_space<vmem>>, vector<16xi32>,
    %get3A_351 = vector.shape_cast %get3A_350 : vector<16xi32> to vector<16xi32>
    %shift_right_logical3A_352 = arith.constant 1 : i32
    %shift_right_logical3A_353 = vector.broadcast %shift_right_logical3A_352 : i32 to vector<16xi32>
    %shift_right_logical3A_354 = arith.shrui %get3A_351, %shift_right_logical3A_353 : vector<16xi32>
    %swap3A_355 = arith.constant 128 : index
    %swap3A_356 = tpu.vector_load %arg12[%swap3A_355] {strides = array<i32>} : memref<224xi32, #tpu.memory_space<vmem>>, vector<16xi32>,
    %swap3A_357 = vector.shape_cast %swap3A_356 : vector<16xi32> to vector<16xi32>
    %swap3A_358 = vector.shape_cast %shift_right_logical3A_354 : vector<16xi32> to vector<16xi32>
    tpu.vector_store %arg12[%swap3A_355], %swap3A_358 {strides = array<i32>} : memref<224xi32, #tpu.memory_space<vmem>>, vector<16xi32>,
    %get3A_359 = arith.constant 368 : index
    %get3A_360 = tpu.vector_load %arg8[%get3A_359] {strides = array<i32>} : memref<7184xi32, #tpu.memory_space<vmem>>, vector<16xi32>,
    %get3A_361 = vector.shape_cast %get3A_360 : vector<16xi32> to vector<16xi32>
    %shift_right_logical3A_362 = arith.constant 1 : i32
    %shift_right_logical3A_363 = vector.broadcast %shift_right_logical3A_362 : i32 to vector<16xi32>
    %shift_right_logical3A_364 = arith.shrui %get3A_361, %shift_right_logical3A_363 : vector<16xi32>
    %swap3A_365 = arith.constant 144 : index
    %swap3A_366 = tpu.vector_load %arg12[%swap3A_365] {strides = array<i32>} : memref<224xi32, #tpu.memory_space<vmem>>, vector<16xi32>,
    %swap3A_367 = vector.shape_cast %swap3A_366 : vector<16xi32> to vector<16xi32>
    %swap3A_368 = vector.shape_cast %shift_right_logical3A_364 : vector<16xi32> to vector<16xi32>
    tpu.vector_store %arg12[%swap3A_365], %swap3A_368 {strides = array<i32>} : memref<224xi32, #tpu.memory_space<vmem>>, vector<16xi32>,
    %get3A_369 = arith.constant 384 : index
    %get3A_370 = tpu.vector_load %arg8[%get3A_369] {strides = array<i32>} : memref<7184xi32, #tpu.memory_space<vmem>>, vector<16xi32>,
    %get3A_371 = vector.shape_cast %get3A_370 : vector<16xi32> to vector<16xi32>
    %shift_right_logical3A_372 = arith.constant 1 : i32
    %shift_right_logical3A_373 = vector.broadcast %shift_right_logical3A_372 : i32 to vector<16xi32>
    %shift_right_logical3A_374 = arith.shrui %get3A_371, %shift_right_logical3A_373 : vector<16xi32>
    %swap3A_375 = arith.constant 160 : index
    %swap3A_376 = tpu.vector_load %arg12[%swap3A_375] {strides = array<i32>} : memref<224xi32, #tpu.memory_space<vmem>>, vector<16xi32>,
    %swap3A_377 = vector.shape_cast %swap3A_376 : vector<16xi32> to vector<16xi32>
    %swap3A_378 = vector.shape_cast %shift_right_logical3A_374 : vector<16xi32> to vector<16xi32>
    tpu.vector_store %arg12[%swap3A_375], %swap3A_378 {strides = array<i32>} : memref<224xi32, #tpu.memory_space<vmem>>, vector<16xi32>,
    %get3A_379 = arith.constant 400 : index
    %get3A_380 = tpu.vector_load %arg8[%get3A_379] {strides = array<i32>} : memref<7184xi32, #tpu.memory_space<vmem>>, vector<16xi32>,
    %get3A_381 = vector.shape_cast %get3A_380 : vector<16xi32> to vector<16xi32>
    %shift_right_logical3A_382 = arith.constant 1 : i32
    %shift_right_logical3A_383 = vector.broadcast %shift_right_logical3A_382 : i32 to vector<16xi32>
    %shift_right_logical3A_384 = arith.shrui %get3A_381, %shift_right_logical3A_383 : vector<16xi32>
    %swap3A_385 = arith.constant 176 : index
    %swap3A_386 = tpu.vector_load %arg12[%swap3A_385] {strides = array<i32>} : memref<224xi32, #tpu.memory_space<vmem>>, vector<16xi32>,
    %swap3A_387 = vector.shape_cast %swap3A_386 : vector<16xi32> to vector<16xi32>
    %swap3A_388 = vector.shape_cast %shift_right_logical3A_384 : vector<16xi32> to vector<16xi32>
    tpu.vector_store %arg12[%swap3A_385], %swap3A_388 {strides = array<i32>} : memref<224xi32, #tpu.memory_space<vmem>>, vector<16xi32>,
    %get3A_389 = arith.constant 416 : index
    %get3A_390 = tpu.vector_load %arg8[%get3A_389] {strides = array<i32>} : memref<7184xi32, #tpu.memory_space<vmem>>, vector<16xi32>,
    %get3A_391 = vector.shape_cast %get3A_390 : vector<16xi32> to vector<16xi32>
    %shift_right_logical3A_392 = arith.constant 1 : i32
    %shift_right_logical3A_393 = vector.broadcast %shift_right_logical3A_392 : i32 to vector<16xi32>
    %shift_right_logical3A_394 = arith.shrui %get3A_391, %shift_right_logical3A_393 : vector<16xi32>
    %swap3A_395 = arith.constant 192 : index
    %swap3A_396 = tpu.vector_load %arg12[%swap3A_395] {strides = array<i32>} : memref<224xi32, #tpu.memory_space<vmem>>, vector<16xi32>,
    %swap3A_397 = vector.shape_cast %swap3A_396 : vector<16xi32> to vector<16xi32>
    %swap3A_398 = vector.shape_cast %shift_right_logical3A_394 : vector<16xi32> to vector<16xi32>
    tpu.vector_store %arg12[%swap3A_395], %swap3A_398 {strides = array<i32>} : memref<224xi32, #tpu.memory_space<vmem>>, vector<16xi32>,
    %get3A_399 = arith.constant 432 : index
    %get3A_400 = tpu.vector_load %arg8[%get3A_399] {strides = array<i32>} : memref<7184xi32, #tpu.memory_space<vmem>>, vector<16xi32>,
    %get3A_401 = vector.shape_cast %get3A_400 : vector<16xi32> to vector<16xi32>
    %shift_right_logical3A_402 = arith.constant 1 : i32
    %shift_right_logical3A_403 = vector.broadcast %shift_right_logical3A_402 : i32 to vector<16xi32>
    %shift_right_logical3A_404 = arith.shrui %get3A_401, %shift_right_logical3A_403 : vector<16xi32>
    %swap3A_405 = arith.constant 208 : index
    %swap3A_406 = tpu.vector_load %arg12[%swap3A_405] {strides = array<i32>} : memref<224xi32, #tpu.memory_space<vmem>>, vector<16xi32>,
    %swap3A_407 = vector.shape_cast %swap3A_406 : vector<16xi32> to vector<16xi32>
    %swap3A_408 = vector.shape_cast %shift_right_logical3A_404 : vector<16xi32> to vector<16xi32>
    tpu.vector_store %arg12[%swap3A_405], %swap3A_408 {strides = array<i32>} : memref<224xi32, #tpu.memory_space<vmem>>, vector<16xi32>,
    %dma_start3A_409 = arith.constant 0 : i32
    %dma_start3A_410 = arith.constant 0 : i32
    %dma_start3A_411 = tpu.memref_slice %arg4[%dma_start3A_409, %dma_start3A_410] : memref<500005x128xf32, #tpu.memory_space<hbm>> -> memref<500005x128xf32, #tpu.memory_space<hbm>>
    tpu.enqueue_indirect_dma source(%dma_start3A_411 : memref<500005x128xf32, #tpu.memory_space<hbm>>) target(%arg14 : memref<96x128xf32, #tpu.memory_space<vmem>>) offsets(%arg10 : memref<96xi32, #tpu.memory_space<vmem>>) semaphore(%arg19 : memref<!tpu.dma_semaphore, #tpu.memory_space<semaphore_mem>>)
    %dma_start3A_412 = arith.constant 0 : i32
    %dma_start3A_413 = arith.constant 0 : i32
    %dma_start3A_414 = tpu.memref_slice %arg5[%dma_start3A_412, %dma_start3A_413] : memref<500005x128xf32, #tpu.memory_space<hbm>> -> memref<500005x128xf32, #tpu.memory_space<hbm>>
    tpu.enqueue_indirect_dma source(%dma_start3A_414 : memref<500005x128xf32, #tpu.memory_space<hbm>>) target(%arg16 : memref<224x128xf32, #tpu.memory_space<vmem>>) offsets(%arg12 : memref<224xi32, #tpu.memory_space<vmem>>) semaphore(%arg19 : memref<!tpu.dma_semaphore, #tpu.memory_space<semaphore_mem>>)
    %scan3A = arith.constant 0 : i32
    %scan3A_415 = arith.constant 0 : i32
    %scan3A_416 = arith.constant 16 : i32
    %scan3A_417 = arith.addi %scan3A_415, %scan3A_416 : i32
    %scan3A_418 = arith.constant 1 : i32
    scf.for %scan3A_422 = %scan3A_415 to %scan3A_417 step %scan3A_418  : i32 {
      %mul3A_423 = arith.constant 2 : i32
      %mul3A_424 = arith.muli %scan3A_422, %mul3A_423 : i32
      %dma_wait3A = arith.constant 0 : i32
      %dma_wait3A_425 = arith.constant 0 : i32
      %dma_wait3A_426 = tpu.memref_slice %arg4[%dma_wait3A, %dma_wait3A_425] : memref<500005x128xf32, #tpu.memory_space<hbm>> -> memref<96x128xf32, #tpu.memory_space<hbm>>
      %dma_wait3A_427 = arith.constant 0 : i32
      %dma_wait3A_428 = arith.constant 0 : i32
      %dma_wait3A_429 = tpu.memref_slice %arg4[%dma_wait3A_427, %dma_wait3A_428] : memref<500005x128xf32, #tpu.memory_space<hbm>> -> memref<96x128xf32, #tpu.memory_space<hbm>>
      tpu.wait_dma2 semaphore(%arg18 : memref<!tpu.dma_semaphore, #tpu.memory_space<semaphore_mem>>) src(%dma_wait3A_429 : memref<96x128xf32, #tpu.memory_space<hbm>>) dst(%arg13 : memref<96x128xf32, #tpu.memory_space<vmem>>)
      %dma_wait3A_430 = arith.constant 0 : i32
      %dma_wait3A_431 = arith.constant 0 : i32
      %dma_wait3A_432 = tpu.memref_slice %arg5[%dma_wait3A_430, %dma_wait3A_431] : memref<500005x128xf32, #tpu.memory_space<hbm>> -> memref<224x128xf32, #tpu.memory_space<hbm>>
      %dma_wait3A_433 = arith.constant 0 : i32
      %dma_wait3A_434 = arith.constant 0 : i32
      %dma_wait3A_435 = tpu.memref_slice %arg5[%dma_wait3A_433, %dma_wait3A_434] : memref<500005x128xf32, #tpu.memory_space<hbm>> -> memref<224x128xf32, #tpu.memory_space<hbm>>
      tpu.wait_dma2 semaphore(%arg18 : memref<!tpu.dma_semaphore, #tpu.memory_space<semaphore_mem>>) src(%dma_wait3A_435 : memref<224x128xf32, #tpu.memory_space<hbm>>) dst(%arg15 : memref<224x128xf32, #tpu.memory_space<vmem>>)
      %scan3A_436 = arith.constant 0 : i32
      %scan3A_437 = arith.constant 0 : i32
      %scan3A_438 = arith.constant 16 : i32
      %scan3A_439 = arith.addi %scan3A_437, %scan3A_438 : i32
      %scan3A_440 = arith.constant 1 : i32
      scf.for %scan3A_473 = %scan3A_437 to %scan3A_439 step %scan3A_440  : i32 {
        %mul3A_474 = arith.constant 16 : i32
        %mul3A_475 = arith.muli %mul3A_424, %mul3A_474 : i32
        %add3A_476 = arith.addi %mul3A_475, %scan3A_473 : i32
        %mul3A_477 = arith.constant 14 : i32
        %mul3A_478 = arith.muli %add3A_476, %mul3A_477 : i32
        %get3A_479 = arith.index_cast %mul3A_478 : i32 to index
        %get3A_480 = tpu.vector_load %arg8[%get3A_479] {strides = array<i32>} : memref<7184xi32, #tpu.memory_space<vmem>>, vector<16xi32>,
        %get3A_481 = vector.shape_cast %get3A_480 : vector<16xi32> to vector<16xi32>
        %and3A = arith.constant 1 : i32
        %and3A_482 = vector.broadcast %and3A : i32 to vector<16xi32>
        %and3A_483 = arith.andi %get3A_481, %and3A_482 : vector<16xi32>
        %mul3A_484 = arith.constant 64 : i32
        %mul3A_485 = vector.broadcast %mul3A_484 : i32 to vector<16xi32>
        %mul3A_486 = arith.muli %and3A_483, %mul3A_485 : vector<16xi32>
        %mul3A_487 = arith.constant 6 : i32
        %mul3A_488 = arith.muli %add3A_476, %mul3A_487 : i32
        %get3A_489 = arith.index_cast %mul3A_488 : i32 to index
        %get3A_490 = tpu.vector_load %arg7[%get3A_489] {strides = array<i32>} : memref<3088xi32, #tpu.memory_space<vmem>>, vector<16xi32>,
        %get3A_491 = vector.shape_cast %get3A_490 : vector<16xi32> to vector<16xi32>
        %and3A_492 = arith.constant 1 : i32
        %and3A_493 = vector.broadcast %and3A_492 : i32 to vector<16xi32>
        %and3A_494 = arith.andi %get3A_491, %and3A_493 : vector<16xi32>
        %mul3A_495 = arith.constant 64 : i32
        %mul3A_496 = vector.broadcast %mul3A_495 : i32 to vector<16xi32>
        %mul3A_497 = arith.muli %and3A_494, %mul3A_496 : vector<16xi32>
        %mul3A_498 = arith.constant 14 : i32
        %mul3A_499 = arith.muli %scan3A_473, %mul3A_498 : i32
        %mul3A_500 = arith.constant 6 : i32
        %mul3A_501 = arith.muli %scan3A_473, %mul3A_500 : i32
        %slice3A = vector.extract_strided_slice %mul3A_486 {offsets = [0], sizes = [1], strides = [1]} : vector<16xi32> to vector<1xi32>
        %squeeze3A = vector.extract %slice3A[0] : i32 from vector<1xi32>
        %add3A_502 = arith.constant 0 : i32
        %add3A_503 = arith.addi %squeeze3A, %add3A_502 : i32
        %get3A_504 = arith.index_cast %mul3A_499 : i32 to index
        %get3A_505 = arith.index_cast %add3A_503 : i32 to index
        %get3A_506 = tpu.vector_load %arg15[%get3A_504, %get3A_505] {strides = array<i32>} : memref<224x128xf32, #tpu.memory_space<vmem>>, vector<1x16xf32>,
        %get3A_507 = vector.shape_cast %get3A_506 : vector<1x16xf32> to vector<16xf32>
        %add3A_508 = arith.constant 16 : i32
        %add3A_509 = arith.addi %squeeze3A, %add3A_508 : i32
        %get3A_510 = arith.index_cast %mul3A_499 : i32 to index
        %get3A_511 = arith.index_cast %add3A_509 : i32 to index
        %get3A_512 = tpu.vector_load %arg15[%get3A_510, %get3A_511] {strides = array<i32>} : memref<224x128xf32, #tpu.memory_space<vmem>>, vector<1x16xf32>,
        %get3A_513 = vector.shape_cast %get3A_512 : vector<1x16xf32> to vector<16xf32>
        %add3A_514 = arith.constant 32 : i32
        %add3A_515 = arith.addi %squeeze3A, %add3A_514 : i32
        %get3A_516 = arith.index_cast %mul3A_499 : i32 to index
        %get3A_517 = arith.index_cast %add3A_515 : i32 to index
        %get3A_518 = tpu.vector_load %arg15[%get3A_516, %get3A_517] {strides = array<i32>} : memref<224x128xf32, #tpu.memory_space<vmem>>, vector<1x16xf32>,
        %get3A_519 = vector.shape_cast %get3A_518 : vector<1x16xf32> to vector<16xf32>
        %add3A_520 = arith.constant 48 : i32
        %add3A_521 = arith.addi %squeeze3A, %add3A_520 : i32
        %get3A_522 = arith.index_cast %mul3A_499 : i32 to index
        %get3A_523 = arith.index_cast %add3A_521 : i32 to index
        %get3A_524 = tpu.vector_load %arg15[%get3A_522, %get3A_523] {strides = array<i32>} : memref<224x128xf32, #tpu.memory_space<vmem>>, vector<1x16xf32>,
        %get3A_525 = vector.shape_cast %get3A_524 : vector<1x16xf32> to vector<16xf32>
        %slice3A_526 = vector.extract_strided_slice %mul3A_486 {offsets = [1], sizes = [1], strides = [1]} : vector<16xi32> to vector<1xi32>
        %squeeze3A_527 = vector.extract %slice3A_526[0] : i32 from vector<1xi32>
        %add3A_528 = arith.constant 1 : i32
        %add3A_529 = arith.addi %mul3A_499, %add3A_528 : i32
        %add3A_530 = arith.constant 0 : i32
        %add3A_531 = arith.addi %squeeze3A_527, %add3A_530 : i32
        %get3A_532 = arith.index_cast %add3A_529 : i32 to index
        %get3A_533 = arith.index_cast %add3A_531 : i32 to index
        %get3A_534 = tpu.vector_load %arg15[%get3A_532, %get3A_533] {strides = array<i32>} : memref<224x128xf32, #tpu.memory_space<vmem>>, vector<1x16xf32>,
        %get3A_535 = vector.shape_cast %get3A_534 : vector<1x16xf32> to vector<16xf32>
        %add3A_536 = arith.addf %get3A_507, %get3A_535 : vector<16xf32>
        %add3A_537 = arith.constant 1 : i32
        %add3A_538 = arith.addi %mul3A_499, %add3A_537 : i32
        %add3A_539 = arith.constant 16 : i32
        %add3A_540 = arith.addi %squeeze3A_527, %add3A_539 : i32
        %get3A_541 = arith.index_cast %add3A_538 : i32 to index
        %get3A_542 = arith.index_cast %add3A_540 : i32 to index
        %get3A_543 = tpu.vector_load %arg15[%get3A_541, %get3A_542] {strides = array<i32>} : memref<224x128xf32, #tpu.memory_space<vmem>>, vector<1x16xf32>,
        %get3A_544 = vector.shape_cast %get3A_543 : vector<1x16xf32> to vector<16xf32>
        %add3A_545 = arith.addf %get3A_513, %get3A_544 : vector<16xf32>
        %add3A_546 = arith.constant 1 : i32
        %add3A_547 = arith.addi %mul3A_499, %add3A_546 : i32
        %add3A_548 = arith.constant 32 : i32
        %add3A_549 = arith.addi %squeeze3A_527, %add3A_548 : i32
        %get3A_550 = arith.index_cast %add3A_547 : i32 to index
        %get3A_551 = arith.index_cast %add3A_549 : i32 to index
        %get3A_552 = tpu.vector_load %arg15[%get3A_550, %get3A_551] {strides = array<i32>} : memref<224x128xf32, #tpu.memory_space<vmem>>, vector<1x16xf32>,
        %get3A_553 = vector.shape_cast %get3A_552 : vector<1x16xf32> to vector<16xf32>
        %add3A_554 = arith.addf %get3A_519, %get3A_553 : vector<16xf32>
        %add3A_555 = arith.constant 1 : i32
        %add3A_556 = arith.addi %mul3A_499, %add3A_555 : i32
        %add3A_557 = arith.constant 48 : i32
        %add3A_558 = arith.addi %squeeze3A_527, %add3A_557 : i32
        %get3A_559 = arith.index_cast %add3A_556 : i32 to index
        %get3A_560 = arith.index_cast %add3A_558 : i32 to index
        %get3A_561 = tpu.vector_load %arg15[%get3A_559, %get3A_560] {strides = array<i32>} : memref<224x128xf32, #tpu.memory_space<vmem>>, vector<1x16xf32>,
        %get3A_562 = vector.shape_cast %get3A_561 : vector<1x16xf32> to vector<16xf32>
        %add3A_563 = arith.addf %get3A_525, %get3A_562 : vector<16xf32>
        %slice3A_564 = vector.extract_strided_slice %mul3A_486 {offsets = [2], sizes = [1], strides = [1]} : vector<16xi32> to vector<1xi32>
        %squeeze3A_565 = vector.extract %slice3A_564[0] : i32 from vector<1xi32>
        %add3A_566 = arith.constant 2 : i32
        %add3A_567 = arith.addi %mul3A_499, %add3A_566 : i32
        %add3A_568 = arith.constant 0 : i32
        %add3A_569 = arith.addi %squeeze3A_565, %add3A_568 : i32
        %get3A_570 = arith.index_cast %add3A_567 : i32 to index
        %get3A_571 = arith.index_cast %add3A_569 : i32 to index
        %get3A_572 = tpu.vector_load %arg15[%get3A_570, %get3A_571] {strides = array<i32>} : memref<224x128xf32, #tpu.memory_space<vmem>>, vector<1x16xf32>,
        %get3A_573 = vector.shape_cast %get3A_572 : vector<1x16xf32> to vector<16xf32>
        %add3A_574 = arith.addf %add3A_536, %get3A_573 : vector<16xf32>
        %add3A_575 = arith.constant 2 : i32
        %add3A_576 = arith.addi %mul3A_499, %add3A_575 : i32
        %add3A_577 = arith.constant 16 : i32
        %add3A_578 = arith.addi %squeeze3A_565, %add3A_577 : i32
        %get3A_579 = arith.index_cast %add3A_576 : i32 to index
        %get3A_580 = arith.index_cast %add3A_578 : i32 to index
        %get3A_581 = tpu.vector_load %arg15[%get3A_579, %get3A_580] {strides = array<i32>} : memref<224x128xf32, #tpu.memory_space<vmem>>, vector<1x16xf32>,
        %get3A_582 = vector.shape_cast %get3A_581 : vector<1x16xf32> to vector<16xf32>
        %add3A_583 = arith.addf %add3A_545, %get3A_582 : vector<16xf32>
        %add3A_584 = arith.constant 2 : i32
        %add3A_585 = arith.addi %mul3A_499, %add3A_584 : i32
        %add3A_586 = arith.constant 32 : i32
        %add3A_587 = arith.addi %squeeze3A_565, %add3A_586 : i32
        %get3A_588 = arith.index_cast %add3A_585 : i32 to index
        %get3A_589 = arith.index_cast %add3A_587 : i32 to index
        %get3A_590 = tpu.vector_load %arg15[%get3A_588, %get3A_589] {strides = array<i32>} : memref<224x128xf32, #tpu.memory_space<vmem>>, vector<1x16xf32>,
        %get3A_591 = vector.shape_cast %get3A_590 : vector<1x16xf32> to vector<16xf32>
        %add3A_592 = arith.addf %add3A_554, %get3A_591 : vector<16xf32>
        %add3A_593 = arith.constant 2 : i32
        %add3A_594 = arith.addi %mul3A_499, %add3A_593 : i32
        %add3A_595 = arith.constant 48 : i32
        %add3A_596 = arith.addi %squeeze3A_565, %add3A_595 : i32
        %get3A_597 = arith.index_cast %add3A_594 : i32 to index
        %get3A_598 = arith.index_cast %add3A_596 : i32 to index
        %get3A_599 = tpu.vector_load %arg15[%get3A_597, %get3A_598] {strides = array<i32>} : memref<224x128xf32, #tpu.memory_space<vmem>>, vector<1x16xf32>,
        %get3A_600 = vector.shape_cast %get3A_599 : vector<1x16xf32> to vector<16xf32>
        %add3A_601 = arith.addf %add3A_563, %get3A_600 : vector<16xf32>
        %slice3A_602 = vector.extract_strided_slice %mul3A_486 {offsets = [3], sizes = [1], strides = [1]} : vector<16xi32> to vector<1xi32>
        %squeeze3A_603 = vector.extract %slice3A_602[0] : i32 from vector<1xi32>
        %add3A_604 = arith.constant 3 : i32
        %add3A_605 = arith.addi %mul3A_499, %add3A_604 : i32
        %add3A_606 = arith.constant 0 : i32
        %add3A_607 = arith.addi %squeeze3A_603, %add3A_606 : i32
        %get3A_608 = arith.index_cast %add3A_605 : i32 to index
        %get3A_609 = arith.index_cast %add3A_607 : i32 to index
        %get3A_610 = tpu.vector_load %arg15[%get3A_608, %get3A_609] {strides = array<i32>} : memref<224x128xf32, #tpu.memory_space<vmem>>, vector<1x16xf32>,
        %get3A_611 = vector.shape_cast %get3A_610 : vector<1x16xf32> to vector<16xf32>
        %add3A_612 = arith.addf %add3A_574, %get3A_611 : vector<16xf32>
        %add3A_613 = arith.constant 3 : i32
        %add3A_614 = arith.addi %mul3A_499, %add3A_613 : i32
        %add3A_615 = arith.constant 16 : i32
        %add3A_616 = arith.addi %squeeze3A_603, %add3A_615 : i32
        %get3A_617 = arith.index_cast %add3A_614 : i32 to index
        %get3A_618 = arith.index_cast %add3A_616 : i32 to index
        %get3A_619 = tpu.vector_load %arg15[%get3A_617, %get3A_618] {strides = array<i32>} : memref<224x128xf32, #tpu.memory_space<vmem>>, vector<1x16xf32>,
        %get3A_620 = vector.shape_cast %get3A_619 : vector<1x16xf32> to vector<16xf32>
        %add3A_621 = arith.addf %add3A_583, %get3A_620 : vector<16xf32>
        %add3A_622 = arith.constant 3 : i32
        %add3A_623 = arith.addi %mul3A_499, %add3A_622 : i32
        %add3A_624 = arith.constant 32 : i32
        %add3A_625 = arith.addi %squeeze3A_603, %add3A_624 : i32
        %get3A_626 = arith.index_cast %add3A_623 : i32 to index
        %get3A_627 = arith.index_cast %add3A_625 : i32 to index
        %get3A_628 = tpu.vector_load %arg15[%get3A_626, %get3A_627] {strides = array<i32>} : memref<224x128xf32, #tpu.memory_space<vmem>>, vector<1x16xf32>,
        %get3A_629 = vector.shape_cast %get3A_628 : vector<1x16xf32> to vector<16xf32>
        %add3A_630 = arith.addf %add3A_592, %get3A_629 : vector<16xf32>
        %add3A_631 = arith.constant 3 : i32
        %add3A_632 = arith.addi %mul3A_499, %add3A_631 : i32
        %add3A_633 = arith.constant 48 : i32
        %add3A_634 = arith.addi %squeeze3A_603, %add3A_633 : i32
        %get3A_635 = arith.index_cast %add3A_632 : i32 to index
        %get3A_636 = arith.index_cast %add3A_634 : i32 to index
        %get3A_637 = tpu.vector_load %arg15[%get3A_635, %get3A_636] {strides = array<i32>} : memref<224x128xf32, #tpu.memory_space<vmem>>, vector<1x16xf32>,
        %get3A_638 = vector.shape_cast %get3A_637 : vector<1x16xf32> to vector<16xf32>
        %add3A_639 = arith.addf %add3A_601, %get3A_638 : vector<16xf32>
        %slice3A_640 = vector.extract_strided_slice %mul3A_486 {offsets = [4], sizes = [1], strides = [1]} : vector<16xi32> to vector<1xi32>
        %squeeze3A_641 = vector.extract %slice3A_640[0] : i32 from vector<1xi32>
        %add3A_642 = arith.constant 4 : i32
        %add3A_643 = arith.addi %mul3A_499, %add3A_642 : i32
        %add3A_644 = arith.constant 0 : i32
        %add3A_645 = arith.addi %squeeze3A_641, %add3A_644 : i32
        %get3A_646 = arith.index_cast %add3A_643 : i32 to index
        %get3A_647 = arith.index_cast %add3A_645 : i32 to index
        %get3A_648 = tpu.vector_load %arg15[%get3A_646, %get3A_647] {strides = array<i32>} : memref<224x128xf32, #tpu.memory_space<vmem>>, vector<1x16xf32>,
        %get3A_649 = vector.shape_cast %get3A_648 : vector<1x16xf32> to vector<16xf32>
        %add3A_650 = arith.addf %add3A_612, %get3A_649 : vector<16xf32>
        %add3A_651 = arith.constant 4 : i32
        %add3A_652 = arith.addi %mul3A_499, %add3A_651 : i32
        %add3A_653 = arith.constant 16 : i32
        %add3A_654 = arith.addi %squeeze3A_641, %add3A_653 : i32
        %get3A_655 = arith.index_cast %add3A_652 : i32 to index
        %get3A_656 = arith.index_cast %add3A_654 : i32 to index
        %get3A_657 = tpu.vector_load %arg15[%get3A_655, %get3A_656] {strides = array<i32>} : memref<224x128xf32, #tpu.memory_space<vmem>>, vector<1x16xf32>,
        %get3A_658 = vector.shape_cast %get3A_657 : vector<1x16xf32> to vector<16xf32>
        %add3A_659 = arith.addf %add3A_621, %get3A_658 : vector<16xf32>
        %add3A_660 = arith.constant 4 : i32
        %add3A_661 = arith.addi %mul3A_499, %add3A_660 : i32
        %add3A_662 = arith.constant 32 : i32
        %add3A_663 = arith.addi %squeeze3A_641, %add3A_662 : i32
        %get3A_664 = arith.index_cast %add3A_661 : i32 to index
        %get3A_665 = arith.index_cast %add3A_663 : i32 to index
        %get3A_666 = tpu.vector_load %arg15[%get3A_664, %get3A_665] {strides = array<i32>} : memref<224x128xf32, #tpu.memory_space<vmem>>, vector<1x16xf32>,
        %get3A_667 = vector.shape_cast %get3A_666 : vector<1x16xf32> to vector<16xf32>
        %add3A_668 = arith.addf %add3A_630, %get3A_667 : vector<16xf32>
        %add3A_669 = arith.constant 4 : i32
        %add3A_670 = arith.addi %mul3A_499, %add3A_669 : i32
        %add3A_671 = arith.constant 48 : i32
        %add3A_672 = arith.addi %squeeze3A_641, %add3A_671 : i32
        %get3A_673 = arith.index_cast %add3A_670 : i32 to index
        %get3A_674 = arith.index_cast %add3A_672 : i32 to index
        %get3A_675 = tpu.vector_load %arg15[%get3A_673, %get3A_674] {strides = array<i32>} : memref<224x128xf32, #tpu.memory_space<vmem>>, vector<1x16xf32>,
        %get3A_676 = vector.shape_cast %get3A_675 : vector<1x16xf32> to vector<16xf32>
        %add3A_677 = arith.addf %add3A_639, %get3A_676 : vector<16xf32>
        %slice3A_678 = vector.extract_strided_slice %mul3A_486 {offsets = [5], sizes = [1], strides = [1]} : vector<16xi32> to vector<1xi32>
        %squeeze3A_679 = vector.extract %slice3A_678[0] : i32 from vector<1xi32>
        %add3A_680 = arith.constant 5 : i32
        %add3A_681 = arith.addi %mul3A_499, %add3A_680 : i32
        %add3A_682 = arith.constant 0 : i32
        %add3A_683 = arith.addi %squeeze3A_679, %add3A_682 : i32
        %get3A_684 = arith.index_cast %add3A_681 : i32 to index
        %get3A_685 = arith.index_cast %add3A_683 : i32 to index
        %get3A_686 = tpu.vector_load %arg15[%get3A_684, %get3A_685] {strides = array<i32>} : memref<224x128xf32, #tpu.memory_space<vmem>>, vector<1x16xf32>,
        %get3A_687 = vector.shape_cast %get3A_686 : vector<1x16xf32> to vector<16xf32>
        %add3A_688 = arith.addf %add3A_650, %get3A_687 : vector<16xf32>
        %add3A_689 = arith.constant 5 : i32
        %add3A_690 = arith.addi %mul3A_499, %add3A_689 : i32
        %add3A_691 = arith.constant 16 : i32
        %add3A_692 = arith.addi %squeeze3A_679, %add3A_691 : i32
        %get3A_693 = arith.index_cast %add3A_690 : i32 to index
        %get3A_694 = arith.index_cast %add3A_692 : i32 to index
        %get3A_695 = tpu.vector_load %arg15[%get3A_693, %get3A_694] {strides = array<i32>} : memref<224x128xf32, #tpu.memory_space<vmem>>, vector<1x16xf32>,
        %get3A_696 = vector.shape_cast %get3A_695 : vector<1x16xf32> to vector<16xf32>
        %add3A_697 = arith.addf %add3A_659, %get3A_696 : vector<16xf32>
        %add3A_698 = arith.constant 5 : i32
        %add3A_699 = arith.addi %mul3A_499, %add3A_698 : i32
        %add3A_700 = arith.constant 32 : i32
        %add3A_701 = arith.addi %squeeze3A_679, %add3A_700 : i32
        %get3A_702 = arith.index_cast %add3A_699 : i32 to index
        %get3A_703 = arith.index_cast %add3A_701 : i32 to index
        %get3A_704 = tpu.vector_load %arg15[%get3A_702, %get3A_703] {strides = array<i32>} : memref<224x128xf32, #tpu.memory_space<vmem>>, vector<1x16xf32>,
        %get3A_705 = vector.shape_cast %get3A_704 : vector<1x16xf32> to vector<16xf32>
        %add3A_706 = arith.addf %add3A_668, %get3A_705 : vector<16xf32>
        %add3A_707 = arith.constant 5 : i32
        %add3A_708 = arith.addi %mul3A_499, %add3A_707 : i32
        %add3A_709 = arith.constant 48 : i32
        %add3A_710 = arith.addi %squeeze3A_679, %add3A_709 : i32
        %get3A_711 = arith.index_cast %add3A_708 : i32 to index
        %get3A_712 = arith.index_cast %add3A_710 : i32 to index
        %get3A_713 = tpu.vector_load %arg15[%get3A_711, %get3A_712] {strides = array<i32>} : memref<224x128xf32, #tpu.memory_space<vmem>>, vector<1x16xf32>,
        %get3A_714 = vector.shape_cast %get3A_713 : vector<1x16xf32> to vector<16xf32>
        %add3A_715 = arith.addf %add3A_677, %get3A_714 : vector<16xf32>
        %slice3A_716 = vector.extract_strided_slice %mul3A_486 {offsets = [6], sizes = [1], strides = [1]} : vector<16xi32> to vector<1xi32>
        %squeeze3A_717 = vector.extract %slice3A_716[0] : i32 from vector<1xi32>
        %add3A_718 = arith.constant 6 : i32
        %add3A_719 = arith.addi %mul3A_499, %add3A_718 : i32
        %add3A_720 = arith.constant 0 : i32
        %add3A_721 = arith.addi %squeeze3A_717, %add3A_720 : i32
        %get3A_722 = arith.index_cast %add3A_719 : i32 to index
        %get3A_723 = arith.index_cast %add3A_721 : i32 to index
        %get3A_724 = tpu.vector_load %arg15[%get3A_722, %get3A_723] {strides = array<i32>} : memref<224x128xf32, #tpu.memory_space<vmem>>, vector<1x16xf32>,
        %get3A_725 = vector.shape_cast %get3A_724 : vector<1x16xf32> to vector<16xf32>
        %add3A_726 = arith.addf %add3A_688, %get3A_725 : vector<16xf32>
        %add3A_727 = arith.constant 6 : i32
        %add3A_728 = arith.addi %mul3A_499, %add3A_727 : i32
        %add3A_729 = arith.constant 16 : i32
        %add3A_730 = arith.addi %squeeze3A_717, %add3A_729 : i32
        %get3A_731 = arith.index_cast %add3A_728 : i32 to index
        %get3A_732 = arith.index_cast %add3A_730 : i32 to index
        %get3A_733 = tpu.vector_load %arg15[%get3A_731, %get3A_732] {strides = array<i32>} : memref<224x128xf32, #tpu.memory_space<vmem>>, vector<1x16xf32>,
        %get3A_734 = vector.shape_cast %get3A_733 : vector<1x16xf32> to vector<16xf32>
        %add3A_735 = arith.addf %add3A_697, %get3A_734 : vector<16xf32>
        %add3A_736 = arith.constant 6 : i32
        %add3A_737 = arith.addi %mul3A_499, %add3A_736 : i32
        %add3A_738 = arith.constant 32 : i32
        %add3A_739 = arith.addi %squeeze3A_717, %add3A_738 : i32
        %get3A_740 = arith.index_cast %add3A_737 : i32 to index
        %get3A_741 = arith.index_cast %add3A_739 : i32 to index
        %get3A_742 = tpu.vector_load %arg15[%get3A_740, %get3A_741] {strides = array<i32>} : memref<224x128xf32, #tpu.memory_space<vmem>>, vector<1x16xf32>,
        %get3A_743 = vector.shape_cast %get3A_742 : vector<1x16xf32> to vector<16xf32>
        %add3A_744 = arith.addf %add3A_706, %get3A_743 : vector<16xf32>
        %add3A_745 = arith.constant 6 : i32
        %add3A_746 = arith.addi %mul3A_499, %add3A_745 : i32
        %add3A_747 = arith.constant 48 : i32
        %add3A_748 = arith.addi %squeeze3A_717, %add3A_747 : i32
        %get3A_749 = arith.index_cast %add3A_746 : i32 to index
        %get3A_750 = arith.index_cast %add3A_748 : i32 to index
        %get3A_751 = tpu.vector_load %arg15[%get3A_749, %get3A_750] {strides = array<i32>} : memref<224x128xf32, #tpu.memory_space<vmem>>, vector<1x16xf32>,
        %get3A_752 = vector.shape_cast %get3A_751 : vector<1x16xf32> to vector<16xf32>
        %add3A_753 = arith.addf %add3A_715, %get3A_752 : vector<16xf32>
        %slice3A_754 = vector.extract_strided_slice %mul3A_486 {offsets = [7], sizes = [1], strides = [1]} : vector<16xi32> to vector<1xi32>
        %squeeze3A_755 = vector.extract %slice3A_754[0] : i32 from vector<1xi32>
        %add3A_756 = arith.constant 7 : i32
        %add3A_757 = arith.addi %mul3A_499, %add3A_756 : i32
        %add3A_758 = arith.constant 0 : i32
        %add3A_759 = arith.addi %squeeze3A_755, %add3A_758 : i32
        %get3A_760 = arith.index_cast %add3A_757 : i32 to index
        %get3A_761 = arith.index_cast %add3A_759 : i32 to index
        %get3A_762 = tpu.vector_load %arg15[%get3A_760, %get3A_761] {strides = array<i32>} : memref<224x128xf32, #tpu.memory_space<vmem>>, vector<1x16xf32>,
        %get3A_763 = vector.shape_cast %get3A_762 : vector<1x16xf32> to vector<16xf32>
        %add3A_764 = arith.addf %add3A_726, %get3A_763 : vector<16xf32>
        %add3A_765 = arith.constant 7 : i32
        %add3A_766 = arith.addi %mul3A_499, %add3A_765 : i32
        %add3A_767 = arith.constant 16 : i32
        %add3A_768 = arith.addi %squeeze3A_755, %add3A_767 : i32
        %get3A_769 = arith.index_cast %add3A_766 : i32 to index
        %get3A_770 = arith.index_cast %add3A_768 : i32 to index
        %get3A_771 = tpu.vector_load %arg15[%get3A_769, %get3A_770] {strides = array<i32>} : memref<224x128xf32, #tpu.memory_space<vmem>>, vector<1x16xf32>,
        %get3A_772 = vector.shape_cast %get3A_771 : vector<1x16xf32> to vector<16xf32>
        %add3A_773 = arith.addf %add3A_735, %get3A_772 : vector<16xf32>
        %add3A_774 = arith.constant 7 : i32
        %add3A_775 = arith.addi %mul3A_499, %add3A_774 : i32
        %add3A_776 = arith.constant 32 : i32
        %add3A_777 = arith.addi %squeeze3A_755, %add3A_776 : i32
        %get3A_778 = arith.index_cast %add3A_775 : i32 to index
        %get3A_779 = arith.index_cast %add3A_777 : i32 to index
        %get3A_780 = tpu.vector_load %arg15[%get3A_778, %get3A_779] {strides = array<i32>} : memref<224x128xf32, #tpu.memory_space<vmem>>, vector<1x16xf32>,
        %get3A_781 = vector.shape_cast %get3A_780 : vector<1x16xf32> to vector<16xf32>
        %add3A_782 = arith.addf %add3A_744, %get3A_781 : vector<16xf32>
        %add3A_783 = arith.constant 7 : i32
        %add3A_784 = arith.addi %mul3A_499, %add3A_783 : i32
        %add3A_785 = arith.constant 48 : i32
        %add3A_786 = arith.addi %squeeze3A_755, %add3A_785 : i32
        %get3A_787 = arith.index_cast %add3A_784 : i32 to index
        %get3A_788 = arith.index_cast %add3A_786 : i32 to index
        %get3A_789 = tpu.vector_load %arg15[%get3A_787, %get3A_788] {strides = array<i32>} : memref<224x128xf32, #tpu.memory_space<vmem>>, vector<1x16xf32>,
        %get3A_790 = vector.shape_cast %get3A_789 : vector<1x16xf32> to vector<16xf32>
        %add3A_791 = arith.addf %add3A_753, %get3A_790 : vector<16xf32>
        %slice3A_792 = vector.extract_strided_slice %mul3A_486 {offsets = [8], sizes = [1], strides = [1]} : vector<16xi32> to vector<1xi32>
        %squeeze3A_793 = vector.extract %slice3A_792[0] : i32 from vector<1xi32>
        %add3A_794 = arith.constant 8 : i32
        %add3A_795 = arith.addi %mul3A_499, %add3A_794 : i32
        %add3A_796 = arith.constant 0 : i32
        %add3A_797 = arith.addi %squeeze3A_793, %add3A_796 : i32
        %get3A_798 = arith.index_cast %add3A_795 : i32 to index
        %get3A_799 = arith.index_cast %add3A_797 : i32 to index
        %get3A_800 = tpu.vector_load %arg15[%get3A_798, %get3A_799] {strides = array<i32>} : memref<224x128xf32, #tpu.memory_space<vmem>>, vector<1x16xf32>,
        %get3A_801 = vector.shape_cast %get3A_800 : vector<1x16xf32> to vector<16xf32>
        %add3A_802 = arith.addf %add3A_764, %get3A_801 : vector<16xf32>
        %add3A_803 = arith.constant 8 : i32
        %add3A_804 = arith.addi %mul3A_499, %add3A_803 : i32
        %add3A_805 = arith.constant 16 : i32
        %add3A_806 = arith.addi %squeeze3A_793, %add3A_805 : i32
        %get3A_807 = arith.index_cast %add3A_804 : i32 to index
        %get3A_808 = arith.index_cast %add3A_806 : i32 to index
        %get3A_809 = tpu.vector_load %arg15[%get3A_807, %get3A_808] {strides = array<i32>} : memref<224x128xf32, #tpu.memory_space<vmem>>, vector<1x16xf32>,
        %get3A_810 = vector.shape_cast %get3A_809 : vector<1x16xf32> to vector<16xf32>
        %add3A_811 = arith.addf %add3A_773, %get3A_810 : vector<16xf32>
        %add3A_812 = arith.constant 8 : i32
        %add3A_813 = arith.addi %mul3A_499, %add3A_812 : i32
        %add3A_814 = arith.constant 32 : i32
        %add3A_815 = arith.addi %squeeze3A_793, %add3A_814 : i32
        %get3A_816 = arith.index_cast %add3A_813 : i32 to index
        %get3A_817 = arith.index_cast %add3A_815 : i32 to index
        %get3A_818 = tpu.vector_load %arg15[%get3A_816, %get3A_817] {strides = array<i32>} : memref<224x128xf32, #tpu.memory_space<vmem>>, vector<1x16xf32>,
        %get3A_819 = vector.shape_cast %get3A_818 : vector<1x16xf32> to vector<16xf32>
        %add3A_820 = arith.addf %add3A_782, %get3A_819 : vector<16xf32>
        %add3A_821 = arith.constant 8 : i32
        %add3A_822 = arith.addi %mul3A_499, %add3A_821 : i32
        %add3A_823 = arith.constant 48 : i32
        %add3A_824 = arith.addi %squeeze3A_793, %add3A_823 : i32
        %get3A_825 = arith.index_cast %add3A_822 : i32 to index
        %get3A_826 = arith.index_cast %add3A_824 : i32 to index
        %get3A_827 = tpu.vector_load %arg15[%get3A_825, %get3A_826] {strides = array<i32>} : memref<224x128xf32, #tpu.memory_space<vmem>>, vector<1x16xf32>,
        %get3A_828 = vector.shape_cast %get3A_827 : vector<1x16xf32> to vector<16xf32>
        %add3A_829 = arith.addf %add3A_791, %get3A_828 : vector<16xf32>
        %slice3A_830 = vector.extract_strided_slice %mul3A_486 {offsets = [9], sizes = [1], strides = [1]} : vector<16xi32> to vector<1xi32>
        %squeeze3A_831 = vector.extract %slice3A_830[0] : i32 from vector<1xi32>
        %add3A_832 = arith.constant 9 : i32
        %add3A_833 = arith.addi %mul3A_499, %add3A_832 : i32
        %add3A_834 = arith.constant 0 : i32
        %add3A_835 = arith.addi %squeeze3A_831, %add3A_834 : i32
        %get3A_836 = arith.index_cast %add3A_833 : i32 to index
        %get3A_837 = arith.index_cast %add3A_835 : i32 to index
        %get3A_838 = tpu.vector_load %arg15[%get3A_836, %get3A_837] {strides = array<i32>} : memref<224x128xf32, #tpu.memory_space<vmem>>, vector<1x16xf32>,
        %get3A_839 = vector.shape_cast %get3A_838 : vector<1x16xf32> to vector<16xf32>
        %add3A_840 = arith.addf %add3A_802, %get3A_839 : vector<16xf32>
        %add3A_841 = arith.constant 9 : i32
        %add3A_842 = arith.addi %mul3A_499, %add3A_841 : i32
        %add3A_843 = arith.constant 16 : i32
        %add3A_844 = arith.addi %squeeze3A_831, %add3A_843 : i32
        %get3A_845 = arith.index_cast %add3A_842 : i32 to index
        %get3A_846 = arith.index_cast %add3A_844 : i32 to index
        %get3A_847 = tpu.vector_load %arg15[%get3A_845, %get3A_846] {strides = array<i32>} : memref<224x128xf32, #tpu.memory_space<vmem>>, vector<1x16xf32>,
        %get3A_848 = vector.shape_cast %get3A_847 : vector<1x16xf32> to vector<16xf32>
        %add3A_849 = arith.addf %add3A_811, %get3A_848 : vector<16xf32>
        %add3A_850 = arith.constant 9 : i32
        %add3A_851 = arith.addi %mul3A_499, %add3A_850 : i32
        %add3A_852 = arith.constant 32 : i32
        %add3A_853 = arith.addi %squeeze3A_831, %add3A_852 : i32
        %get3A_854 = arith.index_cast %add3A_851 : i32 to index
        %get3A_855 = arith.index_cast %add3A_853 : i32 to index
        %get3A_856 = tpu.vector_load %arg15[%get3A_854, %get3A_855] {strides = array<i32>} : memref<224x128xf32, #tpu.memory_space<vmem>>, vector<1x16xf32>,
        %get3A_857 = vector.shape_cast %get3A_856 : vector<1x16xf32> to vector<16xf32>
        %add3A_858 = arith.addf %add3A_820, %get3A_857 : vector<16xf32>
        %add3A_859 = arith.constant 9 : i32
        %add3A_860 = arith.addi %mul3A_499, %add3A_859 : i32
        %add3A_861 = arith.constant 48 : i32
        %add3A_862 = arith.addi %squeeze3A_831, %add3A_861 : i32
        %get3A_863 = arith.index_cast %add3A_860 : i32 to index
        %get3A_864 = arith.index_cast %add3A_862 : i32 to index
        %get3A_865 = tpu.vector_load %arg15[%get3A_863, %get3A_864] {strides = array<i32>} : memref<224x128xf32, #tpu.memory_space<vmem>>, vector<1x16xf32>,
        %get3A_866 = vector.shape_cast %get3A_865 : vector<1x16xf32> to vector<16xf32>
        %add3A_867 = arith.addf %add3A_829, %get3A_866 : vector<16xf32>
        %slice3A_868 = vector.extract_strided_slice %mul3A_486 {offsets = [10], sizes = [1], strides = [1]} : vector<16xi32> to vector<1xi32>
        %squeeze3A_869 = vector.extract %slice3A_868[0] : i32 from vector<1xi32>
        %add3A_870 = arith.constant 10 : i32
        %add3A_871 = arith.addi %mul3A_499, %add3A_870 : i32
        %add3A_872 = arith.constant 0 : i32
        %add3A_873 = arith.addi %squeeze3A_869, %add3A_872 : i32
        %get3A_874 = arith.index_cast %add3A_871 : i32 to index
        %get3A_875 = arith.index_cast %add3A_873 : i32 to index
        %get3A_876 = tpu.vector_load %arg15[%get3A_874, %get3A_875] {strides = array<i32>} : memref<224x128xf32, #tpu.memory_space<vmem>>, vector<1x16xf32>,
        %get3A_877 = vector.shape_cast %get3A_876 : vector<1x16xf32> to vector<16xf32>
        %add3A_878 = arith.addf %add3A_840, %get3A_877 : vector<16xf32>
        %add3A_879 = arith.constant 10 : i32
        %add3A_880 = arith.addi %mul3A_499, %add3A_879 : i32
        %add3A_881 = arith.constant 16 : i32
        %add3A_882 = arith.addi %squeeze3A_869, %add3A_881 : i32
        %get3A_883 = arith.index_cast %add3A_880 : i32 to index
        %get3A_884 = arith.index_cast %add3A_882 : i32 to index
        %get3A_885 = tpu.vector_load %arg15[%get3A_883, %get3A_884] {strides = array<i32>} : memref<224x128xf32, #tpu.memory_space<vmem>>, vector<1x16xf32>,
        %get3A_886 = vector.shape_cast %get3A_885 : vector<1x16xf32> to vector<16xf32>
        %add3A_887 = arith.addf %add3A_849, %get3A_886 : vector<16xf32>
        %add3A_888 = arith.constant 10 : i32
        %add3A_889 = arith.addi %mul3A_499, %add3A_888 : i32
        %add3A_890 = arith.constant 32 : i32
        %add3A_891 = arith.addi %squeeze3A_869, %add3A_890 : i32
        %get3A_892 = arith.index_cast %add3A_889 : i32 to index
        %get3A_893 = arith.index_cast %add3A_891 : i32 to index
        %get3A_894 = tpu.vector_load %arg15[%get3A_892, %get3A_893] {strides = array<i32>} : memref<224x128xf32, #tpu.memory_space<vmem>>, vector<1x16xf32>,
        %get3A_895 = vector.shape_cast %get3A_894 : vector<1x16xf32> to vector<16xf32>
        %add3A_896 = arith.addf %add3A_858, %get3A_895 : vector<16xf32>
        %add3A_897 = arith.constant 10 : i32
        %add3A_898 = arith.addi %mul3A_499, %add3A_897 : i32
        %add3A_899 = arith.constant 48 : i32
        %add3A_900 = arith.addi %squeeze3A_869, %add3A_899 : i32
        %get3A_901 = arith.index_cast %add3A_898 : i32 to index
        %get3A_902 = arith.index_cast %add3A_900 : i32 to index
        %get3A_903 = tpu.vector_load %arg15[%get3A_901, %get3A_902] {strides = array<i32>} : memref<224x128xf32, #tpu.memory_space<vmem>>, vector<1x16xf32>,
        %get3A_904 = vector.shape_cast %get3A_903 : vector<1x16xf32> to vector<16xf32>
        %add3A_905 = arith.addf %add3A_867, %get3A_904 : vector<16xf32>
        %slice3A_906 = vector.extract_strided_slice %mul3A_486 {offsets = [11], sizes = [1], strides = [1]} : vector<16xi32> to vector<1xi32>
        %squeeze3A_907 = vector.extract %slice3A_906[0] : i32 from vector<1xi32>
        %add3A_908 = arith.constant 11 : i32
        %add3A_909 = arith.addi %mul3A_499, %add3A_908 : i32
        %add3A_910 = arith.constant 0 : i32
        %add3A_911 = arith.addi %squeeze3A_907, %add3A_910 : i32
        %get3A_912 = arith.index_cast %add3A_909 : i32 to index
        %get3A_913 = arith.index_cast %add3A_911 : i32 to index
        %get3A_914 = tpu.vector_load %arg15[%get3A_912, %get3A_913] {strides = array<i32>} : memref<224x128xf32, #tpu.memory_space<vmem>>, vector<1x16xf32>,
        %get3A_915 = vector.shape_cast %get3A_914 : vector<1x16xf32> to vector<16xf32>
        %add3A_916 = arith.addf %add3A_878, %get3A_915 : vector<16xf32>
        %add3A_917 = arith.constant 11 : i32
        %add3A_918 = arith.addi %mul3A_499, %add3A_917 : i32
        %add3A_919 = arith.constant 16 : i32
        %add3A_920 = arith.addi %squeeze3A_907, %add3A_919 : i32
        %get3A_921 = arith.index_cast %add3A_918 : i32 to index
        %get3A_922 = arith.index_cast %add3A_920 : i32 to index
        %get3A_923 = tpu.vector_load %arg15[%get3A_921, %get3A_922] {strides = array<i32>} : memref<224x128xf32, #tpu.memory_space<vmem>>, vector<1x16xf32>,
        %get3A_924 = vector.shape_cast %get3A_923 : vector<1x16xf32> to vector<16xf32>
        %add3A_925 = arith.addf %add3A_887, %get3A_924 : vector<16xf32>
        %add3A_926 = arith.constant 11 : i32
        %add3A_927 = arith.addi %mul3A_499, %add3A_926 : i32
        %add3A_928 = arith.constant 32 : i32
        %add3A_929 = arith.addi %squeeze3A_907, %add3A_928 : i32
        %get3A_930 = arith.index_cast %add3A_927 : i32 to index
        %get3A_931 = arith.index_cast %add3A_929 : i32 to index
        %get3A_932 = tpu.vector_load %arg15[%get3A_930, %get3A_931] {strides = array<i32>} : memref<224x128xf32, #tpu.memory_space<vmem>>, vector<1x16xf32>,
        %get3A_933 = vector.shape_cast %get3A_932 : vector<1x16xf32> to vector<16xf32>
        %add3A_934 = arith.addf %add3A_896, %get3A_933 : vector<16xf32>
        %add3A_935 = arith.constant 11 : i32
        %add3A_936 = arith.addi %mul3A_499, %add3A_935 : i32
        %add3A_937 = arith.constant 48 : i32
        %add3A_938 = arith.addi %squeeze3A_907, %add3A_937 : i32
        %get3A_939 = arith.index_cast %add3A_936 : i32 to index
        %get3A_940 = arith.index_cast %add3A_938 : i32 to index
        %get3A_941 = tpu.vector_load %arg15[%get3A_939, %get3A_940] {strides = array<i32>} : memref<224x128xf32, #tpu.memory_space<vmem>>, vector<1x16xf32>,
        %get3A_942 = vector.shape_cast %get3A_941 : vector<1x16xf32> to vector<16xf32>
        %add3A_943 = arith.addf %add3A_905, %get3A_942 : vector<16xf32>
        %slice3A_944 = vector.extract_strided_slice %mul3A_486 {offsets = [12], sizes = [1], strides = [1]} : vector<16xi32> to vector<1xi32>
        %squeeze3A_945 = vector.extract %slice3A_944[0] : i32 from vector<1xi32>
        %add3A_946 = arith.constant 12 : i32
        %add3A_947 = arith.addi %mul3A_499, %add3A_946 : i32
        %add3A_948 = arith.constant 0 : i32
        %add3A_949 = arith.addi %squeeze3A_945, %add3A_948 : i32
        %get3A_950 = arith.index_cast %add3A_947 : i32 to index
        %get3A_951 = arith.index_cast %add3A_949 : i32 to index
        %get3A_952 = tpu.vector_load %arg15[%get3A_950, %get3A_951] {strides = array<i32>} : memref<224x128xf32, #tpu.memory_space<vmem>>, vector<1x16xf32>,
        %get3A_953 = vector.shape_cast %get3A_952 : vector<1x16xf32> to vector<16xf32>
        %add3A_954 = arith.addf %add3A_916, %get3A_953 : vector<16xf32>
        %add3A_955 = arith.constant 12 : i32
        %add3A_956 = arith.addi %mul3A_499, %add3A_955 : i32
        %add3A_957 = arith.constant 16 : i32
        %add3A_958 = arith.addi %squeeze3A_945, %add3A_957 : i32
        %get3A_959 = arith.index_cast %add3A_956 : i32 to index
        %get3A_960 = arith.index_cast %add3A_958 : i32 to index
        %get3A_961 = tpu.vector_load %arg15[%get3A_959, %get3A_960] {strides = array<i32>} : memref<224x128xf32, #tpu.memory_space<vmem>>, vector<1x16xf32>,
        %get3A_962 = vector.shape_cast %get3A_961 : vector<1x16xf32> to vector<16xf32>
        %add3A_963 = arith.addf %add3A_925, %get3A_962 : vector<16xf32>
        %add3A_964 = arith.constant 12 : i32
        %add3A_965 = arith.addi %mul3A_499, %add3A_964 : i32
        %add3A_966 = arith.constant 32 : i32
        %add3A_967 = arith.addi %squeeze3A_945, %add3A_966 : i32
        %get3A_968 = arith.index_cast %add3A_965 : i32 to index
        %get3A_969 = arith.index_cast %add3A_967 : i32 to index
        %get3A_970 = tpu.vector_load %arg15[%get3A_968, %get3A_969] {strides = array<i32>} : memref<224x128xf32, #tpu.memory_space<vmem>>, vector<1x16xf32>,
        %get3A_971 = vector.shape_cast %get3A_970 : vector<1x16xf32> to vector<16xf32>
        %add3A_972 = arith.addf %add3A_934, %get3A_971 : vector<16xf32>
        %add3A_973 = arith.constant 12 : i32
        %add3A_974 = arith.addi %mul3A_499, %add3A_973 : i32
        %add3A_975 = arith.constant 48 : i32
        %add3A_976 = arith.addi %squeeze3A_945, %add3A_975 : i32
        %get3A_977 = arith.index_cast %add3A_974 : i32 to index
        %get3A_978 = arith.index_cast %add3A_976 : i32 to index
        %get3A_979 = tpu.vector_load %arg15[%get3A_977, %get3A_978] {strides = array<i32>} : memref<224x128xf32, #tpu.memory_space<vmem>>, vector<1x16xf32>,
        %get3A_980 = vector.shape_cast %get3A_979 : vector<1x16xf32> to vector<16xf32>
        %add3A_981 = arith.addf %add3A_943, %get3A_980 : vector<16xf32>
        %slice3A_982 = vector.extract_strided_slice %mul3A_486 {offsets = [13], sizes = [1], strides = [1]} : vector<16xi32> to vector<1xi32>
        %squeeze3A_983 = vector.extract %slice3A_982[0] : i32 from vector<1xi32>
        %add3A_984 = arith.constant 13 : i32
        %add3A_985 = arith.addi %mul3A_499, %add3A_984 : i32
        %add3A_986 = arith.constant 0 : i32
        %add3A_987 = arith.addi %squeeze3A_983, %add3A_986 : i32
        %get3A_988 = arith.index_cast %add3A_985 : i32 to index
        %get3A_989 = arith.index_cast %add3A_987 : i32 to index
        %get3A_990 = tpu.vector_load %arg15[%get3A_988, %get3A_989] {strides = array<i32>} : memref<224x128xf32, #tpu.memory_space<vmem>>, vector<1x16xf32>,
        %get3A_991 = vector.shape_cast %get3A_990 : vector<1x16xf32> to vector<16xf32>
        %add3A_992 = arith.addf %add3A_954, %get3A_991 : vector<16xf32>
        %add3A_993 = arith.constant 13 : i32
        %add3A_994 = arith.addi %mul3A_499, %add3A_993 : i32
        %add3A_995 = arith.constant 16 : i32
        %add3A_996 = arith.addi %squeeze3A_983, %add3A_995 : i32
        %get3A_997 = arith.index_cast %add3A_994 : i32 to index
        %get3A_998 = arith.index_cast %add3A_996 : i32 to index
        %get3A_999 = tpu.vector_load %arg15[%get3A_997, %get3A_998] {strides = array<i32>} : memref<224x128xf32, #tpu.memory_space<vmem>>, vector<1x16xf32>,
        %get3A_1000 = vector.shape_cast %get3A_999 : vector<1x16xf32> to vector<16xf32>
        %add3A_1001 = arith.addf %add3A_963, %get3A_1000 : vector<16xf32>
        %add3A_1002 = arith.constant 13 : i32
        %add3A_1003 = arith.addi %mul3A_499, %add3A_1002 : i32
        %add3A_1004 = arith.constant 32 : i32
        %add3A_1005 = arith.addi %squeeze3A_983, %add3A_1004 : i32
        %get3A_1006 = arith.index_cast %add3A_1003 : i32 to index
        %get3A_1007 = arith.index_cast %add3A_1005 : i32 to index
        %get3A_1008 = tpu.vector_load %arg15[%get3A_1006, %get3A_1007] {strides = array<i32>} : memref<224x128xf32, #tpu.memory_space<vmem>>, vector<1x16xf32>,
        %get3A_1009 = vector.shape_cast %get3A_1008 : vector<1x16xf32> to vector<16xf32>
        %add3A_1010 = arith.addf %add3A_972, %get3A_1009 : vector<16xf32>
        %add3A_1011 = arith.constant 13 : i32
        %add3A_1012 = arith.addi %mul3A_499, %add3A_1011 : i32
        %add3A_1013 = arith.constant 48 : i32
        %add3A_1014 = arith.addi %squeeze3A_983, %add3A_1013 : i32
        %get3A_1015 = arith.index_cast %add3A_1012 : i32 to index
        %get3A_1016 = arith.index_cast %add3A_1014 : i32 to index
        %get3A_1017 = tpu.vector_load %arg15[%get3A_1015, %get3A_1016] {strides = array<i32>} : memref<224x128xf32, #tpu.memory_space<vmem>>, vector<1x16xf32>,
        %get3A_1018 = vector.shape_cast %get3A_1017 : vector<1x16xf32> to vector<16xf32>
        %add3A_1019 = arith.addf %add3A_981, %get3A_1018 : vector<16xf32>
        %broadcast_in_dim3A = arith.constant 0.000000e+00 : f32
        %broadcast_in_dim3A_1020 = vector.broadcast %broadcast_in_dim3A : f32 to vector<16xf32>
        %slice3A_1021 = vector.extract_strided_slice %mul3A_497 {offsets = [0], sizes = [1], strides = [1]} : vector<16xi32> to vector<1xi32>
        %squeeze3A_1022 = vector.extract %slice3A_1021[0] : i32 from vector<1xi32>
        %add3A_1023 = arith.constant 0 : i32
        %add3A_1024 = arith.addi %mul3A_501, %add3A_1023 : i32
        %get3A_1025 = arith.index_cast %add3A_1024 : i32 to index
        %get3A_1026 = arith.index_cast %squeeze3A_1022 : i32 to index
        %get3A_1027 = tpu.vector_load %arg13[%get3A_1025, %get3A_1026] {strides = array<i32>} : memref<96x128xf32, #tpu.memory_space<vmem>>, vector<1x16xf32>,
        %get3A_1028 = vector.shape_cast %get3A_1027 : vector<1x16xf32> to vector<16xf32>
        %mul3A_1029 = arith.mulf %add3A_992, %get3A_1028 : vector<16xf32>
        %add3A_1030 = arith.constant 0 : i32
        %add3A_1031 = arith.addi %mul3A_501, %add3A_1030 : i32
        %add3A_1032 = arith.constant 16 : i32
        %add3A_1033 = arith.addi %squeeze3A_1022, %add3A_1032 : i32
        %get3A_1034 = arith.index_cast %add3A_1031 : i32 to index
        %get3A_1035 = arith.index_cast %add3A_1033 : i32 to index
        %get3A_1036 = tpu.vector_load %arg13[%get3A_1034, %get3A_1035] {strides = array<i32>} : memref<96x128xf32, #tpu.memory_space<vmem>>, vector<1x16xf32>,
        %get3A_1037 = vector.shape_cast %get3A_1036 : vector<1x16xf32> to vector<16xf32>
        %mul3A_1038 = arith.mulf %add3A_1001, %get3A_1037 : vector<16xf32>
        %add3A_1039 = arith.addf %mul3A_1029, %mul3A_1038 : vector<16xf32>
        %add3A_1040 = arith.constant 0 : i32
        %add3A_1041 = arith.addi %mul3A_501, %add3A_1040 : i32
        %add3A_1042 = arith.constant 32 : i32
        %add3A_1043 = arith.addi %squeeze3A_1022, %add3A_1042 : i32
        %get3A_1044 = arith.index_cast %add3A_1041 : i32 to index
        %get3A_1045 = arith.index_cast %add3A_1043 : i32 to index
        %get3A_1046 = tpu.vector_load %arg13[%get3A_1044, %get3A_1045] {strides = array<i32>} : memref<96x128xf32, #tpu.memory_space<vmem>>, vector<1x16xf32>,
        %get3A_1047 = vector.shape_cast %get3A_1046 : vector<1x16xf32> to vector<16xf32>
        %mul3A_1048 = arith.mulf %add3A_1010, %get3A_1047 : vector<16xf32>
        %add3A_1049 = arith.addf %add3A_1039, %mul3A_1048 : vector<16xf32>
        %add3A_1050 = arith.constant 0 : i32
        %add3A_1051 = arith.addi %mul3A_501, %add3A_1050 : i32
        %add3A_1052 = arith.constant 48 : i32
        %add3A_1053 = arith.addi %squeeze3A_1022, %add3A_1052 : i32
        %get3A_1054 = arith.index_cast %add3A_1051 : i32 to index
        %get3A_1055 = arith.index_cast %add3A_1053 : i32 to index
        %get3A_1056 = tpu.vector_load %arg13[%get3A_1054, %get3A_1055] {strides = array<i32>} : memref<96x128xf32, #tpu.memory_space<vmem>>, vector<1x16xf32>,
        %get3A_1057 = vector.shape_cast %get3A_1056 : vector<1x16xf32> to vector<16xf32>
        %mul3A_1058 = arith.mulf %add3A_1019, %get3A_1057 : vector<16xf32>
        %add3A_1059 = arith.addf %add3A_1049, %mul3A_1058 : vector<16xf32>
        %xor3A = arith.constant 8 : i32
        %xor3A_1060 = vector.broadcast %xor3A : i32 to vector<16xi32>
        %xor3A_1061 = arith.xori %iota3A, %xor3A_1060 : vector<16xi32>
        %lt3A_1062 = arith.constant 0 : i32
        %lt3A_1063 = vector.broadcast %lt3A_1062 : i32 to vector<16xi32>
        %lt3A_1064 = arith.cmpi slt, %xor3A_1061, %lt3A_1063 : vector<16xi32>
        %add3A_1065 = arith.constant 16 : i32
        %add3A_1066 = vector.broadcast %add3A_1065 : i32 to vector<16xi32>
        %add3A_1067 = arith.addi %xor3A_1061, %add3A_1066 : vector<16xi32>
        %select_n3A = arith.select %lt3A_1064, %add3A_1067, %xor3A_1061 : vector<16xi1>, vector<16xi32>
        %broadcast_in_dim3A_1068 = vector.shape_cast %select_n3A : vector<16xi32> to vector<16x1xi32>
        %gather3A = vector.shape_cast %broadcast_in_dim3A_1068 : vector<16x1xi32> to vector<16xi32>
        %gather3A_1069 = tpu.dynamic_gather %add3A_1059[%gather3A] in [0] : vector<16xf32>, vector<16xi32> -> vector<16xf32>
        %add3A_1070 = arith.addf %add3A_1059, %gather3A_1069 : vector<16xf32>
        %xor3A_1071 = arith.constant 4 : i32
        %xor3A_1072 = vector.broadcast %xor3A_1071 : i32 to vector<16xi32>
        %xor3A_1073 = arith.xori %iota3A, %xor3A_1072 : vector<16xi32>
        %lt3A_1074 = arith.constant 0 : i32
        %lt3A_1075 = vector.broadcast %lt3A_1074 : i32 to vector<16xi32>
        %lt3A_1076 = arith.cmpi slt, %xor3A_1073, %lt3A_1075 : vector<16xi32>
        %add3A_1077 = arith.constant 16 : i32
        %add3A_1078 = vector.broadcast %add3A_1077 : i32 to vector<16xi32>
        %add3A_1079 = arith.addi %xor3A_1073, %add3A_1078 : vector<16xi32>
        %select_n3A_1080 = arith.select %lt3A_1076, %add3A_1079, %xor3A_1073 : vector<16xi1>, vector<16xi32>
        %broadcast_in_dim3A_1081 = vector.shape_cast %select_n3A_1080 : vector<16xi32> to vector<16x1xi32>
        %gather3A_1082 = vector.shape_cast %broadcast_in_dim3A_1081 : vector<16x1xi32> to vector<16xi32>
        %gather3A_1083 = tpu.dynamic_gather %add3A_1070[%gather3A_1082] in [0] : vector<16xf32>, vector<16xi32> -> vector<16xf32>
        %add3A_1084 = arith.addf %add3A_1070, %gather3A_1083 : vector<16xf32>
        %xor3A_1085 = arith.constant 2 : i32
        %xor3A_1086 = vector.broadcast %xor3A_1085 : i32 to vector<16xi32>
        %xor3A_1087 = arith.xori %iota3A, %xor3A_1086 : vector<16xi32>
        %lt3A_1088 = arith.constant 0 : i32
        %lt3A_1089 = vector.broadcast %lt3A_1088 : i32 to vector<16xi32>
        %lt3A_1090 = arith.cmpi slt, %xor3A_1087, %lt3A_1089 : vector<16xi32>
        %add3A_1091 = arith.constant 16 : i32
        %add3A_1092 = vector.broadcast %add3A_1091 : i32 to vector<16xi32>
        %add3A_1093 = arith.addi %xor3A_1087, %add3A_1092 : vector<16xi32>
        %select_n3A_1094 = arith.select %lt3A_1090, %add3A_1093, %xor3A_1087 : vector<16xi1>, vector<16xi32>
        %broadcast_in_dim3A_1095 = vector.shape_cast %select_n3A_1094 : vector<16xi32> to vector<16x1xi32>
        %gather3A_1096 = vector.shape_cast %broadcast_in_dim3A_1095 : vector<16x1xi32> to vector<16xi32>
        %gather3A_1097 = tpu.dynamic_gather %add3A_1084[%gather3A_1096] in [0] : vector<16xf32>, vector<16xi32> -> vector<16xf32>
        %add3A_1098 = arith.addf %add3A_1084, %gather3A_1097 : vector<16xf32>
        %xor3A_1099 = arith.constant 1 : i32
        %xor3A_1100 = vector.broadcast %xor3A_1099 : i32 to vector<16xi32>
        %xor3A_1101 = arith.xori %iota3A, %xor3A_1100 : vector<16xi32>
        %lt3A_1102 = arith.constant 0 : i32
        %lt3A_1103 = vector.broadcast %lt3A_1102 : i32 to vector<16xi32>
        %lt3A_1104 = arith.cmpi slt, %xor3A_1101, %lt3A_1103 : vector<16xi32>
        %add3A_1105 = arith.constant 16 : i32
        %add3A_1106 = vector.broadcast %add3A_1105 : i32 to vector<16xi32>
        %add3A_1107 = arith.addi %xor3A_1101, %add3A_1106 : vector<16xi32>
        %select_n3A_1108 = arith.select %lt3A_1104, %add3A_1107, %xor3A_1101 : vector<16xi1>, vector<16xi32>
        %broadcast_in_dim3A_1109 = vector.shape_cast %select_n3A_1108 : vector<16xi32> to vector<16x1xi32>
        %gather3A_1110 = vector.shape_cast %broadcast_in_dim3A_1109 : vector<16x1xi32> to vector<16xi32>
        %gather3A_1111 = tpu.dynamic_gather %add3A_1098[%gather3A_1110] in [0] : vector<16xf32>, vector<16xi32> -> vector<16xf32>
        %add3A_1112 = arith.addf %add3A_1098, %gather3A_1111 : vector<16xf32>
        %eq3A = arith.constant 0 : i32
        %eq3A_1113 = vector.broadcast %eq3A : i32 to vector<16xi32>
        %eq3A_1114 = arith.cmpi eq, %iota3A, %eq3A_1113 : vector<16xi32>
        %select_n3A_1115 = arith.select %eq3A_1114, %add3A_1112, %broadcast_in_dim3A_1020 : vector<16xi1>, vector<16xf32>
        %slice3A_1116 = vector.extract_strided_slice %mul3A_497 {offsets = [1], sizes = [1], strides = [1]} : vector<16xi32> to vector<1xi32>
        %squeeze3A_1117 = vector.extract %slice3A_1116[0] : i32 from vector<1xi32>
        %add3A_1118 = arith.constant 1 : i32
        %add3A_1119 = arith.addi %mul3A_501, %add3A_1118 : i32
        %get3A_1120 = arith.index_cast %add3A_1119 : i32 to index
        %get3A_1121 = arith.index_cast %squeeze3A_1117 : i32 to index
        %get3A_1122 = tpu.vector_load %arg13[%get3A_1120, %get3A_1121] {strides = array<i32>} : memref<96x128xf32, #tpu.memory_space<vmem>>, vector<1x16xf32>,
        %get3A_1123 = vector.shape_cast %get3A_1122 : vector<1x16xf32> to vector<16xf32>
        %mul3A_1124 = arith.mulf %add3A_992, %get3A_1123 : vector<16xf32>
        %add3A_1125 = arith.constant 1 : i32
        %add3A_1126 = arith.addi %mul3A_501, %add3A_1125 : i32
        %add3A_1127 = arith.constant 16 : i32
        %add3A_1128 = arith.addi %squeeze3A_1117, %add3A_1127 : i32
        %get3A_1129 = arith.index_cast %add3A_1126 : i32 to index
        %get3A_1130 = arith.index_cast %add3A_1128 : i32 to index
        %get3A_1131 = tpu.vector_load %arg13[%get3A_1129, %get3A_1130] {strides = array<i32>} : memref<96x128xf32, #tpu.memory_space<vmem>>, vector<1x16xf32>,
        %get3A_1132 = vector.shape_cast %get3A_1131 : vector<1x16xf32> to vector<16xf32>
        %mul3A_1133 = arith.mulf %add3A_1001, %get3A_1132 : vector<16xf32>
        %add3A_1134 = arith.addf %mul3A_1124, %mul3A_1133 : vector<16xf32>
        %add3A_1135 = arith.constant 1 : i32
        %add3A_1136 = arith.addi %mul3A_501, %add3A_1135 : i32
        %add3A_1137 = arith.constant 32 : i32
        %add3A_1138 = arith.addi %squeeze3A_1117, %add3A_1137 : i32
        %get3A_1139 = arith.index_cast %add3A_1136 : i32 to index
        %get3A_1140 = arith.index_cast %add3A_1138 : i32 to index
        %get3A_1141 = tpu.vector_load %arg13[%get3A_1139, %get3A_1140] {strides = array<i32>} : memref<96x128xf32, #tpu.memory_space<vmem>>, vector<1x16xf32>,
        %get3A_1142 = vector.shape_cast %get3A_1141 : vector<1x16xf32> to vector<16xf32>
        %mul3A_1143 = arith.mulf %add3A_1010, %get3A_1142 : vector<16xf32>
        %add3A_1144 = arith.addf %add3A_1134, %mul3A_1143 : vector<16xf32>
        %add3A_1145 = arith.constant 1 : i32
        %add3A_1146 = arith.addi %mul3A_501, %add3A_1145 : i32
        %add3A_1147 = arith.constant 48 : i32
        %add3A_1148 = arith.addi %squeeze3A_1117, %add3A_1147 : i32
        %get3A_1149 = arith.index_cast %add3A_1146 : i32 to index
        %get3A_1150 = arith.index_cast %add3A_1148 : i32 to index
        %get3A_1151 = tpu.vector_load %arg13[%get3A_1149, %get3A_1150] {strides = array<i32>} : memref<96x128xf32, #tpu.memory_space<vmem>>, vector<1x16xf32>,
        %get3A_1152 = vector.shape_cast %get3A_1151 : vector<1x16xf32> to vector<16xf32>
        %mul3A_1153 = arith.mulf %add3A_1019, %get3A_1152 : vector<16xf32>
        %add3A_1154 = arith.addf %add3A_1144, %mul3A_1153 : vector<16xf32>
        %xor3A_1155 = arith.constant 8 : i32
        %xor3A_1156 = vector.broadcast %xor3A_1155 : i32 to vector<16xi32>
        %xor3A_1157 = arith.xori %iota3A, %xor3A_1156 : vector<16xi32>
        %lt3A_1158 = arith.constant 0 : i32
        %lt3A_1159 = vector.broadcast %lt3A_1158 : i32 to vector<16xi32>
        %lt3A_1160 = arith.cmpi slt, %xor3A_1157, %lt3A_1159 : vector<16xi32>
        %add3A_1161 = arith.constant 16 : i32
        %add3A_1162 = vector.broadcast %add3A_1161 : i32 to vector<16xi32>
        %add3A_1163 = arith.addi %xor3A_1157, %add3A_1162 : vector<16xi32>
        %select_n3A_1164 = arith.select %lt3A_1160, %add3A_1163, %xor3A_1157 : vector<16xi1>, vector<16xi32>
        %broadcast_in_dim3A_1165 = vector.shape_cast %select_n3A_1164 : vector<16xi32> to vector<16x1xi32>
        %gather3A_1166 = vector.shape_cast %broadcast_in_dim3A_1165 : vector<16x1xi32> to vector<16xi32>
        %gather3A_1167 = tpu.dynamic_gather %add3A_1154[%gather3A_1166] in [0] : vector<16xf32>, vector<16xi32> -> vector<16xf32>
        %add3A_1168 = arith.addf %add3A_1154, %gather3A_1167 : vector<16xf32>
        %xor3A_1169 = arith.constant 4 : i32
        %xor3A_1170 = vector.broadcast %xor3A_1169 : i32 to vector<16xi32>
        %xor3A_1171 = arith.xori %iota3A, %xor3A_1170 : vector<16xi32>
        %lt3A_1172 = arith.constant 0 : i32
        %lt3A_1173 = vector.broadcast %lt3A_1172 : i32 to vector<16xi32>
        %lt3A_1174 = arith.cmpi slt, %xor3A_1171, %lt3A_1173 : vector<16xi32>
        %add3A_1175 = arith.constant 16 : i32
        %add3A_1176 = vector.broadcast %add3A_1175 : i32 to vector<16xi32>
        %add3A_1177 = arith.addi %xor3A_1171, %add3A_1176 : vector<16xi32>
        %select_n3A_1178 = arith.select %lt3A_1174, %add3A_1177, %xor3A_1171 : vector<16xi1>, vector<16xi32>
        %broadcast_in_dim3A_1179 = vector.shape_cast %select_n3A_1178 : vector<16xi32> to vector<16x1xi32>
        %gather3A_1180 = vector.shape_cast %broadcast_in_dim3A_1179 : vector<16x1xi32> to vector<16xi32>
        %gather3A_1181 = tpu.dynamic_gather %add3A_1168[%gather3A_1180] in [0] : vector<16xf32>, vector<16xi32> -> vector<16xf32>
        %add3A_1182 = arith.addf %add3A_1168, %gather3A_1181 : vector<16xf32>
        %xor3A_1183 = arith.constant 2 : i32
        %xor3A_1184 = vector.broadcast %xor3A_1183 : i32 to vector<16xi32>
        %xor3A_1185 = arith.xori %iota3A, %xor3A_1184 : vector<16xi32>
        %lt3A_1186 = arith.constant 0 : i32
        %lt3A_1187 = vector.broadcast %lt3A_1186 : i32 to vector<16xi32>
        %lt3A_1188 = arith.cmpi slt, %xor3A_1185, %lt3A_1187 : vector<16xi32>
        %add3A_1189 = arith.constant 16 : i32
        %add3A_1190 = vector.broadcast %add3A_1189 : i32 to vector<16xi32>
        %add3A_1191 = arith.addi %xor3A_1185, %add3A_1190 : vector<16xi32>
        %select_n3A_1192 = arith.select %lt3A_1188, %add3A_1191, %xor3A_1185 : vector<16xi1>, vector<16xi32>
        %broadcast_in_dim3A_1193 = vector.shape_cast %select_n3A_1192 : vector<16xi32> to vector<16x1xi32>
        %gather3A_1194 = vector.shape_cast %broadcast_in_dim3A_1193 : vector<16x1xi32> to vector<16xi32>
        %gather3A_1195 = tpu.dynamic_gather %add3A_1182[%gather3A_1194] in [0] : vector<16xf32>, vector<16xi32> -> vector<16xf32>
        %add3A_1196 = arith.addf %add3A_1182, %gather3A_1195 : vector<16xf32>
        %xor3A_1197 = arith.constant 1 : i32
        %xor3A_1198 = vector.broadcast %xor3A_1197 : i32 to vector<16xi32>
        %xor3A_1199 = arith.xori %iota3A, %xor3A_1198 : vector<16xi32>
        %lt3A_1200 = arith.constant 0 : i32
        %lt3A_1201 = vector.broadcast %lt3A_1200 : i32 to vector<16xi32>
        %lt3A_1202 = arith.cmpi slt, %xor3A_1199, %lt3A_1201 : vector<16xi32>
        %add3A_1203 = arith.constant 16 : i32
        %add3A_1204 = vector.broadcast %add3A_1203 : i32 to vector<16xi32>
        %add3A_1205 = arith.addi %xor3A_1199, %add3A_1204 : vector<16xi32>
        %select_n3A_1206 = arith.select %lt3A_1202, %add3A_1205, %xor3A_1199 : vector<16xi1>, vector<16xi32>
        %broadcast_in_dim3A_1207 = vector.shape_cast %select_n3A_1206 : vector<16xi32> to vector<16x1xi32>
        %gather3A_1208 = vector.shape_cast %broadcast_in_dim3A_1207 : vector<16x1xi32> to vector<16xi32>
        %gather3A_1209 = tpu.dynamic_gather %add3A_1196[%gather3A_1208] in [0] : vector<16xf32>, vector<16xi32> -> vector<16xf32>
        %add3A_1210 = arith.addf %add3A_1196, %gather3A_1209 : vector<16xf32>
        %neg3A = arith.constant 0.000000e+00 : f32
        %neg3A_1211 = vector.broadcast %neg3A : f32 to vector<16xf32>
        %neg3A_1212 = arith.subf %neg3A_1211, %add3A_1210 : vector<16xf32>
        %eq3A_1213 = arith.constant 1 : i32
        %eq3A_1214 = vector.broadcast %eq3A_1213 : i32 to vector<16xi32>
        %eq3A_1215 = arith.cmpi eq, %iota3A, %eq3A_1214 : vector<16xi32>
        %select_n3A_1216 = arith.select %eq3A_1215, %neg3A_1212, %select_n3A_1115 : vector<16xi1>, vector<16xf32>
        %slice3A_1217 = vector.extract_strided_slice %mul3A_497 {offsets = [2], sizes = [1], strides = [1]} : vector<16xi32> to vector<1xi32>
        %squeeze3A_1218 = vector.extract %slice3A_1217[0] : i32 from vector<1xi32>
        %add3A_1219 = arith.constant 2 : i32
        %add3A_1220 = arith.addi %mul3A_501, %add3A_1219 : i32
        %get3A_1221 = arith.index_cast %add3A_1220 : i32 to index
        %get3A_1222 = arith.index_cast %squeeze3A_1218 : i32 to index
        %get3A_1223 = tpu.vector_load %arg13[%get3A_1221, %get3A_1222] {strides = array<i32>} : memref<96x128xf32, #tpu.memory_space<vmem>>, vector<1x16xf32>,
        %get3A_1224 = vector.shape_cast %get3A_1223 : vector<1x16xf32> to vector<16xf32>
        %mul3A_1225 = arith.mulf %add3A_992, %get3A_1224 : vector<16xf32>
        %add3A_1226 = arith.constant 2 : i32
        %add3A_1227 = arith.addi %mul3A_501, %add3A_1226 : i32
        %add3A_1228 = arith.constant 16 : i32
        %add3A_1229 = arith.addi %squeeze3A_1218, %add3A_1228 : i32
        %get3A_1230 = arith.index_cast %add3A_1227 : i32 to index
        %get3A_1231 = arith.index_cast %add3A_1229 : i32 to index
        %get3A_1232 = tpu.vector_load %arg13[%get3A_1230, %get3A_1231] {strides = array<i32>} : memref<96x128xf32, #tpu.memory_space<vmem>>, vector<1x16xf32>,
        %get3A_1233 = vector.shape_cast %get3A_1232 : vector<1x16xf32> to vector<16xf32>
        %mul3A_1234 = arith.mulf %add3A_1001, %get3A_1233 : vector<16xf32>
        %add3A_1235 = arith.addf %mul3A_1225, %mul3A_1234 : vector<16xf32>
        %add3A_1236 = arith.constant 2 : i32
        %add3A_1237 = arith.addi %mul3A_501, %add3A_1236 : i32
        %add3A_1238 = arith.constant 32 : i32
        %add3A_1239 = arith.addi %squeeze3A_1218, %add3A_1238 : i32
        %get3A_1240 = arith.index_cast %add3A_1237 : i32 to index
        %get3A_1241 = arith.index_cast %add3A_1239 : i32 to index
        %get3A_1242 = tpu.vector_load %arg13[%get3A_1240, %get3A_1241] {strides = array<i32>} : memref<96x128xf32, #tpu.memory_space<vmem>>, vector<1x16xf32>,
        %get3A_1243 = vector.shape_cast %get3A_1242 : vector<1x16xf32> to vector<16xf32>
        %mul3A_1244 = arith.mulf %add3A_1010, %get3A_1243 : vector<16xf32>
        %add3A_1245 = arith.addf %add3A_1235, %mul3A_1244 : vector<16xf32>
        %add3A_1246 = arith.constant 2 : i32
        %add3A_1247 = arith.addi %mul3A_501, %add3A_1246 : i32
        %add3A_1248 = arith.constant 48 : i32
        %add3A_1249 = arith.addi %squeeze3A_1218, %add3A_1248 : i32
        %get3A_1250 = arith.index_cast %add3A_1247 : i32 to index
        %get3A_1251 = arith.index_cast %add3A_1249 : i32 to index
        %get3A_1252 = tpu.vector_load %arg13[%get3A_1250, %get3A_1251] {strides = array<i32>} : memref<96x128xf32, #tpu.memory_space<vmem>>, vector<1x16xf32>,
        %get3A_1253 = vector.shape_cast %get3A_1252 : vector<1x16xf32> to vector<16xf32>
        %mul3A_1254 = arith.mulf %add3A_1019, %get3A_1253 : vector<16xf32>
        %add3A_1255 = arith.addf %add3A_1245, %mul3A_1254 : vector<16xf32>
        %xor3A_1256 = arith.constant 8 : i32
        %xor3A_1257 = vector.broadcast %xor3A_1256 : i32 to vector<16xi32>
        %xor3A_1258 = arith.xori %iota3A, %xor3A_1257 : vector<16xi32>
        %lt3A_1259 = arith.constant 0 : i32
        %lt3A_1260 = vector.broadcast %lt3A_1259 : i32 to vector<16xi32>
        %lt3A_1261 = arith.cmpi slt, %xor3A_1258, %lt3A_1260 : vector<16xi32>
        %add3A_1262 = arith.constant 16 : i32
        %add3A_1263 = vector.broadcast %add3A_1262 : i32 to vector<16xi32>
        %add3A_1264 = arith.addi %xor3A_1258, %add3A_1263 : vector<16xi32>
        %select_n3A_1265 = arith.select %lt3A_1261, %add3A_1264, %xor3A_1258 : vector<16xi1>, vector<16xi32>
        %broadcast_in_dim3A_1266 = vector.shape_cast %select_n3A_1265 : vector<16xi32> to vector<16x1xi32>
        %gather3A_1267 = vector.shape_cast %broadcast_in_dim3A_1266 : vector<16x1xi32> to vector<16xi32>
        %gather3A_1268 = tpu.dynamic_gather %add3A_1255[%gather3A_1267] in [0] : vector<16xf32>, vector<16xi32> -> vector<16xf32>
        %add3A_1269 = arith.addf %add3A_1255, %gather3A_1268 : vector<16xf32>
        %xor3A_1270 = arith.constant 4 : i32
        %xor3A_1271 = vector.broadcast %xor3A_1270 : i32 to vector<16xi32>
        %xor3A_1272 = arith.xori %iota3A, %xor3A_1271 : vector<16xi32>
        %lt3A_1273 = arith.constant 0 : i32
        %lt3A_1274 = vector.broadcast %lt3A_1273 : i32 to vector<16xi32>
        %lt3A_1275 = arith.cmpi slt, %xor3A_1272, %lt3A_1274 : vector<16xi32>
        %add3A_1276 = arith.constant 16 : i32
        %add3A_1277 = vector.broadcast %add3A_1276 : i32 to vector<16xi32>
        %add3A_1278 = arith.addi %xor3A_1272, %add3A_1277 : vector<16xi32>
        %select_n3A_1279 = arith.select %lt3A_1275, %add3A_1278, %xor3A_1272 : vector<16xi1>, vector<16xi32>
        %broadcast_in_dim3A_1280 = vector.shape_cast %select_n3A_1279 : vector<16xi32> to vector<16x1xi32>
        %gather3A_1281 = vector.shape_cast %broadcast_in_dim3A_1280 : vector<16x1xi32> to vector<16xi32>
        %gather3A_1282 = tpu.dynamic_gather %add3A_1269[%gather3A_1281] in [0] : vector<16xf32>, vector<16xi32> -> vector<16xf32>
        %add3A_1283 = arith.addf %add3A_1269, %gather3A_1282 : vector<16xf32>
        %xor3A_1284 = arith.constant 2 : i32
        %xor3A_1285 = vector.broadcast %xor3A_1284 : i32 to vector<16xi32>
        %xor3A_1286 = arith.xori %iota3A, %xor3A_1285 : vector<16xi32>
        %lt3A_1287 = arith.constant 0 : i32
        %lt3A_1288 = vector.broadcast %lt3A_1287 : i32 to vector<16xi32>
        %lt3A_1289 = arith.cmpi slt, %xor3A_1286, %lt3A_1288 : vector<16xi32>
        %add3A_1290 = arith.constant 16 : i32
        %add3A_1291 = vector.broadcast %add3A_1290 : i32 to vector<16xi32>
        %add3A_1292 = arith.addi %xor3A_1286, %add3A_1291 : vector<16xi32>
        %select_n3A_1293 = arith.select %lt3A_1289, %add3A_1292, %xor3A_1286 : vector<16xi1>, vector<16xi32>
        %broadcast_in_dim3A_1294 = vector.shape_cast %select_n3A_1293 : vector<16xi32> to vector<16x1xi32>
        %gather3A_1295 = vector.shape_cast %broadcast_in_dim3A_1294 : vector<16x1xi32> to vector<16xi32>
        %gather3A_1296 = tpu.dynamic_gather %add3A_1283[%gather3A_1295] in [0] : vector<16xf32>, vector<16xi32> -> vector<16xf32>
        %add3A_1297 = arith.addf %add3A_1283, %gather3A_1296 : vector<16xf32>
        %xor3A_1298 = arith.constant 1 : i32
        %xor3A_1299 = vector.broadcast %xor3A_1298 : i32 to vector<16xi32>
        %xor3A_1300 = arith.xori %iota3A, %xor3A_1299 : vector<16xi32>
        %lt3A_1301 = arith.constant 0 : i32
        %lt3A_1302 = vector.broadcast %lt3A_1301 : i32 to vector<16xi32>
        %lt3A_1303 = arith.cmpi slt, %xor3A_1300, %lt3A_1302 : vector<16xi32>
        %add3A_1304 = arith.constant 16 : i32
        %add3A_1305 = vector.broadcast %add3A_1304 : i32 to vector<16xi32>
        %add3A_1306 = arith.addi %xor3A_1300, %add3A_1305 : vector<16xi32>
        %select_n3A_1307 = arith.select %lt3A_1303, %add3A_1306, %xor3A_1300 : vector<16xi1>, vector<16xi32>
        %broadcast_in_dim3A_1308 = vector.shape_cast %select_n3A_1307 : vector<16xi32> to vector<16x1xi32>
        %gather3A_1309 = vector.shape_cast %broadcast_in_dim3A_1308 : vector<16x1xi32> to vector<16xi32>
        %gather3A_1310 = tpu.dynamic_gather %add3A_1297[%gather3A_1309] in [0] : vector<16xf32>, vector<16xi32> -> vector<16xf32>
        %add3A_1311 = arith.addf %add3A_1297, %gather3A_1310 : vector<16xf32>
        %neg3A_1312 = arith.constant 0.000000e+00 : f32
        %neg3A_1313 = vector.broadcast %neg3A_1312 : f32 to vector<16xf32>
        %neg3A_1314 = arith.subf %neg3A_1313, %add3A_1311 : vector<16xf32>
        %eq3A_1315 = arith.constant 2 : i32
        %eq3A_1316 = vector.broadcast %eq3A_1315 : i32 to vector<16xi32>
        %eq3A_1317 = arith.cmpi eq, %iota3A, %eq3A_1316 : vector<16xi32>
        %select_n3A_1318 = arith.select %eq3A_1317, %neg3A_1314, %select_n3A_1216 : vector<16xi1>, vector<16xf32>
        %slice3A_1319 = vector.extract_strided_slice %mul3A_497 {offsets = [3], sizes = [1], strides = [1]} : vector<16xi32> to vector<1xi32>
        %squeeze3A_1320 = vector.extract %slice3A_1319[0] : i32 from vector<1xi32>
        %add3A_1321 = arith.constant 3 : i32
        %add3A_1322 = arith.addi %mul3A_501, %add3A_1321 : i32
        %get3A_1323 = arith.index_cast %add3A_1322 : i32 to index
        %get3A_1324 = arith.index_cast %squeeze3A_1320 : i32 to index
        %get3A_1325 = tpu.vector_load %arg13[%get3A_1323, %get3A_1324] {strides = array<i32>} : memref<96x128xf32, #tpu.memory_space<vmem>>, vector<1x16xf32>,
        %get3A_1326 = vector.shape_cast %get3A_1325 : vector<1x16xf32> to vector<16xf32>
        %mul3A_1327 = arith.mulf %add3A_992, %get3A_1326 : vector<16xf32>
        %add3A_1328 = arith.constant 3 : i32
        %add3A_1329 = arith.addi %mul3A_501, %add3A_1328 : i32
        %add3A_1330 = arith.constant 16 : i32
        %add3A_1331 = arith.addi %squeeze3A_1320, %add3A_1330 : i32
        %get3A_1332 = arith.index_cast %add3A_1329 : i32 to index
        %get3A_1333 = arith.index_cast %add3A_1331 : i32 to index
        %get3A_1334 = tpu.vector_load %arg13[%get3A_1332, %get3A_1333] {strides = array<i32>} : memref<96x128xf32, #tpu.memory_space<vmem>>, vector<1x16xf32>,
        %get3A_1335 = vector.shape_cast %get3A_1334 : vector<1x16xf32> to vector<16xf32>
        %mul3A_1336 = arith.mulf %add3A_1001, %get3A_1335 : vector<16xf32>
        %add3A_1337 = arith.addf %mul3A_1327, %mul3A_1336 : vector<16xf32>
        %add3A_1338 = arith.constant 3 : i32
        %add3A_1339 = arith.addi %mul3A_501, %add3A_1338 : i32
        %add3A_1340 = arith.constant 32 : i32
        %add3A_1341 = arith.addi %squeeze3A_1320, %add3A_1340 : i32
        %get3A_1342 = arith.index_cast %add3A_1339 : i32 to index
        %get3A_1343 = arith.index_cast %add3A_1341 : i32 to index
        %get3A_1344 = tpu.vector_load %arg13[%get3A_1342, %get3A_1343] {strides = array<i32>} : memref<96x128xf32, #tpu.memory_space<vmem>>, vector<1x16xf32>,
        %get3A_1345 = vector.shape_cast %get3A_1344 : vector<1x16xf32> to vector<16xf32>
        %mul3A_1346 = arith.mulf %add3A_1010, %get3A_1345 : vector<16xf32>
        %add3A_1347 = arith.addf %add3A_1337, %mul3A_1346 : vector<16xf32>
        %add3A_1348 = arith.constant 3 : i32
        %add3A_1349 = arith.addi %mul3A_501, %add3A_1348 : i32
        %add3A_1350 = arith.constant 48 : i32
        %add3A_1351 = arith.addi %squeeze3A_1320, %add3A_1350 : i32
        %get3A_1352 = arith.index_cast %add3A_1349 : i32 to index
        %get3A_1353 = arith.index_cast %add3A_1351 : i32 to index
        %get3A_1354 = tpu.vector_load %arg13[%get3A_1352, %get3A_1353] {strides = array<i32>} : memref<96x128xf32, #tpu.memory_space<vmem>>, vector<1x16xf32>,
        %get3A_1355 = vector.shape_cast %get3A_1354 : vector<1x16xf32> to vector<16xf32>
        %mul3A_1356 = arith.mulf %add3A_1019, %get3A_1355 : vector<16xf32>
        %add3A_1357 = arith.addf %add3A_1347, %mul3A_1356 : vector<16xf32>
        %xor3A_1358 = arith.constant 8 : i32
        %xor3A_1359 = vector.broadcast %xor3A_1358 : i32 to vector<16xi32>
        %xor3A_1360 = arith.xori %iota3A, %xor3A_1359 : vector<16xi32>
        %lt3A_1361 = arith.constant 0 : i32
        %lt3A_1362 = vector.broadcast %lt3A_1361 : i32 to vector<16xi32>
        %lt3A_1363 = arith.cmpi slt, %xor3A_1360, %lt3A_1362 : vector<16xi32>
        %add3A_1364 = arith.constant 16 : i32
        %add3A_1365 = vector.broadcast %add3A_1364 : i32 to vector<16xi32>
        %add3A_1366 = arith.addi %xor3A_1360, %add3A_1365 : vector<16xi32>
        %select_n3A_1367 = arith.select %lt3A_1363, %add3A_1366, %xor3A_1360 : vector<16xi1>, vector<16xi32>
        %broadcast_in_dim3A_1368 = vector.shape_cast %select_n3A_1367 : vector<16xi32> to vector<16x1xi32>
        %gather3A_1369 = vector.shape_cast %broadcast_in_dim3A_1368 : vector<16x1xi32> to vector<16xi32>
        %gather3A_1370 = tpu.dynamic_gather %add3A_1357[%gather3A_1369] in [0] : vector<16xf32>, vector<16xi32> -> vector<16xf32>
        %add3A_1371 = arith.addf %add3A_1357, %gather3A_1370 : vector<16xf32>
        %xor3A_1372 = arith.constant 4 : i32
        %xor3A_1373 = vector.broadcast %xor3A_1372 : i32 to vector<16xi32>
        %xor3A_1374 = arith.xori %iota3A, %xor3A_1373 : vector<16xi32>
        %lt3A_1375 = arith.constant 0 : i32
        %lt3A_1376 = vector.broadcast %lt3A_1375 : i32 to vector<16xi32>
        %lt3A_1377 = arith.cmpi slt, %xor3A_1374, %lt3A_1376 : vector<16xi32>
        %add3A_1378 = arith.constant 16 : i32
        %add3A_1379 = vector.broadcast %add3A_1378 : i32 to vector<16xi32>
        %add3A_1380 = arith.addi %xor3A_1374, %add3A_1379 : vector<16xi32>
        %select_n3A_1381 = arith.select %lt3A_1377, %add3A_1380, %xor3A_1374 : vector<16xi1>, vector<16xi32>
        %broadcast_in_dim3A_1382 = vector.shape_cast %select_n3A_1381 : vector<16xi32> to vector<16x1xi32>
        %gather3A_1383 = vector.shape_cast %broadcast_in_dim3A_1382 : vector<16x1xi32> to vector<16xi32>
        %gather3A_1384 = tpu.dynamic_gather %add3A_1371[%gather3A_1383] in [0] : vector<16xf32>, vector<16xi32> -> vector<16xf32>
        %add3A_1385 = arith.addf %add3A_1371, %gather3A_1384 : vector<16xf32>
        %xor3A_1386 = arith.constant 2 : i32
        %xor3A_1387 = vector.broadcast %xor3A_1386 : i32 to vector<16xi32>
        %xor3A_1388 = arith.xori %iota3A, %xor3A_1387 : vector<16xi32>
        %lt3A_1389 = arith.constant 0 : i32
        %lt3A_1390 = vector.broadcast %lt3A_1389 : i32 to vector<16xi32>
        %lt3A_1391 = arith.cmpi slt, %xor3A_1388, %lt3A_1390 : vector<16xi32>
        %add3A_1392 = arith.constant 16 : i32
        %add3A_1393 = vector.broadcast %add3A_1392 : i32 to vector<16xi32>
        %add3A_1394 = arith.addi %xor3A_1388, %add3A_1393 : vector<16xi32>
        %select_n3A_1395 = arith.select %lt3A_1391, %add3A_1394, %xor3A_1388 : vector<16xi1>, vector<16xi32>
        %broadcast_in_dim3A_1396 = vector.shape_cast %select_n3A_1395 : vector<16xi32> to vector<16x1xi32>
        %gather3A_1397 = vector.shape_cast %broadcast_in_dim3A_1396 : vector<16x1xi32> to vector<16xi32>
        %gather3A_1398 = tpu.dynamic_gather %add3A_1385[%gather3A_1397] in [0] : vector<16xf32>, vector<16xi32> -> vector<16xf32>
        %add3A_1399 = arith.addf %add3A_1385, %gather3A_1398 : vector<16xf32>
        %xor3A_1400 = arith.constant 1 : i32
        %xor3A_1401 = vector.broadcast %xor3A_1400 : i32 to vector<16xi32>
        %xor3A_1402 = arith.xori %iota3A, %xor3A_1401 : vector<16xi32>
        %lt3A_1403 = arith.constant 0 : i32
        %lt3A_1404 = vector.broadcast %lt3A_1403 : i32 to vector<16xi32>
        %lt3A_1405 = arith.cmpi slt, %xor3A_1402, %lt3A_1404 : vector<16xi32>
        %add3A_1406 = arith.constant 16 : i32
        %add3A_1407 = vector.broadcast %add3A_1406 : i32 to vector<16xi32>
        %add3A_1408 = arith.addi %xor3A_1402, %add3A_1407 : vector<16xi32>
        %select_n3A_1409 = arith.select %lt3A_1405, %add3A_1408, %xor3A_1402 : vector<16xi1>, vector<16xi32>
        %broadcast_in_dim3A_1410 = vector.shape_cast %select_n3A_1409 : vector<16xi32> to vector<16x1xi32>
        %gather3A_1411 = vector.shape_cast %broadcast_in_dim3A_1410 : vector<16x1xi32> to vector<16xi32>
        %gather3A_1412 = tpu.dynamic_gather %add3A_1399[%gather3A_1411] in [0] : vector<16xf32>, vector<16xi32> -> vector<16xf32>
        %add3A_1413 = arith.addf %add3A_1399, %gather3A_1412 : vector<16xf32>
        %neg3A_1414 = arith.constant 0.000000e+00 : f32
        %neg3A_1415 = vector.broadcast %neg3A_1414 : f32 to vector<16xf32>
        %neg3A_1416 = arith.subf %neg3A_1415, %add3A_1413 : vector<16xf32>
        %eq3A_1417 = arith.constant 3 : i32
        %eq3A_1418 = vector.broadcast %eq3A_1417 : i32 to vector<16xi32>
        %eq3A_1419 = arith.cmpi eq, %iota3A, %eq3A_1418 : vector<16xi32>
        %select_n3A_1420 = arith.select %eq3A_1419, %neg3A_1416, %select_n3A_1318 : vector<16xi1>, vector<16xf32>
        %slice3A_1421 = vector.extract_strided_slice %mul3A_497 {offsets = [4], sizes = [1], strides = [1]} : vector<16xi32> to vector<1xi32>
        %squeeze3A_1422 = vector.extract %slice3A_1421[0] : i32 from vector<1xi32>
        %add3A_1423 = arith.constant 4 : i32
        %add3A_1424 = arith.addi %mul3A_501, %add3A_1423 : i32
        %get3A_1425 = arith.index_cast %add3A_1424 : i32 to index
        %get3A_1426 = arith.index_cast %squeeze3A_1422 : i32 to index
        %get3A_1427 = tpu.vector_load %arg13[%get3A_1425, %get3A_1426] {strides = array<i32>} : memref<96x128xf32, #tpu.memory_space<vmem>>, vector<1x16xf32>,
        %get3A_1428 = vector.shape_cast %get3A_1427 : vector<1x16xf32> to vector<16xf32>
        %mul3A_1429 = arith.mulf %add3A_992, %get3A_1428 : vector<16xf32>
        %add3A_1430 = arith.constant 4 : i32
        %add3A_1431 = arith.addi %mul3A_501, %add3A_1430 : i32
        %add3A_1432 = arith.constant 16 : i32
        %add3A_1433 = arith.addi %squeeze3A_1422, %add3A_1432 : i32
        %get3A_1434 = arith.index_cast %add3A_1431 : i32 to index
        %get3A_1435 = arith.index_cast %add3A_1433 : i32 to index
        %get3A_1436 = tpu.vector_load %arg13[%get3A_1434, %get3A_1435] {strides = array<i32>} : memref<96x128xf32, #tpu.memory_space<vmem>>, vector<1x16xf32>,
        %get3A_1437 = vector.shape_cast %get3A_1436 : vector<1x16xf32> to vector<16xf32>
        %mul3A_1438 = arith.mulf %add3A_1001, %get3A_1437 : vector<16xf32>
        %add3A_1439 = arith.addf %mul3A_1429, %mul3A_1438 : vector<16xf32>
        %add3A_1440 = arith.constant 4 : i32
        %add3A_1441 = arith.addi %mul3A_501, %add3A_1440 : i32
        %add3A_1442 = arith.constant 32 : i32
        %add3A_1443 = arith.addi %squeeze3A_1422, %add3A_1442 : i32
        %get3A_1444 = arith.index_cast %add3A_1441 : i32 to index
        %get3A_1445 = arith.index_cast %add3A_1443 : i32 to index
        %get3A_1446 = tpu.vector_load %arg13[%get3A_1444, %get3A_1445] {strides = array<i32>} : memref<96x128xf32, #tpu.memory_space<vmem>>, vector<1x16xf32>,
        %get3A_1447 = vector.shape_cast %get3A_1446 : vector<1x16xf32> to vector<16xf32>
        %mul3A_1448 = arith.mulf %add3A_1010, %get3A_1447 : vector<16xf32>
        %add3A_1449 = arith.addf %add3A_1439, %mul3A_1448 : vector<16xf32>
        %add3A_1450 = arith.constant 4 : i32
        %add3A_1451 = arith.addi %mul3A_501, %add3A_1450 : i32
        %add3A_1452 = arith.constant 48 : i32
        %add3A_1453 = arith.addi %squeeze3A_1422, %add3A_1452 : i32
        %get3A_1454 = arith.index_cast %add3A_1451 : i32 to index
        %get3A_1455 = arith.index_cast %add3A_1453 : i32 to index
        %get3A_1456 = tpu.vector_load %arg13[%get3A_1454, %get3A_1455] {strides = array<i32>} : memref<96x128xf32, #tpu.memory_space<vmem>>, vector<1x16xf32>,
        %get3A_1457 = vector.shape_cast %get3A_1456 : vector<1x16xf32> to vector<16xf32>
        %mul3A_1458 = arith.mulf %add3A_1019, %get3A_1457 : vector<16xf32>
        %add3A_1459 = arith.addf %add3A_1449, %mul3A_1458 : vector<16xf32>
        %xor3A_1460 = arith.constant 8 : i32
        %xor3A_1461 = vector.broadcast %xor3A_1460 : i32 to vector<16xi32>
        %xor3A_1462 = arith.xori %iota3A, %xor3A_1461 : vector<16xi32>
        %lt3A_1463 = arith.constant 0 : i32
        %lt3A_1464 = vector.broadcast %lt3A_1463 : i32 to vector<16xi32>
        %lt3A_1465 = arith.cmpi slt, %xor3A_1462, %lt3A_1464 : vector<16xi32>
        %add3A_1466 = arith.constant 16 : i32
        %add3A_1467 = vector.broadcast %add3A_1466 : i32 to vector<16xi32>
        %add3A_1468 = arith.addi %xor3A_1462, %add3A_1467 : vector<16xi32>
        %select_n3A_1469 = arith.select %lt3A_1465, %add3A_1468, %xor3A_1462 : vector<16xi1>, vector<16xi32>
        %broadcast_in_dim3A_1470 = vector.shape_cast %select_n3A_1469 : vector<16xi32> to vector<16x1xi32>
        %gather3A_1471 = vector.shape_cast %broadcast_in_dim3A_1470 : vector<16x1xi32> to vector<16xi32>
        %gather3A_1472 = tpu.dynamic_gather %add3A_1459[%gather3A_1471] in [0] : vector<16xf32>, vector<16xi32> -> vector<16xf32>
        %add3A_1473 = arith.addf %add3A_1459, %gather3A_1472 : vector<16xf32>
        %xor3A_1474 = arith.constant 4 : i32
        %xor3A_1475 = vector.broadcast %xor3A_1474 : i32 to vector<16xi32>
        %xor3A_1476 = arith.xori %iota3A, %xor3A_1475 : vector<16xi32>
        %lt3A_1477 = arith.constant 0 : i32
        %lt3A_1478 = vector.broadcast %lt3A_1477 : i32 to vector<16xi32>
        %lt3A_1479 = arith.cmpi slt, %xor3A_1476, %lt3A_1478 : vector<16xi32>
        %add3A_1480 = arith.constant 16 : i32
        %add3A_1481 = vector.broadcast %add3A_1480 : i32 to vector<16xi32>
        %add3A_1482 = arith.addi %xor3A_1476, %add3A_1481 : vector<16xi32>
        %select_n3A_1483 = arith.select %lt3A_1479, %add3A_1482, %xor3A_1476 : vector<16xi1>, vector<16xi32>
        %broadcast_in_dim3A_1484 = vector.shape_cast %select_n3A_1483 : vector<16xi32> to vector<16x1xi32>
        %gather3A_1485 = vector.shape_cast %broadcast_in_dim3A_1484 : vector<16x1xi32> to vector<16xi32>
        %gather3A_1486 = tpu.dynamic_gather %add3A_1473[%gather3A_1485] in [0] : vector<16xf32>, vector<16xi32> -> vector<16xf32>
        %add3A_1487 = arith.addf %add3A_1473, %gather3A_1486 : vector<16xf32>
        %xor3A_1488 = arith.constant 2 : i32
        %xor3A_1489 = vector.broadcast %xor3A_1488 : i32 to vector<16xi32>
        %xor3A_1490 = arith.xori %iota3A, %xor3A_1489 : vector<16xi32>
        %lt3A_1491 = arith.constant 0 : i32
        %lt3A_1492 = vector.broadcast %lt3A_1491 : i32 to vector<16xi32>
        %lt3A_1493 = arith.cmpi slt, %xor3A_1490, %lt3A_1492 : vector<16xi32>
        %add3A_1494 = arith.constant 16 : i32
        %add3A_1495 = vector.broadcast %add3A_1494 : i32 to vector<16xi32>
        %add3A_1496 = arith.addi %xor3A_1490, %add3A_1495 : vector<16xi32>
        %select_n3A_1497 = arith.select %lt3A_1493, %add3A_1496, %xor3A_1490 : vector<16xi1>, vector<16xi32>
        %broadcast_in_dim3A_1498 = vector.shape_cast %select_n3A_1497 : vector<16xi32> to vector<16x1xi32>
        %gather3A_1499 = vector.shape_cast %broadcast_in_dim3A_1498 : vector<16x1xi32> to vector<16xi32>
        %gather3A_1500 = tpu.dynamic_gather %add3A_1487[%gather3A_1499] in [0] : vector<16xf32>, vector<16xi32> -> vector<16xf32>
        %add3A_1501 = arith.addf %add3A_1487, %gather3A_1500 : vector<16xf32>
        %xor3A_1502 = arith.constant 1 : i32
        %xor3A_1503 = vector.broadcast %xor3A_1502 : i32 to vector<16xi32>
        %xor3A_1504 = arith.xori %iota3A, %xor3A_1503 : vector<16xi32>
        %lt3A_1505 = arith.constant 0 : i32
        %lt3A_1506 = vector.broadcast %lt3A_1505 : i32 to vector<16xi32>
        %lt3A_1507 = arith.cmpi slt, %xor3A_1504, %lt3A_1506 : vector<16xi32>
        %add3A_1508 = arith.constant 16 : i32
        %add3A_1509 = vector.broadcast %add3A_1508 : i32 to vector<16xi32>
        %add3A_1510 = arith.addi %xor3A_1504, %add3A_1509 : vector<16xi32>
        %select_n3A_1511 = arith.select %lt3A_1507, %add3A_1510, %xor3A_1504 : vector<16xi1>, vector<16xi32>
        %broadcast_in_dim3A_1512 = vector.shape_cast %select_n3A_1511 : vector<16xi32> to vector<16x1xi32>
        %gather3A_1513 = vector.shape_cast %broadcast_in_dim3A_1512 : vector<16x1xi32> to vector<16xi32>
        %gather3A_1514 = tpu.dynamic_gather %add3A_1501[%gather3A_1513] in [0] : vector<16xf32>, vector<16xi32> -> vector<16xf32>
        %add3A_1515 = arith.addf %add3A_1501, %gather3A_1514 : vector<16xf32>
        %neg3A_1516 = arith.constant 0.000000e+00 : f32
        %neg3A_1517 = vector.broadcast %neg3A_1516 : f32 to vector<16xf32>
        %neg3A_1518 = arith.subf %neg3A_1517, %add3A_1515 : vector<16xf32>
        %eq3A_1519 = arith.constant 4 : i32
        %eq3A_1520 = vector.broadcast %eq3A_1519 : i32 to vector<16xi32>
        %eq3A_1521 = arith.cmpi eq, %iota3A, %eq3A_1520 : vector<16xi32>
        %select_n3A_1522 = arith.select %eq3A_1521, %neg3A_1518, %select_n3A_1420 : vector<16xi1>, vector<16xf32>
        %slice3A_1523 = vector.extract_strided_slice %mul3A_497 {offsets = [5], sizes = [1], strides = [1]} : vector<16xi32> to vector<1xi32>
        %squeeze3A_1524 = vector.extract %slice3A_1523[0] : i32 from vector<1xi32>
        %add3A_1525 = arith.constant 5 : i32
        %add3A_1526 = arith.addi %mul3A_501, %add3A_1525 : i32
        %get3A_1527 = arith.index_cast %add3A_1526 : i32 to index
        %get3A_1528 = arith.index_cast %squeeze3A_1524 : i32 to index
        %get3A_1529 = tpu.vector_load %arg13[%get3A_1527, %get3A_1528] {strides = array<i32>} : memref<96x128xf32, #tpu.memory_space<vmem>>, vector<1x16xf32>,
        %get3A_1530 = vector.shape_cast %get3A_1529 : vector<1x16xf32> to vector<16xf32>
        %mul3A_1531 = arith.mulf %add3A_992, %get3A_1530 : vector<16xf32>
        %add3A_1532 = arith.constant 5 : i32
        %add3A_1533 = arith.addi %mul3A_501, %add3A_1532 : i32
        %add3A_1534 = arith.constant 16 : i32
        %add3A_1535 = arith.addi %squeeze3A_1524, %add3A_1534 : i32
        %get3A_1536 = arith.index_cast %add3A_1533 : i32 to index
        %get3A_1537 = arith.index_cast %add3A_1535 : i32 to index
        %get3A_1538 = tpu.vector_load %arg13[%get3A_1536, %get3A_1537] {strides = array<i32>} : memref<96x128xf32, #tpu.memory_space<vmem>>, vector<1x16xf32>,
        %get3A_1539 = vector.shape_cast %get3A_1538 : vector<1x16xf32> to vector<16xf32>
        %mul3A_1540 = arith.mulf %add3A_1001, %get3A_1539 : vector<16xf32>
        %add3A_1541 = arith.addf %mul3A_1531, %mul3A_1540 : vector<16xf32>
        %add3A_1542 = arith.constant 5 : i32
        %add3A_1543 = arith.addi %mul3A_501, %add3A_1542 : i32
        %add3A_1544 = arith.constant 32 : i32
        %add3A_1545 = arith.addi %squeeze3A_1524, %add3A_1544 : i32
        %get3A_1546 = arith.index_cast %add3A_1543 : i32 to index
        %get3A_1547 = arith.index_cast %add3A_1545 : i32 to index
        %get3A_1548 = tpu.vector_load %arg13[%get3A_1546, %get3A_1547] {strides = array<i32>} : memref<96x128xf32, #tpu.memory_space<vmem>>, vector<1x16xf32>,
        %get3A_1549 = vector.shape_cast %get3A_1548 : vector<1x16xf32> to vector<16xf32>
        %mul3A_1550 = arith.mulf %add3A_1010, %get3A_1549 : vector<16xf32>
        %add3A_1551 = arith.addf %add3A_1541, %mul3A_1550 : vector<16xf32>
        %add3A_1552 = arith.constant 5 : i32
        %add3A_1553 = arith.addi %mul3A_501, %add3A_1552 : i32
        %add3A_1554 = arith.constant 48 : i32
        %add3A_1555 = arith.addi %squeeze3A_1524, %add3A_1554 : i32
        %get3A_1556 = arith.index_cast %add3A_1553 : i32 to index
        %get3A_1557 = arith.index_cast %add3A_1555 : i32 to index
        %get3A_1558 = tpu.vector_load %arg13[%get3A_1556, %get3A_1557] {strides = array<i32>} : memref<96x128xf32, #tpu.memory_space<vmem>>, vector<1x16xf32>,
        %get3A_1559 = vector.shape_cast %get3A_1558 : vector<1x16xf32> to vector<16xf32>
        %mul3A_1560 = arith.mulf %add3A_1019, %get3A_1559 : vector<16xf32>
        %add3A_1561 = arith.addf %add3A_1551, %mul3A_1560 : vector<16xf32>
        %xor3A_1562 = arith.constant 8 : i32
        %xor3A_1563 = vector.broadcast %xor3A_1562 : i32 to vector<16xi32>
        %xor3A_1564 = arith.xori %iota3A, %xor3A_1563 : vector<16xi32>
        %lt3A_1565 = arith.constant 0 : i32
        %lt3A_1566 = vector.broadcast %lt3A_1565 : i32 to vector<16xi32>
        %lt3A_1567 = arith.cmpi slt, %xor3A_1564, %lt3A_1566 : vector<16xi32>
        %add3A_1568 = arith.constant 16 : i32
        %add3A_1569 = vector.broadcast %add3A_1568 : i32 to vector<16xi32>
        %add3A_1570 = arith.addi %xor3A_1564, %add3A_1569 : vector<16xi32>
        %select_n3A_1571 = arith.select %lt3A_1567, %add3A_1570, %xor3A_1564 : vector<16xi1>, vector<16xi32>
        %broadcast_in_dim3A_1572 = vector.shape_cast %select_n3A_1571 : vector<16xi32> to vector<16x1xi32>
        %gather3A_1573 = vector.shape_cast %broadcast_in_dim3A_1572 : vector<16x1xi32> to vector<16xi32>
        %gather3A_1574 = tpu.dynamic_gather %add3A_1561[%gather3A_1573] in [0] : vector<16xf32>, vector<16xi32> -> vector<16xf32>
        %add3A_1575 = arith.addf %add3A_1561, %gather3A_1574 : vector<16xf32>
        %xor3A_1576 = arith.constant 4 : i32
        %xor3A_1577 = vector.broadcast %xor3A_1576 : i32 to vector<16xi32>
        %xor3A_1578 = arith.xori %iota3A, %xor3A_1577 : vector<16xi32>
        %lt3A_1579 = arith.constant 0 : i32
        %lt3A_1580 = vector.broadcast %lt3A_1579 : i32 to vector<16xi32>
        %lt3A_1581 = arith.cmpi slt, %xor3A_1578, %lt3A_1580 : vector<16xi32>
        %add3A_1582 = arith.constant 16 : i32
        %add3A_1583 = vector.broadcast %add3A_1582 : i32 to vector<16xi32>
        %add3A_1584 = arith.addi %xor3A_1578, %add3A_1583 : vector<16xi32>
        %select_n3A_1585 = arith.select %lt3A_1581, %add3A_1584, %xor3A_1578 : vector<16xi1>, vector<16xi32>
        %broadcast_in_dim3A_1586 = vector.shape_cast %select_n3A_1585 : vector<16xi32> to vector<16x1xi32>
        %gather3A_1587 = vector.shape_cast %broadcast_in_dim3A_1586 : vector<16x1xi32> to vector<16xi32>
        %gather3A_1588 = tpu.dynamic_gather %add3A_1575[%gather3A_1587] in [0] : vector<16xf32>, vector<16xi32> -> vector<16xf32>
        %add3A_1589 = arith.addf %add3A_1575, %gather3A_1588 : vector<16xf32>
        %xor3A_1590 = arith.constant 2 : i32
        %xor3A_1591 = vector.broadcast %xor3A_1590 : i32 to vector<16xi32>
        %xor3A_1592 = arith.xori %iota3A, %xor3A_1591 : vector<16xi32>
        %lt3A_1593 = arith.constant 0 : i32
        %lt3A_1594 = vector.broadcast %lt3A_1593 : i32 to vector<16xi32>
        %lt3A_1595 = arith.cmpi slt, %xor3A_1592, %lt3A_1594 : vector<16xi32>
        %add3A_1596 = arith.constant 16 : i32
        %add3A_1597 = vector.broadcast %add3A_1596 : i32 to vector<16xi32>
        %add3A_1598 = arith.addi %xor3A_1592, %add3A_1597 : vector<16xi32>
        %select_n3A_1599 = arith.select %lt3A_1595, %add3A_1598, %xor3A_1592 : vector<16xi1>, vector<16xi32>
        %broadcast_in_dim3A_1600 = vector.shape_cast %select_n3A_1599 : vector<16xi32> to vector<16x1xi32>
        %gather3A_1601 = vector.shape_cast %broadcast_in_dim3A_1600 : vector<16x1xi32> to vector<16xi32>
        %gather3A_1602 = tpu.dynamic_gather %add3A_1589[%gather3A_1601] in [0] : vector<16xf32>, vector<16xi32> -> vector<16xf32>
        %add3A_1603 = arith.addf %add3A_1589, %gather3A_1602 : vector<16xf32>
        %xor3A_1604 = arith.constant 1 : i32
        %xor3A_1605 = vector.broadcast %xor3A_1604 : i32 to vector<16xi32>
        %xor3A_1606 = arith.xori %iota3A, %xor3A_1605 : vector<16xi32>
        %lt3A_1607 = arith.constant 0 : i32
        %lt3A_1608 = vector.broadcast %lt3A_1607 : i32 to vector<16xi32>
        %lt3A_1609 = arith.cmpi slt, %xor3A_1606, %lt3A_1608 : vector<16xi32>
        %add3A_1610 = arith.constant 16 : i32
        %add3A_1611 = vector.broadcast %add3A_1610 : i32 to vector<16xi32>
        %add3A_1612 = arith.addi %xor3A_1606, %add3A_1611 : vector<16xi32>
        %select_n3A_1613 = arith.select %lt3A_1609, %add3A_1612, %xor3A_1606 : vector<16xi1>, vector<16xi32>
        %broadcast_in_dim3A_1614 = vector.shape_cast %select_n3A_1613 : vector<16xi32> to vector<16x1xi32>
        %gather3A_1615 = vector.shape_cast %broadcast_in_dim3A_1614 : vector<16x1xi32> to vector<16xi32>
        %gather3A_1616 = tpu.dynamic_gather %add3A_1603[%gather3A_1615] in [0] : vector<16xf32>, vector<16xi32> -> vector<16xf32>
        %add3A_1617 = arith.addf %add3A_1603, %gather3A_1616 : vector<16xf32>
        %neg3A_1618 = arith.constant 0.000000e+00 : f32
        %neg3A_1619 = vector.broadcast %neg3A_1618 : f32 to vector<16xf32>
        %neg3A_1620 = arith.subf %neg3A_1619, %add3A_1617 : vector<16xf32>
        %eq3A_1621 = arith.constant 5 : i32
        %eq3A_1622 = vector.broadcast %eq3A_1621 : i32 to vector<16xi32>
        %eq3A_1623 = arith.cmpi eq, %iota3A, %eq3A_1622 : vector<16xi32>
        %select_n3A_1624 = arith.select %eq3A_1623, %neg3A_1620, %select_n3A_1522 : vector<16xi1>, vector<16xf32>
        %mul3A_1625 = arith.constant 16 : i32
        %mul3A_1626 = arith.muli %add3A_476, %mul3A_1625 : i32
        %swap3A_1627 = arith.index_cast %mul3A_1626 : i32 to index
        %swap3A_1628 = tpu.vector_load %arg17[%swap3A_1627] {strides = array<i32>} : memref<8192xf32, #tpu.memory_space<vmem>>, vector<16xf32>,
        %swap3A_1629 = vector.shape_cast %swap3A_1628 : vector<16xf32> to vector<16xf32>
        %swap3A_1630 = vector.shape_cast %select_n3A_1624 : vector<16xf32> to vector<16xf32>
        tpu.vector_store %arg17[%swap3A_1627], %swap3A_1630 {strides = array<i32>} : memref<8192xf32, #tpu.memory_space<vmem>>, vector<16xf32>,
      }
      %scan3A_441 = arith.constant 16 : i32
      %add3A_442 = arith.constant 2 : i32
      %add3A_443 = arith.addi %mul3A_424, %add3A_442 : i32
      %lt3A = arith.constant 32 : i32
      %lt3A_444 = arith.cmpi slt, %add3A_443, %lt3A : i32
      %convert_element_type3A = arith.extui %lt3A_444 : i1 to i32
      %cond3A = arith.constant 0 : i32
      %cond3A_445 = arith.cmpi ne, %convert_element_type3A, %cond3A : i32
      scf.if %cond3A_445 {
        %add3A_473 = arith.constant 2 : i32
        %add3A_474 = arith.addi %mul3A_424, %add3A_473 : i32
        %mul3A_475 = arith.constant 96 : i32
        %mul3A_476 = arith.muli %add3A_474, %mul3A_475 : i32
        %add3A_477 = arith.constant 0 : i32
        %add3A_478 = arith.addi %mul3A_476, %add3A_477 : i32
        %get3A_479 = arith.index_cast %add3A_478 : i32 to index
        %get3A_480 = tpu.vector_load %arg7[%get3A_479] {strides = array<i32>} : memref<3088xi32, #tpu.memory_space<vmem>>, vector<16xi32>,
        %get3A_481 = vector.shape_cast %get3A_480 : vector<16xi32> to vector<16xi32>
        %shift_right_logical3A_482 = arith.constant 1 : i32
        %shift_right_logical3A_483 = vector.broadcast %shift_right_logical3A_482 : i32 to vector<16xi32>
        %shift_right_logical3A_484 = arith.shrui %get3A_481, %shift_right_logical3A_483 : vector<16xi32>
        %swap3A_485 = arith.constant 0 : index
        %swap3A_486 = tpu.vector_load %arg9[%swap3A_485] {strides = array<i32>} : memref<96xi32, #tpu.memory_space<vmem>>, vector<16xi32>,
        %swap3A_487 = vector.shape_cast %swap3A_486 : vector<16xi32> to vector<16xi32>
        %swap3A_488 = vector.shape_cast %shift_right_logical3A_484 : vector<16xi32> to vector<16xi32>
        tpu.vector_store %arg9[%swap3A_485], %swap3A_488 {strides = array<i32>} : memref<96xi32, #tpu.memory_space<vmem>>, vector<16xi32>,
        %mul3A_489 = arith.constant 96 : i32
        %mul3A_490 = arith.muli %add3A_474, %mul3A_489 : i32
        %add3A_491 = arith.constant 16 : i32
        %add3A_492 = arith.addi %mul3A_490, %add3A_491 : i32
        %get3A_493 = arith.index_cast %add3A_492 : i32 to index
        %get3A_494 = tpu.vector_load %arg7[%get3A_493] {strides = array<i32>} : memref<3088xi32, #tpu.memory_space<vmem>>, vector<16xi32>,
        %get3A_495 = vector.shape_cast %get3A_494 : vector<16xi32> to vector<16xi32>
        %shift_right_logical3A_496 = arith.constant 1 : i32
        %shift_right_logical3A_497 = vector.broadcast %shift_right_logical3A_496 : i32 to vector<16xi32>
        %shift_right_logical3A_498 = arith.shrui %get3A_495, %shift_right_logical3A_497 : vector<16xi32>
        %swap3A_499 = arith.constant 16 : index
        %swap3A_500 = tpu.vector_load %arg9[%swap3A_499] {strides = array<i32>} : memref<96xi32, #tpu.memory_space<vmem>>, vector<16xi32>,
        %swap3A_501 = vector.shape_cast %swap3A_500 : vector<16xi32> to vector<16xi32>
        %swap3A_502 = vector.shape_cast %shift_right_logical3A_498 : vector<16xi32> to vector<16xi32>
        tpu.vector_store %arg9[%swap3A_499], %swap3A_502 {strides = array<i32>} : memref<96xi32, #tpu.memory_space<vmem>>, vector<16xi32>,
        %mul3A_503 = arith.constant 96 : i32
        %mul3A_504 = arith.muli %add3A_474, %mul3A_503 : i32
        %add3A_505 = arith.constant 32 : i32
        %add3A_506 = arith.addi %mul3A_504, %add3A_505 : i32
        %get3A_507 = arith.index_cast %add3A_506 : i32 to index
        %get3A_508 = tpu.vector_load %arg7[%get3A_507] {strides = array<i32>} : memref<3088xi32, #tpu.memory_space<vmem>>, vector<16xi32>,
        %get3A_509 = vector.shape_cast %get3A_508 : vector<16xi32> to vector<16xi32>
        %shift_right_logical3A_510 = arith.constant 1 : i32
        %shift_right_logical3A_511 = vector.broadcast %shift_right_logical3A_510 : i32 to vector<16xi32>
        %shift_right_logical3A_512 = arith.shrui %get3A_509, %shift_right_logical3A_511 : vector<16xi32>
        %swap3A_513 = arith.constant 32 : index
        %swap3A_514 = tpu.vector_load %arg9[%swap3A_513] {strides = array<i32>} : memref<96xi32, #tpu.memory_space<vmem>>, vector<16xi32>,
        %swap3A_515 = vector.shape_cast %swap3A_514 : vector<16xi32> to vector<16xi32>
        %swap3A_516 = vector.shape_cast %shift_right_logical3A_512 : vector<16xi32> to vector<16xi32>
        tpu.vector_store %arg9[%swap3A_513], %swap3A_516 {strides = array<i32>} : memref<96xi32, #tpu.memory_space<vmem>>, vector<16xi32>,
        %mul3A_517 = arith.constant 96 : i32
        %mul3A_518 = arith.muli %add3A_474, %mul3A_517 : i32
        %add3A_519 = arith.constant 48 : i32
        %add3A_520 = arith.addi %mul3A_518, %add3A_519 : i32
        %get3A_521 = arith.index_cast %add3A_520 : i32 to index
        %get3A_522 = tpu.vector_load %arg7[%get3A_521] {strides = array<i32>} : memref<3088xi32, #tpu.memory_space<vmem>>, vector<16xi32>,
        %get3A_523 = vector.shape_cast %get3A_522 : vector<16xi32> to vector<16xi32>
        %shift_right_logical3A_524 = arith.constant 1 : i32
        %shift_right_logical3A_525 = vector.broadcast %shift_right_logical3A_524 : i32 to vector<16xi32>
        %shift_right_logical3A_526 = arith.shrui %get3A_523, %shift_right_logical3A_525 : vector<16xi32>
        %swap3A_527 = arith.constant 48 : index
        %swap3A_528 = tpu.vector_load %arg9[%swap3A_527] {strides = array<i32>} : memref<96xi32, #tpu.memory_space<vmem>>, vector<16xi32>,
        %swap3A_529 = vector.shape_cast %swap3A_528 : vector<16xi32> to vector<16xi32>
        %swap3A_530 = vector.shape_cast %shift_right_logical3A_526 : vector<16xi32> to vector<16xi32>
        tpu.vector_store %arg9[%swap3A_527], %swap3A_530 {strides = array<i32>} : memref<96xi32, #tpu.memory_space<vmem>>, vector<16xi32>,
        %mul3A_531 = arith.constant 96 : i32
        %mul3A_532 = arith.muli %add3A_474, %mul3A_531 : i32
        %add3A_533 = arith.constant 64 : i32
        %add3A_534 = arith.addi %mul3A_532, %add3A_533 : i32
        %get3A_535 = arith.index_cast %add3A_534 : i32 to index
        %get3A_536 = tpu.vector_load %arg7[%get3A_535] {strides = array<i32>} : memref<3088xi32, #tpu.memory_space<vmem>>, vector<16xi32>,
        %get3A_537 = vector.shape_cast %get3A_536 : vector<16xi32> to vector<16xi32>
        %shift_right_logical3A_538 = arith.constant 1 : i32
        %shift_right_logical3A_539 = vector.broadcast %shift_right_logical3A_538 : i32 to vector<16xi32>
        %shift_right_logical3A_540 = arith.shrui %get3A_537, %shift_right_logical3A_539 : vector<16xi32>
        %swap3A_541 = arith.constant 64 : index
        %swap3A_542 = tpu.vector_load %arg9[%swap3A_541] {strides = array<i32>} : memref<96xi32, #tpu.memory_space<vmem>>, vector<16xi32>,
        %swap3A_543 = vector.shape_cast %swap3A_542 : vector<16xi32> to vector<16xi32>
        %swap3A_544 = vector.shape_cast %shift_right_logical3A_540 : vector<16xi32> to vector<16xi32>
        tpu.vector_store %arg9[%swap3A_541], %swap3A_544 {strides = array<i32>} : memref<96xi32, #tpu.memory_space<vmem>>, vector<16xi32>,
        %mul3A_545 = arith.constant 96 : i32
        %mul3A_546 = arith.muli %add3A_474, %mul3A_545 : i32
        %add3A_547 = arith.constant 80 : i32
        %add3A_548 = arith.addi %mul3A_546, %add3A_547 : i32
        %get3A_549 = arith.index_cast %add3A_548 : i32 to index
        %get3A_550 = tpu.vector_load %arg7[%get3A_549] {strides = array<i32>} : memref<3088xi32, #tpu.memory_space<vmem>>, vector<16xi32>,
        %get3A_551 = vector.shape_cast %get3A_550 : vector<16xi32> to vector<16xi32>
        %shift_right_logical3A_552 = arith.constant 1 : i32
        %shift_right_logical3A_553 = vector.broadcast %shift_right_logical3A_552 : i32 to vector<16xi32>
        %shift_right_logical3A_554 = arith.shrui %get3A_551, %shift_right_logical3A_553 : vector<16xi32>
        %swap3A_555 = arith.constant 80 : index
        %swap3A_556 = tpu.vector_load %arg9[%swap3A_555] {strides = array<i32>} : memref<96xi32, #tpu.memory_space<vmem>>, vector<16xi32>,
        %swap3A_557 = vector.shape_cast %swap3A_556 : vector<16xi32> to vector<16xi32>
        %swap3A_558 = vector.shape_cast %shift_right_logical3A_554 : vector<16xi32> to vector<16xi32>
        tpu.vector_store %arg9[%swap3A_555], %swap3A_558 {strides = array<i32>} : memref<96xi32, #tpu.memory_space<vmem>>, vector<16xi32>,
        %mul3A_559 = arith.constant 224 : i32
        %mul3A_560 = arith.muli %add3A_474, %mul3A_559 : i32
        %add3A_561 = arith.constant 0 : i32
        %add3A_562 = arith.addi %mul3A_560, %add3A_561 : i32
        %get3A_563 = arith.index_cast %add3A_562 : i32 to index
        %get3A_564 = tpu.vector_load %arg8[%get3A_563] {strides = array<i32>} : memref<7184xi32, #tpu.memory_space<vmem>>, vector<16xi32>,
        %get3A_565 = vector.shape_cast %get3A_564 : vector<16xi32> to vector<16xi32>
        %shift_right_logical3A_566 = arith.constant 1 : i32
        %shift_right_logical3A_567 = vector.broadcast %shift_right_logical3A_566 : i32 to vector<16xi32>
        %shift_right_logical3A_568 = arith.shrui %get3A_565, %shift_right_logical3A_567 : vector<16xi32>
        %swap3A_569 = arith.constant 0 : index
        %swap3A_570 = tpu.vector_load %arg11[%swap3A_569] {strides = array<i32>} : memref<224xi32, #tpu.memory_space<vmem>>, vector<16xi32>,
        %swap3A_571 = vector.shape_cast %swap3A_570 : vector<16xi32> to vector<16xi32>
        %swap3A_572 = vector.shape_cast %shift_right_logical3A_568 : vector<16xi32> to vector<16xi32>
        tpu.vector_store %arg11[%swap3A_569], %swap3A_572 {strides = array<i32>} : memref<224xi32, #tpu.memory_space<vmem>>, vector<16xi32>,
        %mul3A_573 = arith.constant 224 : i32
        %mul3A_574 = arith.muli %add3A_474, %mul3A_573 : i32
        %add3A_575 = arith.constant 16 : i32
        %add3A_576 = arith.addi %mul3A_574, %add3A_575 : i32
        %get3A_577 = arith.index_cast %add3A_576 : i32 to index
        %get3A_578 = tpu.vector_load %arg8[%get3A_577] {strides = array<i32>} : memref<7184xi32, #tpu.memory_space<vmem>>, vector<16xi32>,
        %get3A_579 = vector.shape_cast %get3A_578 : vector<16xi32> to vector<16xi32>
        %shift_right_logical3A_580 = arith.constant 1 : i32
        %shift_right_logical3A_581 = vector.broadcast %shift_right_logical3A_580 : i32 to vector<16xi32>
        %shift_right_logical3A_582 = arith.shrui %get3A_579, %shift_right_logical3A_581 : vector<16xi32>
        %swap3A_583 = arith.constant 16 : index
        %swap3A_584 = tpu.vector_load %arg11[%swap3A_583] {strides = array<i32>} : memref<224xi32, #tpu.memory_space<vmem>>, vector<16xi32>,
        %swap3A_585 = vector.shape_cast %swap3A_584 : vector<16xi32> to vector<16xi32>
        %swap3A_586 = vector.shape_cast %shift_right_logical3A_582 : vector<16xi32> to vector<16xi32>
        tpu.vector_store %arg11[%swap3A_583], %swap3A_586 {strides = array<i32>} : memref<224xi32, #tpu.memory_space<vmem>>, vector<16xi32>,
        %mul3A_587 = arith.constant 224 : i32
        %mul3A_588 = arith.muli %add3A_474, %mul3A_587 : i32
        %add3A_589 = arith.constant 32 : i32
        %add3A_590 = arith.addi %mul3A_588, %add3A_589 : i32
        %get3A_591 = arith.index_cast %add3A_590 : i32 to index
        %get3A_592 = tpu.vector_load %arg8[%get3A_591] {strides = array<i32>} : memref<7184xi32, #tpu.memory_space<vmem>>, vector<16xi32>,
        %get3A_593 = vector.shape_cast %get3A_592 : vector<16xi32> to vector<16xi32>
        %shift_right_logical3A_594 = arith.constant 1 : i32
        %shift_right_logical3A_595 = vector.broadcast %shift_right_logical3A_594 : i32 to vector<16xi32>
        %shift_right_logical3A_596 = arith.shrui %get3A_593, %shift_right_logical3A_595 : vector<16xi32>
        %swap3A_597 = arith.constant 32 : index
        %swap3A_598 = tpu.vector_load %arg11[%swap3A_597] {strides = array<i32>} : memref<224xi32, #tpu.memory_space<vmem>>, vector<16xi32>,
        %swap3A_599 = vector.shape_cast %swap3A_598 : vector<16xi32> to vector<16xi32>
        %swap3A_600 = vector.shape_cast %shift_right_logical3A_596 : vector<16xi32> to vector<16xi32>
        tpu.vector_store %arg11[%swap3A_597], %swap3A_600 {strides = array<i32>} : memref<224xi32, #tpu.memory_space<vmem>>, vector<16xi32>,
        %mul3A_601 = arith.constant 224 : i32
        %mul3A_602 = arith.muli %add3A_474, %mul3A_601 : i32
        %add3A_603 = arith.constant 48 : i32
        %add3A_604 = arith.addi %mul3A_602, %add3A_603 : i32
        %get3A_605 = arith.index_cast %add3A_604 : i32 to index
        %get3A_606 = tpu.vector_load %arg8[%get3A_605] {strides = array<i32>} : memref<7184xi32, #tpu.memory_space<vmem>>, vector<16xi32>,
        %get3A_607 = vector.shape_cast %get3A_606 : vector<16xi32> to vector<16xi32>
        %shift_right_logical3A_608 = arith.constant 1 : i32
        %shift_right_logical3A_609 = vector.broadcast %shift_right_logical3A_608 : i32 to vector<16xi32>
        %shift_right_logical3A_610 = arith.shrui %get3A_607, %shift_right_logical3A_609 : vector<16xi32>
        %swap3A_611 = arith.constant 48 : index
        %swap3A_612 = tpu.vector_load %arg11[%swap3A_611] {strides = array<i32>} : memref<224xi32, #tpu.memory_space<vmem>>, vector<16xi32>,
        %swap3A_613 = vector.shape_cast %swap3A_612 : vector<16xi32> to vector<16xi32>
        %swap3A_614 = vector.shape_cast %shift_right_logical3A_610 : vector<16xi32> to vector<16xi32>
        tpu.vector_store %arg11[%swap3A_611], %swap3A_614 {strides = array<i32>} : memref<224xi32, #tpu.memory_space<vmem>>, vector<16xi32>,
        %mul3A_615 = arith.constant 224 : i32
        %mul3A_616 = arith.muli %add3A_474, %mul3A_615 : i32
        %add3A_617 = arith.constant 64 : i32
        %add3A_618 = arith.addi %mul3A_616, %add3A_617 : i32
        %get3A_619 = arith.index_cast %add3A_618 : i32 to index
        %get3A_620 = tpu.vector_load %arg8[%get3A_619] {strides = array<i32>} : memref<7184xi32, #tpu.memory_space<vmem>>, vector<16xi32>,
        %get3A_621 = vector.shape_cast %get3A_620 : vector<16xi32> to vector<16xi32>
        %shift_right_logical3A_622 = arith.constant 1 : i32
        %shift_right_logical3A_623 = vector.broadcast %shift_right_logical3A_622 : i32 to vector<16xi32>
        %shift_right_logical3A_624 = arith.shrui %get3A_621, %shift_right_logical3A_623 : vector<16xi32>
        %swap3A_625 = arith.constant 64 : index
        %swap3A_626 = tpu.vector_load %arg11[%swap3A_625] {strides = array<i32>} : memref<224xi32, #tpu.memory_space<vmem>>, vector<16xi32>,
        %swap3A_627 = vector.shape_cast %swap3A_626 : vector<16xi32> to vector<16xi32>
        %swap3A_628 = vector.shape_cast %shift_right_logical3A_624 : vector<16xi32> to vector<16xi32>
        tpu.vector_store %arg11[%swap3A_625], %swap3A_628 {strides = array<i32>} : memref<224xi32, #tpu.memory_space<vmem>>, vector<16xi32>,
        %mul3A_629 = arith.constant 224 : i32
        %mul3A_630 = arith.muli %add3A_474, %mul3A_629 : i32
        %add3A_631 = arith.constant 80 : i32
        %add3A_632 = arith.addi %mul3A_630, %add3A_631 : i32
        %get3A_633 = arith.index_cast %add3A_632 : i32 to index
        %get3A_634 = tpu.vector_load %arg8[%get3A_633] {strides = array<i32>} : memref<7184xi32, #tpu.memory_space<vmem>>, vector<16xi32>,
        %get3A_635 = vector.shape_cast %get3A_634 : vector<16xi32> to vector<16xi32>
        %shift_right_logical3A_636 = arith.constant 1 : i32
        %shift_right_logical3A_637 = vector.broadcast %shift_right_logical3A_636 : i32 to vector<16xi32>
        %shift_right_logical3A_638 = arith.shrui %get3A_635, %shift_right_logical3A_637 : vector<16xi32>
        %swap3A_639 = arith.constant 80 : index
        %swap3A_640 = tpu.vector_load %arg11[%swap3A_639] {strides = array<i32>} : memref<224xi32, #tpu.memory_space<vmem>>, vector<16xi32>,
        %swap3A_641 = vector.shape_cast %swap3A_640 : vector<16xi32> to vector<16xi32>
        %swap3A_642 = vector.shape_cast %shift_right_logical3A_638 : vector<16xi32> to vector<16xi32>
        tpu.vector_store %arg11[%swap3A_639], %swap3A_642 {strides = array<i32>} : memref<224xi32, #tpu.memory_space<vmem>>, vector<16xi32>,
        %mul3A_643 = arith.constant 224 : i32
        %mul3A_644 = arith.muli %add3A_474, %mul3A_643 : i32
        %add3A_645 = arith.constant 96 : i32
        %add3A_646 = arith.addi %mul3A_644, %add3A_645 : i32
        %get3A_647 = arith.index_cast %add3A_646 : i32 to index
        %get3A_648 = tpu.vector_load %arg8[%get3A_647] {strides = array<i32>} : memref<7184xi32, #tpu.memory_space<vmem>>, vector<16xi32>,
        %get3A_649 = vector.shape_cast %get3A_648 : vector<16xi32> to vector<16xi32>
        %shift_right_logical3A_650 = arith.constant 1 : i32
        %shift_right_logical3A_651 = vector.broadcast %shift_right_logical3A_650 : i32 to vector<16xi32>
        %shift_right_logical3A_652 = arith.shrui %get3A_649, %shift_right_logical3A_651 : vector<16xi32>
        %swap3A_653 = arith.constant 96 : index
        %swap3A_654 = tpu.vector_load %arg11[%swap3A_653] {strides = array<i32>} : memref<224xi32, #tpu.memory_space<vmem>>, vector<16xi32>,
        %swap3A_655 = vector.shape_cast %swap3A_654 : vector<16xi32> to vector<16xi32>
        %swap3A_656 = vector.shape_cast %shift_right_logical3A_652 : vector<16xi32> to vector<16xi32>
        tpu.vector_store %arg11[%swap3A_653], %swap3A_656 {strides = array<i32>} : memref<224xi32, #tpu.memory_space<vmem>>, vector<16xi32>,
        %mul3A_657 = arith.constant 224 : i32
        %mul3A_658 = arith.muli %add3A_474, %mul3A_657 : i32
        %add3A_659 = arith.constant 112 : i32
        %add3A_660 = arith.addi %mul3A_658, %add3A_659 : i32
        %get3A_661 = arith.index_cast %add3A_660 : i32 to index
        %get3A_662 = tpu.vector_load %arg8[%get3A_661] {strides = array<i32>} : memref<7184xi32, #tpu.memory_space<vmem>>, vector<16xi32>,
        %get3A_663 = vector.shape_cast %get3A_662 : vector<16xi32> to vector<16xi32>
        %shift_right_logical3A_664 = arith.constant 1 : i32
        %shift_right_logical3A_665 = vector.broadcast %shift_right_logical3A_664 : i32 to vector<16xi32>
        %shift_right_logical3A_666 = arith.shrui %get3A_663, %shift_right_logical3A_665 : vector<16xi32>
        %swap3A_667 = arith.constant 112 : index
        %swap3A_668 = tpu.vector_load %arg11[%swap3A_667] {strides = array<i32>} : memref<224xi32, #tpu.memory_space<vmem>>, vector<16xi32>,
        %swap3A_669 = vector.shape_cast %swap3A_668 : vector<16xi32> to vector<16xi32>
        %swap3A_670 = vector.shape_cast %shift_right_logical3A_666 : vector<16xi32> to vector<16xi32>
        tpu.vector_store %arg11[%swap3A_667], %swap3A_670 {strides = array<i32>} : memref<224xi32, #tpu.memory_space<vmem>>, vector<16xi32>,
        %mul3A_671 = arith.constant 224 : i32
        %mul3A_672 = arith.muli %add3A_474, %mul3A_671 : i32
        %add3A_673 = arith.constant 128 : i32
        %add3A_674 = arith.addi %mul3A_672, %add3A_673 : i32
        %get3A_675 = arith.index_cast %add3A_674 : i32 to index
        %get3A_676 = tpu.vector_load %arg8[%get3A_675] {strides = array<i32>} : memref<7184xi32, #tpu.memory_space<vmem>>, vector<16xi32>,
        %get3A_677 = vector.shape_cast %get3A_676 : vector<16xi32> to vector<16xi32>
        %shift_right_logical3A_678 = arith.constant 1 : i32
        %shift_right_logical3A_679 = vector.broadcast %shift_right_logical3A_678 : i32 to vector<16xi32>
        %shift_right_logical3A_680 = arith.shrui %get3A_677, %shift_right_logical3A_679 : vector<16xi32>
        %swap3A_681 = arith.constant 128 : index
        %swap3A_682 = tpu.vector_load %arg11[%swap3A_681] {strides = array<i32>} : memref<224xi32, #tpu.memory_space<vmem>>, vector<16xi32>,
        %swap3A_683 = vector.shape_cast %swap3A_682 : vector<16xi32> to vector<16xi32>
        %swap3A_684 = vector.shape_cast %shift_right_logical3A_680 : vector<16xi32> to vector<16xi32>
        tpu.vector_store %arg11[%swap3A_681], %swap3A_684 {strides = array<i32>} : memref<224xi32, #tpu.memory_space<vmem>>, vector<16xi32>,
        %mul3A_685 = arith.constant 224 : i32
        %mul3A_686 = arith.muli %add3A_474, %mul3A_685 : i32
        %add3A_687 = arith.constant 144 : i32
        %add3A_688 = arith.addi %mul3A_686, %add3A_687 : i32
        %get3A_689 = arith.index_cast %add3A_688 : i32 to index
        %get3A_690 = tpu.vector_load %arg8[%get3A_689] {strides = array<i32>} : memref<7184xi32, #tpu.memory_space<vmem>>, vector<16xi32>,
        %get3A_691 = vector.shape_cast %get3A_690 : vector<16xi32> to vector<16xi32>
        %shift_right_logical3A_692 = arith.constant 1 : i32
        %shift_right_logical3A_693 = vector.broadcast %shift_right_logical3A_692 : i32 to vector<16xi32>
        %shift_right_logical3A_694 = arith.shrui %get3A_691, %shift_right_logical3A_693 : vector<16xi32>
        %swap3A_695 = arith.constant 144 : index
        %swap3A_696 = tpu.vector_load %arg11[%swap3A_695] {strides = array<i32>} : memref<224xi32, #tpu.memory_space<vmem>>, vector<16xi32>,
        %swap3A_697 = vector.shape_cast %swap3A_696 : vector<16xi32> to vector<16xi32>
        %swap3A_698 = vector.shape_cast %shift_right_logical3A_694 : vector<16xi32> to vector<16xi32>
        tpu.vector_store %arg11[%swap3A_695], %swap3A_698 {strides = array<i32>} : memref<224xi32, #tpu.memory_space<vmem>>, vector<16xi32>,
        %mul3A_699 = arith.constant 224 : i32
        %mul3A_700 = arith.muli %add3A_474, %mul3A_699 : i32
        %add3A_701 = arith.constant 160 : i32
        %add3A_702 = arith.addi %mul3A_700, %add3A_701 : i32
        %get3A_703 = arith.index_cast %add3A_702 : i32 to index
        %get3A_704 = tpu.vector_load %arg8[%get3A_703] {strides = array<i32>} : memref<7184xi32, #tpu.memory_space<vmem>>, vector<16xi32>,
        %get3A_705 = vector.shape_cast %get3A_704 : vector<16xi32> to vector<16xi32>
        %shift_right_logical3A_706 = arith.constant 1 : i32
        %shift_right_logical3A_707 = vector.broadcast %shift_right_logical3A_706 : i32 to vector<16xi32>
        %shift_right_logical3A_708 = arith.shrui %get3A_705, %shift_right_logical3A_707 : vector<16xi32>
        %swap3A_709 = arith.constant 160 : index
        %swap3A_710 = tpu.vector_load %arg11[%swap3A_709] {strides = array<i32>} : memref<224xi32, #tpu.memory_space<vmem>>, vector<16xi32>,
        %swap3A_711 = vector.shape_cast %swap3A_710 : vector<16xi32> to vector<16xi32>
        %swap3A_712 = vector.shape_cast %shift_right_logical3A_708 : vector<16xi32> to vector<16xi32>
        tpu.vector_store %arg11[%swap3A_709], %swap3A_712 {strides = array<i32>} : memref<224xi32, #tpu.memory_space<vmem>>, vector<16xi32>,
        %mul3A_713 = arith.constant 224 : i32
        %mul3A_714 = arith.muli %add3A_474, %mul3A_713 : i32
        %add3A_715 = arith.constant 176 : i32
        %add3A_716 = arith.addi %mul3A_714, %add3A_715 : i32
        %get3A_717 = arith.index_cast %add3A_716 : i32 to index
        %get3A_718 = tpu.vector_load %arg8[%get3A_717] {strides = array<i32>} : memref<7184xi32, #tpu.memory_space<vmem>>, vector<16xi32>,
        %get3A_719 = vector.shape_cast %get3A_718 : vector<16xi32> to vector<16xi32>
        %shift_right_logical3A_720 = arith.constant 1 : i32
        %shift_right_logical3A_721 = vector.broadcast %shift_right_logical3A_720 : i32 to vector<16xi32>
        %shift_right_logical3A_722 = arith.shrui %get3A_719, %shift_right_logical3A_721 : vector<16xi32>
        %swap3A_723 = arith.constant 176 : index
        %swap3A_724 = tpu.vector_load %arg11[%swap3A_723] {strides = array<i32>} : memref<224xi32, #tpu.memory_space<vmem>>, vector<16xi32>,
        %swap3A_725 = vector.shape_cast %swap3A_724 : vector<16xi32> to vector<16xi32>
        %swap3A_726 = vector.shape_cast %shift_right_logical3A_722 : vector<16xi32> to vector<16xi32>
        tpu.vector_store %arg11[%swap3A_723], %swap3A_726 {strides = array<i32>} : memref<224xi32, #tpu.memory_space<vmem>>, vector<16xi32>,
        %mul3A_727 = arith.constant 224 : i32
        %mul3A_728 = arith.muli %add3A_474, %mul3A_727 : i32
        %add3A_729 = arith.constant 192 : i32
        %add3A_730 = arith.addi %mul3A_728, %add3A_729 : i32
        %get3A_731 = arith.index_cast %add3A_730 : i32 to index
        %get3A_732 = tpu.vector_load %arg8[%get3A_731] {strides = array<i32>} : memref<7184xi32, #tpu.memory_space<vmem>>, vector<16xi32>,
        %get3A_733 = vector.shape_cast %get3A_732 : vector<16xi32> to vector<16xi32>
        %shift_right_logical3A_734 = arith.constant 1 : i32
        %shift_right_logical3A_735 = vector.broadcast %shift_right_logical3A_734 : i32 to vector<16xi32>
        %shift_right_logical3A_736 = arith.shrui %get3A_733, %shift_right_logical3A_735 : vector<16xi32>
        %swap3A_737 = arith.constant 192 : index
        %swap3A_738 = tpu.vector_load %arg11[%swap3A_737] {strides = array<i32>} : memref<224xi32, #tpu.memory_space<vmem>>, vector<16xi32>,
        %swap3A_739 = vector.shape_cast %swap3A_738 : vector<16xi32> to vector<16xi32>
        %swap3A_740 = vector.shape_cast %shift_right_logical3A_736 : vector<16xi32> to vector<16xi32>
        tpu.vector_store %arg11[%swap3A_737], %swap3A_740 {strides = array<i32>} : memref<224xi32, #tpu.memory_space<vmem>>, vector<16xi32>,
        %mul3A_741 = arith.constant 224 : i32
        %mul3A_742 = arith.muli %add3A_474, %mul3A_741 : i32
        %add3A_743 = arith.constant 208 : i32
        %add3A_744 = arith.addi %mul3A_742, %add3A_743 : i32
        %get3A_745 = arith.index_cast %add3A_744 : i32 to index
        %get3A_746 = tpu.vector_load %arg8[%get3A_745] {strides = array<i32>} : memref<7184xi32, #tpu.memory_space<vmem>>, vector<16xi32>,
        %get3A_747 = vector.shape_cast %get3A_746 : vector<16xi32> to vector<16xi32>
        %shift_right_logical3A_748 = arith.constant 1 : i32
        %shift_right_logical3A_749 = vector.broadcast %shift_right_logical3A_748 : i32 to vector<16xi32>
        %shift_right_logical3A_750 = arith.shrui %get3A_747, %shift_right_logical3A_749 : vector<16xi32>
        %swap3A_751 = arith.constant 208 : index
        %swap3A_752 = tpu.vector_load %arg11[%swap3A_751] {strides = array<i32>} : memref<224xi32, #tpu.memory_space<vmem>>, vector<16xi32>,
        %swap3A_753 = vector.shape_cast %swap3A_752 : vector<16xi32> to vector<16xi32>
        %swap3A_754 = vector.shape_cast %shift_right_logical3A_750 : vector<16xi32> to vector<16xi32>
        tpu.vector_store %arg11[%swap3A_751], %swap3A_754 {strides = array<i32>} : memref<224xi32, #tpu.memory_space<vmem>>, vector<16xi32>,
        %dma_start3A_755 = arith.constant 0 : i32
        %dma_start3A_756 = arith.constant 0 : i32
        %dma_start3A_757 = tpu.memref_slice %arg4[%dma_start3A_755, %dma_start3A_756] : memref<500005x128xf32, #tpu.memory_space<hbm>> -> memref<500005x128xf32, #tpu.memory_space<hbm>>
        tpu.enqueue_indirect_dma source(%dma_start3A_757 : memref<500005x128xf32, #tpu.memory_space<hbm>>) target(%arg13 : memref<96x128xf32, #tpu.memory_space<vmem>>) offsets(%arg9 : memref<96xi32, #tpu.memory_space<vmem>>) semaphore(%arg18 : memref<!tpu.dma_semaphore, #tpu.memory_space<semaphore_mem>>)
        %dma_start3A_758 = arith.constant 0 : i32
        %dma_start3A_759 = arith.constant 0 : i32
        %dma_start3A_760 = tpu.memref_slice %arg5[%dma_start3A_758, %dma_start3A_759] : memref<500005x128xf32, #tpu.memory_space<hbm>> -> memref<500005x128xf32, #tpu.memory_space<hbm>>
        tpu.enqueue_indirect_dma source(%dma_start3A_760 : memref<500005x128xf32, #tpu.memory_space<hbm>>) target(%arg15 : memref<224x128xf32, #tpu.memory_space<vmem>>) offsets(%arg11 : memref<224xi32, #tpu.memory_space<vmem>>) semaphore(%arg18 : memref<!tpu.dma_semaphore, #tpu.memory_space<semaphore_mem>>)
      } else {
      }
      %dma_wait3A_446 = arith.constant 0 : i32
      %dma_wait3A_447 = arith.constant 0 : i32
      %dma_wait3A_448 = tpu.memref_slice %arg4[%dma_wait3A_446, %dma_wait3A_447] : memref<500005x128xf32, #tpu.memory_space<hbm>> -> memref<96x128xf32, #tpu.memory_space<hbm>>
      %dma_wait3A_449 = arith.constant 0 : i32
      %dma_wait3A_450 = arith.constant 0 : i32
      %dma_wait3A_451 = tpu.memref_slice %arg4[%dma_wait3A_449, %dma_wait3A_450] : memref<500005x128xf32, #tpu.memory_space<hbm>> -> memref<96x128xf32, #tpu.memory_space<hbm>>
      tpu.wait_dma2 semaphore(%arg19 : memref<!tpu.dma_semaphore, #tpu.memory_space<semaphore_mem>>) src(%dma_wait3A_451 : memref<96x128xf32, #tpu.memory_space<hbm>>) dst(%arg14 : memref<96x128xf32, #tpu.memory_space<vmem>>)
      %dma_wait3A_452 = arith.constant 0 : i32
      %dma_wait3A_453 = arith.constant 0 : i32
      %dma_wait3A_454 = tpu.memref_slice %arg5[%dma_wait3A_452, %dma_wait3A_453] : memref<500005x128xf32, #tpu.memory_space<hbm>> -> memref<224x128xf32, #tpu.memory_space<hbm>>
      %dma_wait3A_455 = arith.constant 0 : i32
      %dma_wait3A_456 = arith.constant 0 : i32
      %dma_wait3A_457 = tpu.memref_slice %arg5[%dma_wait3A_455, %dma_wait3A_456] : memref<500005x128xf32, #tpu.memory_space<hbm>> -> memref<224x128xf32, #tpu.memory_space<hbm>>
      tpu.wait_dma2 semaphore(%arg19 : memref<!tpu.dma_semaphore, #tpu.memory_space<semaphore_mem>>) src(%dma_wait3A_457 : memref<224x128xf32, #tpu.memory_space<hbm>>) dst(%arg16 : memref<224x128xf32, #tpu.memory_space<vmem>>)
      %add3A_458 = arith.constant 1 : i32
      %add3A_459 = arith.addi %mul3A_424, %add3A_458 : i32
      %scan3A_460 = arith.constant 0 : i32
      %scan3A_461 = arith.constant 0 : i32
      %scan3A_462 = arith.constant 16 : i32
      %scan3A_463 = arith.addi %scan3A_461, %scan3A_462 : i32
      %scan3A_464 = arith.constant 1 : i32
      scf.for %scan3A_473 = %scan3A_461 to %scan3A_463 step %scan3A_464  : i32 {
        %mul3A_474 = arith.constant 16 : i32
        %mul3A_475 = arith.muli %add3A_459, %mul3A_474 : i32
        %add3A_476 = arith.addi %mul3A_475, %scan3A_473 : i32
        %mul3A_477 = arith.constant 14 : i32
        %mul3A_478 = arith.muli %add3A_476, %mul3A_477 : i32
        %get3A_479 = arith.index_cast %mul3A_478 : i32 to index
        %get3A_480 = tpu.vector_load %arg8[%get3A_479] {strides = array<i32>} : memref<7184xi32, #tpu.memory_space<vmem>>, vector<16xi32>,
        %get3A_481 = vector.shape_cast %get3A_480 : vector<16xi32> to vector<16xi32>
        %and3A = arith.constant 1 : i32
        %and3A_482 = vector.broadcast %and3A : i32 to vector<16xi32>
        %and3A_483 = arith.andi %get3A_481, %and3A_482 : vector<16xi32>
        %mul3A_484 = arith.constant 64 : i32
        %mul3A_485 = vector.broadcast %mul3A_484 : i32 to vector<16xi32>
        %mul3A_486 = arith.muli %and3A_483, %mul3A_485 : vector<16xi32>
        %mul3A_487 = arith.constant 6 : i32
        %mul3A_488 = arith.muli %add3A_476, %mul3A_487 : i32
        %get3A_489 = arith.index_cast %mul3A_488 : i32 to index
        %get3A_490 = tpu.vector_load %arg7[%get3A_489] {strides = array<i32>} : memref<3088xi32, #tpu.memory_space<vmem>>, vector<16xi32>,
        %get3A_491 = vector.shape_cast %get3A_490 : vector<16xi32> to vector<16xi32>
        %and3A_492 = arith.constant 1 : i32
        %and3A_493 = vector.broadcast %and3A_492 : i32 to vector<16xi32>
        %and3A_494 = arith.andi %get3A_491, %and3A_493 : vector<16xi32>
        %mul3A_495 = arith.constant 64 : i32
        %mul3A_496 = vector.broadcast %mul3A_495 : i32 to vector<16xi32>
        %mul3A_497 = arith.muli %and3A_494, %mul3A_496 : vector<16xi32>
        %mul3A_498 = arith.constant 14 : i32
        %mul3A_499 = arith.muli %scan3A_473, %mul3A_498 : i32
        %mul3A_500 = arith.constant 6 : i32
        %mul3A_501 = arith.muli %scan3A_473, %mul3A_500 : i32
        %slice3A = vector.extract_strided_slice %mul3A_486 {offsets = [0], sizes = [1], strides = [1]} : vector<16xi32> to vector<1xi32>
        %squeeze3A = vector.extract %slice3A[0] : i32 from vector<1xi32>
        %add3A_502 = arith.constant 0 : i32
        %add3A_503 = arith.addi %squeeze3A, %add3A_502 : i32
        %get3A_504 = arith.index_cast %mul3A_499 : i32 to index
        %get3A_505 = arith.index_cast %add3A_503 : i32 to index
        %get3A_506 = tpu.vector_load %arg16[%get3A_504, %get3A_505] {strides = array<i32>} : memref<224x128xf32, #tpu.memory_space<vmem>>, vector<1x16xf32>,
        %get3A_507 = vector.shape_cast %get3A_506 : vector<1x16xf32> to vector<16xf32>
        %add3A_508 = arith.constant 16 : i32
        %add3A_509 = arith.addi %squeeze3A, %add3A_508 : i32
        %get3A_510 = arith.index_cast %mul3A_499 : i32 to index
        %get3A_511 = arith.index_cast %add3A_509 : i32 to index
        %get3A_512 = tpu.vector_load %arg16[%get3A_510, %get3A_511] {strides = array<i32>} : memref<224x128xf32, #tpu.memory_space<vmem>>, vector<1x16xf32>,
        %get3A_513 = vector.shape_cast %get3A_512 : vector<1x16xf32> to vector<16xf32>
        %add3A_514 = arith.constant 32 : i32
        %add3A_515 = arith.addi %squeeze3A, %add3A_514 : i32
        %get3A_516 = arith.index_cast %mul3A_499 : i32 to index
        %get3A_517 = arith.index_cast %add3A_515 : i32 to index
        %get3A_518 = tpu.vector_load %arg16[%get3A_516, %get3A_517] {strides = array<i32>} : memref<224x128xf32, #tpu.memory_space<vmem>>, vector<1x16xf32>,
        %get3A_519 = vector.shape_cast %get3A_518 : vector<1x16xf32> to vector<16xf32>
        %add3A_520 = arith.constant 48 : i32
        %add3A_521 = arith.addi %squeeze3A, %add3A_520 : i32
        %get3A_522 = arith.index_cast %mul3A_499 : i32 to index
        %get3A_523 = arith.index_cast %add3A_521 : i32 to index
        %get3A_524 = tpu.vector_load %arg16[%get3A_522, %get3A_523] {strides = array<i32>} : memref<224x128xf32, #tpu.memory_space<vmem>>, vector<1x16xf32>,
        %get3A_525 = vector.shape_cast %get3A_524 : vector<1x16xf32> to vector<16xf32>
        %slice3A_526 = vector.extract_strided_slice %mul3A_486 {offsets = [1], sizes = [1], strides = [1]} : vector<16xi32> to vector<1xi32>
        %squeeze3A_527 = vector.extract %slice3A_526[0] : i32 from vector<1xi32>
        %add3A_528 = arith.constant 1 : i32
        %add3A_529 = arith.addi %mul3A_499, %add3A_528 : i32
        %add3A_530 = arith.constant 0 : i32
        %add3A_531 = arith.addi %squeeze3A_527, %add3A_530 : i32
        %get3A_532 = arith.index_cast %add3A_529 : i32 to index
        %get3A_533 = arith.index_cast %add3A_531 : i32 to index
        %get3A_534 = tpu.vector_load %arg16[%get3A_532, %get3A_533] {strides = array<i32>} : memref<224x128xf32, #tpu.memory_space<vmem>>, vector<1x16xf32>,
        %get3A_535 = vector.shape_cast %get3A_534 : vector<1x16xf32> to vector<16xf32>
        %add3A_536 = arith.addf %get3A_507, %get3A_535 : vector<16xf32>
        %add3A_537 = arith.constant 1 : i32
        %add3A_538 = arith.addi %mul3A_499, %add3A_537 : i32
        %add3A_539 = arith.constant 16 : i32
        %add3A_540 = arith.addi %squeeze3A_527, %add3A_539 : i32
        %get3A_541 = arith.index_cast %add3A_538 : i32 to index
        %get3A_542 = arith.index_cast %add3A_540 : i32 to index
        %get3A_543 = tpu.vector_load %arg16[%get3A_541, %get3A_542] {strides = array<i32>} : memref<224x128xf32, #tpu.memory_space<vmem>>, vector<1x16xf32>,
        %get3A_544 = vector.shape_cast %get3A_543 : vector<1x16xf32> to vector<16xf32>
        %add3A_545 = arith.addf %get3A_513, %get3A_544 : vector<16xf32>
        %add3A_546 = arith.constant 1 : i32
        %add3A_547 = arith.addi %mul3A_499, %add3A_546 : i32
        %add3A_548 = arith.constant 32 : i32
        %add3A_549 = arith.addi %squeeze3A_527, %add3A_548 : i32
        %get3A_550 = arith.index_cast %add3A_547 : i32 to index
        %get3A_551 = arith.index_cast %add3A_549 : i32 to index
        %get3A_552 = tpu.vector_load %arg16[%get3A_550, %get3A_551] {strides = array<i32>} : memref<224x128xf32, #tpu.memory_space<vmem>>, vector<1x16xf32>,
        %get3A_553 = vector.shape_cast %get3A_552 : vector<1x16xf32> to vector<16xf32>
        %add3A_554 = arith.addf %get3A_519, %get3A_553 : vector<16xf32>
        %add3A_555 = arith.constant 1 : i32
        %add3A_556 = arith.addi %mul3A_499, %add3A_555 : i32
        %add3A_557 = arith.constant 48 : i32
        %add3A_558 = arith.addi %squeeze3A_527, %add3A_557 : i32
        %get3A_559 = arith.index_cast %add3A_556 : i32 to index
        %get3A_560 = arith.index_cast %add3A_558 : i32 to index
        %get3A_561 = tpu.vector_load %arg16[%get3A_559, %get3A_560] {strides = array<i32>} : memref<224x128xf32, #tpu.memory_space<vmem>>, vector<1x16xf32>,
        %get3A_562 = vector.shape_cast %get3A_561 : vector<1x16xf32> to vector<16xf32>
        %add3A_563 = arith.addf %get3A_525, %get3A_562 : vector<16xf32>
        %slice3A_564 = vector.extract_strided_slice %mul3A_486 {offsets = [2], sizes = [1], strides = [1]} : vector<16xi32> to vector<1xi32>
        %squeeze3A_565 = vector.extract %slice3A_564[0] : i32 from vector<1xi32>
        %add3A_566 = arith.constant 2 : i32
        %add3A_567 = arith.addi %mul3A_499, %add3A_566 : i32
        %add3A_568 = arith.constant 0 : i32
        %add3A_569 = arith.addi %squeeze3A_565, %add3A_568 : i32
        %get3A_570 = arith.index_cast %add3A_567 : i32 to index
        %get3A_571 = arith.index_cast %add3A_569 : i32 to index
        %get3A_572 = tpu.vector_load %arg16[%get3A_570, %get3A_571] {strides = array<i32>} : memref<224x128xf32, #tpu.memory_space<vmem>>, vector<1x16xf32>,
        %get3A_573 = vector.shape_cast %get3A_572 : vector<1x16xf32> to vector<16xf32>
        %add3A_574 = arith.addf %add3A_536, %get3A_573 : vector<16xf32>
        %add3A_575 = arith.constant 2 : i32
        %add3A_576 = arith.addi %mul3A_499, %add3A_575 : i32
        %add3A_577 = arith.constant 16 : i32
        %add3A_578 = arith.addi %squeeze3A_565, %add3A_577 : i32
        %get3A_579 = arith.index_cast %add3A_576 : i32 to index
        %get3A_580 = arith.index_cast %add3A_578 : i32 to index
        %get3A_581 = tpu.vector_load %arg16[%get3A_579, %get3A_580] {strides = array<i32>} : memref<224x128xf32, #tpu.memory_space<vmem>>, vector<1x16xf32>,
        %get3A_582 = vector.shape_cast %get3A_581 : vector<1x16xf32> to vector<16xf32>
        %add3A_583 = arith.addf %add3A_545, %get3A_582 : vector<16xf32>
        %add3A_584 = arith.constant 2 : i32
        %add3A_585 = arith.addi %mul3A_499, %add3A_584 : i32
        %add3A_586 = arith.constant 32 : i32
        %add3A_587 = arith.addi %squeeze3A_565, %add3A_586 : i32
        %get3A_588 = arith.index_cast %add3A_585 : i32 to index
        %get3A_589 = arith.index_cast %add3A_587 : i32 to index
        %get3A_590 = tpu.vector_load %arg16[%get3A_588, %get3A_589] {strides = array<i32>} : memref<224x128xf32, #tpu.memory_space<vmem>>, vector<1x16xf32>,
        %get3A_591 = vector.shape_cast %get3A_590 : vector<1x16xf32> to vector<16xf32>
        %add3A_592 = arith.addf %add3A_554, %get3A_591 : vector<16xf32>
        %add3A_593 = arith.constant 2 : i32
        %add3A_594 = arith.addi %mul3A_499, %add3A_593 : i32
        %add3A_595 = arith.constant 48 : i32
        %add3A_596 = arith.addi %squeeze3A_565, %add3A_595 : i32
        %get3A_597 = arith.index_cast %add3A_594 : i32 to index
        %get3A_598 = arith.index_cast %add3A_596 : i32 to index
        %get3A_599 = tpu.vector_load %arg16[%get3A_597, %get3A_598] {strides = array<i32>} : memref<224x128xf32, #tpu.memory_space<vmem>>, vector<1x16xf32>,
        %get3A_600 = vector.shape_cast %get3A_599 : vector<1x16xf32> to vector<16xf32>
        %add3A_601 = arith.addf %add3A_563, %get3A_600 : vector<16xf32>
        %slice3A_602 = vector.extract_strided_slice %mul3A_486 {offsets = [3], sizes = [1], strides = [1]} : vector<16xi32> to vector<1xi32>
        %squeeze3A_603 = vector.extract %slice3A_602[0] : i32 from vector<1xi32>
        %add3A_604 = arith.constant 3 : i32
        %add3A_605 = arith.addi %mul3A_499, %add3A_604 : i32
        %add3A_606 = arith.constant 0 : i32
        %add3A_607 = arith.addi %squeeze3A_603, %add3A_606 : i32
        %get3A_608 = arith.index_cast %add3A_605 : i32 to index
        %get3A_609 = arith.index_cast %add3A_607 : i32 to index
        %get3A_610 = tpu.vector_load %arg16[%get3A_608, %get3A_609] {strides = array<i32>} : memref<224x128xf32, #tpu.memory_space<vmem>>, vector<1x16xf32>,
        %get3A_611 = vector.shape_cast %get3A_610 : vector<1x16xf32> to vector<16xf32>
        %add3A_612 = arith.addf %add3A_574, %get3A_611 : vector<16xf32>
        %add3A_613 = arith.constant 3 : i32
        %add3A_614 = arith.addi %mul3A_499, %add3A_613 : i32
        %add3A_615 = arith.constant 16 : i32
        %add3A_616 = arith.addi %squeeze3A_603, %add3A_615 : i32
        %get3A_617 = arith.index_cast %add3A_614 : i32 to index
        %get3A_618 = arith.index_cast %add3A_616 : i32 to index
        %get3A_619 = tpu.vector_load %arg16[%get3A_617, %get3A_618] {strides = array<i32>} : memref<224x128xf32, #tpu.memory_space<vmem>>, vector<1x16xf32>,
        %get3A_620 = vector.shape_cast %get3A_619 : vector<1x16xf32> to vector<16xf32>
        %add3A_621 = arith.addf %add3A_583, %get3A_620 : vector<16xf32>
        %add3A_622 = arith.constant 3 : i32
        %add3A_623 = arith.addi %mul3A_499, %add3A_622 : i32
        %add3A_624 = arith.constant 32 : i32
        %add3A_625 = arith.addi %squeeze3A_603, %add3A_624 : i32
        %get3A_626 = arith.index_cast %add3A_623 : i32 to index
        %get3A_627 = arith.index_cast %add3A_625 : i32 to index
        %get3A_628 = tpu.vector_load %arg16[%get3A_626, %get3A_627] {strides = array<i32>} : memref<224x128xf32, #tpu.memory_space<vmem>>, vector<1x16xf32>,
        %get3A_629 = vector.shape_cast %get3A_628 : vector<1x16xf32> to vector<16xf32>
        %add3A_630 = arith.addf %add3A_592, %get3A_629 : vector<16xf32>
        %add3A_631 = arith.constant 3 : i32
        %add3A_632 = arith.addi %mul3A_499, %add3A_631 : i32
        %add3A_633 = arith.constant 48 : i32
        %add3A_634 = arith.addi %squeeze3A_603, %add3A_633 : i32
        %get3A_635 = arith.index_cast %add3A_632 : i32 to index
        %get3A_636 = arith.index_cast %add3A_634 : i32 to index
        %get3A_637 = tpu.vector_load %arg16[%get3A_635, %get3A_636] {strides = array<i32>} : memref<224x128xf32, #tpu.memory_space<vmem>>, vector<1x16xf32>,
        %get3A_638 = vector.shape_cast %get3A_637 : vector<1x16xf32> to vector<16xf32>
        %add3A_639 = arith.addf %add3A_601, %get3A_638 : vector<16xf32>
        %slice3A_640 = vector.extract_strided_slice %mul3A_486 {offsets = [4], sizes = [1], strides = [1]} : vector<16xi32> to vector<1xi32>
        %squeeze3A_641 = vector.extract %slice3A_640[0] : i32 from vector<1xi32>
        %add3A_642 = arith.constant 4 : i32
        %add3A_643 = arith.addi %mul3A_499, %add3A_642 : i32
        %add3A_644 = arith.constant 0 : i32
        %add3A_645 = arith.addi %squeeze3A_641, %add3A_644 : i32
        %get3A_646 = arith.index_cast %add3A_643 : i32 to index
        %get3A_647 = arith.index_cast %add3A_645 : i32 to index
        %get3A_648 = tpu.vector_load %arg16[%get3A_646, %get3A_647] {strides = array<i32>} : memref<224x128xf32, #tpu.memory_space<vmem>>, vector<1x16xf32>,
        %get3A_649 = vector.shape_cast %get3A_648 : vector<1x16xf32> to vector<16xf32>
        %add3A_650 = arith.addf %add3A_612, %get3A_649 : vector<16xf32>
        %add3A_651 = arith.constant 4 : i32
        %add3A_652 = arith.addi %mul3A_499, %add3A_651 : i32
        %add3A_653 = arith.constant 16 : i32
        %add3A_654 = arith.addi %squeeze3A_641, %add3A_653 : i32
        %get3A_655 = arith.index_cast %add3A_652 : i32 to index
        %get3A_656 = arith.index_cast %add3A_654 : i32 to index
        %get3A_657 = tpu.vector_load %arg16[%get3A_655, %get3A_656] {strides = array<i32>} : memref<224x128xf32, #tpu.memory_space<vmem>>, vector<1x16xf32>,
        %get3A_658 = vector.shape_cast %get3A_657 : vector<1x16xf32> to vector<16xf32>
        %add3A_659 = arith.addf %add3A_621, %get3A_658 : vector<16xf32>
        %add3A_660 = arith.constant 4 : i32
        %add3A_661 = arith.addi %mul3A_499, %add3A_660 : i32
        %add3A_662 = arith.constant 32 : i32
        %add3A_663 = arith.addi %squeeze3A_641, %add3A_662 : i32
        %get3A_664 = arith.index_cast %add3A_661 : i32 to index
        %get3A_665 = arith.index_cast %add3A_663 : i32 to index
        %get3A_666 = tpu.vector_load %arg16[%get3A_664, %get3A_665] {strides = array<i32>} : memref<224x128xf32, #tpu.memory_space<vmem>>, vector<1x16xf32>,
        %get3A_667 = vector.shape_cast %get3A_666 : vector<1x16xf32> to vector<16xf32>
        %add3A_668 = arith.addf %add3A_630, %get3A_667 : vector<16xf32>
        %add3A_669 = arith.constant 4 : i32
        %add3A_670 = arith.addi %mul3A_499, %add3A_669 : i32
        %add3A_671 = arith.constant 48 : i32
        %add3A_672 = arith.addi %squeeze3A_641, %add3A_671 : i32
        %get3A_673 = arith.index_cast %add3A_670 : i32 to index
        %get3A_674 = arith.index_cast %add3A_672 : i32 to index
        %get3A_675 = tpu.vector_load %arg16[%get3A_673, %get3A_674] {strides = array<i32>} : memref<224x128xf32, #tpu.memory_space<vmem>>, vector<1x16xf32>,
        %get3A_676 = vector.shape_cast %get3A_675 : vector<1x16xf32> to vector<16xf32>
        %add3A_677 = arith.addf %add3A_639, %get3A_676 : vector<16xf32>
        %slice3A_678 = vector.extract_strided_slice %mul3A_486 {offsets = [5], sizes = [1], strides = [1]} : vector<16xi32> to vector<1xi32>
        %squeeze3A_679 = vector.extract %slice3A_678[0] : i32 from vector<1xi32>
        %add3A_680 = arith.constant 5 : i32
        %add3A_681 = arith.addi %mul3A_499, %add3A_680 : i32
        %add3A_682 = arith.constant 0 : i32
        %add3A_683 = arith.addi %squeeze3A_679, %add3A_682 : i32
        %get3A_684 = arith.index_cast %add3A_681 : i32 to index
        %get3A_685 = arith.index_cast %add3A_683 : i32 to index
        %get3A_686 = tpu.vector_load %arg16[%get3A_684, %get3A_685] {strides = array<i32>} : memref<224x128xf32, #tpu.memory_space<vmem>>, vector<1x16xf32>,
        %get3A_687 = vector.shape_cast %get3A_686 : vector<1x16xf32> to vector<16xf32>
        %add3A_688 = arith.addf %add3A_650, %get3A_687 : vector<16xf32>
        %add3A_689 = arith.constant 5 : i32
        %add3A_690 = arith.addi %mul3A_499, %add3A_689 : i32
        %add3A_691 = arith.constant 16 : i32
        %add3A_692 = arith.addi %squeeze3A_679, %add3A_691 : i32
        %get3A_693 = arith.index_cast %add3A_690 : i32 to index
        %get3A_694 = arith.index_cast %add3A_692 : i32 to index
        %get3A_695 = tpu.vector_load %arg16[%get3A_693, %get3A_694] {strides = array<i32>} : memref<224x128xf32, #tpu.memory_space<vmem>>, vector<1x16xf32>,
        %get3A_696 = vector.shape_cast %get3A_695 : vector<1x16xf32> to vector<16xf32>
        %add3A_697 = arith.addf %add3A_659, %get3A_696 : vector<16xf32>
        %add3A_698 = arith.constant 5 : i32
        %add3A_699 = arith.addi %mul3A_499, %add3A_698 : i32
        %add3A_700 = arith.constant 32 : i32
        %add3A_701 = arith.addi %squeeze3A_679, %add3A_700 : i32
        %get3A_702 = arith.index_cast %add3A_699 : i32 to index
        %get3A_703 = arith.index_cast %add3A_701 : i32 to index
        %get3A_704 = tpu.vector_load %arg16[%get3A_702, %get3A_703] {strides = array<i32>} : memref<224x128xf32, #tpu.memory_space<vmem>>, vector<1x16xf32>,
        %get3A_705 = vector.shape_cast %get3A_704 : vector<1x16xf32> to vector<16xf32>
        %add3A_706 = arith.addf %add3A_668, %get3A_705 : vector<16xf32>
        %add3A_707 = arith.constant 5 : i32
        %add3A_708 = arith.addi %mul3A_499, %add3A_707 : i32
        %add3A_709 = arith.constant 48 : i32
        %add3A_710 = arith.addi %squeeze3A_679, %add3A_709 : i32
        %get3A_711 = arith.index_cast %add3A_708 : i32 to index
        %get3A_712 = arith.index_cast %add3A_710 : i32 to index
        %get3A_713 = tpu.vector_load %arg16[%get3A_711, %get3A_712] {strides = array<i32>} : memref<224x128xf32, #tpu.memory_space<vmem>>, vector<1x16xf32>,
        %get3A_714 = vector.shape_cast %get3A_713 : vector<1x16xf32> to vector<16xf32>
        %add3A_715 = arith.addf %add3A_677, %get3A_714 : vector<16xf32>
        %slice3A_716 = vector.extract_strided_slice %mul3A_486 {offsets = [6], sizes = [1], strides = [1]} : vector<16xi32> to vector<1xi32>
        %squeeze3A_717 = vector.extract %slice3A_716[0] : i32 from vector<1xi32>
        %add3A_718 = arith.constant 6 : i32
        %add3A_719 = arith.addi %mul3A_499, %add3A_718 : i32
        %add3A_720 = arith.constant 0 : i32
        %add3A_721 = arith.addi %squeeze3A_717, %add3A_720 : i32
        %get3A_722 = arith.index_cast %add3A_719 : i32 to index
        %get3A_723 = arith.index_cast %add3A_721 : i32 to index
        %get3A_724 = tpu.vector_load %arg16[%get3A_722, %get3A_723] {strides = array<i32>} : memref<224x128xf32, #tpu.memory_space<vmem>>, vector<1x16xf32>,
        %get3A_725 = vector.shape_cast %get3A_724 : vector<1x16xf32> to vector<16xf32>
        %add3A_726 = arith.addf %add3A_688, %get3A_725 : vector<16xf32>
        %add3A_727 = arith.constant 6 : i32
        %add3A_728 = arith.addi %mul3A_499, %add3A_727 : i32
        %add3A_729 = arith.constant 16 : i32
        %add3A_730 = arith.addi %squeeze3A_717, %add3A_729 : i32
        %get3A_731 = arith.index_cast %add3A_728 : i32 to index
        %get3A_732 = arith.index_cast %add3A_730 : i32 to index
        %get3A_733 = tpu.vector_load %arg16[%get3A_731, %get3A_732] {strides = array<i32>} : memref<224x128xf32, #tpu.memory_space<vmem>>, vector<1x16xf32>,
        %get3A_734 = vector.shape_cast %get3A_733 : vector<1x16xf32> to vector<16xf32>
        %add3A_735 = arith.addf %add3A_697, %get3A_734 : vector<16xf32>
        %add3A_736 = arith.constant 6 : i32
        %add3A_737 = arith.addi %mul3A_499, %add3A_736 : i32
        %add3A_738 = arith.constant 32 : i32
        %add3A_739 = arith.addi %squeeze3A_717, %add3A_738 : i32
        %get3A_740 = arith.index_cast %add3A_737 : i32 to index
        %get3A_741 = arith.index_cast %add3A_739 : i32 to index
        %get3A_742 = tpu.vector_load %arg16[%get3A_740, %get3A_741] {strides = array<i32>} : memref<224x128xf32, #tpu.memory_space<vmem>>, vector<1x16xf32>,
        %get3A_743 = vector.shape_cast %get3A_742 : vector<1x16xf32> to vector<16xf32>
        %add3A_744 = arith.addf %add3A_706, %get3A_743 : vector<16xf32>
        %add3A_745 = arith.constant 6 : i32
        %add3A_746 = arith.addi %mul3A_499, %add3A_745 : i32
        %add3A_747 = arith.constant 48 : i32
        %add3A_748 = arith.addi %squeeze3A_717, %add3A_747 : i32
        %get3A_749 = arith.index_cast %add3A_746 : i32 to index
        %get3A_750 = arith.index_cast %add3A_748 : i32 to index
        %get3A_751 = tpu.vector_load %arg16[%get3A_749, %get3A_750] {strides = array<i32>} : memref<224x128xf32, #tpu.memory_space<vmem>>, vector<1x16xf32>,
        %get3A_752 = vector.shape_cast %get3A_751 : vector<1x16xf32> to vector<16xf32>
        %add3A_753 = arith.addf %add3A_715, %get3A_752 : vector<16xf32>
        %slice3A_754 = vector.extract_strided_slice %mul3A_486 {offsets = [7], sizes = [1], strides = [1]} : vector<16xi32> to vector<1xi32>
        %squeeze3A_755 = vector.extract %slice3A_754[0] : i32 from vector<1xi32>
        %add3A_756 = arith.constant 7 : i32
        %add3A_757 = arith.addi %mul3A_499, %add3A_756 : i32
        %add3A_758 = arith.constant 0 : i32
        %add3A_759 = arith.addi %squeeze3A_755, %add3A_758 : i32
        %get3A_760 = arith.index_cast %add3A_757 : i32 to index
        %get3A_761 = arith.index_cast %add3A_759 : i32 to index
        %get3A_762 = tpu.vector_load %arg16[%get3A_760, %get3A_761] {strides = array<i32>} : memref<224x128xf32, #tpu.memory_space<vmem>>, vector<1x16xf32>,
        %get3A_763 = vector.shape_cast %get3A_762 : vector<1x16xf32> to vector<16xf32>
        %add3A_764 = arith.addf %add3A_726, %get3A_763 : vector<16xf32>
        %add3A_765 = arith.constant 7 : i32
        %add3A_766 = arith.addi %mul3A_499, %add3A_765 : i32
        %add3A_767 = arith.constant 16 : i32
        %add3A_768 = arith.addi %squeeze3A_755, %add3A_767 : i32
        %get3A_769 = arith.index_cast %add3A_766 : i32 to index
        %get3A_770 = arith.index_cast %add3A_768 : i32 to index
        %get3A_771 = tpu.vector_load %arg16[%get3A_769, %get3A_770] {strides = array<i32>} : memref<224x128xf32, #tpu.memory_space<vmem>>, vector<1x16xf32>,
        %get3A_772 = vector.shape_cast %get3A_771 : vector<1x16xf32> to vector<16xf32>
        %add3A_773 = arith.addf %add3A_735, %get3A_772 : vector<16xf32>
        %add3A_774 = arith.constant 7 : i32
        %add3A_775 = arith.addi %mul3A_499, %add3A_774 : i32
        %add3A_776 = arith.constant 32 : i32
        %add3A_777 = arith.addi %squeeze3A_755, %add3A_776 : i32
        %get3A_778 = arith.index_cast %add3A_775 : i32 to index
        %get3A_779 = arith.index_cast %add3A_777 : i32 to index
        %get3A_780 = tpu.vector_load %arg16[%get3A_778, %get3A_779] {strides = array<i32>} : memref<224x128xf32, #tpu.memory_space<vmem>>, vector<1x16xf32>,
        %get3A_781 = vector.shape_cast %get3A_780 : vector<1x16xf32> to vector<16xf32>
        %add3A_782 = arith.addf %add3A_744, %get3A_781 : vector<16xf32>
        %add3A_783 = arith.constant 7 : i32
        %add3A_784 = arith.addi %mul3A_499, %add3A_783 : i32
        %add3A_785 = arith.constant 48 : i32
        %add3A_786 = arith.addi %squeeze3A_755, %add3A_785 : i32
        %get3A_787 = arith.index_cast %add3A_784 : i32 to index
        %get3A_788 = arith.index_cast %add3A_786 : i32 to index
        %get3A_789 = tpu.vector_load %arg16[%get3A_787, %get3A_788] {strides = array<i32>} : memref<224x128xf32, #tpu.memory_space<vmem>>, vector<1x16xf32>,
        %get3A_790 = vector.shape_cast %get3A_789 : vector<1x16xf32> to vector<16xf32>
        %add3A_791 = arith.addf %add3A_753, %get3A_790 : vector<16xf32>
        %slice3A_792 = vector.extract_strided_slice %mul3A_486 {offsets = [8], sizes = [1], strides = [1]} : vector<16xi32> to vector<1xi32>
        %squeeze3A_793 = vector.extract %slice3A_792[0] : i32 from vector<1xi32>
        %add3A_794 = arith.constant 8 : i32
        %add3A_795 = arith.addi %mul3A_499, %add3A_794 : i32
        %add3A_796 = arith.constant 0 : i32
        %add3A_797 = arith.addi %squeeze3A_793, %add3A_796 : i32
        %get3A_798 = arith.index_cast %add3A_795 : i32 to index
        %get3A_799 = arith.index_cast %add3A_797 : i32 to index
        %get3A_800 = tpu.vector_load %arg16[%get3A_798, %get3A_799] {strides = array<i32>} : memref<224x128xf32, #tpu.memory_space<vmem>>, vector<1x16xf32>,
        %get3A_801 = vector.shape_cast %get3A_800 : vector<1x16xf32> to vector<16xf32>
        %add3A_802 = arith.addf %add3A_764, %get3A_801 : vector<16xf32>
        %add3A_803 = arith.constant 8 : i32
        %add3A_804 = arith.addi %mul3A_499, %add3A_803 : i32
        %add3A_805 = arith.constant 16 : i32
        %add3A_806 = arith.addi %squeeze3A_793, %add3A_805 : i32
        %get3A_807 = arith.index_cast %add3A_804 : i32 to index
        %get3A_808 = arith.index_cast %add3A_806 : i32 to index
        %get3A_809 = tpu.vector_load %arg16[%get3A_807, %get3A_808] {strides = array<i32>} : memref<224x128xf32, #tpu.memory_space<vmem>>, vector<1x16xf32>,
        %get3A_810 = vector.shape_cast %get3A_809 : vector<1x16xf32> to vector<16xf32>
        %add3A_811 = arith.addf %add3A_773, %get3A_810 : vector<16xf32>
        %add3A_812 = arith.constant 8 : i32
        %add3A_813 = arith.addi %mul3A_499, %add3A_812 : i32
        %add3A_814 = arith.constant 32 : i32
        %add3A_815 = arith.addi %squeeze3A_793, %add3A_814 : i32
        %get3A_816 = arith.index_cast %add3A_813 : i32 to index
        %get3A_817 = arith.index_cast %add3A_815 : i32 to index
        %get3A_818 = tpu.vector_load %arg16[%get3A_816, %get3A_817] {strides = array<i32>} : memref<224x128xf32, #tpu.memory_space<vmem>>, vector<1x16xf32>,
        %get3A_819 = vector.shape_cast %get3A_818 : vector<1x16xf32> to vector<16xf32>
        %add3A_820 = arith.addf %add3A_782, %get3A_819 : vector<16xf32>
        %add3A_821 = arith.constant 8 : i32
        %add3A_822 = arith.addi %mul3A_499, %add3A_821 : i32
        %add3A_823 = arith.constant 48 : i32
        %add3A_824 = arith.addi %squeeze3A_793, %add3A_823 : i32
        %get3A_825 = arith.index_cast %add3A_822 : i32 to index
        %get3A_826 = arith.index_cast %add3A_824 : i32 to index
        %get3A_827 = tpu.vector_load %arg16[%get3A_825, %get3A_826] {strides = array<i32>} : memref<224x128xf32, #tpu.memory_space<vmem>>, vector<1x16xf32>,
        %get3A_828 = vector.shape_cast %get3A_827 : vector<1x16xf32> to vector<16xf32>
        %add3A_829 = arith.addf %add3A_791, %get3A_828 : vector<16xf32>
        %slice3A_830 = vector.extract_strided_slice %mul3A_486 {offsets = [9], sizes = [1], strides = [1]} : vector<16xi32> to vector<1xi32>
        %squeeze3A_831 = vector.extract %slice3A_830[0] : i32 from vector<1xi32>
        %add3A_832 = arith.constant 9 : i32
        %add3A_833 = arith.addi %mul3A_499, %add3A_832 : i32
        %add3A_834 = arith.constant 0 : i32
        %add3A_835 = arith.addi %squeeze3A_831, %add3A_834 : i32
        %get3A_836 = arith.index_cast %add3A_833 : i32 to index
        %get3A_837 = arith.index_cast %add3A_835 : i32 to index
        %get3A_838 = tpu.vector_load %arg16[%get3A_836, %get3A_837] {strides = array<i32>} : memref<224x128xf32, #tpu.memory_space<vmem>>, vector<1x16xf32>,
        %get3A_839 = vector.shape_cast %get3A_838 : vector<1x16xf32> to vector<16xf32>
        %add3A_840 = arith.addf %add3A_802, %get3A_839 : vector<16xf32>
        %add3A_841 = arith.constant 9 : i32
        %add3A_842 = arith.addi %mul3A_499, %add3A_841 : i32
        %add3A_843 = arith.constant 16 : i32
        %add3A_844 = arith.addi %squeeze3A_831, %add3A_843 : i32
        %get3A_845 = arith.index_cast %add3A_842 : i32 to index
        %get3A_846 = arith.index_cast %add3A_844 : i32 to index
        %get3A_847 = tpu.vector_load %arg16[%get3A_845, %get3A_846] {strides = array<i32>} : memref<224x128xf32, #tpu.memory_space<vmem>>, vector<1x16xf32>,
        %get3A_848 = vector.shape_cast %get3A_847 : vector<1x16xf32> to vector<16xf32>
        %add3A_849 = arith.addf %add3A_811, %get3A_848 : vector<16xf32>
        %add3A_850 = arith.constant 9 : i32
        %add3A_851 = arith.addi %mul3A_499, %add3A_850 : i32
        %add3A_852 = arith.constant 32 : i32
        %add3A_853 = arith.addi %squeeze3A_831, %add3A_852 : i32
        %get3A_854 = arith.index_cast %add3A_851 : i32 to index
        %get3A_855 = arith.index_cast %add3A_853 : i32 to index
        %get3A_856 = tpu.vector_load %arg16[%get3A_854, %get3A_855] {strides = array<i32>} : memref<224x128xf32, #tpu.memory_space<vmem>>, vector<1x16xf32>,
        %get3A_857 = vector.shape_cast %get3A_856 : vector<1x16xf32> to vector<16xf32>
        %add3A_858 = arith.addf %add3A_820, %get3A_857 : vector<16xf32>
        %add3A_859 = arith.constant 9 : i32
        %add3A_860 = arith.addi %mul3A_499, %add3A_859 : i32
        %add3A_861 = arith.constant 48 : i32
        %add3A_862 = arith.addi %squeeze3A_831, %add3A_861 : i32
        %get3A_863 = arith.index_cast %add3A_860 : i32 to index
        %get3A_864 = arith.index_cast %add3A_862 : i32 to index
        %get3A_865 = tpu.vector_load %arg16[%get3A_863, %get3A_864] {strides = array<i32>} : memref<224x128xf32, #tpu.memory_space<vmem>>, vector<1x16xf32>,
        %get3A_866 = vector.shape_cast %get3A_865 : vector<1x16xf32> to vector<16xf32>
        %add3A_867 = arith.addf %add3A_829, %get3A_866 : vector<16xf32>
        %slice3A_868 = vector.extract_strided_slice %mul3A_486 {offsets = [10], sizes = [1], strides = [1]} : vector<16xi32> to vector<1xi32>
        %squeeze3A_869 = vector.extract %slice3A_868[0] : i32 from vector<1xi32>
        %add3A_870 = arith.constant 10 : i32
        %add3A_871 = arith.addi %mul3A_499, %add3A_870 : i32
        %add3A_872 = arith.constant 0 : i32
        %add3A_873 = arith.addi %squeeze3A_869, %add3A_872 : i32
        %get3A_874 = arith.index_cast %add3A_871 : i32 to index
        %get3A_875 = arith.index_cast %add3A_873 : i32 to index
        %get3A_876 = tpu.vector_load %arg16[%get3A_874, %get3A_875] {strides = array<i32>} : memref<224x128xf32, #tpu.memory_space<vmem>>, vector<1x16xf32>,
        %get3A_877 = vector.shape_cast %get3A_876 : vector<1x16xf32> to vector<16xf32>
        %add3A_878 = arith.addf %add3A_840, %get3A_877 : vector<16xf32>
        %add3A_879 = arith.constant 10 : i32
        %add3A_880 = arith.addi %mul3A_499, %add3A_879 : i32
        %add3A_881 = arith.constant 16 : i32
        %add3A_882 = arith.addi %squeeze3A_869, %add3A_881 : i32
        %get3A_883 = arith.index_cast %add3A_880 : i32 to index
        %get3A_884 = arith.index_cast %add3A_882 : i32 to index
        %get3A_885 = tpu.vector_load %arg16[%get3A_883, %get3A_884] {strides = array<i32>} : memref<224x128xf32, #tpu.memory_space<vmem>>, vector<1x16xf32>,
        %get3A_886 = vector.shape_cast %get3A_885 : vector<1x16xf32> to vector<16xf32>
        %add3A_887 = arith.addf %add3A_849, %get3A_886 : vector<16xf32>
        %add3A_888 = arith.constant 10 : i32
        %add3A_889 = arith.addi %mul3A_499, %add3A_888 : i32
        %add3A_890 = arith.constant 32 : i32
        %add3A_891 = arith.addi %squeeze3A_869, %add3A_890 : i32
        %get3A_892 = arith.index_cast %add3A_889 : i32 to index
        %get3A_893 = arith.index_cast %add3A_891 : i32 to index
        %get3A_894 = tpu.vector_load %arg16[%get3A_892, %get3A_893] {strides = array<i32>} : memref<224x128xf32, #tpu.memory_space<vmem>>, vector<1x16xf32>,
        %get3A_895 = vector.shape_cast %get3A_894 : vector<1x16xf32> to vector<16xf32>
        %add3A_896 = arith.addf %add3A_858, %get3A_895 : vector<16xf32>
        %add3A_897 = arith.constant 10 : i32
        %add3A_898 = arith.addi %mul3A_499, %add3A_897 : i32
        %add3A_899 = arith.constant 48 : i32
        %add3A_900 = arith.addi %squeeze3A_869, %add3A_899 : i32
        %get3A_901 = arith.index_cast %add3A_898 : i32 to index
        %get3A_902 = arith.index_cast %add3A_900 : i32 to index
        %get3A_903 = tpu.vector_load %arg16[%get3A_901, %get3A_902] {strides = array<i32>} : memref<224x128xf32, #tpu.memory_space<vmem>>, vector<1x16xf32>,
        %get3A_904 = vector.shape_cast %get3A_903 : vector<1x16xf32> to vector<16xf32>
        %add3A_905 = arith.addf %add3A_867, %get3A_904 : vector<16xf32>
        %slice3A_906 = vector.extract_strided_slice %mul3A_486 {offsets = [11], sizes = [1], strides = [1]} : vector<16xi32> to vector<1xi32>
        %squeeze3A_907 = vector.extract %slice3A_906[0] : i32 from vector<1xi32>
        %add3A_908 = arith.constant 11 : i32
        %add3A_909 = arith.addi %mul3A_499, %add3A_908 : i32
        %add3A_910 = arith.constant 0 : i32
        %add3A_911 = arith.addi %squeeze3A_907, %add3A_910 : i32
        %get3A_912 = arith.index_cast %add3A_909 : i32 to index
        %get3A_913 = arith.index_cast %add3A_911 : i32 to index
        %get3A_914 = tpu.vector_load %arg16[%get3A_912, %get3A_913] {strides = array<i32>} : memref<224x128xf32, #tpu.memory_space<vmem>>, vector<1x16xf32>,
        %get3A_915 = vector.shape_cast %get3A_914 : vector<1x16xf32> to vector<16xf32>
        %add3A_916 = arith.addf %add3A_878, %get3A_915 : vector<16xf32>
        %add3A_917 = arith.constant 11 : i32
        %add3A_918 = arith.addi %mul3A_499, %add3A_917 : i32
        %add3A_919 = arith.constant 16 : i32
        %add3A_920 = arith.addi %squeeze3A_907, %add3A_919 : i32
        %get3A_921 = arith.index_cast %add3A_918 : i32 to index
        %get3A_922 = arith.index_cast %add3A_920 : i32 to index
        %get3A_923 = tpu.vector_load %arg16[%get3A_921, %get3A_922] {strides = array<i32>} : memref<224x128xf32, #tpu.memory_space<vmem>>, vector<1x16xf32>,
        %get3A_924 = vector.shape_cast %get3A_923 : vector<1x16xf32> to vector<16xf32>
        %add3A_925 = arith.addf %add3A_887, %get3A_924 : vector<16xf32>
        %add3A_926 = arith.constant 11 : i32
        %add3A_927 = arith.addi %mul3A_499, %add3A_926 : i32
        %add3A_928 = arith.constant 32 : i32
        %add3A_929 = arith.addi %squeeze3A_907, %add3A_928 : i32
        %get3A_930 = arith.index_cast %add3A_927 : i32 to index
        %get3A_931 = arith.index_cast %add3A_929 : i32 to index
        %get3A_932 = tpu.vector_load %arg16[%get3A_930, %get3A_931] {strides = array<i32>} : memref<224x128xf32, #tpu.memory_space<vmem>>, vector<1x16xf32>,
        %get3A_933 = vector.shape_cast %get3A_932 : vector<1x16xf32> to vector<16xf32>
        %add3A_934 = arith.addf %add3A_896, %get3A_933 : vector<16xf32>
        %add3A_935 = arith.constant 11 : i32
        %add3A_936 = arith.addi %mul3A_499, %add3A_935 : i32
        %add3A_937 = arith.constant 48 : i32
        %add3A_938 = arith.addi %squeeze3A_907, %add3A_937 : i32
        %get3A_939 = arith.index_cast %add3A_936 : i32 to index
        %get3A_940 = arith.index_cast %add3A_938 : i32 to index
        %get3A_941 = tpu.vector_load %arg16[%get3A_939, %get3A_940] {strides = array<i32>} : memref<224x128xf32, #tpu.memory_space<vmem>>, vector<1x16xf32>,
        %get3A_942 = vector.shape_cast %get3A_941 : vector<1x16xf32> to vector<16xf32>
        %add3A_943 = arith.addf %add3A_905, %get3A_942 : vector<16xf32>
        %slice3A_944 = vector.extract_strided_slice %mul3A_486 {offsets = [12], sizes = [1], strides = [1]} : vector<16xi32> to vector<1xi32>
        %squeeze3A_945 = vector.extract %slice3A_944[0] : i32 from vector<1xi32>
        %add3A_946 = arith.constant 12 : i32
        %add3A_947 = arith.addi %mul3A_499, %add3A_946 : i32
        %add3A_948 = arith.constant 0 : i32
        %add3A_949 = arith.addi %squeeze3A_945, %add3A_948 : i32
        %get3A_950 = arith.index_cast %add3A_947 : i32 to index
        %get3A_951 = arith.index_cast %add3A_949 : i32 to index
        %get3A_952 = tpu.vector_load %arg16[%get3A_950, %get3A_951] {strides = array<i32>} : memref<224x128xf32, #tpu.memory_space<vmem>>, vector<1x16xf32>,
        %get3A_953 = vector.shape_cast %get3A_952 : vector<1x16xf32> to vector<16xf32>
        %add3A_954 = arith.addf %add3A_916, %get3A_953 : vector<16xf32>
        %add3A_955 = arith.constant 12 : i32
        %add3A_956 = arith.addi %mul3A_499, %add3A_955 : i32
        %add3A_957 = arith.constant 16 : i32
        %add3A_958 = arith.addi %squeeze3A_945, %add3A_957 : i32
        %get3A_959 = arith.index_cast %add3A_956 : i32 to index
        %get3A_960 = arith.index_cast %add3A_958 : i32 to index
        %get3A_961 = tpu.vector_load %arg16[%get3A_959, %get3A_960] {strides = array<i32>} : memref<224x128xf32, #tpu.memory_space<vmem>>, vector<1x16xf32>,
        %get3A_962 = vector.shape_cast %get3A_961 : vector<1x16xf32> to vector<16xf32>
        %add3A_963 = arith.addf %add3A_925, %get3A_962 : vector<16xf32>
        %add3A_964 = arith.constant 12 : i32
        %add3A_965 = arith.addi %mul3A_499, %add3A_964 : i32
        %add3A_966 = arith.constant 32 : i32
        %add3A_967 = arith.addi %squeeze3A_945, %add3A_966 : i32
        %get3A_968 = arith.index_cast %add3A_965 : i32 to index
        %get3A_969 = arith.index_cast %add3A_967 : i32 to index
        %get3A_970 = tpu.vector_load %arg16[%get3A_968, %get3A_969] {strides = array<i32>} : memref<224x128xf32, #tpu.memory_space<vmem>>, vector<1x16xf32>,
        %get3A_971 = vector.shape_cast %get3A_970 : vector<1x16xf32> to vector<16xf32>
        %add3A_972 = arith.addf %add3A_934, %get3A_971 : vector<16xf32>
        %add3A_973 = arith.constant 12 : i32
        %add3A_974 = arith.addi %mul3A_499, %add3A_973 : i32
        %add3A_975 = arith.constant 48 : i32
        %add3A_976 = arith.addi %squeeze3A_945, %add3A_975 : i32
        %get3A_977 = arith.index_cast %add3A_974 : i32 to index
        %get3A_978 = arith.index_cast %add3A_976 : i32 to index
        %get3A_979 = tpu.vector_load %arg16[%get3A_977, %get3A_978] {strides = array<i32>} : memref<224x128xf32, #tpu.memory_space<vmem>>, vector<1x16xf32>,
        %get3A_980 = vector.shape_cast %get3A_979 : vector<1x16xf32> to vector<16xf32>
        %add3A_981 = arith.addf %add3A_943, %get3A_980 : vector<16xf32>
        %slice3A_982 = vector.extract_strided_slice %mul3A_486 {offsets = [13], sizes = [1], strides = [1]} : vector<16xi32> to vector<1xi32>
        %squeeze3A_983 = vector.extract %slice3A_982[0] : i32 from vector<1xi32>
        %add3A_984 = arith.constant 13 : i32
        %add3A_985 = arith.addi %mul3A_499, %add3A_984 : i32
        %add3A_986 = arith.constant 0 : i32
        %add3A_987 = arith.addi %squeeze3A_983, %add3A_986 : i32
        %get3A_988 = arith.index_cast %add3A_985 : i32 to index
        %get3A_989 = arith.index_cast %add3A_987 : i32 to index
        %get3A_990 = tpu.vector_load %arg16[%get3A_988, %get3A_989] {strides = array<i32>} : memref<224x128xf32, #tpu.memory_space<vmem>>, vector<1x16xf32>,
        %get3A_991 = vector.shape_cast %get3A_990 : vector<1x16xf32> to vector<16xf32>
        %add3A_992 = arith.addf %add3A_954, %get3A_991 : vector<16xf32>
        %add3A_993 = arith.constant 13 : i32
        %add3A_994 = arith.addi %mul3A_499, %add3A_993 : i32
        %add3A_995 = arith.constant 16 : i32
        %add3A_996 = arith.addi %squeeze3A_983, %add3A_995 : i32
        %get3A_997 = arith.index_cast %add3A_994 : i32 to index
        %get3A_998 = arith.index_cast %add3A_996 : i32 to index
        %get3A_999 = tpu.vector_load %arg16[%get3A_997, %get3A_998] {strides = array<i32>} : memref<224x128xf32, #tpu.memory_space<vmem>>, vector<1x16xf32>,
        %get3A_1000 = vector.shape_cast %get3A_999 : vector<1x16xf32> to vector<16xf32>
        %add3A_1001 = arith.addf %add3A_963, %get3A_1000 : vector<16xf32>
        %add3A_1002 = arith.constant 13 : i32
        %add3A_1003 = arith.addi %mul3A_499, %add3A_1002 : i32
        %add3A_1004 = arith.constant 32 : i32
        %add3A_1005 = arith.addi %squeeze3A_983, %add3A_1004 : i32
        %get3A_1006 = arith.index_cast %add3A_1003 : i32 to index
        %get3A_1007 = arith.index_cast %add3A_1005 : i32 to index
        %get3A_1008 = tpu.vector_load %arg16[%get3A_1006, %get3A_1007] {strides = array<i32>} : memref<224x128xf32, #tpu.memory_space<vmem>>, vector<1x16xf32>,
        %get3A_1009 = vector.shape_cast %get3A_1008 : vector<1x16xf32> to vector<16xf32>
        %add3A_1010 = arith.addf %add3A_972, %get3A_1009 : vector<16xf32>
        %add3A_1011 = arith.constant 13 : i32
        %add3A_1012 = arith.addi %mul3A_499, %add3A_1011 : i32
        %add3A_1013 = arith.constant 48 : i32
        %add3A_1014 = arith.addi %squeeze3A_983, %add3A_1013 : i32
        %get3A_1015 = arith.index_cast %add3A_1012 : i32 to index
        %get3A_1016 = arith.index_cast %add3A_1014 : i32 to index
        %get3A_1017 = tpu.vector_load %arg16[%get3A_1015, %get3A_1016] {strides = array<i32>} : memref<224x128xf32, #tpu.memory_space<vmem>>, vector<1x16xf32>,
        %get3A_1018 = vector.shape_cast %get3A_1017 : vector<1x16xf32> to vector<16xf32>
        %add3A_1019 = arith.addf %add3A_981, %get3A_1018 : vector<16xf32>
        %broadcast_in_dim3A = arith.constant 0.000000e+00 : f32
        %broadcast_in_dim3A_1020 = vector.broadcast %broadcast_in_dim3A : f32 to vector<16xf32>
        %slice3A_1021 = vector.extract_strided_slice %mul3A_497 {offsets = [0], sizes = [1], strides = [1]} : vector<16xi32> to vector<1xi32>
        %squeeze3A_1022 = vector.extract %slice3A_1021[0] : i32 from vector<1xi32>
        %add3A_1023 = arith.constant 0 : i32
        %add3A_1024 = arith.addi %mul3A_501, %add3A_1023 : i32
        %get3A_1025 = arith.index_cast %add3A_1024 : i32 to index
        %get3A_1026 = arith.index_cast %squeeze3A_1022 : i32 to index
        %get3A_1027 = tpu.vector_load %arg14[%get3A_1025, %get3A_1026] {strides = array<i32>} : memref<96x128xf32, #tpu.memory_space<vmem>>, vector<1x16xf32>,
        %get3A_1028 = vector.shape_cast %get3A_1027 : vector<1x16xf32> to vector<16xf32>
        %mul3A_1029 = arith.mulf %add3A_992, %get3A_1028 : vector<16xf32>
        %add3A_1030 = arith.constant 0 : i32
        %add3A_1031 = arith.addi %mul3A_501, %add3A_1030 : i32
        %add3A_1032 = arith.constant 16 : i32
        %add3A_1033 = arith.addi %squeeze3A_1022, %add3A_1032 : i32
        %get3A_1034 = arith.index_cast %add3A_1031 : i32 to index
        %get3A_1035 = arith.index_cast %add3A_1033 : i32 to index
        %get3A_1036 = tpu.vector_load %arg14[%get3A_1034, %get3A_1035] {strides = array<i32>} : memref<96x128xf32, #tpu.memory_space<vmem>>, vector<1x16xf32>,
        %get3A_1037 = vector.shape_cast %get3A_1036 : vector<1x16xf32> to vector<16xf32>
        %mul3A_1038 = arith.mulf %add3A_1001, %get3A_1037 : vector<16xf32>
        %add3A_1039 = arith.addf %mul3A_1029, %mul3A_1038 : vector<16xf32>
        %add3A_1040 = arith.constant 0 : i32
        %add3A_1041 = arith.addi %mul3A_501, %add3A_1040 : i32
        %add3A_1042 = arith.constant 32 : i32
        %add3A_1043 = arith.addi %squeeze3A_1022, %add3A_1042 : i32
        %get3A_1044 = arith.index_cast %add3A_1041 : i32 to index
        %get3A_1045 = arith.index_cast %add3A_1043 : i32 to index
        %get3A_1046 = tpu.vector_load %arg14[%get3A_1044, %get3A_1045] {strides = array<i32>} : memref<96x128xf32, #tpu.memory_space<vmem>>, vector<1x16xf32>,
        %get3A_1047 = vector.shape_cast %get3A_1046 : vector<1x16xf32> to vector<16xf32>
        %mul3A_1048 = arith.mulf %add3A_1010, %get3A_1047 : vector<16xf32>
        %add3A_1049 = arith.addf %add3A_1039, %mul3A_1048 : vector<16xf32>
        %add3A_1050 = arith.constant 0 : i32
        %add3A_1051 = arith.addi %mul3A_501, %add3A_1050 : i32
        %add3A_1052 = arith.constant 48 : i32
        %add3A_1053 = arith.addi %squeeze3A_1022, %add3A_1052 : i32
        %get3A_1054 = arith.index_cast %add3A_1051 : i32 to index
        %get3A_1055 = arith.index_cast %add3A_1053 : i32 to index
        %get3A_1056 = tpu.vector_load %arg14[%get3A_1054, %get3A_1055] {strides = array<i32>} : memref<96x128xf32, #tpu.memory_space<vmem>>, vector<1x16xf32>,
        %get3A_1057 = vector.shape_cast %get3A_1056 : vector<1x16xf32> to vector<16xf32>
        %mul3A_1058 = arith.mulf %add3A_1019, %get3A_1057 : vector<16xf32>
        %add3A_1059 = arith.addf %add3A_1049, %mul3A_1058 : vector<16xf32>
        %xor3A = arith.constant 8 : i32
        %xor3A_1060 = vector.broadcast %xor3A : i32 to vector<16xi32>
        %xor3A_1061 = arith.xori %iota3A, %xor3A_1060 : vector<16xi32>
        %lt3A_1062 = arith.constant 0 : i32
        %lt3A_1063 = vector.broadcast %lt3A_1062 : i32 to vector<16xi32>
        %lt3A_1064 = arith.cmpi slt, %xor3A_1061, %lt3A_1063 : vector<16xi32>
        %add3A_1065 = arith.constant 16 : i32
        %add3A_1066 = vector.broadcast %add3A_1065 : i32 to vector<16xi32>
        %add3A_1067 = arith.addi %xor3A_1061, %add3A_1066 : vector<16xi32>
        %select_n3A = arith.select %lt3A_1064, %add3A_1067, %xor3A_1061 : vector<16xi1>, vector<16xi32>
        %broadcast_in_dim3A_1068 = vector.shape_cast %select_n3A : vector<16xi32> to vector<16x1xi32>
        %gather3A = vector.shape_cast %broadcast_in_dim3A_1068 : vector<16x1xi32> to vector<16xi32>
        %gather3A_1069 = tpu.dynamic_gather %add3A_1059[%gather3A] in [0] : vector<16xf32>, vector<16xi32> -> vector<16xf32>
        %add3A_1070 = arith.addf %add3A_1059, %gather3A_1069 : vector<16xf32>
        %xor3A_1071 = arith.constant 4 : i32
        %xor3A_1072 = vector.broadcast %xor3A_1071 : i32 to vector<16xi32>
        %xor3A_1073 = arith.xori %iota3A, %xor3A_1072 : vector<16xi32>
        %lt3A_1074 = arith.constant 0 : i32
        %lt3A_1075 = vector.broadcast %lt3A_1074 : i32 to vector<16xi32>
        %lt3A_1076 = arith.cmpi slt, %xor3A_1073, %lt3A_1075 : vector<16xi32>
        %add3A_1077 = arith.constant 16 : i32
        %add3A_1078 = vector.broadcast %add3A_1077 : i32 to vector<16xi32>
        %add3A_1079 = arith.addi %xor3A_1073, %add3A_1078 : vector<16xi32>
        %select_n3A_1080 = arith.select %lt3A_1076, %add3A_1079, %xor3A_1073 : vector<16xi1>, vector<16xi32>
        %broadcast_in_dim3A_1081 = vector.shape_cast %select_n3A_1080 : vector<16xi32> to vector<16x1xi32>
        %gather3A_1082 = vector.shape_cast %broadcast_in_dim3A_1081 : vector<16x1xi32> to vector<16xi32>
        %gather3A_1083 = tpu.dynamic_gather %add3A_1070[%gather3A_1082] in [0] : vector<16xf32>, vector<16xi32> -> vector<16xf32>
        %add3A_1084 = arith.addf %add3A_1070, %gather3A_1083 : vector<16xf32>
        %xor3A_1085 = arith.constant 2 : i32
        %xor3A_1086 = vector.broadcast %xor3A_1085 : i32 to vector<16xi32>
        %xor3A_1087 = arith.xori %iota3A, %xor3A_1086 : vector<16xi32>
        %lt3A_1088 = arith.constant 0 : i32
        %lt3A_1089 = vector.broadcast %lt3A_1088 : i32 to vector<16xi32>
        %lt3A_1090 = arith.cmpi slt, %xor3A_1087, %lt3A_1089 : vector<16xi32>
        %add3A_1091 = arith.constant 16 : i32
        %add3A_1092 = vector.broadcast %add3A_1091 : i32 to vector<16xi32>
        %add3A_1093 = arith.addi %xor3A_1087, %add3A_1092 : vector<16xi32>
        %select_n3A_1094 = arith.select %lt3A_1090, %add3A_1093, %xor3A_1087 : vector<16xi1>, vector<16xi32>
        %broadcast_in_dim3A_1095 = vector.shape_cast %select_n3A_1094 : vector<16xi32> to vector<16x1xi32>
        %gather3A_1096 = vector.shape_cast %broadcast_in_dim3A_1095 : vector<16x1xi32> to vector<16xi32>
        %gather3A_1097 = tpu.dynamic_gather %add3A_1084[%gather3A_1096] in [0] : vector<16xf32>, vector<16xi32> -> vector<16xf32>
        %add3A_1098 = arith.addf %add3A_1084, %gather3A_1097 : vector<16xf32>
        %xor3A_1099 = arith.constant 1 : i32
        %xor3A_1100 = vector.broadcast %xor3A_1099 : i32 to vector<16xi32>
        %xor3A_1101 = arith.xori %iota3A, %xor3A_1100 : vector<16xi32>
        %lt3A_1102 = arith.constant 0 : i32
        %lt3A_1103 = vector.broadcast %lt3A_1102 : i32 to vector<16xi32>
        %lt3A_1104 = arith.cmpi slt, %xor3A_1101, %lt3A_1103 : vector<16xi32>
        %add3A_1105 = arith.constant 16 : i32
        %add3A_1106 = vector.broadcast %add3A_1105 : i32 to vector<16xi32>
        %add3A_1107 = arith.addi %xor3A_1101, %add3A_1106 : vector<16xi32>
        %select_n3A_1108 = arith.select %lt3A_1104, %add3A_1107, %xor3A_1101 : vector<16xi1>, vector<16xi32>
        %broadcast_in_dim3A_1109 = vector.shape_cast %select_n3A_1108 : vector<16xi32> to vector<16x1xi32>
        %gather3A_1110 = vector.shape_cast %broadcast_in_dim3A_1109 : vector<16x1xi32> to vector<16xi32>
        %gather3A_1111 = tpu.dynamic_gather %add3A_1098[%gather3A_1110] in [0] : vector<16xf32>, vector<16xi32> -> vector<16xf32>
        %add3A_1112 = arith.addf %add3A_1098, %gather3A_1111 : vector<16xf32>
        %eq3A = arith.constant 0 : i32
        %eq3A_1113 = vector.broadcast %eq3A : i32 to vector<16xi32>
        %eq3A_1114 = arith.cmpi eq, %iota3A, %eq3A_1113 : vector<16xi32>
        %select_n3A_1115 = arith.select %eq3A_1114, %add3A_1112, %broadcast_in_dim3A_1020 : vector<16xi1>, vector<16xf32>
        %slice3A_1116 = vector.extract_strided_slice %mul3A_497 {offsets = [1], sizes = [1], strides = [1]} : vector<16xi32> to vector<1xi32>
        %squeeze3A_1117 = vector.extract %slice3A_1116[0] : i32 from vector<1xi32>
        %add3A_1118 = arith.constant 1 : i32
        %add3A_1119 = arith.addi %mul3A_501, %add3A_1118 : i32
        %get3A_1120 = arith.index_cast %add3A_1119 : i32 to index
        %get3A_1121 = arith.index_cast %squeeze3A_1117 : i32 to index
        %get3A_1122 = tpu.vector_load %arg14[%get3A_1120, %get3A_1121] {strides = array<i32>} : memref<96x128xf32, #tpu.memory_space<vmem>>, vector<1x16xf32>,
        %get3A_1123 = vector.shape_cast %get3A_1122 : vector<1x16xf32> to vector<16xf32>
        %mul3A_1124 = arith.mulf %add3A_992, %get3A_1123 : vector<16xf32>
        %add3A_1125 = arith.constant 1 : i32
        %add3A_1126 = arith.addi %mul3A_501, %add3A_1125 : i32
        %add3A_1127 = arith.constant 16 : i32
        %add3A_1128 = arith.addi %squeeze3A_1117, %add3A_1127 : i32
        %get3A_1129 = arith.index_cast %add3A_1126 : i32 to index
        %get3A_1130 = arith.index_cast %add3A_1128 : i32 to index
        %get3A_1131 = tpu.vector_load %arg14[%get3A_1129, %get3A_1130] {strides = array<i32>} : memref<96x128xf32, #tpu.memory_space<vmem>>, vector<1x16xf32>,
        %get3A_1132 = vector.shape_cast %get3A_1131 : vector<1x16xf32> to vector<16xf32>
        %mul3A_1133 = arith.mulf %add3A_1001, %get3A_1132 : vector<16xf32>
        %add3A_1134 = arith.addf %mul3A_1124, %mul3A_1133 : vector<16xf32>
        %add3A_1135 = arith.constant 1 : i32
        %add3A_1136 = arith.addi %mul3A_501, %add3A_1135 : i32
        %add3A_1137 = arith.constant 32 : i32
        %add3A_1138 = arith.addi %squeeze3A_1117, %add3A_1137 : i32
        %get3A_1139 = arith.index_cast %add3A_1136 : i32 to index
        %get3A_1140 = arith.index_cast %add3A_1138 : i32 to index
        %get3A_1141 = tpu.vector_load %arg14[%get3A_1139, %get3A_1140] {strides = array<i32>} : memref<96x128xf32, #tpu.memory_space<vmem>>, vector<1x16xf32>,
        %get3A_1142 = vector.shape_cast %get3A_1141 : vector<1x16xf32> to vector<16xf32>
        %mul3A_1143 = arith.mulf %add3A_1010, %get3A_1142 : vector<16xf32>
        %add3A_1144 = arith.addf %add3A_1134, %mul3A_1143 : vector<16xf32>
        %add3A_1145 = arith.constant 1 : i32
        %add3A_1146 = arith.addi %mul3A_501, %add3A_1145 : i32
        %add3A_1147 = arith.constant 48 : i32
        %add3A_1148 = arith.addi %squeeze3A_1117, %add3A_1147 : i32
        %get3A_1149 = arith.index_cast %add3A_1146 : i32 to index
        %get3A_1150 = arith.index_cast %add3A_1148 : i32 to index
        %get3A_1151 = tpu.vector_load %arg14[%get3A_1149, %get3A_1150] {strides = array<i32>} : memref<96x128xf32, #tpu.memory_space<vmem>>, vector<1x16xf32>,
        %get3A_1152 = vector.shape_cast %get3A_1151 : vector<1x16xf32> to vector<16xf32>
        %mul3A_1153 = arith.mulf %add3A_1019, %get3A_1152 : vector<16xf32>
        %add3A_1154 = arith.addf %add3A_1144, %mul3A_1153 : vector<16xf32>
        %xor3A_1155 = arith.constant 8 : i32
        %xor3A_1156 = vector.broadcast %xor3A_1155 : i32 to vector<16xi32>
        %xor3A_1157 = arith.xori %iota3A, %xor3A_1156 : vector<16xi32>
        %lt3A_1158 = arith.constant 0 : i32
        %lt3A_1159 = vector.broadcast %lt3A_1158 : i32 to vector<16xi32>
        %lt3A_1160 = arith.cmpi slt, %xor3A_1157, %lt3A_1159 : vector<16xi32>
        %add3A_1161 = arith.constant 16 : i32
        %add3A_1162 = vector.broadcast %add3A_1161 : i32 to vector<16xi32>
        %add3A_1163 = arith.addi %xor3A_1157, %add3A_1162 : vector<16xi32>
        %select_n3A_1164 = arith.select %lt3A_1160, %add3A_1163, %xor3A_1157 : vector<16xi1>, vector<16xi32>
        %broadcast_in_dim3A_1165 = vector.shape_cast %select_n3A_1164 : vector<16xi32> to vector<16x1xi32>
        %gather3A_1166 = vector.shape_cast %broadcast_in_dim3A_1165 : vector<16x1xi32> to vector<16xi32>
        %gather3A_1167 = tpu.dynamic_gather %add3A_1154[%gather3A_1166] in [0] : vector<16xf32>, vector<16xi32> -> vector<16xf32>
        %add3A_1168 = arith.addf %add3A_1154, %gather3A_1167 : vector<16xf32>
        %xor3A_1169 = arith.constant 4 : i32
        %xor3A_1170 = vector.broadcast %xor3A_1169 : i32 to vector<16xi32>
        %xor3A_1171 = arith.xori %iota3A, %xor3A_1170 : vector<16xi32>
        %lt3A_1172 = arith.constant 0 : i32
        %lt3A_1173 = vector.broadcast %lt3A_1172 : i32 to vector<16xi32>
        %lt3A_1174 = arith.cmpi slt, %xor3A_1171, %lt3A_1173 : vector<16xi32>
        %add3A_1175 = arith.constant 16 : i32
        %add3A_1176 = vector.broadcast %add3A_1175 : i32 to vector<16xi32>
        %add3A_1177 = arith.addi %xor3A_1171, %add3A_1176 : vector<16xi32>
        %select_n3A_1178 = arith.select %lt3A_1174, %add3A_1177, %xor3A_1171 : vector<16xi1>, vector<16xi32>
        %broadcast_in_dim3A_1179 = vector.shape_cast %select_n3A_1178 : vector<16xi32> to vector<16x1xi32>
        %gather3A_1180 = vector.shape_cast %broadcast_in_dim3A_1179 : vector<16x1xi32> to vector<16xi32>
        %gather3A_1181 = tpu.dynamic_gather %add3A_1168[%gather3A_1180] in [0] : vector<16xf32>, vector<16xi32> -> vector<16xf32>
        %add3A_1182 = arith.addf %add3A_1168, %gather3A_1181 : vector<16xf32>
        %xor3A_1183 = arith.constant 2 : i32
        %xor3A_1184 = vector.broadcast %xor3A_1183 : i32 to vector<16xi32>
        %xor3A_1185 = arith.xori %iota3A, %xor3A_1184 : vector<16xi32>
        %lt3A_1186 = arith.constant 0 : i32
        %lt3A_1187 = vector.broadcast %lt3A_1186 : i32 to vector<16xi32>
        %lt3A_1188 = arith.cmpi slt, %xor3A_1185, %lt3A_1187 : vector<16xi32>
        %add3A_1189 = arith.constant 16 : i32
        %add3A_1190 = vector.broadcast %add3A_1189 : i32 to vector<16xi32>
        %add3A_1191 = arith.addi %xor3A_1185, %add3A_1190 : vector<16xi32>
        %select_n3A_1192 = arith.select %lt3A_1188, %add3A_1191, %xor3A_1185 : vector<16xi1>, vector<16xi32>
        %broadcast_in_dim3A_1193 = vector.shape_cast %select_n3A_1192 : vector<16xi32> to vector<16x1xi32>
        %gather3A_1194 = vector.shape_cast %broadcast_in_dim3A_1193 : vector<16x1xi32> to vector<16xi32>
        %gather3A_1195 = tpu.dynamic_gather %add3A_1182[%gather3A_1194] in [0] : vector<16xf32>, vector<16xi32> -> vector<16xf32>
        %add3A_1196 = arith.addf %add3A_1182, %gather3A_1195 : vector<16xf32>
        %xor3A_1197 = arith.constant 1 : i32
        %xor3A_1198 = vector.broadcast %xor3A_1197 : i32 to vector<16xi32>
        %xor3A_1199 = arith.xori %iota3A, %xor3A_1198 : vector<16xi32>
        %lt3A_1200 = arith.constant 0 : i32
        %lt3A_1201 = vector.broadcast %lt3A_1200 : i32 to vector<16xi32>
        %lt3A_1202 = arith.cmpi slt, %xor3A_1199, %lt3A_1201 : vector<16xi32>
        %add3A_1203 = arith.constant 16 : i32
        %add3A_1204 = vector.broadcast %add3A_1203 : i32 to vector<16xi32>
        %add3A_1205 = arith.addi %xor3A_1199, %add3A_1204 : vector<16xi32>
        %select_n3A_1206 = arith.select %lt3A_1202, %add3A_1205, %xor3A_1199 : vector<16xi1>, vector<16xi32>
        %broadcast_in_dim3A_1207 = vector.shape_cast %select_n3A_1206 : vector<16xi32> to vector<16x1xi32>
        %gather3A_1208 = vector.shape_cast %broadcast_in_dim3A_1207 : vector<16x1xi32> to vector<16xi32>
        %gather3A_1209 = tpu.dynamic_gather %add3A_1196[%gather3A_1208] in [0] : vector<16xf32>, vector<16xi32> -> vector<16xf32>
        %add3A_1210 = arith.addf %add3A_1196, %gather3A_1209 : vector<16xf32>
        %neg3A = arith.constant 0.000000e+00 : f32
        %neg3A_1211 = vector.broadcast %neg3A : f32 to vector<16xf32>
        %neg3A_1212 = arith.subf %neg3A_1211, %add3A_1210 : vector<16xf32>
        %eq3A_1213 = arith.constant 1 : i32
        %eq3A_1214 = vector.broadcast %eq3A_1213 : i32 to vector<16xi32>
        %eq3A_1215 = arith.cmpi eq, %iota3A, %eq3A_1214 : vector<16xi32>
        %select_n3A_1216 = arith.select %eq3A_1215, %neg3A_1212, %select_n3A_1115 : vector<16xi1>, vector<16xf32>
        %slice3A_1217 = vector.extract_strided_slice %mul3A_497 {offsets = [2], sizes = [1], strides = [1]} : vector<16xi32> to vector<1xi32>
        %squeeze3A_1218 = vector.extract %slice3A_1217[0] : i32 from vector<1xi32>
        %add3A_1219 = arith.constant 2 : i32
        %add3A_1220 = arith.addi %mul3A_501, %add3A_1219 : i32
        %get3A_1221 = arith.index_cast %add3A_1220 : i32 to index
        %get3A_1222 = arith.index_cast %squeeze3A_1218 : i32 to index
        %get3A_1223 = tpu.vector_load %arg14[%get3A_1221, %get3A_1222] {strides = array<i32>} : memref<96x128xf32, #tpu.memory_space<vmem>>, vector<1x16xf32>,
        %get3A_1224 = vector.shape_cast %get3A_1223 : vector<1x16xf32> to vector<16xf32>
        %mul3A_1225 = arith.mulf %add3A_992, %get3A_1224 : vector<16xf32>
        %add3A_1226 = arith.constant 2 : i32
        %add3A_1227 = arith.addi %mul3A_501, %add3A_1226 : i32
        %add3A_1228 = arith.constant 16 : i32
        %add3A_1229 = arith.addi %squeeze3A_1218, %add3A_1228 : i32
        %get3A_1230 = arith.index_cast %add3A_1227 : i32 to index
        %get3A_1231 = arith.index_cast %add3A_1229 : i32 to index
        %get3A_1232 = tpu.vector_load %arg14[%get3A_1230, %get3A_1231] {strides = array<i32>} : memref<96x128xf32, #tpu.memory_space<vmem>>, vector<1x16xf32>,
        %get3A_1233 = vector.shape_cast %get3A_1232 : vector<1x16xf32> to vector<16xf32>
        %mul3A_1234 = arith.mulf %add3A_1001, %get3A_1233 : vector<16xf32>
        %add3A_1235 = arith.addf %mul3A_1225, %mul3A_1234 : vector<16xf32>
        %add3A_1236 = arith.constant 2 : i32
        %add3A_1237 = arith.addi %mul3A_501, %add3A_1236 : i32
        %add3A_1238 = arith.constant 32 : i32
        %add3A_1239 = arith.addi %squeeze3A_1218, %add3A_1238 : i32
        %get3A_1240 = arith.index_cast %add3A_1237 : i32 to index
        %get3A_1241 = arith.index_cast %add3A_1239 : i32 to index
        %get3A_1242 = tpu.vector_load %arg14[%get3A_1240, %get3A_1241] {strides = array<i32>} : memref<96x128xf32, #tpu.memory_space<vmem>>, vector<1x16xf32>,
        %get3A_1243 = vector.shape_cast %get3A_1242 : vector<1x16xf32> to vector<16xf32>
        %mul3A_1244 = arith.mulf %add3A_1010, %get3A_1243 : vector<16xf32>
        %add3A_1245 = arith.addf %add3A_1235, %mul3A_1244 : vector<16xf32>
        %add3A_1246 = arith.constant 2 : i32
        %add3A_1247 = arith.addi %mul3A_501, %add3A_1246 : i32
        %add3A_1248 = arith.constant 48 : i32
        %add3A_1249 = arith.addi %squeeze3A_1218, %add3A_1248 : i32
        %get3A_1250 = arith.index_cast %add3A_1247 : i32 to index
        %get3A_1251 = arith.index_cast %add3A_1249 : i32 to index
        %get3A_1252 = tpu.vector_load %arg14[%get3A_1250, %get3A_1251] {strides = array<i32>} : memref<96x128xf32, #tpu.memory_space<vmem>>, vector<1x16xf32>,
        %get3A_1253 = vector.shape_cast %get3A_1252 : vector<1x16xf32> to vector<16xf32>
        %mul3A_1254 = arith.mulf %add3A_1019, %get3A_1253 : vector<16xf32>
        %add3A_1255 = arith.addf %add3A_1245, %mul3A_1254 : vector<16xf32>
        %xor3A_1256 = arith.constant 8 : i32
        %xor3A_1257 = vector.broadcast %xor3A_1256 : i32 to vector<16xi32>
        %xor3A_1258 = arith.xori %iota3A, %xor3A_1257 : vector<16xi32>
        %lt3A_1259 = arith.constant 0 : i32
        %lt3A_1260 = vector.broadcast %lt3A_1259 : i32 to vector<16xi32>
        %lt3A_1261 = arith.cmpi slt, %xor3A_1258, %lt3A_1260 : vector<16xi32>
        %add3A_1262 = arith.constant 16 : i32
        %add3A_1263 = vector.broadcast %add3A_1262 : i32 to vector<16xi32>
        %add3A_1264 = arith.addi %xor3A_1258, %add3A_1263 : vector<16xi32>
        %select_n3A_1265 = arith.select %lt3A_1261, %add3A_1264, %xor3A_1258 : vector<16xi1>, vector<16xi32>
        %broadcast_in_dim3A_1266 = vector.shape_cast %select_n3A_1265 : vector<16xi32> to vector<16x1xi32>
        %gather3A_1267 = vector.shape_cast %broadcast_in_dim3A_1266 : vector<16x1xi32> to vector<16xi32>
        %gather3A_1268 = tpu.dynamic_gather %add3A_1255[%gather3A_1267] in [0] : vector<16xf32>, vector<16xi32> -> vector<16xf32>
        %add3A_1269 = arith.addf %add3A_1255, %gather3A_1268 : vector<16xf32>
        %xor3A_1270 = arith.constant 4 : i32
        %xor3A_1271 = vector.broadcast %xor3A_1270 : i32 to vector<16xi32>
        %xor3A_1272 = arith.xori %iota3A, %xor3A_1271 : vector<16xi32>
        %lt3A_1273 = arith.constant 0 : i32
        %lt3A_1274 = vector.broadcast %lt3A_1273 : i32 to vector<16xi32>
        %lt3A_1275 = arith.cmpi slt, %xor3A_1272, %lt3A_1274 : vector<16xi32>
        %add3A_1276 = arith.constant 16 : i32
        %add3A_1277 = vector.broadcast %add3A_1276 : i32 to vector<16xi32>
        %add3A_1278 = arith.addi %xor3A_1272, %add3A_1277 : vector<16xi32>
        %select_n3A_1279 = arith.select %lt3A_1275, %add3A_1278, %xor3A_1272 : vector<16xi1>, vector<16xi32>
        %broadcast_in_dim3A_1280 = vector.shape_cast %select_n3A_1279 : vector<16xi32> to vector<16x1xi32>
        %gather3A_1281 = vector.shape_cast %broadcast_in_dim3A_1280 : vector<16x1xi32> to vector<16xi32>
        %gather3A_1282 = tpu.dynamic_gather %add3A_1269[%gather3A_1281] in [0] : vector<16xf32>, vector<16xi32> -> vector<16xf32>
        %add3A_1283 = arith.addf %add3A_1269, %gather3A_1282 : vector<16xf32>
        %xor3A_1284 = arith.constant 2 : i32
        %xor3A_1285 = vector.broadcast %xor3A_1284 : i32 to vector<16xi32>
        %xor3A_1286 = arith.xori %iota3A, %xor3A_1285 : vector<16xi32>
        %lt3A_1287 = arith.constant 0 : i32
        %lt3A_1288 = vector.broadcast %lt3A_1287 : i32 to vector<16xi32>
        %lt3A_1289 = arith.cmpi slt, %xor3A_1286, %lt3A_1288 : vector<16xi32>
        %add3A_1290 = arith.constant 16 : i32
        %add3A_1291 = vector.broadcast %add3A_1290 : i32 to vector<16xi32>
        %add3A_1292 = arith.addi %xor3A_1286, %add3A_1291 : vector<16xi32>
        %select_n3A_1293 = arith.select %lt3A_1289, %add3A_1292, %xor3A_1286 : vector<16xi1>, vector<16xi32>
        %broadcast_in_dim3A_1294 = vector.shape_cast %select_n3A_1293 : vector<16xi32> to vector<16x1xi32>
        %gather3A_1295 = vector.shape_cast %broadcast_in_dim3A_1294 : vector<16x1xi32> to vector<16xi32>
        %gather3A_1296 = tpu.dynamic_gather %add3A_1283[%gather3A_1295] in [0] : vector<16xf32>, vector<16xi32> -> vector<16xf32>
        %add3A_1297 = arith.addf %add3A_1283, %gather3A_1296 : vector<16xf32>
        %xor3A_1298 = arith.constant 1 : i32
        %xor3A_1299 = vector.broadcast %xor3A_1298 : i32 to vector<16xi32>
        %xor3A_1300 = arith.xori %iota3A, %xor3A_1299 : vector<16xi32>
        %lt3A_1301 = arith.constant 0 : i32
        %lt3A_1302 = vector.broadcast %lt3A_1301 : i32 to vector<16xi32>
        %lt3A_1303 = arith.cmpi slt, %xor3A_1300, %lt3A_1302 : vector<16xi32>
        %add3A_1304 = arith.constant 16 : i32
        %add3A_1305 = vector.broadcast %add3A_1304 : i32 to vector<16xi32>
        %add3A_1306 = arith.addi %xor3A_1300, %add3A_1305 : vector<16xi32>
        %select_n3A_1307 = arith.select %lt3A_1303, %add3A_1306, %xor3A_1300 : vector<16xi1>, vector<16xi32>
        %broadcast_in_dim3A_1308 = vector.shape_cast %select_n3A_1307 : vector<16xi32> to vector<16x1xi32>
        %gather3A_1309 = vector.shape_cast %broadcast_in_dim3A_1308 : vector<16x1xi32> to vector<16xi32>
        %gather3A_1310 = tpu.dynamic_gather %add3A_1297[%gather3A_1309] in [0] : vector<16xf32>, vector<16xi32> -> vector<16xf32>
        %add3A_1311 = arith.addf %add3A_1297, %gather3A_1310 : vector<16xf32>
        %neg3A_1312 = arith.constant 0.000000e+00 : f32
        %neg3A_1313 = vector.broadcast %neg3A_1312 : f32 to vector<16xf32>
        %neg3A_1314 = arith.subf %neg3A_1313, %add3A_1311 : vector<16xf32>
        %eq3A_1315 = arith.constant 2 : i32
        %eq3A_1316 = vector.broadcast %eq3A_1315 : i32 to vector<16xi32>
        %eq3A_1317 = arith.cmpi eq, %iota3A, %eq3A_1316 : vector<16xi32>
        %select_n3A_1318 = arith.select %eq3A_1317, %neg3A_1314, %select_n3A_1216 : vector<16xi1>, vector<16xf32>
        %slice3A_1319 = vector.extract_strided_slice %mul3A_497 {offsets = [3], sizes = [1], strides = [1]} : vector<16xi32> to vector<1xi32>
        %squeeze3A_1320 = vector.extract %slice3A_1319[0] : i32 from vector<1xi32>
        %add3A_1321 = arith.constant 3 : i32
        %add3A_1322 = arith.addi %mul3A_501, %add3A_1321 : i32
        %get3A_1323 = arith.index_cast %add3A_1322 : i32 to index
        %get3A_1324 = arith.index_cast %squeeze3A_1320 : i32 to index
        %get3A_1325 = tpu.vector_load %arg14[%get3A_1323, %get3A_1324] {strides = array<i32>} : memref<96x128xf32, #tpu.memory_space<vmem>>, vector<1x16xf32>,
        %get3A_1326 = vector.shape_cast %get3A_1325 : vector<1x16xf32> to vector<16xf32>
        %mul3A_1327 = arith.mulf %add3A_992, %get3A_1326 : vector<16xf32>
        %add3A_1328 = arith.constant 3 : i32
        %add3A_1329 = arith.addi %mul3A_501, %add3A_1328 : i32
        %add3A_1330 = arith.constant 16 : i32
        %add3A_1331 = arith.addi %squeeze3A_1320, %add3A_1330 : i32
        %get3A_1332 = arith.index_cast %add3A_1329 : i32 to index
        %get3A_1333 = arith.index_cast %add3A_1331 : i32 to index
        %get3A_1334 = tpu.vector_load %arg14[%get3A_1332, %get3A_1333] {strides = array<i32>} : memref<96x128xf32, #tpu.memory_space<vmem>>, vector<1x16xf32>,
        %get3A_1335 = vector.shape_cast %get3A_1334 : vector<1x16xf32> to vector<16xf32>
        %mul3A_1336 = arith.mulf %add3A_1001, %get3A_1335 : vector<16xf32>
        %add3A_1337 = arith.addf %mul3A_1327, %mul3A_1336 : vector<16xf32>
        %add3A_1338 = arith.constant 3 : i32
        %add3A_1339 = arith.addi %mul3A_501, %add3A_1338 : i32
        %add3A_1340 = arith.constant 32 : i32
        %add3A_1341 = arith.addi %squeeze3A_1320, %add3A_1340 : i32
        %get3A_1342 = arith.index_cast %add3A_1339 : i32 to index
        %get3A_1343 = arith.index_cast %add3A_1341 : i32 to index
        %get3A_1344 = tpu.vector_load %arg14[%get3A_1342, %get3A_1343] {strides = array<i32>} : memref<96x128xf32, #tpu.memory_space<vmem>>, vector<1x16xf32>,
        %get3A_1345 = vector.shape_cast %get3A_1344 : vector<1x16xf32> to vector<16xf32>
        %mul3A_1346 = arith.mulf %add3A_1010, %get3A_1345 : vector<16xf32>
        %add3A_1347 = arith.addf %add3A_1337, %mul3A_1346 : vector<16xf32>
        %add3A_1348 = arith.constant 3 : i32
        %add3A_1349 = arith.addi %mul3A_501, %add3A_1348 : i32
        %add3A_1350 = arith.constant 48 : i32
        %add3A_1351 = arith.addi %squeeze3A_1320, %add3A_1350 : i32
        %get3A_1352 = arith.index_cast %add3A_1349 : i32 to index
        %get3A_1353 = arith.index_cast %add3A_1351 : i32 to index
        %get3A_1354 = tpu.vector_load %arg14[%get3A_1352, %get3A_1353] {strides = array<i32>} : memref<96x128xf32, #tpu.memory_space<vmem>>, vector<1x16xf32>,
        %get3A_1355 = vector.shape_cast %get3A_1354 : vector<1x16xf32> to vector<16xf32>
        %mul3A_1356 = arith.mulf %add3A_1019, %get3A_1355 : vector<16xf32>
        %add3A_1357 = arith.addf %add3A_1347, %mul3A_1356 : vector<16xf32>
        %xor3A_1358 = arith.constant 8 : i32
        %xor3A_1359 = vector.broadcast %xor3A_1358 : i32 to vector<16xi32>
        %xor3A_1360 = arith.xori %iota3A, %xor3A_1359 : vector<16xi32>
        %lt3A_1361 = arith.constant 0 : i32
        %lt3A_1362 = vector.broadcast %lt3A_1361 : i32 to vector<16xi32>
        %lt3A_1363 = arith.cmpi slt, %xor3A_1360, %lt3A_1362 : vector<16xi32>
        %add3A_1364 = arith.constant 16 : i32
        %add3A_1365 = vector.broadcast %add3A_1364 : i32 to vector<16xi32>
        %add3A_1366 = arith.addi %xor3A_1360, %add3A_1365 : vector<16xi32>
        %select_n3A_1367 = arith.select %lt3A_1363, %add3A_1366, %xor3A_1360 : vector<16xi1>, vector<16xi32>
        %broadcast_in_dim3A_1368 = vector.shape_cast %select_n3A_1367 : vector<16xi32> to vector<16x1xi32>
        %gather3A_1369 = vector.shape_cast %broadcast_in_dim3A_1368 : vector<16x1xi32> to vector<16xi32>
        %gather3A_1370 = tpu.dynamic_gather %add3A_1357[%gather3A_1369] in [0] : vector<16xf32>, vector<16xi32> -> vector<16xf32>
        %add3A_1371 = arith.addf %add3A_1357, %gather3A_1370 : vector<16xf32>
        %xor3A_1372 = arith.constant 4 : i32
        %xor3A_1373 = vector.broadcast %xor3A_1372 : i32 to vector<16xi32>
        %xor3A_1374 = arith.xori %iota3A, %xor3A_1373 : vector<16xi32>
        %lt3A_1375 = arith.constant 0 : i32
        %lt3A_1376 = vector.broadcast %lt3A_1375 : i32 to vector<16xi32>
        %lt3A_1377 = arith.cmpi slt, %xor3A_1374, %lt3A_1376 : vector<16xi32>
        %add3A_1378 = arith.constant 16 : i32
        %add3A_1379 = vector.broadcast %add3A_1378 : i32 to vector<16xi32>
        %add3A_1380 = arith.addi %xor3A_1374, %add3A_1379 : vector<16xi32>
        %select_n3A_1381 = arith.select %lt3A_1377, %add3A_1380, %xor3A_1374 : vector<16xi1>, vector<16xi32>
        %broadcast_in_dim3A_1382 = vector.shape_cast %select_n3A_1381 : vector<16xi32> to vector<16x1xi32>
        %gather3A_1383 = vector.shape_cast %broadcast_in_dim3A_1382 : vector<16x1xi32> to vector<16xi32>
        %gather3A_1384 = tpu.dynamic_gather %add3A_1371[%gather3A_1383] in [0] : vector<16xf32>, vector<16xi32> -> vector<16xf32>
        %add3A_1385 = arith.addf %add3A_1371, %gather3A_1384 : vector<16xf32>
        %xor3A_1386 = arith.constant 2 : i32
        %xor3A_1387 = vector.broadcast %xor3A_1386 : i32 to vector<16xi32>
        %xor3A_1388 = arith.xori %iota3A, %xor3A_1387 : vector<16xi32>
        %lt3A_1389 = arith.constant 0 : i32
        %lt3A_1390 = vector.broadcast %lt3A_1389 : i32 to vector<16xi32>
        %lt3A_1391 = arith.cmpi slt, %xor3A_1388, %lt3A_1390 : vector<16xi32>
        %add3A_1392 = arith.constant 16 : i32
        %add3A_1393 = vector.broadcast %add3A_1392 : i32 to vector<16xi32>
        %add3A_1394 = arith.addi %xor3A_1388, %add3A_1393 : vector<16xi32>
        %select_n3A_1395 = arith.select %lt3A_1391, %add3A_1394, %xor3A_1388 : vector<16xi1>, vector<16xi32>
        %broadcast_in_dim3A_1396 = vector.shape_cast %select_n3A_1395 : vector<16xi32> to vector<16x1xi32>
        %gather3A_1397 = vector.shape_cast %broadcast_in_dim3A_1396 : vector<16x1xi32> to vector<16xi32>
        %gather3A_1398 = tpu.dynamic_gather %add3A_1385[%gather3A_1397] in [0] : vector<16xf32>, vector<16xi32> -> vector<16xf32>
        %add3A_1399 = arith.addf %add3A_1385, %gather3A_1398 : vector<16xf32>
        %xor3A_1400 = arith.constant 1 : i32
        %xor3A_1401 = vector.broadcast %xor3A_1400 : i32 to vector<16xi32>
        %xor3A_1402 = arith.xori %iota3A, %xor3A_1401 : vector<16xi32>
        %lt3A_1403 = arith.constant 0 : i32
        %lt3A_1404 = vector.broadcast %lt3A_1403 : i32 to vector<16xi32>
        %lt3A_1405 = arith.cmpi slt, %xor3A_1402, %lt3A_1404 : vector<16xi32>
        %add3A_1406 = arith.constant 16 : i32
        %add3A_1407 = vector.broadcast %add3A_1406 : i32 to vector<16xi32>
        %add3A_1408 = arith.addi %xor3A_1402, %add3A_1407 : vector<16xi32>
        %select_n3A_1409 = arith.select %lt3A_1405, %add3A_1408, %xor3A_1402 : vector<16xi1>, vector<16xi32>
        %broadcast_in_dim3A_1410 = vector.shape_cast %select_n3A_1409 : vector<16xi32> to vector<16x1xi32>
        %gather3A_1411 = vector.shape_cast %broadcast_in_dim3A_1410 : vector<16x1xi32> to vector<16xi32>
        %gather3A_1412 = tpu.dynamic_gather %add3A_1399[%gather3A_1411] in [0] : vector<16xf32>, vector<16xi32> -> vector<16xf32>
        %add3A_1413 = arith.addf %add3A_1399, %gather3A_1412 : vector<16xf32>
        %neg3A_1414 = arith.constant 0.000000e+00 : f32
        %neg3A_1415 = vector.broadcast %neg3A_1414 : f32 to vector<16xf32>
        %neg3A_1416 = arith.subf %neg3A_1415, %add3A_1413 : vector<16xf32>
        %eq3A_1417 = arith.constant 3 : i32
        %eq3A_1418 = vector.broadcast %eq3A_1417 : i32 to vector<16xi32>
        %eq3A_1419 = arith.cmpi eq, %iota3A, %eq3A_1418 : vector<16xi32>
        %select_n3A_1420 = arith.select %eq3A_1419, %neg3A_1416, %select_n3A_1318 : vector<16xi1>, vector<16xf32>
        %slice3A_1421 = vector.extract_strided_slice %mul3A_497 {offsets = [4], sizes = [1], strides = [1]} : vector<16xi32> to vector<1xi32>
        %squeeze3A_1422 = vector.extract %slice3A_1421[0] : i32 from vector<1xi32>
        %add3A_1423 = arith.constant 4 : i32
        %add3A_1424 = arith.addi %mul3A_501, %add3A_1423 : i32
        %get3A_1425 = arith.index_cast %add3A_1424 : i32 to index
        %get3A_1426 = arith.index_cast %squeeze3A_1422 : i32 to index
        %get3A_1427 = tpu.vector_load %arg14[%get3A_1425, %get3A_1426] {strides = array<i32>} : memref<96x128xf32, #tpu.memory_space<vmem>>, vector<1x16xf32>,
        %get3A_1428 = vector.shape_cast %get3A_1427 : vector<1x16xf32> to vector<16xf32>
        %mul3A_1429 = arith.mulf %add3A_992, %get3A_1428 : vector<16xf32>
        %add3A_1430 = arith.constant 4 : i32
        %add3A_1431 = arith.addi %mul3A_501, %add3A_1430 : i32
        %add3A_1432 = arith.constant 16 : i32
        %add3A_1433 = arith.addi %squeeze3A_1422, %add3A_1432 : i32
        %get3A_1434 = arith.index_cast %add3A_1431 : i32 to index
        %get3A_1435 = arith.index_cast %add3A_1433 : i32 to index
        %get3A_1436 = tpu.vector_load %arg14[%get3A_1434, %get3A_1435] {strides = array<i32>} : memref<96x128xf32, #tpu.memory_space<vmem>>, vector<1x16xf32>,
        %get3A_1437 = vector.shape_cast %get3A_1436 : vector<1x16xf32> to vector<16xf32>
        %mul3A_1438 = arith.mulf %add3A_1001, %get3A_1437 : vector<16xf32>
        %add3A_1439 = arith.addf %mul3A_1429, %mul3A_1438 : vector<16xf32>
        %add3A_1440 = arith.constant 4 : i32
        %add3A_1441 = arith.addi %mul3A_501, %add3A_1440 : i32
        %add3A_1442 = arith.constant 32 : i32
        %add3A_1443 = arith.addi %squeeze3A_1422, %add3A_1442 : i32
        %get3A_1444 = arith.index_cast %add3A_1441 : i32 to index
        %get3A_1445 = arith.index_cast %add3A_1443 : i32 to index
        %get3A_1446 = tpu.vector_load %arg14[%get3A_1444, %get3A_1445] {strides = array<i32>} : memref<96x128xf32, #tpu.memory_space<vmem>>, vector<1x16xf32>,
        %get3A_1447 = vector.shape_cast %get3A_1446 : vector<1x16xf32> to vector<16xf32>
        %mul3A_1448 = arith.mulf %add3A_1010, %get3A_1447 : vector<16xf32>
        %add3A_1449 = arith.addf %add3A_1439, %mul3A_1448 : vector<16xf32>
        %add3A_1450 = arith.constant 4 : i32
        %add3A_1451 = arith.addi %mul3A_501, %add3A_1450 : i32
        %add3A_1452 = arith.constant 48 : i32
        %add3A_1453 = arith.addi %squeeze3A_1422, %add3A_1452 : i32
        %get3A_1454 = arith.index_cast %add3A_1451 : i32 to index
        %get3A_1455 = arith.index_cast %add3A_1453 : i32 to index
        %get3A_1456 = tpu.vector_load %arg14[%get3A_1454, %get3A_1455] {strides = array<i32>} : memref<96x128xf32, #tpu.memory_space<vmem>>, vector<1x16xf32>,
        %get3A_1457 = vector.shape_cast %get3A_1456 : vector<1x16xf32> to vector<16xf32>
        %mul3A_1458 = arith.mulf %add3A_1019, %get3A_1457 : vector<16xf32>
        %add3A_1459 = arith.addf %add3A_1449, %mul3A_1458 : vector<16xf32>
        %xor3A_1460 = arith.constant 8 : i32
        %xor3A_1461 = vector.broadcast %xor3A_1460 : i32 to vector<16xi32>
        %xor3A_1462 = arith.xori %iota3A, %xor3A_1461 : vector<16xi32>
        %lt3A_1463 = arith.constant 0 : i32
        %lt3A_1464 = vector.broadcast %lt3A_1463 : i32 to vector<16xi32>
        %lt3A_1465 = arith.cmpi slt, %xor3A_1462, %lt3A_1464 : vector<16xi32>
        %add3A_1466 = arith.constant 16 : i32
        %add3A_1467 = vector.broadcast %add3A_1466 : i32 to vector<16xi32>
        %add3A_1468 = arith.addi %xor3A_1462, %add3A_1467 : vector<16xi32>
        %select_n3A_1469 = arith.select %lt3A_1465, %add3A_1468, %xor3A_1462 : vector<16xi1>, vector<16xi32>
        %broadcast_in_dim3A_1470 = vector.shape_cast %select_n3A_1469 : vector<16xi32> to vector<16x1xi32>
        %gather3A_1471 = vector.shape_cast %broadcast_in_dim3A_1470 : vector<16x1xi32> to vector<16xi32>
        %gather3A_1472 = tpu.dynamic_gather %add3A_1459[%gather3A_1471] in [0] : vector<16xf32>, vector<16xi32> -> vector<16xf32>
        %add3A_1473 = arith.addf %add3A_1459, %gather3A_1472 : vector<16xf32>
        %xor3A_1474 = arith.constant 4 : i32
        %xor3A_1475 = vector.broadcast %xor3A_1474 : i32 to vector<16xi32>
        %xor3A_1476 = arith.xori %iota3A, %xor3A_1475 : vector<16xi32>
        %lt3A_1477 = arith.constant 0 : i32
        %lt3A_1478 = vector.broadcast %lt3A_1477 : i32 to vector<16xi32>
        %lt3A_1479 = arith.cmpi slt, %xor3A_1476, %lt3A_1478 : vector<16xi32>
        %add3A_1480 = arith.constant 16 : i32
        %add3A_1481 = vector.broadcast %add3A_1480 : i32 to vector<16xi32>
        %add3A_1482 = arith.addi %xor3A_1476, %add3A_1481 : vector<16xi32>
        %select_n3A_1483 = arith.select %lt3A_1479, %add3A_1482, %xor3A_1476 : vector<16xi1>, vector<16xi32>
        %broadcast_in_dim3A_1484 = vector.shape_cast %select_n3A_1483 : vector<16xi32> to vector<16x1xi32>
        %gather3A_1485 = vector.shape_cast %broadcast_in_dim3A_1484 : vector<16x1xi32> to vector<16xi32>
        %gather3A_1486 = tpu.dynamic_gather %add3A_1473[%gather3A_1485] in [0] : vector<16xf32>, vector<16xi32> -> vector<16xf32>
        %add3A_1487 = arith.addf %add3A_1473, %gather3A_1486 : vector<16xf32>
        %xor3A_1488 = arith.constant 2 : i32
        %xor3A_1489 = vector.broadcast %xor3A_1488 : i32 to vector<16xi32>
        %xor3A_1490 = arith.xori %iota3A, %xor3A_1489 : vector<16xi32>
        %lt3A_1491 = arith.constant 0 : i32
        %lt3A_1492 = vector.broadcast %lt3A_1491 : i32 to vector<16xi32>
        %lt3A_1493 = arith.cmpi slt, %xor3A_1490, %lt3A_1492 : vector<16xi32>
        %add3A_1494 = arith.constant 16 : i32
        %add3A_1495 = vector.broadcast %add3A_1494 : i32 to vector<16xi32>
        %add3A_1496 = arith.addi %xor3A_1490, %add3A_1495 : vector<16xi32>
        %select_n3A_1497 = arith.select %lt3A_1493, %add3A_1496, %xor3A_1490 : vector<16xi1>, vector<16xi32>
        %broadcast_in_dim3A_1498 = vector.shape_cast %select_n3A_1497 : vector<16xi32> to vector<16x1xi32>
        %gather3A_1499 = vector.shape_cast %broadcast_in_dim3A_1498 : vector<16x1xi32> to vector<16xi32>
        %gather3A_1500 = tpu.dynamic_gather %add3A_1487[%gather3A_1499] in [0] : vector<16xf32>, vector<16xi32> -> vector<16xf32>
        %add3A_1501 = arith.addf %add3A_1487, %gather3A_1500 : vector<16xf32>
        %xor3A_1502 = arith.constant 1 : i32
        %xor3A_1503 = vector.broadcast %xor3A_1502 : i32 to vector<16xi32>
        %xor3A_1504 = arith.xori %iota3A, %xor3A_1503 : vector<16xi32>
        %lt3A_1505 = arith.constant 0 : i32
        %lt3A_1506 = vector.broadcast %lt3A_1505 : i32 to vector<16xi32>
        %lt3A_1507 = arith.cmpi slt, %xor3A_1504, %lt3A_1506 : vector<16xi32>
        %add3A_1508 = arith.constant 16 : i32
        %add3A_1509 = vector.broadcast %add3A_1508 : i32 to vector<16xi32>
        %add3A_1510 = arith.addi %xor3A_1504, %add3A_1509 : vector<16xi32>
        %select_n3A_1511 = arith.select %lt3A_1507, %add3A_1510, %xor3A_1504 : vector<16xi1>, vector<16xi32>
        %broadcast_in_dim3A_1512 = vector.shape_cast %select_n3A_1511 : vector<16xi32> to vector<16x1xi32>
        %gather3A_1513 = vector.shape_cast %broadcast_in_dim3A_1512 : vector<16x1xi32> to vector<16xi32>
        %gather3A_1514 = tpu.dynamic_gather %add3A_1501[%gather3A_1513] in [0] : vector<16xf32>, vector<16xi32> -> vector<16xf32>
        %add3A_1515 = arith.addf %add3A_1501, %gather3A_1514 : vector<16xf32>
        %neg3A_1516 = arith.constant 0.000000e+00 : f32
        %neg3A_1517 = vector.broadcast %neg3A_1516 : f32 to vector<16xf32>
        %neg3A_1518 = arith.subf %neg3A_1517, %add3A_1515 : vector<16xf32>
        %eq3A_1519 = arith.constant 4 : i32
        %eq3A_1520 = vector.broadcast %eq3A_1519 : i32 to vector<16xi32>
        %eq3A_1521 = arith.cmpi eq, %iota3A, %eq3A_1520 : vector<16xi32>
        %select_n3A_1522 = arith.select %eq3A_1521, %neg3A_1518, %select_n3A_1420 : vector<16xi1>, vector<16xf32>
        %slice3A_1523 = vector.extract_strided_slice %mul3A_497 {offsets = [5], sizes = [1], strides = [1]} : vector<16xi32> to vector<1xi32>
        %squeeze3A_1524 = vector.extract %slice3A_1523[0] : i32 from vector<1xi32>
        %add3A_1525 = arith.constant 5 : i32
        %add3A_1526 = arith.addi %mul3A_501, %add3A_1525 : i32
        %get3A_1527 = arith.index_cast %add3A_1526 : i32 to index
        %get3A_1528 = arith.index_cast %squeeze3A_1524 : i32 to index
        %get3A_1529 = tpu.vector_load %arg14[%get3A_1527, %get3A_1528] {strides = array<i32>} : memref<96x128xf32, #tpu.memory_space<vmem>>, vector<1x16xf32>,
        %get3A_1530 = vector.shape_cast %get3A_1529 : vector<1x16xf32> to vector<16xf32>
        %mul3A_1531 = arith.mulf %add3A_992, %get3A_1530 : vector<16xf32>
        %add3A_1532 = arith.constant 5 : i32
        %add3A_1533 = arith.addi %mul3A_501, %add3A_1532 : i32
        %add3A_1534 = arith.constant 16 : i32
        %add3A_1535 = arith.addi %squeeze3A_1524, %add3A_1534 : i32
        %get3A_1536 = arith.index_cast %add3A_1533 : i32 to index
        %get3A_1537 = arith.index_cast %add3A_1535 : i32 to index
        %get3A_1538 = tpu.vector_load %arg14[%get3A_1536, %get3A_1537] {strides = array<i32>} : memref<96x128xf32, #tpu.memory_space<vmem>>, vector<1x16xf32>,
        %get3A_1539 = vector.shape_cast %get3A_1538 : vector<1x16xf32> to vector<16xf32>
        %mul3A_1540 = arith.mulf %add3A_1001, %get3A_1539 : vector<16xf32>
        %add3A_1541 = arith.addf %mul3A_1531, %mul3A_1540 : vector<16xf32>
        %add3A_1542 = arith.constant 5 : i32
        %add3A_1543 = arith.addi %mul3A_501, %add3A_1542 : i32
        %add3A_1544 = arith.constant 32 : i32
        %add3A_1545 = arith.addi %squeeze3A_1524, %add3A_1544 : i32
        %get3A_1546 = arith.index_cast %add3A_1543 : i32 to index
        %get3A_1547 = arith.index_cast %add3A_1545 : i32 to index
        %get3A_1548 = tpu.vector_load %arg14[%get3A_1546, %get3A_1547] {strides = array<i32>} : memref<96x128xf32, #tpu.memory_space<vmem>>, vector<1x16xf32>,
        %get3A_1549 = vector.shape_cast %get3A_1548 : vector<1x16xf32> to vector<16xf32>
        %mul3A_1550 = arith.mulf %add3A_1010, %get3A_1549 : vector<16xf32>
        %add3A_1551 = arith.addf %add3A_1541, %mul3A_1550 : vector<16xf32>
        %add3A_1552 = arith.constant 5 : i32
        %add3A_1553 = arith.addi %mul3A_501, %add3A_1552 : i32
        %add3A_1554 = arith.constant 48 : i32
        %add3A_1555 = arith.addi %squeeze3A_1524, %add3A_1554 : i32
        %get3A_1556 = arith.index_cast %add3A_1553 : i32 to index
        %get3A_1557 = arith.index_cast %add3A_1555 : i32 to index
        %get3A_1558 = tpu.vector_load %arg14[%get3A_1556, %get3A_1557] {strides = array<i32>} : memref<96x128xf32, #tpu.memory_space<vmem>>, vector<1x16xf32>,
        %get3A_1559 = vector.shape_cast %get3A_1558 : vector<1x16xf32> to vector<16xf32>
        %mul3A_1560 = arith.mulf %add3A_1019, %get3A_1559 : vector<16xf32>
        %add3A_1561 = arith.addf %add3A_1551, %mul3A_1560 : vector<16xf32>
        %xor3A_1562 = arith.constant 8 : i32
        %xor3A_1563 = vector.broadcast %xor3A_1562 : i32 to vector<16xi32>
        %xor3A_1564 = arith.xori %iota3A, %xor3A_1563 : vector<16xi32>
        %lt3A_1565 = arith.constant 0 : i32
        %lt3A_1566 = vector.broadcast %lt3A_1565 : i32 to vector<16xi32>
        %lt3A_1567 = arith.cmpi slt, %xor3A_1564, %lt3A_1566 : vector<16xi32>
        %add3A_1568 = arith.constant 16 : i32
        %add3A_1569 = vector.broadcast %add3A_1568 : i32 to vector<16xi32>
        %add3A_1570 = arith.addi %xor3A_1564, %add3A_1569 : vector<16xi32>
        %select_n3A_1571 = arith.select %lt3A_1567, %add3A_1570, %xor3A_1564 : vector<16xi1>, vector<16xi32>
        %broadcast_in_dim3A_1572 = vector.shape_cast %select_n3A_1571 : vector<16xi32> to vector<16x1xi32>
        %gather3A_1573 = vector.shape_cast %broadcast_in_dim3A_1572 : vector<16x1xi32> to vector<16xi32>
        %gather3A_1574 = tpu.dynamic_gather %add3A_1561[%gather3A_1573] in [0] : vector<16xf32>, vector<16xi32> -> vector<16xf32>
        %add3A_1575 = arith.addf %add3A_1561, %gather3A_1574 : vector<16xf32>
        %xor3A_1576 = arith.constant 4 : i32
        %xor3A_1577 = vector.broadcast %xor3A_1576 : i32 to vector<16xi32>
        %xor3A_1578 = arith.xori %iota3A, %xor3A_1577 : vector<16xi32>
        %lt3A_1579 = arith.constant 0 : i32
        %lt3A_1580 = vector.broadcast %lt3A_1579 : i32 to vector<16xi32>
        %lt3A_1581 = arith.cmpi slt, %xor3A_1578, %lt3A_1580 : vector<16xi32>
        %add3A_1582 = arith.constant 16 : i32
        %add3A_1583 = vector.broadcast %add3A_1582 : i32 to vector<16xi32>
        %add3A_1584 = arith.addi %xor3A_1578, %add3A_1583 : vector<16xi32>
        %select_n3A_1585 = arith.select %lt3A_1581, %add3A_1584, %xor3A_1578 : vector<16xi1>, vector<16xi32>
        %broadcast_in_dim3A_1586 = vector.shape_cast %select_n3A_1585 : vector<16xi32> to vector<16x1xi32>
        %gather3A_1587 = vector.shape_cast %broadcast_in_dim3A_1586 : vector<16x1xi32> to vector<16xi32>
        %gather3A_1588 = tpu.dynamic_gather %add3A_1575[%gather3A_1587] in [0] : vector<16xf32>, vector<16xi32> -> vector<16xf32>
        %add3A_1589 = arith.addf %add3A_1575, %gather3A_1588 : vector<16xf32>
        %xor3A_1590 = arith.constant 2 : i32
        %xor3A_1591 = vector.broadcast %xor3A_1590 : i32 to vector<16xi32>
        %xor3A_1592 = arith.xori %iota3A, %xor3A_1591 : vector<16xi32>
        %lt3A_1593 = arith.constant 0 : i32
        %lt3A_1594 = vector.broadcast %lt3A_1593 : i32 to vector<16xi32>
        %lt3A_1595 = arith.cmpi slt, %xor3A_1592, %lt3A_1594 : vector<16xi32>
        %add3A_1596 = arith.constant 16 : i32
        %add3A_1597 = vector.broadcast %add3A_1596 : i32 to vector<16xi32>
        %add3A_1598 = arith.addi %xor3A_1592, %add3A_1597 : vector<16xi32>
        %select_n3A_1599 = arith.select %lt3A_1595, %add3A_1598, %xor3A_1592 : vector<16xi1>, vector<16xi32>
        %broadcast_in_dim3A_1600 = vector.shape_cast %select_n3A_1599 : vector<16xi32> to vector<16x1xi32>
        %gather3A_1601 = vector.shape_cast %broadcast_in_dim3A_1600 : vector<16x1xi32> to vector<16xi32>
        %gather3A_1602 = tpu.dynamic_gather %add3A_1589[%gather3A_1601] in [0] : vector<16xf32>, vector<16xi32> -> vector<16xf32>
        %add3A_1603 = arith.addf %add3A_1589, %gather3A_1602 : vector<16xf32>
        %xor3A_1604 = arith.constant 1 : i32
        %xor3A_1605 = vector.broadcast %xor3A_1604 : i32 to vector<16xi32>
        %xor3A_1606 = arith.xori %iota3A, %xor3A_1605 : vector<16xi32>
        %lt3A_1607 = arith.constant 0 : i32
        %lt3A_1608 = vector.broadcast %lt3A_1607 : i32 to vector<16xi32>
        %lt3A_1609 = arith.cmpi slt, %xor3A_1606, %lt3A_1608 : vector<16xi32>
        %add3A_1610 = arith.constant 16 : i32
        %add3A_1611 = vector.broadcast %add3A_1610 : i32 to vector<16xi32>
        %add3A_1612 = arith.addi %xor3A_1606, %add3A_1611 : vector<16xi32>
        %select_n3A_1613 = arith.select %lt3A_1609, %add3A_1612, %xor3A_1606 : vector<16xi1>, vector<16xi32>
        %broadcast_in_dim3A_1614 = vector.shape_cast %select_n3A_1613 : vector<16xi32> to vector<16x1xi32>
        %gather3A_1615 = vector.shape_cast %broadcast_in_dim3A_1614 : vector<16x1xi32> to vector<16xi32>
        %gather3A_1616 = tpu.dynamic_gather %add3A_1603[%gather3A_1615] in [0] : vector<16xf32>, vector<16xi32> -> vector<16xf32>
        %add3A_1617 = arith.addf %add3A_1603, %gather3A_1616 : vector<16xf32>
        %neg3A_1618 = arith.constant 0.000000e+00 : f32
        %neg3A_1619 = vector.broadcast %neg3A_1618 : f32 to vector<16xf32>
        %neg3A_1620 = arith.subf %neg3A_1619, %add3A_1617 : vector<16xf32>
        %eq3A_1621 = arith.constant 5 : i32
        %eq3A_1622 = vector.broadcast %eq3A_1621 : i32 to vector<16xi32>
        %eq3A_1623 = arith.cmpi eq, %iota3A, %eq3A_1622 : vector<16xi32>
        %select_n3A_1624 = arith.select %eq3A_1623, %neg3A_1620, %select_n3A_1522 : vector<16xi1>, vector<16xf32>
        %mul3A_1625 = arith.constant 16 : i32
        %mul3A_1626 = arith.muli %add3A_476, %mul3A_1625 : i32
        %swap3A_1627 = arith.index_cast %mul3A_1626 : i32 to index
        %swap3A_1628 = tpu.vector_load %arg17[%swap3A_1627] {strides = array<i32>} : memref<8192xf32, #tpu.memory_space<vmem>>, vector<16xf32>,
        %swap3A_1629 = vector.shape_cast %swap3A_1628 : vector<16xf32> to vector<16xf32>
        %swap3A_1630 = vector.shape_cast %select_n3A_1624 : vector<16xf32> to vector<16xf32>
        tpu.vector_store %arg17[%swap3A_1627], %swap3A_1630 {strides = array<i32>} : memref<8192xf32, #tpu.memory_space<vmem>>, vector<16xf32>,
      }
      %scan3A_465 = arith.constant 16 : i32
      %add3A_466 = arith.constant 3 : i32
      %add3A_467 = arith.addi %mul3A_424, %add3A_466 : i32
      %lt3A_468 = arith.constant 32 : i32
      %lt3A_469 = arith.cmpi slt, %add3A_467, %lt3A_468 : i32
      %convert_element_type3A_470 = arith.extui %lt3A_469 : i1 to i32
      %cond3A_471 = arith.constant 0 : i32
      %cond3A_472 = arith.cmpi ne, %convert_element_type3A_470, %cond3A_471 : i32
      scf.if %cond3A_472 {
        %add3A_473 = arith.constant 3 : i32
        %add3A_474 = arith.addi %mul3A_424, %add3A_473 : i32
        %mul3A_475 = arith.constant 96 : i32
        %mul3A_476 = arith.muli %add3A_474, %mul3A_475 : i32
        %add3A_477 = arith.constant 0 : i32
        %add3A_478 = arith.addi %mul3A_476, %add3A_477 : i32
        %get3A_479 = arith.index_cast %add3A_478 : i32 to index
        %get3A_480 = tpu.vector_load %arg7[%get3A_479] {strides = array<i32>} : memref<3088xi32, #tpu.memory_space<vmem>>, vector<16xi32>,
        %get3A_481 = vector.shape_cast %get3A_480 : vector<16xi32> to vector<16xi32>
        %shift_right_logical3A_482 = arith.constant 1 : i32
        %shift_right_logical3A_483 = vector.broadcast %shift_right_logical3A_482 : i32 to vector<16xi32>
        %shift_right_logical3A_484 = arith.shrui %get3A_481, %shift_right_logical3A_483 : vector<16xi32>
        %swap3A_485 = arith.constant 0 : index
        %swap3A_486 = tpu.vector_load %arg10[%swap3A_485] {strides = array<i32>} : memref<96xi32, #tpu.memory_space<vmem>>, vector<16xi32>,
        %swap3A_487 = vector.shape_cast %swap3A_486 : vector<16xi32> to vector<16xi32>
        %swap3A_488 = vector.shape_cast %shift_right_logical3A_484 : vector<16xi32> to vector<16xi32>
        tpu.vector_store %arg10[%swap3A_485], %swap3A_488 {strides = array<i32>} : memref<96xi32, #tpu.memory_space<vmem>>, vector<16xi32>,
        %mul3A_489 = arith.constant 96 : i32
        %mul3A_490 = arith.muli %add3A_474, %mul3A_489 : i32
        %add3A_491 = arith.constant 16 : i32
        %add3A_492 = arith.addi %mul3A_490, %add3A_491 : i32
        %get3A_493 = arith.index_cast %add3A_492 : i32 to index
        %get3A_494 = tpu.vector_load %arg7[%get3A_493] {strides = array<i32>} : memref<3088xi32, #tpu.memory_space<vmem>>, vector<16xi32>,
        %get3A_495 = vector.shape_cast %get3A_494 : vector<16xi32> to vector<16xi32>
        %shift_right_logical3A_496 = arith.constant 1 : i32
        %shift_right_logical3A_497 = vector.broadcast %shift_right_logical3A_496 : i32 to vector<16xi32>
        %shift_right_logical3A_498 = arith.shrui %get3A_495, %shift_right_logical3A_497 : vector<16xi32>
        %swap3A_499 = arith.constant 16 : index
        %swap3A_500 = tpu.vector_load %arg10[%swap3A_499] {strides = array<i32>} : memref<96xi32, #tpu.memory_space<vmem>>, vector<16xi32>,
        %swap3A_501 = vector.shape_cast %swap3A_500 : vector<16xi32> to vector<16xi32>
        %swap3A_502 = vector.shape_cast %shift_right_logical3A_498 : vector<16xi32> to vector<16xi32>
        tpu.vector_store %arg10[%swap3A_499], %swap3A_502 {strides = array<i32>} : memref<96xi32, #tpu.memory_space<vmem>>, vector<16xi32>,
        %mul3A_503 = arith.constant 96 : i32
        %mul3A_504 = arith.muli %add3A_474, %mul3A_503 : i32
        %add3A_505 = arith.constant 32 : i32
        %add3A_506 = arith.addi %mul3A_504, %add3A_505 : i32
        %get3A_507 = arith.index_cast %add3A_506 : i32 to index
        %get3A_508 = tpu.vector_load %arg7[%get3A_507] {strides = array<i32>} : memref<3088xi32, #tpu.memory_space<vmem>>, vector<16xi32>,
        %get3A_509 = vector.shape_cast %get3A_508 : vector<16xi32> to vector<16xi32>
        %shift_right_logical3A_510 = arith.constant 1 : i32
        %shift_right_logical3A_511 = vector.broadcast %shift_right_logical3A_510 : i32 to vector<16xi32>
        %shift_right_logical3A_512 = arith.shrui %get3A_509, %shift_right_logical3A_511 : vector<16xi32>
        %swap3A_513 = arith.constant 32 : index
        %swap3A_514 = tpu.vector_load %arg10[%swap3A_513] {strides = array<i32>} : memref<96xi32, #tpu.memory_space<vmem>>, vector<16xi32>,
        %swap3A_515 = vector.shape_cast %swap3A_514 : vector<16xi32> to vector<16xi32>
        %swap3A_516 = vector.shape_cast %shift_right_logical3A_512 : vector<16xi32> to vector<16xi32>
        tpu.vector_store %arg10[%swap3A_513], %swap3A_516 {strides = array<i32>} : memref<96xi32, #tpu.memory_space<vmem>>, vector<16xi32>,
        %mul3A_517 = arith.constant 96 : i32
        %mul3A_518 = arith.muli %add3A_474, %mul3A_517 : i32
        %add3A_519 = arith.constant 48 : i32
        %add3A_520 = arith.addi %mul3A_518, %add3A_519 : i32
        %get3A_521 = arith.index_cast %add3A_520 : i32 to index
        %get3A_522 = tpu.vector_load %arg7[%get3A_521] {strides = array<i32>} : memref<3088xi32, #tpu.memory_space<vmem>>, vector<16xi32>,
        %get3A_523 = vector.shape_cast %get3A_522 : vector<16xi32> to vector<16xi32>
        %shift_right_logical3A_524 = arith.constant 1 : i32
        %shift_right_logical3A_525 = vector.broadcast %shift_right_logical3A_524 : i32 to vector<16xi32>
        %shift_right_logical3A_526 = arith.shrui %get3A_523, %shift_right_logical3A_525 : vector<16xi32>
        %swap3A_527 = arith.constant 48 : index
        %swap3A_528 = tpu.vector_load %arg10[%swap3A_527] {strides = array<i32>} : memref<96xi32, #tpu.memory_space<vmem>>, vector<16xi32>,
        %swap3A_529 = vector.shape_cast %swap3A_528 : vector<16xi32> to vector<16xi32>
        %swap3A_530 = vector.shape_cast %shift_right_logical3A_526 : vector<16xi32> to vector<16xi32>
        tpu.vector_store %arg10[%swap3A_527], %swap3A_530 {strides = array<i32>} : memref<96xi32, #tpu.memory_space<vmem>>, vector<16xi32>,
        %mul3A_531 = arith.constant 96 : i32
        %mul3A_532 = arith.muli %add3A_474, %mul3A_531 : i32
        %add3A_533 = arith.constant 64 : i32
        %add3A_534 = arith.addi %mul3A_532, %add3A_533 : i32
        %get3A_535 = arith.index_cast %add3A_534 : i32 to index
        %get3A_536 = tpu.vector_load %arg7[%get3A_535] {strides = array<i32>} : memref<3088xi32, #tpu.memory_space<vmem>>, vector<16xi32>,
        %get3A_537 = vector.shape_cast %get3A_536 : vector<16xi32> to vector<16xi32>
        %shift_right_logical3A_538 = arith.constant 1 : i32
        %shift_right_logical3A_539 = vector.broadcast %shift_right_logical3A_538 : i32 to vector<16xi32>
        %shift_right_logical3A_540 = arith.shrui %get3A_537, %shift_right_logical3A_539 : vector<16xi32>
        %swap3A_541 = arith.constant 64 : index
        %swap3A_542 = tpu.vector_load %arg10[%swap3A_541] {strides = array<i32>} : memref<96xi32, #tpu.memory_space<vmem>>, vector<16xi32>,
        %swap3A_543 = vector.shape_cast %swap3A_542 : vector<16xi32> to vector<16xi32>
        %swap3A_544 = vector.shape_cast %shift_right_logical3A_540 : vector<16xi32> to vector<16xi32>
        tpu.vector_store %arg10[%swap3A_541], %swap3A_544 {strides = array<i32>} : memref<96xi32, #tpu.memory_space<vmem>>, vector<16xi32>,
        %mul3A_545 = arith.constant 96 : i32
        %mul3A_546 = arith.muli %add3A_474, %mul3A_545 : i32
        %add3A_547 = arith.constant 80 : i32
        %add3A_548 = arith.addi %mul3A_546, %add3A_547 : i32
        %get3A_549 = arith.index_cast %add3A_548 : i32 to index
        %get3A_550 = tpu.vector_load %arg7[%get3A_549] {strides = array<i32>} : memref<3088xi32, #tpu.memory_space<vmem>>, vector<16xi32>,
        %get3A_551 = vector.shape_cast %get3A_550 : vector<16xi32> to vector<16xi32>
        %shift_right_logical3A_552 = arith.constant 1 : i32
        %shift_right_logical3A_553 = vector.broadcast %shift_right_logical3A_552 : i32 to vector<16xi32>
        %shift_right_logical3A_554 = arith.shrui %get3A_551, %shift_right_logical3A_553 : vector<16xi32>
        %swap3A_555 = arith.constant 80 : index
        %swap3A_556 = tpu.vector_load %arg10[%swap3A_555] {strides = array<i32>} : memref<96xi32, #tpu.memory_space<vmem>>, vector<16xi32>,
        %swap3A_557 = vector.shape_cast %swap3A_556 : vector<16xi32> to vector<16xi32>
        %swap3A_558 = vector.shape_cast %shift_right_logical3A_554 : vector<16xi32> to vector<16xi32>
        tpu.vector_store %arg10[%swap3A_555], %swap3A_558 {strides = array<i32>} : memref<96xi32, #tpu.memory_space<vmem>>, vector<16xi32>,
        %mul3A_559 = arith.constant 224 : i32
        %mul3A_560 = arith.muli %add3A_474, %mul3A_559 : i32
        %add3A_561 = arith.constant 0 : i32
        %add3A_562 = arith.addi %mul3A_560, %add3A_561 : i32
        %get3A_563 = arith.index_cast %add3A_562 : i32 to index
        %get3A_564 = tpu.vector_load %arg8[%get3A_563] {strides = array<i32>} : memref<7184xi32, #tpu.memory_space<vmem>>, vector<16xi32>,
        %get3A_565 = vector.shape_cast %get3A_564 : vector<16xi32> to vector<16xi32>
        %shift_right_logical3A_566 = arith.constant 1 : i32
        %shift_right_logical3A_567 = vector.broadcast %shift_right_logical3A_566 : i32 to vector<16xi32>
        %shift_right_logical3A_568 = arith.shrui %get3A_565, %shift_right_logical3A_567 : vector<16xi32>
        %swap3A_569 = arith.constant 0 : index
        %swap3A_570 = tpu.vector_load %arg12[%swap3A_569] {strides = array<i32>} : memref<224xi32, #tpu.memory_space<vmem>>, vector<16xi32>,
        %swap3A_571 = vector.shape_cast %swap3A_570 : vector<16xi32> to vector<16xi32>
        %swap3A_572 = vector.shape_cast %shift_right_logical3A_568 : vector<16xi32> to vector<16xi32>
        tpu.vector_store %arg12[%swap3A_569], %swap3A_572 {strides = array<i32>} : memref<224xi32, #tpu.memory_space<vmem>>, vector<16xi32>,
        %mul3A_573 = arith.constant 224 : i32
        %mul3A_574 = arith.muli %add3A_474, %mul3A_573 : i32
        %add3A_575 = arith.constant 16 : i32
        %add3A_576 = arith.addi %mul3A_574, %add3A_575 : i32
        %get3A_577 = arith.index_cast %add3A_576 : i32 to index
        %get3A_578 = tpu.vector_load %arg8[%get3A_577] {strides = array<i32>} : memref<7184xi32, #tpu.memory_space<vmem>>, vector<16xi32>,
        %get3A_579 = vector.shape_cast %get3A_578 : vector<16xi32> to vector<16xi32>
        %shift_right_logical3A_580 = arith.constant 1 : i32
        %shift_right_logical3A_581 = vector.broadcast %shift_right_logical3A_580 : i32 to vector<16xi32>
        %shift_right_logical3A_582 = arith.shrui %get3A_579, %shift_right_logical3A_581 : vector<16xi32>
        %swap3A_583 = arith.constant 16 : index
        %swap3A_584 = tpu.vector_load %arg12[%swap3A_583] {strides = array<i32>} : memref<224xi32, #tpu.memory_space<vmem>>, vector<16xi32>,
        %swap3A_585 = vector.shape_cast %swap3A_584 : vector<16xi32> to vector<16xi32>
        %swap3A_586 = vector.shape_cast %shift_right_logical3A_582 : vector<16xi32> to vector<16xi32>
        tpu.vector_store %arg12[%swap3A_583], %swap3A_586 {strides = array<i32>} : memref<224xi32, #tpu.memory_space<vmem>>, vector<16xi32>,
        %mul3A_587 = arith.constant 224 : i32
        %mul3A_588 = arith.muli %add3A_474, %mul3A_587 : i32
        %add3A_589 = arith.constant 32 : i32
        %add3A_590 = arith.addi %mul3A_588, %add3A_589 : i32
        %get3A_591 = arith.index_cast %add3A_590 : i32 to index
        %get3A_592 = tpu.vector_load %arg8[%get3A_591] {strides = array<i32>} : memref<7184xi32, #tpu.memory_space<vmem>>, vector<16xi32>,
        %get3A_593 = vector.shape_cast %get3A_592 : vector<16xi32> to vector<16xi32>
        %shift_right_logical3A_594 = arith.constant 1 : i32
        %shift_right_logical3A_595 = vector.broadcast %shift_right_logical3A_594 : i32 to vector<16xi32>
        %shift_right_logical3A_596 = arith.shrui %get3A_593, %shift_right_logical3A_595 : vector<16xi32>
        %swap3A_597 = arith.constant 32 : index
        %swap3A_598 = tpu.vector_load %arg12[%swap3A_597] {strides = array<i32>} : memref<224xi32, #tpu.memory_space<vmem>>, vector<16xi32>,
        %swap3A_599 = vector.shape_cast %swap3A_598 : vector<16xi32> to vector<16xi32>
        %swap3A_600 = vector.shape_cast %shift_right_logical3A_596 : vector<16xi32> to vector<16xi32>
        tpu.vector_store %arg12[%swap3A_597], %swap3A_600 {strides = array<i32>} : memref<224xi32, #tpu.memory_space<vmem>>, vector<16xi32>,
        %mul3A_601 = arith.constant 224 : i32
        %mul3A_602 = arith.muli %add3A_474, %mul3A_601 : i32
        %add3A_603 = arith.constant 48 : i32
        %add3A_604 = arith.addi %mul3A_602, %add3A_603 : i32
        %get3A_605 = arith.index_cast %add3A_604 : i32 to index
        %get3A_606 = tpu.vector_load %arg8[%get3A_605] {strides = array<i32>} : memref<7184xi32, #tpu.memory_space<vmem>>, vector<16xi32>,
        %get3A_607 = vector.shape_cast %get3A_606 : vector<16xi32> to vector<16xi32>
        %shift_right_logical3A_608 = arith.constant 1 : i32
        %shift_right_logical3A_609 = vector.broadcast %shift_right_logical3A_608 : i32 to vector<16xi32>
        %shift_right_logical3A_610 = arith.shrui %get3A_607, %shift_right_logical3A_609 : vector<16xi32>
        %swap3A_611 = arith.constant 48 : index
        %swap3A_612 = tpu.vector_load %arg12[%swap3A_611] {strides = array<i32>} : memref<224xi32, #tpu.memory_space<vmem>>, vector<16xi32>,
        %swap3A_613 = vector.shape_cast %swap3A_612 : vector<16xi32> to vector<16xi32>
        %swap3A_614 = vector.shape_cast %shift_right_logical3A_610 : vector<16xi32> to vector<16xi32>
        tpu.vector_store %arg12[%swap3A_611], %swap3A_614 {strides = array<i32>} : memref<224xi32, #tpu.memory_space<vmem>>, vector<16xi32>,
        %mul3A_615 = arith.constant 224 : i32
        %mul3A_616 = arith.muli %add3A_474, %mul3A_615 : i32
        %add3A_617 = arith.constant 64 : i32
        %add3A_618 = arith.addi %mul3A_616, %add3A_617 : i32
        %get3A_619 = arith.index_cast %add3A_618 : i32 to index
        %get3A_620 = tpu.vector_load %arg8[%get3A_619] {strides = array<i32>} : memref<7184xi32, #tpu.memory_space<vmem>>, vector<16xi32>,
        %get3A_621 = vector.shape_cast %get3A_620 : vector<16xi32> to vector<16xi32>
        %shift_right_logical3A_622 = arith.constant 1 : i32
        %shift_right_logical3A_623 = vector.broadcast %shift_right_logical3A_622 : i32 to vector<16xi32>
        %shift_right_logical3A_624 = arith.shrui %get3A_621, %shift_right_logical3A_623 : vector<16xi32>
        %swap3A_625 = arith.constant 64 : index
        %swap3A_626 = tpu.vector_load %arg12[%swap3A_625] {strides = array<i32>} : memref<224xi32, #tpu.memory_space<vmem>>, vector<16xi32>,
        %swap3A_627 = vector.shape_cast %swap3A_626 : vector<16xi32> to vector<16xi32>
        %swap3A_628 = vector.shape_cast %shift_right_logical3A_624 : vector<16xi32> to vector<16xi32>
        tpu.vector_store %arg12[%swap3A_625], %swap3A_628 {strides = array<i32>} : memref<224xi32, #tpu.memory_space<vmem>>, vector<16xi32>,
        %mul3A_629 = arith.constant 224 : i32
        %mul3A_630 = arith.muli %add3A_474, %mul3A_629 : i32
        %add3A_631 = arith.constant 80 : i32
        %add3A_632 = arith.addi %mul3A_630, %add3A_631 : i32
        %get3A_633 = arith.index_cast %add3A_632 : i32 to index
        %get3A_634 = tpu.vector_load %arg8[%get3A_633] {strides = array<i32>} : memref<7184xi32, #tpu.memory_space<vmem>>, vector<16xi32>,
        %get3A_635 = vector.shape_cast %get3A_634 : vector<16xi32> to vector<16xi32>
        %shift_right_logical3A_636 = arith.constant 1 : i32
        %shift_right_logical3A_637 = vector.broadcast %shift_right_logical3A_636 : i32 to vector<16xi32>
        %shift_right_logical3A_638 = arith.shrui %get3A_635, %shift_right_logical3A_637 : vector<16xi32>
        %swap3A_639 = arith.constant 80 : index
        %swap3A_640 = tpu.vector_load %arg12[%swap3A_639] {strides = array<i32>} : memref<224xi32, #tpu.memory_space<vmem>>, vector<16xi32>,
        %swap3A_641 = vector.shape_cast %swap3A_640 : vector<16xi32> to vector<16xi32>
        %swap3A_642 = vector.shape_cast %shift_right_logical3A_638 : vector<16xi32> to vector<16xi32>
        tpu.vector_store %arg12[%swap3A_639], %swap3A_642 {strides = array<i32>} : memref<224xi32, #tpu.memory_space<vmem>>, vector<16xi32>,
        %mul3A_643 = arith.constant 224 : i32
        %mul3A_644 = arith.muli %add3A_474, %mul3A_643 : i32
        %add3A_645 = arith.constant 96 : i32
        %add3A_646 = arith.addi %mul3A_644, %add3A_645 : i32
        %get3A_647 = arith.index_cast %add3A_646 : i32 to index
        %get3A_648 = tpu.vector_load %arg8[%get3A_647] {strides = array<i32>} : memref<7184xi32, #tpu.memory_space<vmem>>, vector<16xi32>,
        %get3A_649 = vector.shape_cast %get3A_648 : vector<16xi32> to vector<16xi32>
        %shift_right_logical3A_650 = arith.constant 1 : i32
        %shift_right_logical3A_651 = vector.broadcast %shift_right_logical3A_650 : i32 to vector<16xi32>
        %shift_right_logical3A_652 = arith.shrui %get3A_649, %shift_right_logical3A_651 : vector<16xi32>
        %swap3A_653 = arith.constant 96 : index
        %swap3A_654 = tpu.vector_load %arg12[%swap3A_653] {strides = array<i32>} : memref<224xi32, #tpu.memory_space<vmem>>, vector<16xi32>,
        %swap3A_655 = vector.shape_cast %swap3A_654 : vector<16xi32> to vector<16xi32>
        %swap3A_656 = vector.shape_cast %shift_right_logical3A_652 : vector<16xi32> to vector<16xi32>
        tpu.vector_store %arg12[%swap3A_653], %swap3A_656 {strides = array<i32>} : memref<224xi32, #tpu.memory_space<vmem>>, vector<16xi32>,
        %mul3A_657 = arith.constant 224 : i32
        %mul3A_658 = arith.muli %add3A_474, %mul3A_657 : i32
        %add3A_659 = arith.constant 112 : i32
        %add3A_660 = arith.addi %mul3A_658, %add3A_659 : i32
        %get3A_661 = arith.index_cast %add3A_660 : i32 to index
        %get3A_662 = tpu.vector_load %arg8[%get3A_661] {strides = array<i32>} : memref<7184xi32, #tpu.memory_space<vmem>>, vector<16xi32>,
        %get3A_663 = vector.shape_cast %get3A_662 : vector<16xi32> to vector<16xi32>
        %shift_right_logical3A_664 = arith.constant 1 : i32
        %shift_right_logical3A_665 = vector.broadcast %shift_right_logical3A_664 : i32 to vector<16xi32>
        %shift_right_logical3A_666 = arith.shrui %get3A_663, %shift_right_logical3A_665 : vector<16xi32>
        %swap3A_667 = arith.constant 112 : index
        %swap3A_668 = tpu.vector_load %arg12[%swap3A_667] {strides = array<i32>} : memref<224xi32, #tpu.memory_space<vmem>>, vector<16xi32>,
        %swap3A_669 = vector.shape_cast %swap3A_668 : vector<16xi32> to vector<16xi32>
        %swap3A_670 = vector.shape_cast %shift_right_logical3A_666 : vector<16xi32> to vector<16xi32>
        tpu.vector_store %arg12[%swap3A_667], %swap3A_670 {strides = array<i32>} : memref<224xi32, #tpu.memory_space<vmem>>, vector<16xi32>,
        %mul3A_671 = arith.constant 224 : i32
        %mul3A_672 = arith.muli %add3A_474, %mul3A_671 : i32
        %add3A_673 = arith.constant 128 : i32
        %add3A_674 = arith.addi %mul3A_672, %add3A_673 : i32
        %get3A_675 = arith.index_cast %add3A_674 : i32 to index
        %get3A_676 = tpu.vector_load %arg8[%get3A_675] {strides = array<i32>} : memref<7184xi32, #tpu.memory_space<vmem>>, vector<16xi32>,
        %get3A_677 = vector.shape_cast %get3A_676 : vector<16xi32> to vector<16xi32>
        %shift_right_logical3A_678 = arith.constant 1 : i32
        %shift_right_logical3A_679 = vector.broadcast %shift_right_logical3A_678 : i32 to vector<16xi32>
        %shift_right_logical3A_680 = arith.shrui %get3A_677, %shift_right_logical3A_679 : vector<16xi32>
        %swap3A_681 = arith.constant 128 : index
        %swap3A_682 = tpu.vector_load %arg12[%swap3A_681] {strides = array<i32>} : memref<224xi32, #tpu.memory_space<vmem>>, vector<16xi32>,
        %swap3A_683 = vector.shape_cast %swap3A_682 : vector<16xi32> to vector<16xi32>
        %swap3A_684 = vector.shape_cast %shift_right_logical3A_680 : vector<16xi32> to vector<16xi32>
        tpu.vector_store %arg12[%swap3A_681], %swap3A_684 {strides = array<i32>} : memref<224xi32, #tpu.memory_space<vmem>>, vector<16xi32>,
        %mul3A_685 = arith.constant 224 : i32
        %mul3A_686 = arith.muli %add3A_474, %mul3A_685 : i32
        %add3A_687 = arith.constant 144 : i32
        %add3A_688 = arith.addi %mul3A_686, %add3A_687 : i32
        %get3A_689 = arith.index_cast %add3A_688 : i32 to index
        %get3A_690 = tpu.vector_load %arg8[%get3A_689] {strides = array<i32>} : memref<7184xi32, #tpu.memory_space<vmem>>, vector<16xi32>,
        %get3A_691 = vector.shape_cast %get3A_690 : vector<16xi32> to vector<16xi32>
        %shift_right_logical3A_692 = arith.constant 1 : i32
        %shift_right_logical3A_693 = vector.broadcast %shift_right_logical3A_692 : i32 to vector<16xi32>
        %shift_right_logical3A_694 = arith.shrui %get3A_691, %shift_right_logical3A_693 : vector<16xi32>
        %swap3A_695 = arith.constant 144 : index
        %swap3A_696 = tpu.vector_load %arg12[%swap3A_695] {strides = array<i32>} : memref<224xi32, #tpu.memory_space<vmem>>, vector<16xi32>,
        %swap3A_697 = vector.shape_cast %swap3A_696 : vector<16xi32> to vector<16xi32>
        %swap3A_698 = vector.shape_cast %shift_right_logical3A_694 : vector<16xi32> to vector<16xi32>
        tpu.vector_store %arg12[%swap3A_695], %swap3A_698 {strides = array<i32>} : memref<224xi32, #tpu.memory_space<vmem>>, vector<16xi32>,
        %mul3A_699 = arith.constant 224 : i32
        %mul3A_700 = arith.muli %add3A_474, %mul3A_699 : i32
        %add3A_701 = arith.constant 160 : i32
        %add3A_702 = arith.addi %mul3A_700, %add3A_701 : i32
        %get3A_703 = arith.index_cast %add3A_702 : i32 to index
        %get3A_704 = tpu.vector_load %arg8[%get3A_703] {strides = array<i32>} : memref<7184xi32, #tpu.memory_space<vmem>>, vector<16xi32>,
        %get3A_705 = vector.shape_cast %get3A_704 : vector<16xi32> to vector<16xi32>
        %shift_right_logical3A_706 = arith.constant 1 : i32
        %shift_right_logical3A_707 = vector.broadcast %shift_right_logical3A_706 : i32 to vector<16xi32>
        %shift_right_logical3A_708 = arith.shrui %get3A_705, %shift_right_logical3A_707 : vector<16xi32>
        %swap3A_709 = arith.constant 160 : index
        %swap3A_710 = tpu.vector_load %arg12[%swap3A_709] {strides = array<i32>} : memref<224xi32, #tpu.memory_space<vmem>>, vector<16xi32>,
        %swap3A_711 = vector.shape_cast %swap3A_710 : vector<16xi32> to vector<16xi32>
        %swap3A_712 = vector.shape_cast %shift_right_logical3A_708 : vector<16xi32> to vector<16xi32>
        tpu.vector_store %arg12[%swap3A_709], %swap3A_712 {strides = array<i32>} : memref<224xi32, #tpu.memory_space<vmem>>, vector<16xi32>,
        %mul3A_713 = arith.constant 224 : i32
        %mul3A_714 = arith.muli %add3A_474, %mul3A_713 : i32
        %add3A_715 = arith.constant 176 : i32
        %add3A_716 = arith.addi %mul3A_714, %add3A_715 : i32
        %get3A_717 = arith.index_cast %add3A_716 : i32 to index
        %get3A_718 = tpu.vector_load %arg8[%get3A_717] {strides = array<i32>} : memref<7184xi32, #tpu.memory_space<vmem>>, vector<16xi32>,
        %get3A_719 = vector.shape_cast %get3A_718 : vector<16xi32> to vector<16xi32>
        %shift_right_logical3A_720 = arith.constant 1 : i32
        %shift_right_logical3A_721 = vector.broadcast %shift_right_logical3A_720 : i32 to vector<16xi32>
        %shift_right_logical3A_722 = arith.shrui %get3A_719, %shift_right_logical3A_721 : vector<16xi32>
        %swap3A_723 = arith.constant 176 : index
        %swap3A_724 = tpu.vector_load %arg12[%swap3A_723] {strides = array<i32>} : memref<224xi32, #tpu.memory_space<vmem>>, vector<16xi32>,
        %swap3A_725 = vector.shape_cast %swap3A_724 : vector<16xi32> to vector<16xi32>
        %swap3A_726 = vector.shape_cast %shift_right_logical3A_722 : vector<16xi32> to vector<16xi32>
        tpu.vector_store %arg12[%swap3A_723], %swap3A_726 {strides = array<i32>} : memref<224xi32, #tpu.memory_space<vmem>>, vector<16xi32>,
        %mul3A_727 = arith.constant 224 : i32
        %mul3A_728 = arith.muli %add3A_474, %mul3A_727 : i32
        %add3A_729 = arith.constant 192 : i32
        %add3A_730 = arith.addi %mul3A_728, %add3A_729 : i32
        %get3A_731 = arith.index_cast %add3A_730 : i32 to index
        %get3A_732 = tpu.vector_load %arg8[%get3A_731] {strides = array<i32>} : memref<7184xi32, #tpu.memory_space<vmem>>, vector<16xi32>,
        %get3A_733 = vector.shape_cast %get3A_732 : vector<16xi32> to vector<16xi32>
        %shift_right_logical3A_734 = arith.constant 1 : i32
        %shift_right_logical3A_735 = vector.broadcast %shift_right_logical3A_734 : i32 to vector<16xi32>
        %shift_right_logical3A_736 = arith.shrui %get3A_733, %shift_right_logical3A_735 : vector<16xi32>
        %swap3A_737 = arith.constant 192 : index
        %swap3A_738 = tpu.vector_load %arg12[%swap3A_737] {strides = array<i32>} : memref<224xi32, #tpu.memory_space<vmem>>, vector<16xi32>,
        %swap3A_739 = vector.shape_cast %swap3A_738 : vector<16xi32> to vector<16xi32>
        %swap3A_740 = vector.shape_cast %shift_right_logical3A_736 : vector<16xi32> to vector<16xi32>
        tpu.vector_store %arg12[%swap3A_737], %swap3A_740 {strides = array<i32>} : memref<224xi32, #tpu.memory_space<vmem>>, vector<16xi32>,
        %mul3A_741 = arith.constant 224 : i32
        %mul3A_742 = arith.muli %add3A_474, %mul3A_741 : i32
        %add3A_743 = arith.constant 208 : i32
        %add3A_744 = arith.addi %mul3A_742, %add3A_743 : i32
        %get3A_745 = arith.index_cast %add3A_744 : i32 to index
        %get3A_746 = tpu.vector_load %arg8[%get3A_745] {strides = array<i32>} : memref<7184xi32, #tpu.memory_space<vmem>>, vector<16xi32>,
        %get3A_747 = vector.shape_cast %get3A_746 : vector<16xi32> to vector<16xi32>
        %shift_right_logical3A_748 = arith.constant 1 : i32
        %shift_right_logical3A_749 = vector.broadcast %shift_right_logical3A_748 : i32 to vector<16xi32>
        %shift_right_logical3A_750 = arith.shrui %get3A_747, %shift_right_logical3A_749 : vector<16xi32>
        %swap3A_751 = arith.constant 208 : index
        %swap3A_752 = tpu.vector_load %arg12[%swap3A_751] {strides = array<i32>} : memref<224xi32, #tpu.memory_space<vmem>>, vector<16xi32>,
        %swap3A_753 = vector.shape_cast %swap3A_752 : vector<16xi32> to vector<16xi32>
        %swap3A_754 = vector.shape_cast %shift_right_logical3A_750 : vector<16xi32> to vector<16xi32>
        tpu.vector_store %arg12[%swap3A_751], %swap3A_754 {strides = array<i32>} : memref<224xi32, #tpu.memory_space<vmem>>, vector<16xi32>,
        %dma_start3A_755 = arith.constant 0 : i32
        %dma_start3A_756 = arith.constant 0 : i32
        %dma_start3A_757 = tpu.memref_slice %arg4[%dma_start3A_755, %dma_start3A_756] : memref<500005x128xf32, #tpu.memory_space<hbm>> -> memref<500005x128xf32, #tpu.memory_space<hbm>>
        tpu.enqueue_indirect_dma source(%dma_start3A_757 : memref<500005x128xf32, #tpu.memory_space<hbm>>) target(%arg14 : memref<96x128xf32, #tpu.memory_space<vmem>>) offsets(%arg10 : memref<96xi32, #tpu.memory_space<vmem>>) semaphore(%arg19 : memref<!tpu.dma_semaphore, #tpu.memory_space<semaphore_mem>>)
        %dma_start3A_758 = arith.constant 0 : i32
        %dma_start3A_759 = arith.constant 0 : i32
        %dma_start3A_760 = tpu.memref_slice %arg5[%dma_start3A_758, %dma_start3A_759] : memref<500005x128xf32, #tpu.memory_space<hbm>> -> memref<500005x128xf32, #tpu.memory_space<hbm>>
        tpu.enqueue_indirect_dma source(%dma_start3A_760 : memref<500005x128xf32, #tpu.memory_space<hbm>>) target(%arg16 : memref<224x128xf32, #tpu.memory_space<vmem>>) offsets(%arg12 : memref<224xi32, #tpu.memory_space<vmem>>) semaphore(%arg19 : memref<!tpu.dma_semaphore, #tpu.memory_space<semaphore_mem>>)
      } else {
      }
    }
    %scan3A_419 = arith.constant 16 : i32
    %mul3A_420 = arith.constant 16 : i32
    %mul3A_421 = arith.muli %mul3A_2, %mul3A_420 : i32
    "tpu.region"() ({
      %run_scoped3A = tpu.sem_alloc : memref<!tpu.dma_semaphore, #tpu.memory_space<semaphore_mem>>
      %dma_start3A_422 = tpu.memref_slice %arg6[%mul3A_421] : memref<262144xf32, #tpu.memory_space<hbm>> -> memref<8192xf32, #tpu.memory_space<hbm>>
      %dma_start3A_423 = tpu.memref_slice %arg6[%mul3A_421] : memref<262144xf32, #tpu.memory_space<hbm>> -> memref<8192xf32, #tpu.memory_space<hbm>>
      tpu.enqueue_dma source(%arg17 : memref<8192xf32, #tpu.memory_space<vmem>>) target(%dma_start3A_423 : memref<8192xf32, #tpu.memory_space<hbm>>) target_semaphore(%run_scoped3A : memref<!tpu.dma_semaphore, #tpu.memory_space<semaphore_mem>>)
      %dma_wait3A = tpu.memref_slice %arg6[%mul3A_421] : memref<262144xf32, #tpu.memory_space<hbm>> -> memref<8192xf32, #tpu.memory_space<hbm>>
      %dma_wait3A_424 = tpu.memref_slice %arg6[%mul3A_421] : memref<262144xf32, #tpu.memory_space<hbm>> -> memref<8192xf32, #tpu.memory_space<hbm>>
      tpu.wait_dma2 semaphore(%run_scoped3A : memref<!tpu.dma_semaphore, #tpu.memory_space<semaphore_mem>>) src(%arg17 : memref<8192xf32, #tpu.memory_space<vmem>>) dst(%dma_wait3A_424 : memref<8192xf32, #tpu.memory_space<hbm>>)
      tpu.yield
    }) : () -> ()
    return
  }
}

module attributes {stable_mosaic.version = 14 : i64} {
  func.func @body(%arg0: memref<2048x128xf32, #tpu.memory_space<vmem>>, %arg1: memref<2048x128xf32, #tpu.memory_space<vmem>>) attributes {dimension_semantics = [], scalar_prefetch = 0 : i64, scratch_operands = 0 : i64, tpu.core_type = #tpu.core_type<tc>} {
    %get3A = arith.constant 0 : index
    %get3A_0 = arith.constant 0 : index
    %get3A_1 = vector.load %arg0[%get3A, %get3A_0] : memref<2048x128xf32, #tpu.memory_space<vmem>>, vector<2048x128xf32>
    %min3A = arith.constant 0.000000e+00 : f32
    %min3A_2 = vector.broadcast %min3A : f32 to vector<2048x128xf32>
    %min3A_3 = arith.minimumf %get3A_1, %min3A_2 : vector<2048x128xf32>
    %abs3A = math.absf %get3A_1 : vector<2048x128xf32>
    %neg3A = arith.constant 0.000000e+00 : f32
    %neg3A_4 = vector.broadcast %neg3A : f32 to vector<2048x128xf32>
    %neg3A_5 = arith.subf %neg3A_4, %abs3A : vector<2048x128xf32>
    %exp3A = math.exp %neg3A_5 : vector<2048x128xf32>
    %log1p3A = math.log1p %exp3A : vector<2048x128xf32>
    %sub3A = arith.subf %min3A_3, %log1p3A : vector<2048x128xf32>
    %swap3A = arith.constant 0 : index
    %swap3A_6 = arith.constant 0 : index
    %swap3A_7 = vector.load %arg1[%swap3A, %swap3A_6] : memref<2048x128xf32, #tpu.memory_space<vmem>>, vector<2048x128xf32>
    tpu.vector_store %arg1[%swap3A, %swap3A_6], %sub3A {strides = array<i32>} : memref<2048x128xf32, #tpu.memory_space<vmem>>, vector<2048x128xf32>,
    return
  }
}

</mosaic_0001>

<sc_bundles>
// kernel: kernel.4.cloned.1.call-start
scs
__scs_entry_jumppad:
0x0: {  	(pc) =	sbr.rel $0x88, $3  }
0x1: {  	(tag) =	ssettag $0x0;
	lr =	simm.s32 $0x1  }
0x2: {  	[smem:$0x3F9E] =	sst lr;
	_ =	strace $0xD0000000  }
0x3: {  	_ = 	snop  }
0x4: {  	_ = 	snop  }
0x5: {  	_ = 	snop  }
0x6: {  	_ = 	snop  }
0x7: {  	_ = 	snop  }
__scs_overlays_trampoline_lowered:
0x8: {  	[smem:$0x3FAD] =	sst s0  }
0x9: {  	[smem:$0x3FAE] =	sst s1  }
0xa: {  	[smem:$0x3FAF] =	sst s2  }
0xb: {  	[smem:$0x3FB0] =	sst s3  }
0xc: {  	[smem:$0x3FB1] =	sst s4  }
0xd: {  	[smem:$0x3FB2] =	sst s5  }
0xe: {  	[smem:$0x3FB3] =	sst s6  }
0xf: {  	[smem:$0x3FB4] =	sst s7  }
0x10: {  	[smem:$0x3FB5] =	sst s8  }
0x11: {  	[smem:$0x3FB6] =	sst s9;
	s0 =	simm.s32 @!p0 $0x0  }
0x12: {  	s1 =	sld [smem:$0x3F9C];
	s0 =	simm.s32 @p0 $0x1  }
0x13: {  	[smem:$0x3FB7] =	sst s0;
	s0 =	simm.s32 @!p1 $0x0  }
0x14: {  	s2 =	sld [smem:$0x3F9B];
	s0 =	simm.s32 @p1 $0x1  }
0x15: {  	[smem:$0x3FB8] =	sst s0;
	s0 =	simm.s32 @!p2 $0x0  }
0x16: {  	s3 =	sld [smem:$0x3FDB];
	s0 =	simm.s32 @p2 $0x1  }
0x17: {  	s4 =	simm.s32 $0x1BF5;
	[smem:$0x3FBA] =	sst s0  }
0x18: {  	s0 =	sld [smem:$0x3F9D];
	_ =	swait.ge [sflag:s4], $0x0  }
0x19: {  	s7 =	sld [smem:$0x3F9E]  }
0x1a: {  	s8 =	sadd.s32 $0xFFFFE003, lr  }
0x1b: {  	s9 =	sadd.s32 $0xFFFFFEF7, lr;
	s5 =	simm.s32 $0xFFFFFFFF;
	p2 =	slt.u32 s8, $0xFFFFF086  }
0x1c: {  	p1 =	slt.u32 s9, $0xF7A;
	s5 =	simm.s32 @!p2 $0x0  }
0x1d: {  	s5 =	simm.s32 @p1 $0x1;
	p0 =	seq.s32 s7, s2  }
0x1e: {  	s7 =	smul.u32 @!p0 $0xF7A, s2;
	p2 =	seq.s32 @!p0 s5, $0x0  }
0x1f: {  	s9 =	smul.u32 $0xF7A, s1;
	s8 =	simm.s32 @!p0 $0x1BF5;
	p2 =	por !p2, p0  }
0x20: {  	[sflag:s8] =	ssyncset.s32 @!p0 $0xFFFFF086;
	s6 =	sadd.s32 @!p0 s3, s7;
	s7 =	simm.s32 @!p0 $0x108  }
0x21: {  	s3 =	sadd.s32 s3, s9;
	s6 =	sadd.s32 @!p0 $0x88, s6;
	s7 =	simm.s32 @p2 $0x1082  }
0x22: {  	[simem:s7], [sflag:s8] =	dma.local @!p0 [hbm:s6], $0xF7A  }
0x23: {  	s9 =	sor.u32 $0xD0000000, s2;
	s6 =	simm.s32 $0x108;
	_ =	swait.ge @!p0 [sflag:s8], $0x0  }
0x24: {  	s3 =	sadd.s32 $0x88, s3;
	s6 =	simm.s32 @!p1 $0x1082;
	[sflag:s4] =	ssyncset.s32 $0xFFFFF086  }
0x25: {  	[simem:s6], [sflag:s4] =	dma.local [hbm:s3], $0xF7A  }
0x26: {  	[smem:$0x3F9E] =	sst s1;
	(tag) =	ssettag s2;
	_ =	strace s9  }
0x27: {  	s1 =	sld [smem:$0x3FAE]  }
0x28: {  	s2 =	sld [smem:$0x3FAF]  }
0x29: {  	s4 =	sld [smem:$0x3FB1]  }
0x2a: {  	p0 =	seq.s32 s5, $0x0;
	s5 =	sld [smem:$0x3FB2]  }
0x2b: {  	s6 =	sld [smem:$0x3FB3]  }
0x2c: {  	s7 =	sld [smem:$0x3FB4]  }
0x2d: {  	s3 =	simm.s32 $0x108;
	s8 =	sld [smem:$0x3FB5]  }
0x2e: {  	s3 =	simm.s32 @!p0 $0x1082;
	s9 =	sld [smem:$0x3FB6]  }
0x2f: {  	lr =	sadd.s32 s0, s3;
	s0 =	sld [smem:$0x3FAD]  }
0x30: {  	s3 =	sld [smem:$0x3FB0]  }
0x31: {  	[smem:$0x3FB9] =	sst s10  }
0x32: {  	s10 =	sld [smem:$0x3FB7];
	_ =	sdelay $0x3  }
0x33: {  	p0 =	seq.s32 s10, $0x1;
	s10 =	sld [smem:$0x3FB9];
	_ =	sdelay $0x3  }
0x34: {  	[smem:$0x3FB9] =	sst s10  }
0x35: {  	s10 =	sld [smem:$0x3FB8];
	_ =	sdelay $0x3  }
0x36: {  	p1 =	seq.s32 s10, $0x1;
	s10 =	sld [smem:$0x3FB9];
	_ =	sdelay $0x3  }
0x37: {  	[smem:$0x3FB9] =	sst s10  }
0x38: {  	s10 =	sld [smem:$0x3FBA]  }
0x39: {  	_ = 	snop;
	(pc) =	sbr.ind lr, $3  }
0x3a: {  	_ = 	snop  }
0x3b: {  	_ = 	snop  }
0x3c: {  	p2 =	seq.s32 s10, $0x1;
	s10 =	sld [smem:$0x3FB9]  }
0x3d: {  	_ =	shalt  }
0x3e: {  	_ =	shalt  }
0x3f: {  	_ =	shalt  }
0x40: {  	_ =	shalt  }
0x41: {  	_ =	shalt  }
0x42: {  	_ =	shalt  }
0x43: {  	_ =	shalt  }
0x44: {  	_ =	shalt  }
0x45: {  	_ =	shalt  }
0x46: {  	_ =	shalt  }
0x47: {  	_ =	shalt  }
0x48: {  	_ =	shalt  }
0x49: {  	_ =	shalt  }
0x4a: {  	_ =	shalt  }
0x4b: {  	_ =	shalt  }
0x4c: {  	_ =	shalt  }
0x4d: {  	_ =	shalt  }
0x4e: {  	_ =	shalt  }
0x4f: {  	_ =	shalt  }
0x50: {  	_ =	shalt  }
0x51: {  	_ =	shalt  }
0x52: {  	_ =	shalt  }
0x53: {  	_ =	shalt  }
0x54: {  	_ =	shalt  }
0x55: {  	_ =	shalt  }
0x56: {  	_ =	shalt  }
0x57: {  	_ =	shalt  }
0x58: {  	_ =	shalt  }
0x59: {  	_ =	shalt  }
0x5a: {  	_ =	shalt  }
0x5b: {  	_ =	shalt  }
0x5c: {  	_ =	shalt  }
0x5d: {  	_ =	shalt  }
0x5e: {  	_ =	shalt  }
0x5f: {  	_ =	shalt  }
0x60: {  	_ =	shalt  }
0x61: {  	_ =	shalt  }
0x62: {  	_ =	shalt  }
0x63: {  	_ =	shalt  }
0x64: {  	_ =	shalt  }
0x65: {  	_ =	shalt  }
0x66: {  	_ =	shalt  }
0x67: {  	_ =	shalt  }
0x68: {  	_ =	shalt  }
0x69: {  	_ =	shalt  }
0x6a: {  	_ =	shalt  }
0x6b: {  	_ =	shalt  }
0x6c: {  	_ =	shalt  }
0x6d: {  	_ =	shalt  }
0x6e: {  	_ =	shalt  }
0x6f: {  	_ =	shalt  }
0x70: {  	_ =	shalt  }
0x71: {  	_ =	shalt  }
0x72: {  	_ =	shalt  }
0x73: {  	_ =	shalt  }
0x74: {  	_ =	shalt  }
0x75: {  	_ =	shalt  }
0x76: {  	_ =	shalt  }
0x77: {  	_ =	shalt  }
0x78: {  	_ =	shalt  }
0x79: {  	_ =	shalt  }
0x7a: {  	_ =	shalt  }
0x7b: {  	_ =	shalt  }
0x7c: {  	_ =	shalt  }
0x7d: {  	_ =	shalt  }
0x7e: {  	_ =	shalt  }
0x7f: {  	_ =	shalt  }
0x80: {  	_ =	shalt  }
0x81: {  	_ =	shalt  }
0x82: {  	_ =	shalt  }
0x83: {  	_ =	shalt  }
0x84: {  	_ =	shalt  }
0x85: {  	_ =	shalt  }
0x86: {  	_ =	shalt  }
0x87: {  	_ =	shalt  }
.Lfunc_end0:
.L_simem_size_0:
called_computation_lowered:
.L_overlay_start_0:
0x88: {  	s2 =	sld [smem:$0x3FD9]  }
0x89: {  	s3 =	sld [smem:$0x3FFE];
	_ =	sdelay $0x1  }
0x8a: {  	s1 =	srdreg.scid  }
0x8b: {  	s0 =	sand.u32 $0x1, s1  }
0x8c: {  	s17 =	sshll.u32 s0, $0xA;
	s2 =	sadd.s32 s3, s2  }
0x8d: {  	s2 =	sadd.s32 s2, s17  }
0x8e: {  	[smem:$0x3FC5] =	sst s2  }
0x8f: {  	_ = 	snop  }
0x90: {  	s2 =	sld [smem:$0x3FD0];
	(tm) =	ssettm $0x1  }
0x91: {  	s18 =	sld [smem:$0x3FFB];
	_ =	sdelay $0x3  }
0x92: {  	_ =	strace s18  }
0x93: {  	s3 =	sld [smem:$0x3FFC];
	_ =	sdelay $0x3  }
0x94: {  	_ =	strace s3  }
0x95: {  	s3 =	sld [smem:$0x3FFD];
	_ =	sdelay $0x3  }
0x96: {  	_ =	strace s3  }
0x97: {  	_ =	strace $0x8FFFFFFF  }
0x98: {  	s19 =	sld [smem:$0x3FDB];
	_ =	sdelay $0x1  }
0x99: {  	s4 =	simm.s32 $_scs_section_size  }
0x9a: {  	s5 =	simm.s32 $_size__tile_overlayer_lowered;
	s6 =	simm.s32 $_tile_overlayer_lowered  }
0x9b: {  	s22 =	simm.s32 $0x1BFF;
	s21 =	sshll.u32 s6, $0x1;
	s3 =	sadd.s32 s4, s19  }
0x9c: {  	s7 =	simm.s32 $0x0;
	s20 =	sshll.u32 s5, $0x1;
	s5 =	sadd.s32 s21, s3  }
0x9d: {  	[timem:s7], [sflag:s22] =	dma.local [hbm:s5], s20  }
0x9e: {  	_ =	swait.ge [sflag:s22], s20  }
0x9f: {  	s4 =	ssub.s32 $0x0, s20;
	[sflag:s22] =	ssyncset.done $0x0  }
0xa0: {  	[sflag:s22] =	ssyncadd.s32 s4;
	_ =	sdelay $0x1  }
0xa1: {  	s23 =	simm.s32 $0x1B8B  }
0xa2: {  	_ =	swait.ge [sflag:s23], $0x1  }
0xa3: {  	[sflag:s23] =	ssyncset.done $0x0  }
0xa4: {  	s25 =	simm.s32 $0x1B8E;
	s24 =	sld [smem:$0x3FFE];
	[sflag:s23] =	ssyncadd.s32 $0xFFFFFFFF  }
0xa5: {  	s26 =	simm.s32 $execute0_lowered;
	[smem:$0x3FD2] =	sst s25  }
0xa6: {  	s5 =	sshll.u32 s26, $0x1;
	_ =	strace $0x80000046;
	[dreg:$0x1] =	wrdreg $0xFFFFFFFF  }
0xa7: {  	s28 =	simm.s32 $_size_execute0_lowered;
	s3 =	sadd.s32 s3, s5;
	[dreg:$0x0] =	wrdreg $0x0  }
0xa8: {  	s5 =	sshll.u32 s28, $0x1;
	[dreg:$0x2] =	wrdreg s3  }
0xa9: {  	[dreg:$0x3] =	wrdreg s5  }
0xaa: {  	[dreg:$0x4] =	wrdreg $0xC0  }
0xab: {  	_ =	task [dreg:s7], $0x5FFFF  }
0xac: {  	[dreg:$0x1] =	wrdreg $0xFFFFFFFF  }
0xad: {  	[dreg:$0x0] =	wrdreg $0x60  }
0xae: {  	[dreg:$0x2] =	wrdreg s2  }
0xaf: {  	[dreg:$0x3] =	wrdreg s24  }
0xb0: {  	[dreg:$0x4] =	wrdreg $0x9  }
0xb1: {  	_ =	task.clear_ibuf [dreg:s7], $0x5FFFF;
	_ =	strace $0x90000046  }
0xb2: {  	s29 =	simm.s32 $0x9;
	_ =	strace $0x80000048  }
0xb3: {  	_ =	swait.ge [sflag:s29], $0x1  }
0xb4: {  	[sflag:s29] =	ssyncadd.s32 $0xFFFFFFFF  }
0xb5: {  	_ =	strace $0x90000048  }
0xb6: {  	_ =	sfence  }
0xb7: {  	s30 =	sld [smem:$0x0];
	_ =	sdelay $0x2  }
0xb8: {  	s31 =	sshll.u32 s1, $0xD;
	s1 =	sshrl.u32 s1, $0x2  }
0xb9: {  	s3 =	sand.u32 $0x4000, s31;
	s1 =	sadd.s32 s1, s30  }
0xba: {  	s0 =	sor.u32 s3, s0;
	s1 =	sshll.u32 s1, $0x11  }
0xbb: {  	s0 =	sor.u32 s1, s0  }
0xbc: {  	s0 =	sadd.s32 $0x8F2B, s0  }
0xbd: {  	[sflag:s0] =	ssyncadd.remote.s32 $0x1  }
0xbe: {  	_ =	sfence.sel $0xFFFF  }
0xbf: {  	[dreg:$0x0] =	wrdreg $0xFFFFFFFF;
	(pc) =	sbr.abs _section_cstart, $3  }
0xc0: {  	[dreg:$0x1] =	wrdreg $0xFFFFFFFF  }
0xc1: {  	_ =	task.clear_ibuf [dreg:s7], $0x2FFFF;
	_ =	strace $0x9FFFFFFF  }
0xc2: {  	(tm) =	ssettm $0x7FFFFFFF  }
0xc3: {  	_ =	shalt  }
tec
execute0_lowered:
.L_overlay_start_1:
0x0: {  	(tag) =	ssettag $0x1  }
0x1: {  	v0 =	vimm.s32 $0xFEDCBA98;
	v1 =	vimm.s32 $0x76543210  }
0x2: {  	s1 =	rddreg [dreg:$0x0];
	v2 =	vimm.s32 $0xBA98FEDC;
	v3 =	vimm.s32 $0x32107654;
	v4 =	vimm.s32 $0xDCFE98BA  }
0x3: {  	s0 =	srdreg.scid;
	s5 =	rddreg [dreg:$0x1];
	s4 =	simm.s32 $0x0;
	v5 =	vimm.s32 $0x54761032;
	v6 =	vimm.s32 $0xEFCDAB89;
	v7 =	vimm.s32 $0x67452301  }
0x4: {  	s2 =	stileid.u32;
	vm0 =	vmmov $0x1;
	vm1 =	vcmask $0x318;
	vm2 =	vcmask $0x718;
	s0 =	sand.u32 $0x1, s0;
	[smem:$0x7FF] =	sst s4  }
0x5: {  	s2 =	sshll.u32 s2, $0x1;
	v0 =	vunpack.c.l.s4.s8 v0;
	v1 =	vunpack.c.l.s4.s8 v1;
	v2 =	vunpack.c.l.s4.s8 v2;
	s28 =	sadd.s32 $0x16F0800, s5;
	s29 =	sadd.s32 $0xF4F400, s5  }
0x6: {  	v3 =	vunpack.c.l.s4.s8 v3;
	v4 =	vunpack.c.l.s4.s8 v4;
	v5 =	vunpack.c.l.s4.s8 v5;
	s2 =	sor.u32 s0, s2;
	_ =	strace $0x80000047;
	[dreg:$0x3] =	wrdreg s28  }
0x7: {  	v6 =	vunpack.c.l.s4.s8 v6;
	v7 =	vunpack.c.l.s4.s8 v7;
	s0 =	ssub.s32 $0x2, s0;
	[dreg:$0x4] =	wrdreg s29;
	v0 =	vunpack.c.0.s8.s32 v0;
	s7 =	smul.u32 $0x180, s2  }
0x8: {  	s3 =	smul.u32 $0x380, s2;
	s2 =	sshll.u32 s2, $0xA;
	s8 =	sshrl.u32 s0, $0x1;
	v2 =	vunpack.c.0.s8.s32 v2;
	v3 =	vunpack.c.0.s8.s32 v3;
	v4 =	vunpack.c.0.s8.s32 v4  }
.Ltmp0:
0x9: {  	v5 =	vunpack.c.0.s8.s32 v5;
	v6 =	vunpack.c.0.s8.s32 v6;
	v7 =	vunpack.c.0.s8.s32 v7;
	s2 =	sadd.s32 s2, s5;
	s1 =	sadd.s32 s1, s7;
	(pc) =	sbr.rel .LBB2_1-.Ltmp0, $4  }
0xa: {  	vm3 =	vcmask $0xB18;
	v1 =	vunpack.c.0.s8.s32 v1;
	s0 =	ssub.s32 s0, s8;
	v2 =	vcombine.low v3, v2;
	s31 =	sadd.s32 $0x7E00, s2;
	[dreg:$0x5] =	wrdreg s1  }
0xb: {  	s6 =	sadd.s32 s3, s5;
	s0 =	smax.u32 s0, $0x1;
	v3 =	vcombine.low v5, v4;
	v4 =	vcombine.low v7, v6;
	v0 =	vand.u32 $0xF, v0;
	[dreg:$0x7] =	wrdreg s31  }
0xc: {  	vm4 =	vcmask $0xF18;
	vm5 =	vcmask $0x1318;
	s30 =	sadd.s32 $0xE00, s6;
	[dreg:$0x8] =	wrdreg s0;
	v0 =	vcombine.low v0, v1  }
0xd: {  	s2 =	simm.s32 $0x0;
	s1 =	simm.s32 $0x3;
	[dreg:$0x6] =	wrdreg s30;
	v1 =	vand.u32 $0xF, v2;
	v2 =	vand.u32 $0xF, v3;
	v3 =	vand.u32 $0xF, v4  }
.LBB2_10:
0xe: {  	s4 =	simm.s32 $0x0;
	s0 =	rddreg [dreg:$0x7];
	s1 =	simm.s32 $0x16C00  }
0xf: {  	[hbm4b:s0+s4] =	stream.linear.scatter [tilespmem:s1], [sflag:$0x3], $0x2000, $0x38;
	[tilespmem:$0x18C00] =	vst v63  }
0x10: {  	s1 =	simm.s32 $0x3  }
0x11: {  	_ =	swait.ge [sflag:s1], $0x2000  }
0x12: {  	s2 =	rddreg [dreg:$0x9]  }
0x13: {  	s31 =	rddreg [dreg:$0x8];
	s2 =	sadd.s32 $0x1, s2  }
0x14: {  	p0 =	sne.s32 s2, s31  }
.Ltmp1:
0x15: {  	_ = 	snop;
	(pc) =	sbr.rel @!p0 .LBB2_11-.Ltmp1, $3  }
0x16: {  	_ =	sdelay $0x1  }
0x17: {  	[sflag:s1] =	ssyncset.done $0x0  }
0x18: {  	[sflag:s1] =	ssyncadd.s32 $0xFFFFE000  }
.LBB2_1:
0x19: {  	[dreg:$0x9] =	wrdreg s2  }
0x1a: {  	s0 =	rddreg [dreg:$0x5]  }
0x1b: {  	[tilespmem:s4], [sflag:$0x3] =	stream.linear.gather [hbm4b:s0+s4], $0xC00, $0x38;
	[tilespmem:$0x18C00] =	vst v63  }
0x1c: {  	_ =	swait.ge [sflag:s1], $0xC00  }
0x1d: {  	[sflag:s1] =	ssyncset.done $0x0  }
0x1e: {  	s24 =	simm.s32 $0xC80;
	s15 =	rddreg [dreg:$0x6];
	[sflag:s1] =	ssyncadd.s32 $0xFFFFF400  }
0x1f: {  	[tilespmem:s24], [sflag:$0x3] =	stream.linear.gather [hbm4b:s15+s4], $0x1C00, $0x38;
	[tilespmem:$0x18C00] =	vst v63  }
0x20: {  	_ =	swait.ge [sflag:s1], $0x1C00  }
0x21: {  	[sflag:s1] =	ssyncset.done $0x0  }
0x22: {  	[sflag:s1] =	ssyncadd.s32 $0xFFFFE400  }
0x23: {  	v4 =	vld [tilespmem:$0x0]  }
0x24: {  	v5 =	vld [tilespmem:$0x10]  }
0x25: {  	v6 =	vld [tilespmem:$0x20]  }
0x26: {  	v7 =	vld [tilespmem:$0x30]  }
0x27: {  	v8 =	vld [tilespmem:$0x40]  }
0x28: {  	v9 =	vld [tilespmem:$0x50];
	v4 =	vshrl.u32 v4, $0x1  }
0x29: {  	[tilespmem:$0x2900] =	vst v4;
	v4 =	vshrl.u32 v5, $0x1;
	v5 =	vld [tilespmem:$0xC80]  }
0x2a: {  	v38 =	vld [tilespmem:$0xC90];
	[tilespmem:$0x2910] =	vst v4;
	v4 =	vshrl.u32 v6, $0x1  }
0x2b: {  	v39 =	vld [tilespmem:$0xCA0];
	[tilespmem:$0x2920] =	vst v4;
	v4 =	vshrl.u32 v7, $0x1  }
0x2c: {  	v40 =	vld [tilespmem:$0xCB0];
	[tilespmem:$0x2930] =	vst v4;
	v4 =	vshrl.u32 v8, $0x1  }
0x2d: {  	v41 =	vld [tilespmem:$0xCC0];
	[tilespmem:$0x2940] =	vst v4;
	v4 =	vshrl.u32 v9, $0x1  }
0x2e: {  	[tilespmem:$0x2950] =	vst v4;
	v4 =	vshrl.u32 v5, $0x1;
	v5 =	vld [tilespmem:$0xCD0]  }
0x2f: {  	v42 =	vld [tilespmem:$0xCE0];
	[tilespmem:$0x2A00] =	vst v4;
	v4 =	vshrl.u32 v38, $0x1  }
0x30: {  	v43 =	vld [tilespmem:$0xCF0];
	[tilespmem:$0x2A10] =	vst v4;
	v4 =	vshrl.u32 v39, $0x1  }
0x31: {  	v44 =	vld [tilespmem:$0xD00];
	[tilespmem:$0x2A20] =	vst v4;
	v4 =	vshrl.u32 v40, $0x1  }
0x32: {  	v45 =	vld [tilespmem:$0xD10];
	[tilespmem:$0x2A30] =	vst v4;
	v4 =	vshrl.u32 v41, $0x1  }
0x33: {  	[tilespmem:$0x2A40] =	vst v4;
	v4 =	vshrl.u32 v5, $0x1;
	v5 =	vld [tilespmem:$0xD20]  }
0x34: {  	v46 =	vld [tilespmem:$0xD30];
	[tilespmem:$0x2A50] =	vst v4;
	v4 =	vshrl.u32 v42, $0x1  }
0x35: {  	v47 =	vld [tilespmem:$0xD40];
	[tilespmem:$0x2A60] =	vst v4;
	v4 =	vshrl.u32 v43, $0x1  }
0x36: {  	v48 =	vld [tilespmem:$0xD50];
	[tilespmem:$0x2A70] =	vst v4;
	v4 =	vshrl.u32 v44, $0x1  }
0x37: {  	[tilespmem:$0x2A80] =	vst v4;
	v4 =	vshrl.u32 v45, $0x1  }
0x38: {  	[tilespmem:$0x2A90] =	vst v4;
	v4 =	vshrl.u32 v5, $0x1  }
0x39: {  	[tilespmem:$0x2AA0] =	vst v4;
	v4 =	vshrl.u32 v46, $0x1  }
0x3a: {  	[tilespmem:$0x2AB0] =	vst v4;
	v4 =	vshrl.u32 v47, $0x1  }
0x3b: {  	s17 =	simm.s32 $0x2900;
	s18 =	simm.s32 $0x2C00;
	[tilespmem:$0x2AC0] =	vst v4;
	v4 =	vshrl.u32 v48, $0x1  }
0x3c: {  	s5 =	simm.s32 $0x60;
	s20 =	simm.s32 $0xE0;
	s16 =	rddreg [dreg:$0x3];
	[tilespmem:$0x2AD0] =	vst v4  }
0x3d: {  	[tilespmem:s18], [sflag:$0x1] =	stream.indirect.gather [hbm4b:s16+s5], $0x80, s17, s5, $0xb8;
	[tilespmem:$0x18C00] =	vst v63  }
0x3e: {  	s3 =	simm.s32 $0x2A00;
	s21 =	simm.s32 $0x8C00;
	s19 =	rddreg [dreg:$0x4]  }
0x3f: {  	[tilespmem:s21], [sflag:$0x1] =	stream.indirect.gather [hbm4b:s19+s20], $0x80, s3, s20, $0xb8;
	[tilespmem:$0x18C00] =	vst v63  }
0x40: {  	v4 =	vld [tilespmem:$0x60]  }
0x41: {  	v5 =	vld [tilespmem:$0x70]  }
0x42: {  	v49 =	vld [tilespmem:$0x80]  }
0x43: {  	v50 =	vld [tilespmem:$0x90]  }
0x44: {  	v51 =	vld [tilespmem:$0xA0]  }
0x45: {  	v52 =	vld [tilespmem:$0xB0];
	v4 =	vshrl.u32 v4, $0x1  }
0x46: {  	[tilespmem:$0x2980] =	vst v4;
	v4 =	vshrl.u32 v5, $0x1;
	v5 =	vld [tilespmem:$0xD60]  }
0x47: {  	v53 =	vld [tilespmem:$0xD70];
	[tilespmem:$0x2990] =	vst v4;
	v4 =	vshrl.u32 v49, $0x1  }
0x48: {  	v54 =	vld [tilespmem:$0xD80];
	[tilespmem:$0x29A0] =	vst v4;
	v4 =	vshrl.u32 v50, $0x1  }
0x49: {  	v55 =	vld [tilespmem:$0xD90];
	[tilespmem:$0x29B0] =	vst v4;
	v4 =	vshrl.u32 v51, $0x1  }
0x4a: {  	v56 =	vld [tilespmem:$0xDA0];
	[tilespmem:$0x29C0] =	vst v4;
	v4 =	vshrl.u32 v52, $0x1  }
0x4b: {  	[tilespmem:$0x29D0] =	vst v4;
	v4 =	vshrl.u32 v5, $0x1;
	v5 =	vld [tilespmem:$0xDB0]  }
0x4c: {  	v57 =	vld [tilespmem:$0xDC0];
	[tilespmem:$0x2B00] =	vst v4;
	v4 =	vshrl.u32 v53, $0x1  }
0x4d: {  	v58 =	vld [tilespmem:$0xDD0];
	[tilespmem:$0x2B10] =	vst v4;
	v4 =	vshrl.u32 v54, $0x1  }
0x4e: {  	v59 =	vld [tilespmem:$0xDE0];
	[tilespmem:$0x2B20] =	vst v4;
	v4 =	vshrl.u32 v55, $0x1  }
0x4f: {  	v60 =	vld [tilespmem:$0xDF0];
	[tilespmem:$0x2B30] =	vst v4;
	v4 =	vshrl.u32 v56, $0x1  }
0x50: {  	[tilespmem:$0x2B40] =	vst v4;
	v4 =	vshrl.u32 v5, $0x1;
	v5 =	vld [tilespmem:$0xE00]  }
0x51: {  	v61 =	vld [tilespmem:$0xE10];
	[tilespmem:$0x2B50] =	vst v4;
	v4 =	vshrl.u32 v57, $0x1  }
0x52: {  	v62 =	vld [tilespmem:$0xE20];
	[tilespmem:$0x2B60] =	vst v4;
	v4 =	vshrl.u32 v58, $0x1  }
0x53: {  	v63 =	vld [tilespmem:$0xE30];
	[tilespmem:$0x2B70] =	vst v4;
	v4 =	vshrl.u32 v59, $0x1  }
0x54: {  	[tilespmem:$0x2B80] =	vst v4;
	v4 =	vshrl.u32 v60, $0x1  }
0x55: {  	[tilespmem:$0x2B90] =	vst v4;
	v4 =	vshrl.u32 v5, $0x1  }
0x56: {  	[tilespmem:$0x2BA0] =	vst v4;
	v4 =	vshrl.u32 v61, $0x1  }
0x57: {  	[tilespmem:$0x2BB0] =	vst v4;
	v4 =	vshrl.u32 v62, $0x1  }
0x58: {  	s22 =	simm.s32 $0x2980;
	[tilespmem:$0x2BC0] =	vst v4;
	v4 =	vshrl.u32 v63, $0x1  }
0x59: {  	s23 =	simm.s32 $0x5C00;
	s25 =	simm.s32 $0x2B00;
	s26 =	simm.s32 $0xFC00;
	[tilespmem:$0x2BD0] =	vst v4  }
0x5a: {  	[tilespmem:s23], [sflag:$0x2] =	stream.indirect.gather [hbm4b:s16+s5], $0x80, s22, s5, $0xb8;
	[tilespmem:$0x18C00] =	vst v63  }
0x5b: {  	s28 =	simm.s32 $0x60;
	s29 =	simm.s32 $0x0;
	s30 =	simm.s32 $0x16C00  }
0x5c: {  	[tilespmem:s26], [sflag:$0x2] =	stream.indirect.gather [hbm4b:s19+s20], $0x80, s25, s20, $0xb8;
	[tilespmem:$0x18C00] =	vst v63  }
0x5d: {  	s31 =	simm.s32 $0x0;
	s0 =	simm.s32 $0x16D00;
	s26 =	simm.s32 $0xD60  }
.LBB2_2:
0x5e: {  	s1 =	simm.s32 $0x1  }
0x5f: {  	_ =	swait.ge [sflag:s1], $0x3000  }
0x60: {  	[sflag:s1] =	ssyncset.done $0x0  }
0x61: {  	[sflag:s1] =	ssyncadd.s32 $0xFFFFD000  }
0x62: {  	_ =	swait.ge [sflag:s1], $0x7000  }
0x63: {  	[sflag:s1] =	ssyncset.done $0x0  }
0x64: {  	[sflag:s1] =	ssyncadd.s32 $0xFFFF9000  }
0x65: {  	v4 =	vld [tilespmem:s29+$0x0];
	_ =	sdelay $0x4  }
0x66: {  	v4 =	vshll.u32 v4, $0x6  }
0x67: {  	s18 =	simm.s32 $0x2C00;
	v4 =	vand.u32 $0x40, v4  }
0x68: {  	v14 =	vadd.s32 s18, v4  }
0x69: {  	(v2sf) =	vpush v14, $0x5;
	_ =	sdelay $0x1  }
0x6a: {  	v4 =	vld [tilespmem:s24+$0x0]  }
0x6b: {  	(v2sf) =	vpush v14, $0x3  }
0x6c: {  	(v2sf) =	vpush v14, $0x0;
	_ =	sdelay $0x1  }
0x6d: {  	(v2sf) =	vpush v14, $0x4  }
0x6e: {  	v4 =	vshll.u32 v4, $0x6  }
0x6f: {  	s19 =	simm.s32 $0x0;
	v4 =	vand.u32 $0x40, v4  }
0x70: {  	(v2sf) =	vpush v14, $0x1;
	v15 =	vadd.s32 s19, v4  }
0x71: {  	(v2sf) =	vpush v15, $0xD;
	_ =	sdelay $0x1  }
0x72: {  	(v2sf) =	vpush v15, $0xC;
	_ =	sdelay $0x1  }
0x73: {  	(v2sf) =	vpush v15, $0xB  }
0x74: {  	s20 =	spop (v2sf)  }
0x75: {  	(v2sf) =	vpush v15, $0xA;
	v5 =	vld [tilespmem:s20+$0x2B0]  }
0x76: {  	v8 =	vld [tilespmem:s20+$0x280]  }
0x77: {  	(v2sf) =	vpush v15, $0x9;
	s5 =	spop (v2sf);
	v10 =	vld [tilespmem:s20+$0x290]  }
0x78: {  	v4 =	vld [tilespmem:s5+$0x1B0];
	s7 =	spop (v2sf)  }
0x79: {  	v9 =	vld [tilespmem:s7+$0x30]  }
0x7a: {  	(v2sf) =	vpush v15, $0x8;
	s2 =	spop (v2sf);
	v11 =	vld [tilespmem:s7+$0x20]  }
0x7b: {  	v6 =	vld [tilespmem:s2+$0x220]  }
0x7c: {  	(v2sf) =	vpush v15, $0x7;
	v12 =	vld [tilespmem:s2+$0x200]  }
0x7d: {  	s6 =	spop (v2sf);
	v7 =	vld [tilespmem:s2+$0x210]  }
0x7e: {  	(v2sf) =	vpush v15, $0x6;
	v13 =	vld [tilespmem:s6+$0xB0];
	s8 =	spop (v2sf)  }
0x7f: {  	v16 =	vld [tilespmem:s8+$0x92B0]  }
0x80: {  	(v2sf) =	vpush v15, $0x5;
	s9 =	spop (v2sf);
	v18 =	vld [tilespmem:s8+$0x92A0]  }
0x81: {  	v17 =	vld [tilespmem:s9+$0x9230]  }
0x82: {  	(v2sf) =	vpush v15, $0x4;
	s10 =	spop (v2sf);
	v20 =	vld [tilespmem:s9+$0x9220]  }
0x83: {  	v19 =	vld [tilespmem:s10+$0x91B0]  }
0x84: {  	(v2sf) =	vpush v15, $0x3;
	s11 =	spop (v2sf);
	v22 =	vld [tilespmem:s10+$0x91A0]  }
0x85: {  	v21 =	vld [tilespmem:s11+$0x9130]  }
0x86: {  	(v2sf) =	vpush v15, $0x2;
	s13 =	spop (v2sf);
	v24 =	vld [tilespmem:s11+$0x9120]  }
0x87: {  	v23 =	vld [tilespmem:s13+$0x90B0]  }
0x88: {  	(v2sf) =	vpush v15, $0x0;
	v25 =	vld [tilespmem:s13+$0x90A0]  }
0x89: {  	v63 =	vld [tilespmem:s13+$0x9080];
	s14 =	spop (v2sf)  }
0x8a: {  	(v2sf) =	vpush v15, $0x1;
	v15 =	vld [tilespmem:s14+$0x9030]  }
0x8b: {  	s12 =	spop (v2sf);
	v27 =	vld [tilespmem:s14+$0x9020]  }
0x8c: {  	v26 =	vld [tilespmem:s12+$0x8FB0]  }
0x8d: {  	s15 =	spop (v2sf);
	v29 =	vld [tilespmem:s12+$0x8FA0]  }
0x8e: {  	v28 =	vld [tilespmem:s15+$0x8F30]  }
0x8f: {  	s16 =	spop (v2sf);
	v31 =	vld [tilespmem:s15+$0x8F20]  }
0x90: {  	v30 =	vld [tilespmem:s16+$0x8EB0]  }
0x91: {  	v33 =	vld [tilespmem:s16+$0x8EA0];
	s17 =	spop (v2sf)  }
0x92: {  	v32 =	vld [tilespmem:s17+$0x8E30]  }
0x93: {  	s18 =	spop (v2sf);
	v35 =	vld [tilespmem:s17+$0x8E20]  }
0x94: {  	v34 =	vld [tilespmem:s18+$0x8DB0]  }
0x95: {  	s21 =	spop (v2sf);
	v37 =	vld [tilespmem:s18+$0x8DA0]  }
0x96: {  	v36 =	vld [tilespmem:s21+$0x8D30]  }
0x97: {  	s23 =	spop (v2sf);
	v40 =	vld [tilespmem:s21+$0x8D20]  }
0x98: {  	v38 =	vld [tilespmem:s23+$0x8C30]  }
0x99: {  	v41 =	vld [tilespmem:s23+$0x8C20]  }
0x9a: {  	s25 =	spop (v2sf);
	v43 =	vld [tilespmem:s23+$0x8C00]  }
0x9b: {  	v39 =	vld [tilespmem:s25+$0x8CB0]  }
0x9c: {  	v42 =	vld [tilespmem:s25+$0x8CA0]  }
0x9d: {  	v44 =	vld [tilespmem:s23+$0x8C10]  }
0x9e: {  	v45 =	vld [tilespmem:s25+$0x8C80]  }
0x9f: {  	v46 =	vld [tilespmem:s25+$0x8C90]  }
0xa0: {  	v47 =	vld [tilespmem:s21+$0x8D00];
	v38 =	vadd.f32 v39, v38  }
0xa1: {  	v50 =	vld [tilespmem:s21+$0x8D10];
	v41 =	vadd.f32 v42, v41  }
0xa2: {  	v51 =	vld [tilespmem:s18+$0x8D80];
	(v2sf) =	vpush v14, $0x2;
	v36 =	vadd.f32 v36, v38  }
0xa3: {  	v52 =	vld [tilespmem:s18+$0x8D90];
	v14 =	vadd.f32 v45, v43;
	v40 =	vadd.f32 v40, v41  }
0xa4: {  	v54 =	vld [tilespmem:s17+$0x8E00];
	v53 =	vadd.f32 v46, v44;
	v34 =	vadd.f32 v34, v36  }
0xa5: {  	v55 =	vld [tilespmem:s17+$0x8E10];
	v14 =	vadd.f32 v47, v14;
	v37 =	vadd.f32 v37, v40  }
0xa6: {  	v56 =	vld [tilespmem:s16+$0x8E80];
	v39 =	vadd.f32 v50, v53;
	v32 =	vadd.f32 v32, v34  }
0xa7: {  	v57 =	vld [tilespmem:s16+$0x8E90];
	v14 =	vadd.f32 v51, v14;
	v35 =	vadd.f32 v35, v37  }
0xa8: {  	v58 =	vld [tilespmem:s15+$0x8F00];
	v38 =	vadd.f32 v52, v39;
	v30 =	vadd.f32 v30, v32  }
0xa9: {  	v59 =	vld [tilespmem:s15+$0x8F10];
	v14 =	vadd.f32 v54, v14;
	v33 =	vadd.f32 v33, v35  }
0xaa: {  	v60 =	vld [tilespmem:s12+$0x8F80];
	v36 =	vadd.f32 v55, v38;
	v28 =	vadd.f32 v28, v30  }
0xab: {  	v61 =	vld [tilespmem:s12+$0x8F90];
	v14 =	vadd.f32 v56, v14;
	v31 =	vadd.f32 v31, v33  }
0xac: {  	v62 =	vld [tilespmem:s14+$0x9000];
	v34 =	vadd.f32 v57, v36;
	v26 =	vadd.f32 v26, v28  }
0xad: {  	v14 =	vadd.f32 v58, v14;
	v28 =	vld [tilespmem:s14+$0x9010];
	v29 =	vadd.f32 v29, v31  }
0xae: {  	v32 =	vadd.f32 v59, v34;
	v15 =	vadd.f32 v15, v26;
	v26 =	vld [tilespmem:s13+$0x9090]  }
0xaf: {  	v14 =	vadd.f32 v60, v14;
	v27 =	vadd.f32 v27, v29;
	v29 =	vld [tilespmem:s11+$0x9100]  }
0xb0: {  	v30 =	vadd.f32 v61, v32;
	v15 =	vadd.f32 v23, v15;
	v23 =	vld [tilespmem:s11+$0x9110]  }
0xb1: {  	v14 =	vadd.f32 v62, v14;
	v25 =	vadd.f32 v25, v27;
	v27 =	vld [tilespmem:s10+$0x9180]  }
0xb2: {  	v28 =	vadd.f32 v28, v30;
	v15 =	vadd.f32 v21, v15;
	v21 =	vld [tilespmem:s10+$0x9190]  }
0xb3: {  	v14 =	vadd.f32 v63, v14;
	v24 =	vadd.f32 v24, v25;
	v25 =	vld [tilespmem:s9+$0x9200]  }
0xb4: {  	v26 =	vadd.f32 v26, v28;
	v15 =	vadd.f32 v19, v15;
	v19 =	vld [tilespmem:s9+$0x9210]  }
0xb5: {  	v14 =	vadd.f32 v29, v14;
	v22 =	vadd.f32 v22, v24;
	v24 =	vld [tilespmem:s8+$0x9280]  }
0xb6: {  	v23 =	vadd.f32 v23, v26;
	v15 =	vadd.f32 v17, v15;
	v17 =	vld [tilespmem:s8+$0x9290]  }
0xb7: {  	v14 =	vadd.f32 v27, v14;
	v20 =	vadd.f32 v20, v22;
	v22 =	vld [tilespmem:s5+$0x180]  }
0xb8: {  	v21 =	vadd.f32 v21, v23;
	v23 =	vld [tilespmem:s6+$0x80];
	v15 =	vadd.f32 v16, v15  }
0xb9: {  	v14 =	vadd.f32 v25, v14;
	v16 =	vld [tilespmem:s5+$0x190]  }
0xba: {  	v18 =	vadd.f32 v18, v20;
	v20 =	vld [tilespmem:s7+$0x10];
	v19 =	vadd.f32 v19, v21;
	v5 =	vmul.f32 v5, v15  }
0xbb: {  	s22 =	spop (v2sf);
	v21 =	vld [tilespmem:s7+$0x0];
	v14 =	vadd.f32 v24, v14;
	v9 =	vmul.f32 v9, v15;
	v4 =	vmul.f32 v4, v15  }
0xbc: {  	v13 =	vmul.f32 v13, v15;
	v6 =	vmul.f32 v6, v18;
	v17 =	vadd.f32 v17, v19;
	v19 =	vld [tilespmem:s22+$0x100]  }
0xbd: {  	v24 =	vld [tilespmem:s6+$0x90];
	v11 =	vmul.f32 v11, v18;
	v8 =	vmul.f32 v8, v14  }
0xbe: {  	v25 =	vld [tilespmem:s22+$0x110];
	v12 =	vmul.f32 v12, v14;
	v22 =	vmul.f32 v22, v14  }
0xbf: {  	v26 =	vld [tilespmem:s6+$0xA0];
	v10 =	vmul.f32 v10, v17;
	v7 =	vmul.f32 v7, v17  }
0xc0: {  	v27 =	vld [tilespmem:s22+$0x120];
	v16 =	vmul.f32 v16, v17;
	v20 =	vmul.f32 v20, v17  }
0xc1: {  	v28 =	vld [tilespmem:s5+$0x1A0];
	v21 =	vmul.f32 v21, v14;
	v19 =	vmul.f32 v19, v14  }
0xc2: {  	v14 =	vmul.f32 v23, v14;
	v23 =	vmul.f32 v24, v17;
	v24 =	vld [tilespmem:s22+$0x130]  }
0xc3: {  	v7 =	vadd.f32 v7, v12;
	v8 =	vadd.f32 v10, v8;
	v10 =	vld [tilespmem:s20+$0x2A0];
	v17 =	vmul.f32 v25, v17  }
0xc4: {  	v16 =	vadd.f32 v16, v22;
	v22 =	vld [tilespmem:s2+$0x230];
	v12 =	vadd.f32 v23, v14;
	v14 =	vmul.f32 v26, v18  }
0xc5: {  	v20 =	vadd.f32 v20, v21;
	v17 =	vadd.f32 v17, v19;
	v19 =	vmul.f32 v27, v18  }
0xc6: {  	v6 =	vadd.f32 v6, v7;
	v12 =	vadd.f32 v14, v12;
	v14 =	vmul.f32 v28, v18  }
0xc7: {  	v7 =	vadd.f32 v11, v20;
	v11 =	vadd.f32 v19, v17;
	v17 =	vmul.f32 v24, v15  }
0xc8: {  	v10 =	vmul.f32 v10, v18;
	v12 =	vadd.f32 v13, v12;
	v13 =	vadd.f32 v14, v16  }
0xc9: {  	v7 =	vadd.f32 v9, v7;
	v9 =	vadd.f32 v17, v11;
	v11 =	vmul.f32 v22, v15  }
0xca: {  	v8 =	vadd.f32 v10, v8;
	v14 =	vperm.xlane v12, v0;
	v4 =	vadd.f32 v4, v13  }
0xcb: {  	v10 =	vperm.xlane v7, v0;
	v13 =	vperm.xlane v9, v0;
	v6 =	vadd.f32 v11, v6  }
0xcc: {  	v5 =	vadd.f32 v5, v8;
	v11 =	vadd.f32 v12, v14;
	v12 =	vperm.xlane v4, v0  }
0xcd: {  	v7 =	vadd.f32 v7, v10;
	v8 =	vadd.f32 v9, v13;
	v9 =	vperm.xlane v6, v0  }
0xce: {  	v10 =	vperm.xlane v11, v1;
	v4 =	vadd.f32 v4, v12;
	v12 =	vperm.xlane v5, v0  }
0xcf: {  	v13 =	vperm.xlane v7, v1;
	v14 =	vperm.xlane v8, v1;
	v6 =	vadd.f32 v6, v9  }
0xd0: {  	v9 =	vadd.f32 v11, v10;
	v10 =	vperm.xlane v4, v1;
	v5 =	vadd.f32 v5, v12  }
0xd1: {  	v7 =	vadd.f32 v7, v13;
	v8 =	vadd.f32 v8, v14;
	v11 =	vperm.xlane v6, v1  }
0xd2: {  	v12 =	vperm.xlane v9, v2;
	v4 =	vadd.f32 v4, v10;
	v10 =	vperm.xlane v5, v1  }
0xd3: {  	v13 =	vperm.xlane v7, v2;
	v14 =	vperm.xlane v8, v2;
	v6 =	vadd.f32 v6, v11  }
0xd4: {  	v9 =	vadd.f32 v9, v12;
	v11 =	vperm.xlane v4, v2;
	v5 =	vadd.f32 v5, v10  }
0xd5: {  	v7 =	vadd.f32 v7, v13;
	v8 =	vadd.f32 v8, v14;
	v10 =	vperm.xlane v6, v2  }
0xd6: {  	v12 =	vperm.xlane v9, v3;
	v4 =	vadd.f32 v4, v11;
	v11 =	vperm.xlane v5, v2  }
0xd7: {  	v13 =	vperm.xlane v7, v3;
	v14 =	vperm.xlane v8, v3;
	v6 =	vadd.f32 v6, v10  }
0xd8: {  	v9 =	vadd.f32 v9, v12;
	v10 =	vperm.xlane v4, v3;
	v5 =	vadd.f32 v5, v11  }
0xd9: {  	v7 =	vadd.f32 v7, v13;
	v8 =	vadd.f32 v8, v14;
	v11 =	vperm.xlane v6, v3  }
0xda: {  	v9 =	vsub.f32 $0.0e+00, v9;
	v4 =	vadd.f32 v4, v10;
	v10 =	vperm.xlane v5, v3  }
0xdb: {  	v7 =	vnsel vm0, $0x0, v7;
	v8 =	vsub.f32 $0.0e+00, v8;
	v6 =	vadd.f32 v6, v11  }
0xdc: {  	v7 =	vsel vm1, v7, v9;
	v4 =	vsub.f32 $0.0e+00, v4;
	v5 =	vadd.f32 v5, v10  }
0xdd: {  	v7 =	vsel vm2, v7, v8;
	v6 =	vsub.f32 $0.0e+00, v6  }
0xde: {  	v4 =	vsel vm3, v7, v4;
	v5 =	vsub.f32 $0.0e+00, v5  }
0xdf: {  	v4 =	vsel vm4, v4, v6  }
0xe0: {  	v4 =	vsel vm5, v4, v5  }
0xe1: {  	s25 =	sadd.s32 $0x6, s29;
	[tilespmem:s30+$0x0] =	vst v4  }
0xe2: {  	v4 =	vld [tilespmem:s25+$0x0];
	_ =	sdelay $0x4  }
0xe3: {  	v4 =	vshll.u32 v4, $0x6  }
0xe4: {  	s21 =	simm.s32 $0x2F00;
	v4 =	vand.u32 $0x40, v4  }
0xe5: {  	v20 =	vadd.s32 s21, v4  }
0xe6: {  	(v2sf) =	vpush v20, $0x5;
	_ =	sdelay $0x1  }
0xe7: {  	s5 =	sadd.s32 $0xE, s24  }
0xe8: {  	v4 =	vld [tilespmem:s5+$0x0];
	(v2sf) =	vpush v20, $0x3  }
0xe9: {  	(v2sf) =	vpush v20, $0x0;
	_ =	sdelay $0x1  }
0xea: {  	(v2sf) =	vpush v20, $0x4;
	_ =	sdelay $0x1  }
0xeb: {  	v4 =	vshll.u32 v4, $0x6  }
0xec: {  	s23 =	simm.s32 $0x700;
	v4 =	vand.u32 $0x40, v4  }
0xed: {  	(v2sf) =	vpush v20, $0x1;
	v26 =	vadd.s32 s23, v4  }
0xee: {  	(v2sf) =	vpush v26, $0xD  }
0xef: {  	(v2sf) =	vpush v26, $0xC  }
0xf0: {  	(v2sf) =	vpush v26, $0xB  }
0xf1: {  	(v2sf) =	vpush v26, $0xA  }
0xf2: {  	s6 =	spop (v2sf);
	(v2sf) =	vpush v26, $0x9;
	_ =	sdelay $0x2  }
0xf3: {  	s1 =	spop (v2sf)  }
0xf4: {  	v5 =	vld [tilespmem:s6+$0x2B0];
	s10 =	spop (v2sf);
	(v2sf) =	vpush v26, $0x8  }
0xf5: {  	v7 =	vld [tilespmem:s6+$0x280]  }
0xf6: {  	v10 =	vld [tilespmem:s6+$0x290];
	s7 =	spop (v2sf);
	(v2sf) =	vpush v26, $0x7  }
0xf7: {  	v4 =	vld [tilespmem:s1+$0x1B0]  }
0xf8: {  	v9 =	vld [tilespmem:s10+$0x30]  }
0xf9: {  	v11 =	vld [tilespmem:s10+$0x20]  }
0xfa: {  	v6 =	vld [tilespmem:s7+$0x220];
	s9 =	spop (v2sf)  }
0xfb: {  	(v2sf) =	vpush v26, $0x6;
	v13 =	vld [tilespmem:s7+$0x200];
	s23 =	spop (v2sf)  }
0xfc: {  	v8 =	vld [tilespmem:s7+$0x210];
	s11 =	spop (v2sf)  }
0xfd: {  	v12 =	vld [tilespmem:s9+$0xB0];
	(v2sf) =	vpush v26, $0x5;
	s13 =	spop (v2sf)  }
0xfe: {  	v15 =	vld [tilespmem:s23+$0x92B0];
	s14 =	spop (v2sf)  }
0xff: {  	v14 =	vld [tilespmem:s23+$0x92A0];
	s15 =	spop (v2sf);
	(v2sf) =	vpush v26, $0x4  }
0x100: {  	v16 =	vld [tilespmem:s11+$0x9230]  }
0x101: {  	v17 =	vld [tilespmem:s11+$0x9220];
	(v2sf) =	vpush v26, $0x3  }
0x102: {  	v18 =	vld [tilespmem:s13+$0x91B0]  }
0x103: {  	v19 =	vld [tilespmem:s13+$0x91A0];
	s16 =	spop (v2sf);
	(v2sf) =	vpush v26, $0x2  }
0x104: {  	v21 =	vld [tilespmem:s14+$0x9130]  }
0x105: {  	v22 =	vld [tilespmem:s14+$0x9120];
	s17 =	spop (v2sf);
	(v2sf) =	vpush v26, $0x0  }
0x106: {  	v23 =	vld [tilespmem:s15+$0x90B0];
	(v2sf) =	vpush v26, $0x1  }
0x107: {  	v24 =	vld [tilespmem:s15+$0x90A0]  }
0x108: {  	v25 =	vld [tilespmem:s16+$0x9030]  }
0x109: {  	v27 =	vld [tilespmem:s17+$0x8FB0]  }
0x10a: {  	s8 =	simm.s32 $0x3800;
	s2 =	smov.u32 s30;
	v26 =	vld [tilespmem:s16+$0x9020];
	s18 =	spop (v2sf)  }
.LBB2_3:
0x10b: {  	p0 =	sne.s32 s8, $0x1A400;
	v28 =	vld [tilespmem:s18+$0x8F30]  }
0x10c: {  	v29 =	vld [tilespmem:s17+$0x8FA0];
	s12 =	spop (v2sf)  }
0x10d: {  	v30 =	vld [tilespmem:s12+$0x8EB0]  }
0x10e: {  	v31 =	vld [tilespmem:s18+$0x8F20];
	s22 =	spop (v2sf)  }
0x10f: {  	v32 =	vld [tilespmem:s22+$0x8E30]  }
0x110: {  	v33 =	vld [tilespmem:s12+$0x8EA0];
	s3 =	spop (v2sf)  }
0x111: {  	v34 =	vld [tilespmem:s3+$0x8DB0]  }
0x112: {  	v35 =	vld [tilespmem:s22+$0x8E20];
	s4 =	spop (v2sf)  }
0x113: {  	v36 =	vld [tilespmem:s4+$0x8D30]  }
0x114: {  	v37 =	vld [tilespmem:s3+$0x8DA0];
	s19 =	spop (v2sf)  }
0x115: {  	v38 =	vld [tilespmem:s19+$0x8C30];
	s20 =	spop (v2sf)  }
0x116: {  	v39 =	vld [tilespmem:s20+$0x8CB0]  }
0x117: {  	v40 =	vld [tilespmem:s4+$0x8D20]  }
0x118: {  	v41 =	vld [tilespmem:s19+$0x8C20]  }
0x119: {  	v42 =	vld [tilespmem:s20+$0x8CA0]  }
0x11a: {  	v43 =	vld [tilespmem:s19+$0x8C00]  }
0x11b: {  	v44 =	vld [tilespmem:s19+$0x8C10]  }
0x11c: {  	v45 =	vld [tilespmem:s20+$0x8C80]  }
0x11d: {  	v46 =	vld [tilespmem:s20+$0x8C90]  }
0x11e: {  	v47 =	vld [tilespmem:s4+$0x8D00]  }
0x11f: {  	v38 =	vadd.f32 v39, v38;
	v39 =	vld [tilespmem:s4+$0x8D10]  }
0x120: {  	v41 =	vadd.f32 v42, v41;
	v42 =	vld [tilespmem:s3+$0x8D80];
	(v2sf) =	vpush v20, $0x2  }
0x121: {  	v36 =	vadd.f32 v36, v38;
	v20 =	vadd.f32 v45, v43;
	v38 =	vld [tilespmem:s3+$0x8D90]  }
0x122: {  	v40 =	vadd.f32 v40, v41;
	v43 =	vadd.f32 v46, v44;
	v41 =	vld [tilespmem:s22+$0x8E00]  }
0x123: {  	v34 =	vadd.f32 v34, v36;
	v20 =	vadd.f32 v47, v20;
	v36 =	vld [tilespmem:s22+$0x8E10]  }
0x124: {  	v37 =	vadd.f32 v37, v40;
	v39 =	vadd.f32 v39, v43;
	v40 =	vld [tilespmem:s12+$0x8E80]  }
0x125: {  	v32 =	vadd.f32 v32, v34;
	v20 =	vadd.f32 v42, v20;
	v34 =	vld [tilespmem:s12+$0x8E90]  }
0x126: {  	v35 =	vadd.f32 v35, v37;
	v38 =	vadd.f32 v38, v39;
	v37 =	vld [tilespmem:s18+$0x8F00]  }
0x127: {  	v30 =	vadd.f32 v30, v32;
	v20 =	vadd.f32 v41, v20;
	v32 =	vld [tilespmem:s18+$0x8F10]  }
0x128: {  	v33 =	vadd.f32 v33, v35;
	v36 =	vadd.f32 v36, v38;
	v35 =	vld [tilespmem:s17+$0x8F80]  }
0x129: {  	v28 =	vadd.f32 v28, v30;
	v20 =	vadd.f32 v40, v20;
	v30 =	vld [tilespmem:s17+$0x8F90]  }
0x12a: {  	v31 =	vadd.f32 v31, v33;
	v34 =	vadd.f32 v34, v36;
	v33 =	vld [tilespmem:s16+$0x9000]  }
0x12b: {  	v27 =	vadd.f32 v27, v28;
	v20 =	vadd.f32 v37, v20;
	v28 =	vld [tilespmem:s16+$0x9010]  }
0x12c: {  	v29 =	vadd.f32 v29, v31;
	v32 =	vadd.f32 v32, v34;
	v31 =	vld [tilespmem:s15+$0x9080]  }
0x12d: {  	v25 =	vadd.f32 v25, v27;
	v20 =	vadd.f32 v35, v20;
	v27 =	vld [tilespmem:s15+$0x9090]  }
0x12e: {  	v26 =	vadd.f32 v26, v29;
	v30 =	vadd.f32 v30, v32;
	v29 =	vld [tilespmem:s14+$0x9100]  }
0x12f: {  	v23 =	vadd.f32 v23, v25;
	v20 =	vadd.f32 v33, v20;
	v25 =	vld [tilespmem:s14+$0x9110];
	s14 =	spop (v2sf)  }
0x130: {  	v24 =	vadd.f32 v24, v26;
	v28 =	vadd.f32 v28, v30;
	v26 =	vld [tilespmem:s13+$0x9180]  }
0x131: {  	v21 =	vadd.f32 v21, v23;
	v20 =	vadd.f32 v31, v20;
	v23 =	vld [tilespmem:s13+$0x9190]  }
0x132: {  	v22 =	vadd.f32 v22, v24;
	v27 =	vadd.f32 v27, v28;
	v24 =	vld [tilespmem:s11+$0x9200]  }
0x133: {  	v18 =	vadd.f32 v18, v21;
	v20 =	vadd.f32 v29, v20;
	v21 =	vld [tilespmem:s11+$0x9210]  }
0x134: {  	v19 =	vadd.f32 v19, v22;
	v25 =	vadd.f32 v25, v27;
	v22 =	vld [tilespmem:s23+$0x9280]  }
0x135: {  	v16 =	vadd.f32 v16, v18;
	v20 =	vadd.f32 v26, v20;
	v18 =	vld [tilespmem:s23+$0x9290]  }
0x136: {  	v17 =	vadd.f32 v17, v19;
	v23 =	vadd.f32 v23, v25;
	v19 =	vld [tilespmem:s1+$0x180]  }
0x137: {  	v15 =	vadd.f32 v15, v16;
	v20 =	vadd.f32 v24, v20;
	v16 =	vld [tilespmem:s1+$0x190]  }
0x138: {  	v21 =	vadd.f32 v21, v23;
	v23 =	vld [tilespmem:s10+$0x0]  }
0x139: {  	v5 =	vmul.f32 v5, v15;
	v14 =	vadd.f32 v14, v17;
	v20 =	vadd.f32 v22, v20;
	v17 =	vld [tilespmem:s10+$0x10]  }
0x13a: {  	v9 =	vmul.f32 v9, v15;
	v4 =	vmul.f32 v4, v15;
	v18 =	vadd.f32 v18, v21;
	v21 =	vld [tilespmem:s14+$0x100]  }
0x13b: {  	v12 =	vmul.f32 v12, v15;
	v6 =	vmul.f32 v6, v14;
	v22 =	vld [tilespmem:s9+$0x80]  }
0x13c: {  	v7 =	vmul.f32 v7, v20;
	v24 =	vld [tilespmem:s9+$0x90];
	v10 =	vmul.f32 v10, v18  }
0x13d: {  	v11 =	vmul.f32 v11, v14;
	v13 =	vmul.f32 v13, v20;
	v25 =	vld [tilespmem:s14+$0x110]  }
0x13e: {  	v19 =	vmul.f32 v19, v20;
	v8 =	vmul.f32 v8, v18;
	v26 =	vld [tilespmem:s9+$0xA0]  }
0x13f: {  	v16 =	vmul.f32 v16, v18;
	v23 =	vmul.f32 v23, v20;
	v27 =	vld [tilespmem:s14+$0x120]  }
0x140: {  	v17 =	vmul.f32 v17, v18;
	v21 =	vmul.f32 v21, v20;
	v28 =	vld [tilespmem:s1+$0x1A0]  }
0x141: {  	v20 =	vmul.f32 v22, v20;
	v22 =	vmul.f32 v24, v18;
	v24 =	vld [tilespmem:s14+$0x130]  }
0x142: {  	v8 =	vadd.f32 v8, v13;
	v7 =	vadd.f32 v10, v7;
	v18 =	vmul.f32 v25, v18;
	v10 =	vld [tilespmem:s6+$0x2A0]  }
0x143: {  	v16 =	vadd.f32 v16, v19;
	v13 =	vadd.f32 v22, v20;
	v20 =	vmul.f32 v26, v14;
	v19 =	vld [tilespmem:s7+$0x230]  }
0x144: {  	v17 =	vadd.f32 v17, v23;
	v18 =	vadd.f32 v18, v21;
	v21 =	vmul.f32 v27, v14  }
0x145: {  	v6 =	vadd.f32 v6, v8;
	v13 =	vadd.f32 v20, v13;
	v20 =	vmul.f32 v28, v14  }
0x146: {  	v8 =	vadd.f32 v11, v17;
	v11 =	vadd.f32 v21, v18;
	v17 =	vmul.f32 v24, v15  }
0x147: {  	v12 =	vadd.f32 v12, v13;
	v13 =	vadd.f32 v20, v16;
	v10 =	vmul.f32 v10, v14  }
0x148: {  	v8 =	vadd.f32 v9, v8;
	v9 =	vadd.f32 v17, v11;
	v11 =	vmul.f32 v19, v15  }
0x149: {  	v14 =	vperm.xlane v12, v0;
	v4 =	vadd.f32 v4, v13;
	v7 =	vadd.f32 v10, v7  }
0x14a: {  	v10 =	vperm.xlane v8, v0;
	v13 =	vperm.xlane v9, v0;
	v6 =	vadd.f32 v11, v6  }
0x14b: {  	v11 =	vadd.f32 v12, v14;
	v12 =	vperm.xlane v4, v0;
	v5 =	vadd.f32 v5, v7  }
0x14c: {  	v7 =	vadd.f32 v8, v10;
	v8 =	vadd.f32 v9, v13;
	v9 =	vperm.xlane v6, v0  }
0x14d: {  	v10 =	vperm.xlane v11, v1;
	v4 =	vadd.f32 v4, v12;
	v12 =	vperm.xlane v5, v0  }
0x14e: {  	v13 =	vperm.xlane v7, v1;
	v14 =	vperm.xlane v8, v1;
	v6 =	vadd.f32 v6, v9  }
0x14f: {  	v9 =	vadd.f32 v11, v10;
	v10 =	vperm.xlane v4, v1;
	v5 =	vadd.f32 v5, v12  }
0x150: {  	v7 =	vadd.f32 v7, v13;
	v8 =	vadd.f32 v8, v14;
	v11 =	vperm.xlane v6, v1  }
0x151: {  	v12 =	vperm.xlane v9, v2;
	v4 =	vadd.f32 v4, v10;
	v10 =	vperm.xlane v5, v1  }
0x152: {  	v13 =	vperm.xlane v7, v2;
	v14 =	vperm.xlane v8, v2;
	v6 =	vadd.f32 v6, v11  }
0x153: {  	v9 =	vadd.f32 v9, v12;
	v11 =	vperm.xlane v4, v2;
	v5 =	vadd.f32 v5, v10  }
0x154: {  	v7 =	vadd.f32 v7, v13;
	v8 =	vadd.f32 v8, v14;
	v10 =	vperm.xlane v6, v2  }
0x155: {  	v12 =	vperm.xlane v9, v3;
	v4 =	vadd.f32 v4, v11;
	v11 =	vperm.xlane v5, v2  }
0x156: {  	v13 =	vperm.xlane v7, v3;
	v14 =	vperm.xlane v8, v3;
	v6 =	vadd.f32 v6, v10  }
0x157: {  	v9 =	vadd.f32 v9, v12;
	v10 =	vperm.xlane v4, v3;
	v5 =	vadd.f32 v5, v11  }
0x158: {  	v7 =	vadd.f32 v7, v13;
	v8 =	vadd.f32 v8, v14;
	v11 =	vperm.xlane v6, v3  }
0x159: {  	v9 =	vsub.f32 $0.0e+00, v9;
	v4 =	vadd.f32 v4, v10;
	v10 =	vperm.xlane v5, v3  }
0x15a: {  	v7 =	vnsel vm0, $0x0, v7;
	v8 =	vsub.f32 $0.0e+00, v8;
	v6 =	vadd.f32 v6, v11  }
0x15b: {  	v7 =	vsel vm1, v7, v9;
	v4 =	vsub.f32 $0.0e+00, v4;
	v5 =	vadd.f32 v5, v10  }
0x15c: {  	v7 =	vsel vm2, v7, v8;
	v6 =	vsub.f32 $0.0e+00, v6  }
0x15d: {  	v4 =	vsel vm3, v7, v4;
	v5 =	vsub.f32 $0.0e+00, v5  }
0x15e: {  	v4 =	vsel vm4, v4, v6  }
0x15f: {  	s2 =	sadd.s32 $0x10, s2;
	v4 =	vsel vm5, v4, v5  }
0x160: {  	s25 =	sadd.s32 $0x6, s25;
	[tilespmem:s2+$0x0] =	vst v4  }
0x161: {  	v4 =	vld [tilespmem:s25+$0x0];
	_ =	sdelay $0x4  }
0x162: {  	v4 =	vshll.u32 v4, $0x6  }
0x163: {  	s21 =	sadd.s32 $0x300, s21;
	v4 =	vand.u32 $0x40, v4  }
0x164: {  	v20 =	vadd.s32 s21, v4  }
0x165: {  	(v2sf) =	vpush v20, $0x5  }
0x166: {  	s5 =	sadd.s32 $0xE, s5;
	(v2sf) =	vpush v20, $0x3  }
0x167: {  	v4 =	vld [tilespmem:s5+$0x0];
	(v2sf) =	vpush v20, $0x0  }
0x168: {  	(v2sf) =	vpush v20, $0x4  }
0x169: {  	(v2sf) =	vpush v20, $0x1;
	_ =	sdelay $0x2  }
0x16a: {  	v4 =	vshll.u32 v4, $0x6  }
0x16b: {  	s1 =	sshra.s32 s8, $0x2;
	v4 =	vand.u32 $0x40, v4  }
0x16c: {  	v24 =	vadd.s32 s1, v4  }
0x16d: {  	(v2sf) =	vpush v24, $0xD  }
0x16e: {  	(v2sf) =	vpush v24, $0xC;
	_ =	sdelay $0x1  }
0x16f: {  	(v2sf) =	vpush v24, $0xB;
	_ =	sdelay $0x1  }
0x170: {  	(v2sf) =	vpush v24, $0xA;
	s6 =	spop (v2sf)  }
0x171: {  	v5 =	vld [tilespmem:s6+$0x2B0];
	s1 =	spop (v2sf)  }
0x172: {  	v4 =	vld [tilespmem:s1+$0x1B0];
	(v2sf) =	vpush v24, $0x9;
	s10 =	spop (v2sf)  }
0x173: {  	v9 =	vld [tilespmem:s10+$0x30];
	s7 =	spop (v2sf)  }
0x174: {  	v6 =	vld [tilespmem:s7+$0x220];
	(v2sf) =	vpush v24, $0x8;
	s9 =	spop (v2sf)  }
0x175: {  	v12 =	vld [tilespmem:s9+$0xB0]  }
0x176: {  	v7 =	vld [tilespmem:s6+$0x280];
	(v2sf) =	vpush v24, $0x7  }
0x177: {  	v10 =	vld [tilespmem:s6+$0x290]  }
0x178: {  	v11 =	vld [tilespmem:s10+$0x20];
	(v2sf) =	vpush v24, $0x6  }
0x179: {  	v13 =	vld [tilespmem:s7+$0x200]  }
0x17a: {  	v8 =	vld [tilespmem:s7+$0x210];
	(v2sf) =	vpush v24, $0x5;
	s23 =	spop (v2sf)  }
0x17b: {  	v15 =	vld [tilespmem:s23+$0x92B0];
	s11 =	spop (v2sf)  }
0x17c: {  	v16 =	vld [tilespmem:s11+$0x9230];
	(v2sf) =	vpush v24, $0x4  }
0x17d: {  	v14 =	vld [tilespmem:s23+$0x92A0];
	s13 =	spop (v2sf)  }
0x17e: {  	v18 =	vld [tilespmem:s13+$0x91B0];
	(v2sf) =	vpush v24, $0x3  }
0x17f: {  	v17 =	vld [tilespmem:s11+$0x9220];
	s14 =	spop (v2sf)  }
0x180: {  	v21 =	vld [tilespmem:s14+$0x9130];
	(v2sf) =	vpush v24, $0x2  }
0x181: {  	v19 =	vld [tilespmem:s13+$0x91A0];
	s15 =	spop (v2sf)  }
0x182: {  	v23 =	vld [tilespmem:s15+$0x90B0];
	(v2sf) =	vpush v24, $0x0  }
.Ltmp2:
0x183: {  	v22 =	vld [tilespmem:s14+$0x9120];
	(v2sf) =	vpush v24, $0x1;
	s16 =	spop (v2sf);
	(pc) =	sbr.rel @p0 .LBB2_3-.Ltmp2, $4  }
0x184: {  	v25 =	vld [tilespmem:s16+$0x9030]  }
0x185: {  	v24 =	vld [tilespmem:s15+$0x90A0];
	s17 =	spop (v2sf)  }
0x186: {  	v27 =	vld [tilespmem:s17+$0x8FB0]  }
0x187: {  	s8 =	sadd.s32 $0x1C00, s8;
	v26 =	vld [tilespmem:s16+$0x9020];
	s18 =	spop (v2sf)  }
0x188: {  	v28 =	vld [tilespmem:s18+$0x8F30]  }
0x189: {  	v29 =	vld [tilespmem:s17+$0x8FA0]  }
0x18a: {  	v31 =	vld [tilespmem:s18+$0x8F20];
	s3 =	spop (v2sf)  }
0x18b: {  	v30 =	vld [tilespmem:s3+$0x8EB0]  }
0x18c: {  	v33 =	vld [tilespmem:s3+$0x8EA0];
	s4 =	spop (v2sf)  }
0x18d: {  	v32 =	vld [tilespmem:s4+$0x8E30]  }
0x18e: {  	v35 =	vld [tilespmem:s4+$0x8E20];
	s5 =	spop (v2sf)  }
0x18f: {  	v34 =	vld [tilespmem:s5+$0x8DB0]  }
0x190: {  	v37 =	vld [tilespmem:s5+$0x8DA0];
	s8 =	spop (v2sf)  }
0x191: {  	v36 =	vld [tilespmem:s8+$0x8D30]  }
0x192: {  	v40 =	vld [tilespmem:s8+$0x8D20];
	s12 =	spop (v2sf)  }
0x193: {  	v38 =	vld [tilespmem:s12+$0x8C30]  }
0x194: {  	v41 =	vld [tilespmem:s12+$0x8C20]  }
0x195: {  	v43 =	vld [tilespmem:s12+$0x8C00]  }
0x196: {  	s19 =	spop (v2sf);
	v44 =	vld [tilespmem:s12+$0x8C10]  }
0x197: {  	v39 =	vld [tilespmem:s19+$0x8CB0]  }
0x198: {  	v42 =	vld [tilespmem:s19+$0x8CA0]  }
0x199: {  	v45 =	vld [tilespmem:s19+$0x8C80]  }
0x19a: {  	v46 =	vld [tilespmem:s19+$0x8C90]  }
0x19b: {  	v47 =	vld [tilespmem:s8+$0x8D00]  }
0x19c: {  	v52 =	vld [tilespmem:s8+$0x8D10];
	v38 =	vadd.f32 v39, v38  }
0x19d: {  	(v2sf) =	vpush v20, $0x2;
	v53 =	vld [tilespmem:s5+$0x8D80];
	v41 =	vadd.f32 v42, v41  }
0x19e: {  	v55 =	vld [tilespmem:s5+$0x8D90];
	v54 =	vadd.f32 v45, v43;
	v36 =	vadd.f32 v36, v38  }
0x19f: {  	v57 =	vld [tilespmem:s4+$0x8E00];
	v56 =	vadd.f32 v46, v44;
	v40 =	vadd.f32 v40, v41  }
0x1a0: {  	v58 =	vld [tilespmem:s4+$0x8E10];
	v20 =	vadd.f32 v47, v54;
	v34 =	vadd.f32 v34, v36  }
0x1a1: {  	v59 =	vld [tilespmem:s3+$0x8E80];
	v39 =	vadd.f32 v52, v56;
	v37 =	vadd.f32 v37, v40  }
0x1a2: {  	v60 =	vld [tilespmem:s3+$0x8E90];
	v20 =	vadd.f32 v53, v20;
	v32 =	vadd.f32 v32, v34  }
0x1a3: {  	v61 =	vld [tilespmem:s18+$0x8F00];
	v38 =	vadd.f32 v55, v39;
	v35 =	vadd.f32 v35, v37  }
0x1a4: {  	v62 =	vld [tilespmem:s18+$0x8F10];
	v20 =	vadd.f32 v57, v20;
	v30 =	vadd.f32 v30, v32  }
0x1a5: {  	v63 =	vld [tilespmem:s17+$0x8F80];
	v36 =	vadd.f32 v58, v38;
	v33 =	vadd.f32 v33, v35  }
0x1a6: {  	v38 =	vld [tilespmem:s17+$0x8F90];
	v20 =	vadd.f32 v59, v20;
	v28 =	vadd.f32 v28, v30  }
0x1a7: {  	v39 =	vld [tilespmem:s16+$0x9000];
	v34 =	vadd.f32 v60, v36;
	v31 =	vadd.f32 v31, v33  }
0x1a8: {  	v40 =	vld [tilespmem:s16+$0x9010];
	v20 =	vadd.f32 v61, v20;
	v27 =	vadd.f32 v27, v28  }
0x1a9: {  	v41 =	vld [tilespmem:s15+$0x9080];
	v32 =	vadd.f32 v62, v34;
	v29 =	vadd.f32 v29, v31  }
0x1aa: {  	v42 =	vld [tilespmem:s15+$0x9090];
	v20 =	vadd.f32 v63, v20;
	v25 =	vadd.f32 v25, v27  }
0x1ab: {  	v43 =	vld [tilespmem:s14+$0x9100];
	v30 =	vadd.f32 v38, v32;
	v26 =	vadd.f32 v26, v29  }
0x1ac: {  	v44 =	vld [tilespmem:s14+$0x9110];
	v20 =	vadd.f32 v39, v20;
	v23 =	vadd.f32 v23, v25  }
0x1ad: {  	v45 =	vld [tilespmem:s13+$0x9180];
	v28 =	vadd.f32 v40, v30;
	v24 =	vadd.f32 v24, v26  }
0x1ae: {  	v46 =	vld [tilespmem:s13+$0x9190];
	v20 =	vadd.f32 v41, v20;
	v21 =	vadd.f32 v21, v23  }
0x1af: {  	v47 =	vld [tilespmem:s11+$0x9200];
	v27 =	vadd.f32 v42, v28;
	v22 =	vadd.f32 v22, v24  }
0x1b0: {  	v48 =	vld [tilespmem:s11+$0x9210];
	v20 =	vadd.f32 v43, v20;
	v18 =	vadd.f32 v18, v21  }
0x1b1: {  	v49 =	vld [tilespmem:s23+$0x9280];
	v25 =	vadd.f32 v44, v27;
	v19 =	vadd.f32 v19, v22  }
0x1b2: {  	v50 =	vld [tilespmem:s23+$0x9290];
	v20 =	vadd.f32 v45, v20;
	v16 =	vadd.f32 v16, v18  }
0x1b3: {  	v51 =	vld [tilespmem:s1+$0x180];
	v23 =	vadd.f32 v46, v25;
	v17 =	vadd.f32 v17, v19  }
0x1b4: {  	v52 =	vld [tilespmem:s1+$0x190];
	v20 =	vadd.f32 v47, v20;
	v15 =	vadd.f32 v15, v16  }
0x1b5: {  	v54 =	vld [tilespmem:s10+$0x10];
	v21 =	vadd.f32 v48, v23  }
0x1b6: {  	v56 =	vld [tilespmem:s9+$0x80];
	v20 =	vadd.f32 v49, v20;
	v14 =	vadd.f32 v14, v17;
	v5 =	vmul.f32 v5, v15  }
0x1b7: {  	s23 =	spop (v2sf);
	v53 =	vld [tilespmem:s10+$0x0];
	v18 =	vadd.f32 v50, v21;
	v9 =	vmul.f32 v9, v15;
	v4 =	vmul.f32 v4, v15  }
0x1b8: {  	v55 =	vld [tilespmem:s23+$0x100];
	v12 =	vmul.f32 v12, v15;
	v6 =	vmul.f32 v6, v14  }
0x1b9: {  	v57 =	vld [tilespmem:s9+$0x90];
	v7 =	vmul.f32 v7, v20;
	v10 =	vmul.f32 v10, v18  }
0x1ba: {  	v58 =	vld [tilespmem:s23+$0x110];
	v11 =	vmul.f32 v11, v14;
	v13 =	vmul.f32 v13, v20  }
0x1bb: {  	v59 =	vld [tilespmem:s9+$0xA0];
	v19 =	vmul.f32 v51, v20;
	v8 =	vmul.f32 v8, v18  }
0x1bc: {  	v60 =	vld [tilespmem:s23+$0x120];
	v23 =	vmul.f32 v53, v20;
	v16 =	vmul.f32 v52, v18  }
0x1bd: {  	v61 =	vld [tilespmem:s1+$0x1A0];
	v17 =	vmul.f32 v54, v18;
	v21 =	vmul.f32 v55, v20  }
0x1be: {  	v63 =	vld [tilespmem:s23+$0x130];
	v20 =	vmul.f32 v56, v20;
	v62 =	vmul.f32 v57, v18  }
0x1bf: {  	v29 =	vld [tilespmem:s6+$0x2A0];
	v18 =	vmul.f32 v58, v18;
	v8 =	vadd.f32 v8, v13;
	v7 =	vadd.f32 v10, v7  }
0x1c0: {  	v32 =	vld [tilespmem:s7+$0x230];
	v31 =	vmul.f32 v59, v14;
	v30 =	vadd.f32 v62, v20;
	v16 =	vadd.f32 v16, v19  }
0x1c1: {  	v33 =	vmul.f32 v60, v14;
	v17 =	vadd.f32 v17, v23;
	v18 =	vadd.f32 v18, v21  }
0x1c2: {  	v34 =	vmul.f32 v61, v14;
	v13 =	vadd.f32 v31, v30;
	v6 =	vadd.f32 v6, v8  }
0x1c3: {  	v37 =	vmul.f32 v63, v15;
	v35 =	vadd.f32 v11, v17;
	v36 =	vadd.f32 v33, v18  }
0x1c4: {  	v10 =	vmul.f32 v29, v14;
	v38 =	vadd.f32 v34, v16;
	v12 =	vadd.f32 v12, v13  }
0x1c5: {  	v40 =	vmul.f32 v32, v15;
	v8 =	vadd.f32 v9, v35;
	v39 =	vadd.f32 v37, v36  }
0x1c6: {  	v7 =	vadd.f32 v10, v7;
	v4 =	vadd.f32 v4, v38;
	v41 =	vperm.xlane v12, v0  }
0x1c7: {  	v6 =	vadd.f32 v40, v6;
	v42 =	vperm.xlane v8, v0;
	v43 =	vperm.xlane v39, v0  }
0x1c8: {  	v5 =	vadd.f32 v5, v7;
	v45 =	vperm.xlane v4, v0;
	v44 =	vadd.f32 v12, v41  }
0x1c9: {  	v48 =	vperm.xlane v6, v0;
	v46 =	vadd.f32 v8, v42;
	v47 =	vadd.f32 v39, v43  }
0x1ca: {  	v50 =	vperm.xlane v5, v0;
	v4 =	vadd.f32 v4, v45;
	v49 =	vperm.xlane v44, v1  }
0x1cb: {  	v6 =	vadd.f32 v6, v48;
	v51 =	vperm.xlane v46, v1;
	v52 =	vperm.xlane v47, v1  }
0x1cc: {  	v5 =	vadd.f32 v5, v50;
	v54 =	vperm.xlane v4, v1;
	v53 =	vadd.f32 v44, v49  }
0x1cd: {  	v55 =	vperm.xlane v6, v1;
	v7 =	vadd.f32 v46, v51;
	v8 =	vadd.f32 v47, v52  }
0x1ce: {  	v57 =	vperm.xlane v5, v1;
	v4 =	vadd.f32 v4, v54;
	v56 =	vperm.xlane v53, v2  }
0x1cf: {  	v6 =	vadd.f32 v6, v55;
	v13 =	vperm.xlane v7, v2;
	v14 =	vperm.xlane v8, v2  }
0x1d0: {  	v5 =	vadd.f32 v5, v57;
	v58 =	vperm.xlane v4, v2;
	v9 =	vadd.f32 v53, v56  }
0x1d1: {  	v59 =	vperm.xlane v6, v2;
	v7 =	vadd.f32 v7, v13;
	v8 =	vadd.f32 v8, v14  }
0x1d2: {  	v60 =	vperm.xlane v5, v2;
	v4 =	vadd.f32 v4, v58;
	v12 =	vperm.xlane v9, v3  }
0x1d3: {  	v6 =	vadd.f32 v6, v59;
	v13 =	vperm.xlane v7, v3;
	v14 =	vperm.xlane v8, v3  }
0x1d4: {  	v5 =	vadd.f32 v5, v60;
	v61 =	vperm.xlane v4, v3;
	v9 =	vadd.f32 v9, v12  }
0x1d5: {  	v62 =	vperm.xlane v6, v3;
	v7 =	vadd.f32 v7, v13;
	v8 =	vadd.f32 v8, v14  }
0x1d6: {  	v63 =	vperm.xlane v5, v3;
	v4 =	vadd.f32 v4, v61;
	v9 =	vsub.f32 $0.0e+00, v9  }
0x1d7: {  	v6 =	vadd.f32 v6, v62;
	v7 =	vnsel vm0, $0x0, v7;
	v8 =	vsub.f32 $0.0e+00, v8  }
0x1d8: {  	p0 =	seq.s32 s31, $0xF;
	v5 =	vadd.f32 v5, v63;
	v4 =	vsub.f32 $0.0e+00, v4;
	v7 =	vsel vm1, v7, v9  }
.Ltmp3:
0x1d9: {  	v6 =	vsub.f32 $0.0e+00, v6;
	v7 =	vsel vm2, v7, v8;
	(pc) =	sbr.rel @p0 .LBB2_6-.Ltmp3, $4  }
0x1da: {  	v5 =	vsub.f32 $0.0e+00, v5;
	v4 =	vsel vm3, v7, v4  }
0x1db: {  	v4 =	vsel vm4, v4, v6  }
0x1dc: {  	s25 =	sadd.s32 $0x10, s2;
	v4 =	vsel vm5, v4, v5  }
0x1dd: {  	s2 =	sshll.u32 s31, $0x1;
	[tilespmem:s25+$0x0] =	vst v4  }
0x1de: {  	s1 =	sadd.s32 $0x2, s2  }
0x1df: {  	s3 =	smul.u32 $0x180, s1;
	_ =	sdelay $0x1  }
0x1e0: {  	s3 =	sshra.s32 s3, $0x2  }
0x1e1: {  	v4 =	vld [tilespmem:s3+$0x0];
	_ =	sdelay $0x4  }
0x1e2: {  	v4 =	vshrl.u32 v4, $0x1  }
0x1e3: {  	[tilespmem:$0x2900] =	vst v4  }
0x1e4: {  	v4 =	vld [tilespmem:s3+$0x10];
	_ =	sdelay $0x4  }
0x1e5: {  	v4 =	vshrl.u32 v4, $0x1  }
0x1e6: {  	[tilespmem:$0x2910] =	vst v4  }
0x1e7: {  	v4 =	vld [tilespmem:s3+$0x20];
	_ =	sdelay $0x4  }
0x1e8: {  	v4 =	vshrl.u32 v4, $0x1  }
0x1e9: {  	[tilespmem:$0x2920] =	vst v4  }
0x1ea: {  	v4 =	vld [tilespmem:s3+$0x30];
	_ =	sdelay $0x4  }
0x1eb: {  	v4 =	vshrl.u32 v4, $0x1  }
0x1ec: {  	[tilespmem:$0x2930] =	vst v4  }
0x1ed: {  	v4 =	vld [tilespmem:s3+$0x40];
	_ =	sdelay $0x4  }
0x1ee: {  	v4 =	vshrl.u32 v4, $0x1  }
0x1ef: {  	[tilespmem:$0x2940] =	vst v4  }
0x1f0: {  	v4 =	vld [tilespmem:s3+$0x50];
	_ =	sdelay $0x4  }
0x1f1: {  	s1 =	smul.u32 $0xE0, s1;
	v4 =	vshrl.u32 v4, $0x1  }
0x1f2: {  	[tilespmem:$0x2950] =	vst v4  }
0x1f3: {  	v4 =	vld [tilespmem:s1+$0xC80];
	_ =	sdelay $0x4  }
0x1f4: {  	v4 =	vshrl.u32 v4, $0x1  }
0x1f5: {  	[tilespmem:$0x2A00] =	vst v4  }
0x1f6: {  	v4 =	vld [tilespmem:s1+$0xC90];
	_ =	sdelay $0x4  }
0x1f7: {  	v4 =	vshrl.u32 v4, $0x1  }
0x1f8: {  	[tilespmem:$0x2A10] =	vst v4  }
0x1f9: {  	v4 =	vld [tilespmem:s1+$0xCA0];
	_ =	sdelay $0x4  }
0x1fa: {  	v4 =	vshrl.u32 v4, $0x1  }
0x1fb: {  	[tilespmem:$0x2A20] =	vst v4  }
0x1fc: {  	v4 =	vld [tilespmem:s1+$0xCB0];
	_ =	sdelay $0x4  }
0x1fd: {  	v4 =	vshrl.u32 v4, $0x1  }
0x1fe: {  	[tilespmem:$0x2A30] =	vst v4  }
0x1ff: {  	v4 =	vld [tilespmem:s1+$0xCC0];
	_ =	sdelay $0x4  }
0x200: {  	v4 =	vshrl.u32 v4, $0x1  }
0x201: {  	[tilespmem:$0x2A40] =	vst v4  }
0x202: {  	v4 =	vld [tilespmem:s1+$0xCD0];
	_ =	sdelay $0x4  }
0x203: {  	v4 =	vshrl.u32 v4, $0x1  }
0x204: {  	[tilespmem:$0x2A50] =	vst v4  }
0x205: {  	v4 =	vld [tilespmem:s1+$0xCE0];
	_ =	sdelay $0x4  }
0x206: {  	v4 =	vshrl.u32 v4, $0x1  }
0x207: {  	[tilespmem:$0x2A60] =	vst v4  }
0x208: {  	v4 =	vld [tilespmem:s1+$0xCF0];
	_ =	sdelay $0x4  }
0x209: {  	v4 =	vshrl.u32 v4, $0x1  }
0x20a: {  	s18 =	sand.u32 $0x3FC0, s1;
	[tilespmem:$0x2A70] =	vst v4  }
0x20b: {  	v4 =	vld [tilespmem:s18+$0xD00];
	_ =	sdelay $0x4  }
0x20c: {  	v4 =	vshrl.u32 v4, $0x1  }
0x20d: {  	[tilespmem:$0x2A80] =	vst v4  }
0x20e: {  	v4 =	vld [tilespmem:s1+$0xD10];
	_ =	sdelay $0x4  }
0x20f: {  	v4 =	vshrl.u32 v4, $0x1  }
0x210: {  	[tilespmem:$0x2A90] =	vst v4  }
0x211: {  	v4 =	vld [tilespmem:s1+$0xD20];
	_ =	sdelay $0x4  }
0x212: {  	v4 =	vshrl.u32 v4, $0x1  }
0x213: {  	[tilespmem:$0x2AA0] =	vst v4  }
0x214: {  	v4 =	vld [tilespmem:s1+$0xD30];
	_ =	sdelay $0x4  }
0x215: {  	v4 =	vshrl.u32 v4, $0x1  }
0x216: {  	[tilespmem:$0x2AB0] =	vst v4  }
0x217: {  	v4 =	vld [tilespmem:s1+$0xD40];
	_ =	sdelay $0x4  }
0x218: {  	v4 =	vshrl.u32 v4, $0x1  }
0x219: {  	[tilespmem:$0x2AC0] =	vst v4  }
0x21a: {  	v4 =	vld [tilespmem:s1+$0xD50];
	_ =	sdelay $0x4  }
0x21b: {  	s19 =	rddreg [dreg:$0x3];
	s20 =	simm.s32 $0x2900;
	v4 =	vshrl.u32 v4, $0x1  }
0x21c: {  	s4 =	simm.s32 $0x2C00;
	s5 =	simm.s32 $0x60;
	s21 =	rddreg [dreg:$0x4];
	[tilespmem:$0x2AD0] =	vst v4  }
0x21d: {  	[tilespmem:s4], [sflag:$0x1] =	stream.indirect.gather [hbm4b:s19+s5], $0x80, s20, s5, $0xb8;
	[tilespmem:$0x18C00] =	vst v63  }
0x21e: {  	s22 =	simm.s32 $0xE0;
	s23 =	simm.s32 $0x2A00;
	s25 =	simm.s32 $0x8C00  }
0x21f: {  	[tilespmem:s25], [sflag:$0x1] =	stream.indirect.gather [hbm4b:s21+s22], $0x80, s23, s22, $0xb8;
	[tilespmem:$0x18C00] =	vst v63  }
.LBB2_6:
0x220: {  	s1 =	simm.s32 $0x2  }
0x221: {  	_ =	swait.ge [sflag:s1], $0x3000  }
0x222: {  	[sflag:s1] =	ssyncset.done $0x0  }
0x223: {  	[sflag:s1] =	ssyncadd.s32 $0xFFFFD000  }
0x224: {  	_ =	swait.ge [sflag:s1], $0x7000  }
0x225: {  	[sflag:s1] =	ssyncset.done $0x0  }
0x226: {  	[sflag:s1] =	ssyncadd.s32 $0xFFFF9000  }
0x227: {  	v4 =	vld [tilespmem:s28+$0x0];
	_ =	sdelay $0x4  }
0x228: {  	v4 =	vshll.u32 v4, $0x6  }
0x229: {  	s22 =	simm.s32 $0x5C00;
	v4 =	vand.u32 $0x40, v4  }
0x22a: {  	v14 =	vadd.s32 s22, v4  }
0x22b: {  	(v2sf) =	vpush v14, $0x5;
	_ =	sdelay $0x1  }
0x22c: {  	v4 =	vld [tilespmem:s26+$0x0]  }
0x22d: {  	(v2sf) =	vpush v14, $0x3  }
0x22e: {  	(v2sf) =	vpush v14, $0x0;
	_ =	sdelay $0x1  }
0x22f: {  	(v2sf) =	vpush v14, $0x4  }
0x230: {  	v4 =	vshll.u32 v4, $0x6  }
0x231: {  	s23 =	simm.s32 $0x0;
	v4 =	vand.u32 $0x40, v4  }
0x232: {  	(v2sf) =	vpush v14, $0x1;
	v15 =	vadd.s32 s23, v4  }
0x233: {  	(v2sf) =	vpush v15, $0x7;
	_ =	sdelay $0x3  }
0x234: {  	(v2sf) =	vpush v15, $0x6  }
0x235: {  	s25 =	spop (v2sf)  }
0x236: {  	v6 =	vld [tilespmem:s25+$0x2B0]  }
0x237: {  	v8 =	vld [tilespmem:s25+$0x280]  }
0x238: {  	(v2sf) =	vpush v15, $0x5;
	s6 =	spop (v2sf);
	v10 =	vld [tilespmem:s25+$0x290]  }
0x239: {  	v4 =	vld [tilespmem:s6+$0x1B0];
	s8 =	spop (v2sf)  }
0x23a: {  	v12 =	vld [tilespmem:s8+$0x30]  }
0x23b: {  	s5 =	spop (v2sf);
	v11 =	vld [tilespmem:s8+$0x20]  }
0x23c: {  	(v2sf) =	vpush v15, $0x4;
	v7 =	vld [tilespmem:s5+$0x220]  }
0x23d: {  	v9 =	vld [tilespmem:s5+$0x200]  }
0x23e: {  	s7 =	spop (v2sf);
	v5 =	vld [tilespmem:s5+$0x210]  }
0x23f: {  	v13 =	vld [tilespmem:s7+$0xB0];
	s3 =	spop (v2sf)  }
0x240: {  	(v2sf) =	vpush v15, $0x3;
	v16 =	vld [tilespmem:s3+$0xFFB0]  }
0x241: {  	v18 =	vld [tilespmem:s3+$0xFFA0]  }
0x242: {  	v21 =	vld [tilespmem:s3+$0xFF80]  }
0x243: {  	s4 =	spop (v2sf);
	v22 =	vld [tilespmem:s3+$0xFF90]  }
0x244: {  	(v2sf) =	vpush v15, $0x2;
	v17 =	vld [tilespmem:s4+$0xFF30]  }
0x245: {  	v20 =	vld [tilespmem:s4+$0xFF20]  }
0x246: {  	v25 =	vld [tilespmem:s4+$0xFF00]  }
0x247: {  	s9 =	spop (v2sf);
	v26 =	vld [tilespmem:s4+$0xFF10]  }
0x248: {  	(v2sf) =	vpush v15, $0x0;
	v19 =	vld [tilespmem:s9+$0xFEB0]  }
0x249: {  	v24 =	vld [tilespmem:s9+$0xFEA0]  }
0x24a: {  	v29 =	vld [tilespmem:s9+$0xFE80]  }
0x24b: {  	(v2sf) =	vpush v15, $0x1;
	v30 =	vld [tilespmem:s9+$0xFE90];
	s11 =	spop (v2sf)  }
0x24c: {  	v23 =	vld [tilespmem:s11+$0xFE30]  }
0x24d: {  	v28 =	vld [tilespmem:s11+$0xFE20]  }
0x24e: {  	v33 =	vld [tilespmem:s11+$0xFE00]  }
0x24f: {  	v15 =	vadd.s32 $0xFC00, v15;
	v34 =	vld [tilespmem:s11+$0xFE10];
	s12 =	spop (v2sf)  }
0x250: {  	(v2sf) =	vpush v15, $0xD;
	v27 =	vld [tilespmem:s12+$0xFDB0]  }
0x251: {  	v32 =	vld [tilespmem:s12+$0xFDA0]  }
0x252: {  	(v2sf) =	vpush v15, $0xC;
	v38 =	vld [tilespmem:s12+$0xFD80]  }
0x253: {  	s13 =	spop (v2sf);
	v39 =	vld [tilespmem:s12+$0xFD90]  }
0x254: {  	(v2sf) =	vpush v15, $0xB;
	v31 =	vld [tilespmem:s13+$0xFD30]  }
0x255: {  	(v2sf) =	vpush v15, $0xA;
	v37 =	vld [tilespmem:s13+$0xFD20]  }
0x256: {  	(v2sf) =	vpush v15, $0x9;
	v42 =	vld [tilespmem:s13+$0xFD10]  }
0x257: {  	s14 =	spop (v2sf);
	(v2sf) =	vpush v15, $0x8;
	v15 =	vld [tilespmem:s13+$0xFD00]  }
0x258: {  	v35 =	vld [tilespmem:s14+$0xFC30]  }
0x259: {  	v40 =	vld [tilespmem:s14+$0xFC20]  }
0x25a: {  	s10 =	spop (v2sf);
	v43 =	vld [tilespmem:s14+$0xFC00]  }
0x25b: {  	v36 =	vld [tilespmem:s10+$0xFCB0]  }
0x25c: {  	v41 =	vld [tilespmem:s10+$0xFCA0]  }
0x25d: {  	v45 =	vld [tilespmem:s10+$0xFC80]  }
0x25e: {  	v44 =	vld [tilespmem:s14+$0xFC10]  }
0x25f: {  	v46 =	vld [tilespmem:s10+$0xFC90];
	s15 =	spop (v2sf)  }
0x260: {  	v47 =	vld [tilespmem:s15+$0x6B0]  }
0x261: {  	v35 =	vadd.f32 v36, v35;
	v40 =	vadd.f32 v41, v40;
	s16 =	spop (v2sf);
	v58 =	vld [tilespmem:s15+$0x6A0]  }
0x262: {  	(v2sf) =	vpush v14, $0x2;
	v14 =	vadd.f32 v45, v43;
	v57 =	vld [tilespmem:s16+$0x630]  }
0x263: {  	v31 =	vadd.f32 v31, v35;
	v37 =	vadd.f32 v37, v40;
	s17 =	spop (v2sf);
	v61 =	vld [tilespmem:s16+$0x620]  }
0x264: {  	v60 =	vadd.f32 v46, v44;
	v14 =	vadd.f32 v15, v14;
	v59 =	vld [tilespmem:s17+$0x5B0]  }
0x265: {  	s18 =	spop (v2sf);
	v15 =	vadd.f32 v27, v31;
	v32 =	vadd.f32 v32, v37;
	v62 =	vld [tilespmem:s17+$0x5A0]  }
0x266: {  	v31 =	vadd.f32 v42, v60;
	v14 =	vadd.f32 v38, v14;
	v27 =	vld [tilespmem:s18+$0x530]  }
0x267: {  	s11 =	spop (v2sf);
	v63 =	vld [tilespmem:s18+$0x520];
	v15 =	vadd.f32 v23, v15;
	v28 =	vadd.f32 v28, v32  }
0x268: {  	v23 =	vld [tilespmem:s11+$0x4B0];
	v31 =	vadd.f32 v39, v31;
	v14 =	vadd.f32 v33, v14  }
0x269: {  	s12 =	spop (v2sf);
	v15 =	vadd.f32 v19, v15;
	v24 =	vadd.f32 v24, v28;
	v28 =	vld [tilespmem:s11+$0x4A0]  }
0x26a: {  	v31 =	vadd.f32 v34, v31;
	v19 =	vld [tilespmem:s12+$0x430]  }
0x26b: {  	v14 =	vadd.f32 v29, v14;
	v15 =	vadd.f32 v17, v15;
	v17 =	vld [tilespmem:s12+$0x420]  }
0x26c: {  	v29 =	vadd.f32 v30, v31;
	v20 =	vadd.f32 v20, v24;
	v24 =	vld [tilespmem:s12+$0x400]  }
0x26d: {  	v14 =	vadd.f32 v25, v14;
	v15 =	vadd.f32 v16, v15;
	v16 =	vld [tilespmem:s12+$0x410]  }
0x26e: {  	v25 =	vadd.f32 v26, v29;
	v18 =	vadd.f32 v18, v20;
	v20 =	vld [tilespmem:s11+$0x480]  }
0x26f: {  	v14 =	vadd.f32 v21, v14;
	v15 =	vadd.f32 v19, v15;
	v19 =	vld [tilespmem:s11+$0x490]  }
0x270: {  	v21 =	vadd.f32 v22, v25;
	v22 =	vld [tilespmem:s18+$0x510];
	v17 =	vadd.f32 v17, v18  }
0x271: {  	v18 =	vld [tilespmem:s18+$0x500];
	v14 =	vadd.f32 v24, v14;
	v15 =	vadd.f32 v23, v15  }
0x272: {  	v16 =	vadd.f32 v16, v21;
	v17 =	vadd.f32 v28, v17;
	v21 =	vld [tilespmem:s17+$0x580]  }
0x273: {  	v14 =	vadd.f32 v20, v14;
	v20 =	vld [tilespmem:s17+$0x590];
	v15 =	vadd.f32 v27, v15  }
0x274: {  	v24 =	vld [tilespmem:s7+$0x90];
	v16 =	vadd.f32 v19, v16  }
0x275: {  	v17 =	vadd.f32 v63, v17;
	v19 =	vld [tilespmem:s16+$0x600];
	v15 =	vadd.f32 v59, v15  }
0x276: {  	v14 =	vadd.f32 v18, v14;
	v18 =	vld [tilespmem:s16+$0x610];
	v16 =	vadd.f32 v22, v16  }
0x277: {  	v17 =	vadd.f32 v62, v17;
	v22 =	vld [tilespmem:s15+$0x680];
	v15 =	vadd.f32 v57, v15  }
0x278: {  	v14 =	vadd.f32 v21, v14;
	v21 =	vld [tilespmem:s15+$0x690];
	v16 =	vadd.f32 v20, v16  }
0x279: {  	v17 =	vadd.f32 v61, v17;
	v20 =	vld [tilespmem:s6+$0x180];
	v15 =	vadd.f32 v47, v15  }
0x27a: {  	v14 =	vadd.f32 v19, v14;
	v19 =	vld [tilespmem:s6+$0x190]  }
0x27b: {  	v16 =	vadd.f32 v18, v16;
	v18 =	vld [tilespmem:s8+$0x0];
	v17 =	vadd.f32 v58, v17;
	v6 =	vmul.f32 v6, v15  }
0x27c: {  	s19 =	spop (v2sf);
	v14 =	vadd.f32 v22, v14;
	v22 =	vld [tilespmem:s8+$0x10];
	v12 =	vmul.f32 v12, v15;
	v4 =	vmul.f32 v4, v15  }
0x27d: {  	v13 =	vmul.f32 v13, v15;
	v16 =	vadd.f32 v21, v16;
	v21 =	vld [tilespmem:s19+$0x100];
	v7 =	vmul.f32 v7, v17  }
0x27e: {  	v23 =	vld [tilespmem:s7+$0x80];
	v11 =	vmul.f32 v11, v17;
	v8 =	vmul.f32 v8, v14  }
0x27f: {  	v25 =	vld [tilespmem:s19+$0x110];
	v9 =	vmul.f32 v9, v14;
	v20 =	vmul.f32 v20, v14  }
0x280: {  	v26 =	vld [tilespmem:s7+$0xA0];
	v10 =	vmul.f32 v10, v16;
	v5 =	vmul.f32 v5, v16  }
0x281: {  	v27 =	vld [tilespmem:s19+$0x120];
	v19 =	vmul.f32 v19, v16;
	v18 =	vmul.f32 v18, v14  }
0x282: {  	v28 =	vld [tilespmem:s6+$0x1A0];
	v22 =	vmul.f32 v22, v16;
	v21 =	vmul.f32 v21, v14  }
0x283: {  	v14 =	vmul.f32 v23, v14;
	v23 =	vmul.f32 v24, v16;
	v24 =	vld [tilespmem:s19+$0x130]  }
0x284: {  	v5 =	vadd.f32 v5, v9;
	v8 =	vadd.f32 v10, v8;
	v9 =	vld [tilespmem:s25+$0x2A0];
	v16 =	vmul.f32 v25, v16  }
0x285: {  	v19 =	vadd.f32 v19, v20;
	v20 =	vld [tilespmem:s5+$0x230];
	v10 =	vadd.f32 v23, v14;
	v14 =	vmul.f32 v26, v17  }
0x286: {  	v18 =	vadd.f32 v22, v18;
	v16 =	vadd.f32 v16, v21;
	v21 =	vmul.f32 v27, v17  }
0x287: {  	v5 =	vadd.f32 v7, v5;
	v10 =	vadd.f32 v14, v10;
	v14 =	vmul.f32 v28, v17  }
0x288: {  	v7 =	vadd.f32 v11, v18;
	v11 =	vadd.f32 v21, v16;
	v16 =	vmul.f32 v24, v15  }
0x289: {  	v9 =	vmul.f32 v9, v17;
	v10 =	vadd.f32 v13, v10;
	v13 =	vadd.f32 v14, v19  }
0x28a: {  	v7 =	vadd.f32 v12, v7;
	v12 =	vmul.f32 v20, v15;
	v11 =	vadd.f32 v16, v11  }
0x28b: {  	v8 =	vadd.f32 v9, v8;
	v14 =	vperm.xlane v10, v0;
	v4 =	vadd.f32 v4, v13  }
0x28c: {  	v9 =	vperm.xlane v7, v0;
	v5 =	vadd.f32 v12, v5;
	v13 =	vperm.xlane v11, v0  }
0x28d: {  	v6 =	vadd.f32 v6, v8;
	v10 =	vadd.f32 v10, v14;
	v12 =	vperm.xlane v4, v0  }
0x28e: {  	v7 =	vadd.f32 v7, v9;
	v9 =	vperm.xlane v5, v0;
	v8 =	vadd.f32 v11, v13  }
0x28f: {  	v11 =	vperm.xlane v10, v1;
	v4 =	vadd.f32 v4, v12;
	v12 =	vperm.xlane v6, v0  }
0x290: {  	v13 =	vperm.xlane v7, v1;
	v5 =	vadd.f32 v5, v9;
	v14 =	vperm.xlane v8, v1  }
0x291: {  	v9 =	vadd.f32 v10, v11;
	v10 =	vperm.xlane v4, v1;
	v6 =	vadd.f32 v6, v12  }
0x292: {  	v7 =	vadd.f32 v7, v13;
	v11 =	vperm.xlane v5, v1;
	v8 =	vadd.f32 v8, v14  }
0x293: {  	v12 =	vperm.xlane v9, v2;
	v4 =	vadd.f32 v4, v10;
	v10 =	vperm.xlane v6, v1  }
0x294: {  	v13 =	vperm.xlane v7, v2;
	v5 =	vadd.f32 v5, v11;
	v14 =	vperm.xlane v8, v2  }
0x295: {  	v9 =	vadd.f32 v9, v12;
	v11 =	vperm.xlane v4, v2;
	v6 =	vadd.f32 v6, v10  }
0x296: {  	v7 =	vadd.f32 v7, v13;
	v10 =	vperm.xlane v5, v2;
	v8 =	vadd.f32 v8, v14  }
0x297: {  	v12 =	vperm.xlane v9, v3;
	v4 =	vadd.f32 v4, v11;
	v11 =	vperm.xlane v6, v2  }
0x298: {  	v13 =	vperm.xlane v7, v3;
	v5 =	vadd.f32 v5, v10;
	v14 =	vperm.xlane v8, v3  }
0x299: {  	v9 =	vadd.f32 v9, v12;
	v10 =	vperm.xlane v4, v3;
	v6 =	vadd.f32 v6, v11  }
0x29a: {  	v7 =	vadd.f32 v7, v13;
	v11 =	vperm.xlane v5, v3;
	v8 =	vadd.f32 v8, v14  }
0x29b: {  	v9 =	vsub.f32 $0.0e+00, v9;
	v4 =	vadd.f32 v4, v10;
	v10 =	vperm.xlane v6, v3  }
0x29c: {  	v7 =	vnsel vm0, $0x0, v7;
	v5 =	vadd.f32 v5, v11;
	v8 =	vsub.f32 $0.0e+00, v8  }
0x29d: {  	v7 =	vsel vm1, v7, v9;
	v4 =	vsub.f32 $0.0e+00, v4;
	v6 =	vadd.f32 v6, v10  }
0x29e: {  	v5 =	vsub.f32 $0.0e+00, v5;
	v7 =	vsel vm2, v7, v8  }
0x29f: {  	v4 =	vsel vm3, v7, v4;
	v6 =	vsub.f32 $0.0e+00, v6  }
0x2a0: {  	v4 =	vsel vm4, v4, v5  }
0x2a1: {  	v4 =	vsel vm5, v4, v6  }
0x2a2: {  	s5 =	sadd.s32 $0x6, s28;
	[tilespmem:s0+$0x0] =	vst v4  }
0x2a3: {  	v4 =	vld [tilespmem:s5+$0x0];
	_ =	sdelay $0x4  }
0x2a4: {  	v4 =	vshll.u32 v4, $0x6  }
0x2a5: {  	s21 =	simm.s32 $0x5F00;
	v4 =	vand.u32 $0x40, v4  }
0x2a6: {  	v14 =	vadd.s32 s21, v4  }
0x2a7: {  	(v2sf) =	vpush v14, $0x5  }
0x2a8: {  	(v2sf) =	vpush v14, $0x3  }
0x2a9: {  	s6 =	sadd.s32 $0xE, s26  }
0x2aa: {  	v4 =	vld [tilespmem:s6+$0x0];
	_ =	sdelay $0x1  }
0x2ab: {  	(v2sf) =	vpush v14, $0x0;
	_ =	sdelay $0x1  }
0x2ac: {  	(v2sf) =	vpush v14, $0x4  }
0x2ad: {  	v4 =	vshll.u32 v4, $0x6  }
0x2ae: {  	s20 =	simm.s32 $0x700;
	v4 =	vand.u32 $0x40, v4  }
0x2af: {  	(v2sf) =	vpush v14, $0x1;
	v27 =	vadd.s32 s20, v4  }
0x2b0: {  	(v2sf) =	vpush v27, $0x7;
	_ =	sdelay $0x1  }
0x2b1: {  	(v2sf) =	vpush v27, $0x6  }
0x2b2: {  	(v2sf) =	vpush v27, $0x5  }
0x2b3: {  	s7 =	spop (v2sf);
	(v2sf) =	vpush v27, $0x4  }
0x2b4: {  	s1 =	spop (v2sf);
	(v2sf) =	vpush v27, $0x3  }
0x2b5: {  	v5 =	vld [tilespmem:s7+$0x2B0]  }
0x2b6: {  	v8 =	vld [tilespmem:s7+$0x280]  }
0x2b7: {  	v11 =	vld [tilespmem:s7+$0x290]  }
0x2b8: {  	v4 =	vld [tilespmem:s1+$0x1B0];
	s10 =	spop (v2sf)  }
0x2b9: {  	v10 =	vld [tilespmem:s10+$0x30]  }
0x2ba: {  	s8 =	spop (v2sf);
	v12 =	vld [tilespmem:s10+$0x20]  }
0x2bb: {  	v6 =	vld [tilespmem:s8+$0x220]  }
0x2bc: {  	v9 =	vld [tilespmem:s8+$0x200]  }
0x2bd: {  	s23 =	spop (v2sf);
	v7 =	vld [tilespmem:s8+$0x210]  }
0x2be: {  	(v2sf) =	vpush v27, $0x2;
	v13 =	vld [tilespmem:s23+$0xB0];
	s22 =	spop (v2sf)  }
0x2bf: {  	v15 =	vld [tilespmem:s22+$0xFFB0]  }
0x2c0: {  	s25 =	spop (v2sf);
	v16 =	vld [tilespmem:s22+$0xFFA0]  }
0x2c1: {  	v18 =	vld [tilespmem:s22+$0xFF80];
	s13 =	spop (v2sf)  }
0x2c2: {  	v17 =	vld [tilespmem:s22+$0xFF90];
	s12 =	spop (v2sf);
	(v2sf) =	vpush v27, $0x0  }
0x2c3: {  	v19 =	vld [tilespmem:s25+$0xFF30];
	s11 =	spop (v2sf);
	(v2sf) =	vpush v27, $0x1  }
0x2c4: {  	v20 =	vld [tilespmem:s25+$0xFF20]  }
0x2c5: {  	v22 =	vld [tilespmem:s25+$0xFF00]  }
0x2c6: {  	v21 =	vld [tilespmem:s25+$0xFF10]  }
0x2c7: {  	v23 =	vld [tilespmem:s13+$0xFEB0]  }
0x2c8: {  	v24 =	vld [tilespmem:s13+$0xFEA0]  }
0x2c9: {  	v25 =	vld [tilespmem:s12+$0xFE30]  }
0x2ca: {  	v26 =	vld [tilespmem:s12+$0xFE20]  }
0x2cb: {  	s9 =	simm.s32 $0x3800;
	s25 =	smov.u32 s0;
	v28 =	vld [tilespmem:s11+$0xFDB0]  }
.LBB2_7:
0x2cc: {  	p1 =	sne.s32 s9, $0x1A400;
	v29 =	vld [tilespmem:s13+$0xFE80]  }
0x2cd: {  	v30 =	vld [tilespmem:s13+$0xFE90];
	s3 =	spop (v2sf)  }
0x2ce: {  	v27 =	vadd.s32 $0xFC00, v27;
	v31 =	vld [tilespmem:s3+$0xFD30]  }
0x2cf: {  	v32 =	vld [tilespmem:s11+$0xFDA0];
	(v2sf) =	vpush v27, $0xD  }
0x2d0: {  	v33 =	vld [tilespmem:s12+$0xFE00];
	(v2sf) =	vpush v27, $0xC  }
0x2d1: {  	v34 =	vld [tilespmem:s12+$0xFE10];
	s4 =	spop (v2sf)  }
0x2d2: {  	v35 =	vld [tilespmem:s4+$0xFC30];
	s12 =	spop (v2sf);
	(v2sf) =	vpush v27, $0xB  }
0x2d3: {  	v36 =	vld [tilespmem:s12+$0xFCB0]  }
0x2d4: {  	v37 =	vld [tilespmem:s3+$0xFD20];
	(v2sf) =	vpush v27, $0xA  }
0x2d5: {  	v38 =	vld [tilespmem:s11+$0xFD80]  }
0x2d6: {  	v39 =	vld [tilespmem:s11+$0xFD90];
	(v2sf) =	vpush v27, $0x9  }
0x2d7: {  	v40 =	vld [tilespmem:s4+$0xFC20]  }
0x2d8: {  	v41 =	vld [tilespmem:s12+$0xFCA0];
	(v2sf) =	vpush v27, $0x8  }
0x2d9: {  	v27 =	vld [tilespmem:s3+$0xFD00]  }
0x2da: {  	v42 =	vld [tilespmem:s3+$0xFD10]  }
0x2db: {  	v43 =	vld [tilespmem:s4+$0xFC00]  }
0x2dc: {  	v44 =	vld [tilespmem:s4+$0xFC10]  }
0x2dd: {  	v45 =	vld [tilespmem:s12+$0xFC80]  }
0x2de: {  	v46 =	vld [tilespmem:s12+$0xFC90];
	s11 =	spop (v2sf)  }
0x2df: {  	v47 =	vld [tilespmem:s11+$0x6B0];
	s13 =	spop (v2sf)  }
0x2e0: {  	v35 =	vadd.f32 v36, v35;
	v36 =	vld [tilespmem:s13+$0x630]  }
0x2e1: {  	v40 =	vadd.f32 v41, v40;
	v41 =	vld [tilespmem:s11+$0x6A0];
	s14 =	spop (v2sf);
	(v2sf) =	vpush v14, $0x2  }
0x2e2: {  	v31 =	vadd.f32 v31, v35;
	v14 =	vadd.f32 v45, v43;
	v35 =	vld [tilespmem:s14+$0x5B0]  }
0x2e3: {  	v37 =	vadd.f32 v37, v40;
	v43 =	vadd.f32 v46, v44;
	v40 =	vld [tilespmem:s13+$0x620];
	s3 =	spop (v2sf)  }
0x2e4: {  	v14 =	vadd.f32 v27, v14;
	v27 =	vadd.f32 v28, v31;
	v28 =	vld [tilespmem:s3+$0x530]  }
0x2e5: {  	v32 =	vadd.f32 v32, v37;
	v31 =	vadd.f32 v42, v43;
	v37 =	vld [tilespmem:s14+$0x5A0];
	s4 =	spop (v2sf)  }
0x2e6: {  	v14 =	vadd.f32 v38, v14;
	v25 =	vadd.f32 v25, v27;
	v27 =	vld [tilespmem:s4+$0x4B0]  }
0x2e7: {  	v26 =	vadd.f32 v26, v32;
	v31 =	vadd.f32 v39, v31;
	v32 =	vld [tilespmem:s3+$0x520];
	s12 =	spop (v2sf)  }
0x2e8: {  	v14 =	vadd.f32 v33, v14;
	v23 =	vadd.f32 v23, v25;
	v25 =	vld [tilespmem:s12+$0x430]  }
0x2e9: {  	v24 =	vadd.f32 v24, v26;
	v31 =	vadd.f32 v34, v31;
	v26 =	vld [tilespmem:s4+$0x4A0]  }
0x2ea: {  	v14 =	vadd.f32 v29, v14;
	v19 =	vadd.f32 v19, v23;
	v23 =	vld [tilespmem:s12+$0x420]  }
0x2eb: {  	v20 =	vadd.f32 v20, v24;
	v29 =	vadd.f32 v30, v31;
	v24 =	vld [tilespmem:s12+$0x400]  }
0x2ec: {  	v14 =	vadd.f32 v22, v14;
	v15 =	vadd.f32 v15, v19;
	v19 =	vld [tilespmem:s12+$0x410]  }
0x2ed: {  	v16 =	vadd.f32 v16, v20;
	v21 =	vadd.f32 v21, v29;
	v20 =	vld [tilespmem:s4+$0x480]  }
0x2ee: {  	v14 =	vadd.f32 v18, v14;
	v15 =	vadd.f32 v25, v15;
	v18 =	vld [tilespmem:s4+$0x490]  }
0x2ef: {  	v17 =	vadd.f32 v17, v21;
	v16 =	vadd.f32 v23, v16;
	v21 =	vld [tilespmem:s3+$0x500]  }
0x2f0: {  	v14 =	vadd.f32 v24, v14;
	v15 =	vadd.f32 v27, v15;
	v22 =	vld [tilespmem:s3+$0x510];
	s15 =	spop (v2sf)  }
0x2f1: {  	v17 =	vadd.f32 v19, v17;
	v16 =	vadd.f32 v26, v16;
	v19 =	vld [tilespmem:s14+$0x580]  }
0x2f2: {  	v14 =	vadd.f32 v20, v14;
	v15 =	vadd.f32 v28, v15;
	v20 =	vld [tilespmem:s14+$0x590]  }
0x2f3: {  	v17 =	vadd.f32 v18, v17;
	v16 =	vadd.f32 v32, v16;
	v18 =	vld [tilespmem:s13+$0x600]  }
0x2f4: {  	v14 =	vadd.f32 v21, v14;
	v15 =	vadd.f32 v35, v15;
	v21 =	vld [tilespmem:s13+$0x610]  }
0x2f5: {  	v17 =	vadd.f32 v22, v17;
	v16 =	vadd.f32 v37, v16;
	v22 =	vld [tilespmem:s11+$0x680]  }
0x2f6: {  	v14 =	vadd.f32 v19, v14;
	v15 =	vadd.f32 v36, v15;
	v19 =	vld [tilespmem:s11+$0x690]  }
0x2f7: {  	v17 =	vadd.f32 v20, v17;
	v16 =	vadd.f32 v40, v16;
	v20 =	vld [tilespmem:s1+$0x180]  }
0x2f8: {  	v14 =	vadd.f32 v18, v14;
	v15 =	vadd.f32 v47, v15;
	v18 =	vld [tilespmem:s1+$0x190]  }
0x2f9: {  	v17 =	vadd.f32 v21, v17;
	v21 =	vld [tilespmem:s10+$0x0]  }
0x2fa: {  	v16 =	vadd.f32 v41, v16;
	v14 =	vadd.f32 v22, v14;
	v22 =	vld [tilespmem:s10+$0x10];
	v5 =	vmul.f32 v5, v15  }
0x2fb: {  	v10 =	vmul.f32 v10, v15;
	v4 =	vmul.f32 v4, v15;
	v17 =	vadd.f32 v19, v17;
	v19 =	vld [tilespmem:s15+$0x100]  }
0x2fc: {  	v13 =	vmul.f32 v13, v15;
	v6 =	vmul.f32 v6, v16;
	v23 =	vld [tilespmem:s23+$0x80]  }
0x2fd: {  	v8 =	vmul.f32 v8, v14;
	v24 =	vld [tilespmem:s23+$0x90];
	v11 =	vmul.f32 v11, v17  }
0x2fe: {  	v12 =	vmul.f32 v12, v16;
	v9 =	vmul.f32 v9, v14;
	v25 =	vld [tilespmem:s15+$0x110]  }
0x2ff: {  	v20 =	vmul.f32 v20, v14;
	v7 =	vmul.f32 v7, v17;
	v26 =	vld [tilespmem:s23+$0xA0]  }
0x300: {  	v18 =	vmul.f32 v18, v17;
	v21 =	vmul.f32 v21, v14;
	v27 =	vld [tilespmem:s15+$0x120]  }
0x301: {  	v22 =	vmul.f32 v22, v17;
	v19 =	vmul.f32 v19, v14;
	v28 =	vld [tilespmem:s1+$0x1A0]  }
0x302: {  	v14 =	vmul.f32 v23, v14;
	v23 =	vmul.f32 v24, v17;
	v24 =	vld [tilespmem:s15+$0x130]  }
0x303: {  	v7 =	vadd.f32 v7, v9;
	v8 =	vadd.f32 v11, v8;
	v17 =	vmul.f32 v25, v17;
	v9 =	vld [tilespmem:s7+$0x2A0]  }
0x304: {  	v18 =	vadd.f32 v18, v20;
	v11 =	vadd.f32 v23, v14;
	v14 =	vmul.f32 v26, v16;
	v20 =	vld [tilespmem:s8+$0x230]  }
0x305: {  	v21 =	vadd.f32 v22, v21;
	v17 =	vadd.f32 v17, v19;
	v19 =	vmul.f32 v27, v16  }
0x306: {  	v6 =	vadd.f32 v6, v7;
	v11 =	vadd.f32 v14, v11;
	v14 =	vmul.f32 v28, v16  }
0x307: {  	v7 =	vadd.f32 v12, v21;
	v12 =	vadd.f32 v19, v17;
	v17 =	vmul.f32 v24, v15  }
0x308: {  	v11 =	vadd.f32 v13, v11;
	v13 =	vadd.f32 v14, v18;
	v9 =	vmul.f32 v9, v16  }
0x309: {  	v7 =	vadd.f32 v10, v7;
	v10 =	vadd.f32 v17, v12;
	v12 =	vmul.f32 v20, v15  }
0x30a: {  	v14 =	vperm.xlane v11, v0;
	v4 =	vadd.f32 v4, v13;
	v8 =	vadd.f32 v9, v8  }
0x30b: {  	v9 =	vperm.xlane v7, v0;
	v13 =	vperm.xlane v10, v0;
	v6 =	vadd.f32 v12, v6  }
0x30c: {  	v11 =	vadd.f32 v11, v14;
	v12 =	vperm.xlane v4, v0;
	v5 =	vadd.f32 v5, v8  }
0x30d: {  	v7 =	vadd.f32 v7, v9;
	v8 =	vadd.f32 v10, v13;
	v9 =	vperm.xlane v6, v0  }
0x30e: {  	v10 =	vperm.xlane v11, v1;
	v4 =	vadd.f32 v4, v12;
	v12 =	vperm.xlane v5, v0  }
0x30f: {  	v13 =	vperm.xlane v7, v1;
	v14 =	vperm.xlane v8, v1;
	v6 =	vadd.f32 v6, v9  }
0x310: {  	v9 =	vadd.f32 v11, v10;
	v10 =	vperm.xlane v4, v1;
	v5 =	vadd.f32 v5, v12  }
0x311: {  	v7 =	vadd.f32 v7, v13;
	v8 =	vadd.f32 v8, v14;
	v11 =	vperm.xlane v6, v1  }
0x312: {  	v12 =	vperm.xlane v9, v2;
	v4 =	vadd.f32 v4, v10;
	v10 =	vperm.xlane v5, v1  }
0x313: {  	v13 =	vperm.xlane v7, v2;
	v14 =	vperm.xlane v8, v2;
	v6 =	vadd.f32 v6, v11  }
0x314: {  	v9 =	vadd.f32 v9, v12;
	v11 =	vperm.xlane v4, v2;
	v5 =	vadd.f32 v5, v10  }
0x315: {  	v7 =	vadd.f32 v7, v13;
	v8 =	vadd.f32 v8, v14;
	v10 =	vperm.xlane v6, v2  }
0x316: {  	v12 =	vperm.xlane v9, v3;
	v4 =	vadd.f32 v4, v11;
	v11 =	vperm.xlane v5, v2  }
0x317: {  	v13 =	vperm.xlane v7, v3;
	v14 =	vperm.xlane v8, v3;
	v6 =	vadd.f32 v6, v10  }
0x318: {  	v9 =	vadd.f32 v9, v12;
	v10 =	vperm.xlane v4, v3;
	v5 =	vadd.f32 v5, v11  }
0x319: {  	v7 =	vadd.f32 v7, v13;
	v8 =	vadd.f32 v8, v14;
	v11 =	vperm.xlane v6, v3  }
0x31a: {  	v9 =	vsub.f32 $0.0e+00, v9;
	v4 =	vadd.f32 v4, v10;
	v10 =	vperm.xlane v5, v3  }
0x31b: {  	v7 =	vnsel vm0, $0x0, v7;
	v8 =	vsub.f32 $0.0e+00, v8;
	v6 =	vadd.f32 v6, v11  }
0x31c: {  	v7 =	vsel vm1, v7, v9;
	v4 =	vsub.f32 $0.0e+00, v4;
	v5 =	vadd.f32 v5, v10  }
0x31d: {  	v7 =	vsel vm2, v7, v8;
	v6 =	vsub.f32 $0.0e+00, v6  }
0x31e: {  	v4 =	vsel vm3, v7, v4;
	v5 =	vsub.f32 $0.0e+00, v5  }
0x31f: {  	v4 =	vsel vm4, v4, v6  }
0x320: {  	s25 =	sadd.s32 $0x10, s25;
	v4 =	vsel vm5, v4, v5  }
0x321: {  	s5 =	sadd.s32 $0x6, s5;
	[tilespmem:s25+$0x0] =	vst v4  }
0x322: {  	v4 =	vld [tilespmem:s5+$0x0];
	_ =	sdelay $0x4  }
0x323: {  	v4 =	vshll.u32 v4, $0x6  }
0x324: {  	s21 =	sadd.s32 $0x300, s21;
	v4 =	vand.u32 $0x40, v4  }
0x325: {  	v14 =	vadd.s32 s21, v4  }
0x326: {  	(v2sf) =	vpush v14, $0x5  }
0x327: {  	s6 =	sadd.s32 $0xE, s6;
	(v2sf) =	vpush v14, $0x3  }
0x328: {  	v4 =	vld [tilespmem:s6+$0x0];
	(v2sf) =	vpush v14, $0x0  }
0x329: {  	(v2sf) =	vpush v14, $0x4  }
0x32a: {  	(v2sf) =	vpush v14, $0x1;
	_ =	sdelay $0x2  }
0x32b: {  	v4 =	vshll.u32 v4, $0x6  }
0x32c: {  	s1 =	sshra.s32 s9, $0x2;
	v4 =	vand.u32 $0x40, v4  }
0x32d: {  	v27 =	vadd.s32 s1, v4  }
0x32e: {  	(v2sf) =	vpush v27, $0x7  }
0x32f: {  	(v2sf) =	vpush v27, $0x6;
	_ =	sdelay $0x1  }
0x330: {  	(v2sf) =	vpush v27, $0x5;
	_ =	sdelay $0x1  }
0x331: {  	s7 =	spop (v2sf)  }
0x332: {  	v5 =	vld [tilespmem:s7+$0x2B0];
	s1 =	spop (v2sf)  }
0x333: {  	v4 =	vld [tilespmem:s1+$0x1B0];
	(v2sf) =	vpush v27, $0x4;
	s10 =	spop (v2sf)  }
0x334: {  	v10 =	vld [tilespmem:s10+$0x30];
	s8 =	spop (v2sf)  }
0x335: {  	v6 =	vld [tilespmem:s8+$0x220];
	s23 =	spop (v2sf)  }
0x336: {  	v13 =	vld [tilespmem:s23+$0xB0]  }
0x337: {  	v8 =	vld [tilespmem:s7+$0x280];
	(v2sf) =	vpush v27, $0x3  }
0x338: {  	v11 =	vld [tilespmem:s7+$0x290]  }
0x339: {  	v12 =	vld [tilespmem:s10+$0x20]  }
0x33a: {  	v9 =	vld [tilespmem:s8+$0x200]  }
0x33b: {  	v7 =	vld [tilespmem:s8+$0x210];
	(v2sf) =	vpush v27, $0x2;
	s3 =	spop (v2sf)  }
0x33c: {  	v15 =	vld [tilespmem:s3+$0xFFB0];
	s4 =	spop (v2sf)  }
0x33d: {  	v19 =	vld [tilespmem:s4+$0xFF30]  }
0x33e: {  	v16 =	vld [tilespmem:s3+$0xFFA0];
	s13 =	spop (v2sf)  }
0x33f: {  	v23 =	vld [tilespmem:s13+$0xFEB0];
	(v2sf) =	vpush v27, $0x0  }
0x340: {  	v20 =	vld [tilespmem:s4+$0xFF20];
	(v2sf) =	vpush v27, $0x1  }
0x341: {  	v18 =	vld [tilespmem:s3+$0xFF80]  }
0x342: {  	v17 =	vld [tilespmem:s3+$0xFF90];
	s12 =	spop (v2sf)  }
0x343: {  	v25 =	vld [tilespmem:s12+$0xFE30]  }
.Ltmp4:
0x344: {  	v24 =	vld [tilespmem:s13+$0xFEA0];
	(pc) =	sbr.rel @p1 .LBB2_7-.Ltmp4, $4  }
0x345: {  	v22 =	vld [tilespmem:s4+$0xFF00]  }
0x346: {  	v21 =	vld [tilespmem:s4+$0xFF10];
	s11 =	spop (v2sf)  }
0x347: {  	v28 =	vld [tilespmem:s11+$0xFDB0]  }
0x348: {  	s9 =	sadd.s32 $0x1C00, s9;
	v26 =	vld [tilespmem:s12+$0xFE20]  }
0x349: {  	v29 =	vld [tilespmem:s13+$0xFE80]  }
0x34a: {  	v30 =	vld [tilespmem:s13+$0xFE90]  }
0x34b: {  	v32 =	vld [tilespmem:s11+$0xFDA0]  }
0x34c: {  	v33 =	vld [tilespmem:s12+$0xFE00]  }
0x34d: {  	v27 =	vadd.s32 $0xFC00, v27;
	v34 =	vld [tilespmem:s12+$0xFE10]  }
0x34e: {  	v38 =	vld [tilespmem:s11+$0xFD80];
	s3 =	spop (v2sf);
	(v2sf) =	vpush v27, $0xD  }
0x34f: {  	v39 =	vld [tilespmem:s11+$0xFD90]  }
0x350: {  	v31 =	vld [tilespmem:s3+$0xFD30];
	(v2sf) =	vpush v27, $0xC;
	s4 =	spop (v2sf)  }
0x351: {  	(v2sf) =	vpush v27, $0xB;
	v35 =	vld [tilespmem:s4+$0xFC30]  }
0x352: {  	s5 =	spop (v2sf);
	v44 =	vld [tilespmem:s4+$0xFC10]  }
0x353: {  	(v2sf) =	vpush v27, $0xA;
	v36 =	vld [tilespmem:s5+$0xFCB0]  }
0x354: {  	v46 =	vld [tilespmem:s5+$0xFC90]  }
0x355: {  	v37 =	vld [tilespmem:s3+$0xFD20];
	(v2sf) =	vpush v27, $0x9  }
0x356: {  	v42 =	vld [tilespmem:s3+$0xFD10];
	(v2sf) =	vpush v27, $0x8  }
0x357: {  	v51 =	vld [tilespmem:s3+$0xFD00]  }
0x358: {  	v40 =	vld [tilespmem:s4+$0xFC20]  }
0x359: {  	v43 =	vld [tilespmem:s4+$0xFC00];
	v35 =	vadd.f32 v36, v35;
	v54 =	vadd.f32 v46, v44  }
0x35a: {  	v41 =	vld [tilespmem:s5+$0xFCA0]  }
0x35b: {  	v45 =	vld [tilespmem:s5+$0xFC80];
	v31 =	vadd.f32 v31, v35;
	v58 =	vadd.f32 v42, v54  }
0x35c: {  	v54 =	vld [tilespmem:s1+$0x190]  }
0x35d: {  	s18 =	spop (v2sf);
	v56 =	vadd.f32 v28, v31;
	v31 =	vadd.f32 v39, v58;
	v58 =	vld [tilespmem:s23+$0x80]  }
0x35e: {  	v47 =	vld [tilespmem:s18+$0x6B0]  }
0x35f: {  	v40 =	vadd.f32 v41, v40;
	s6 =	spop (v2sf);
	v41 =	vld [tilespmem:s18+$0x6A0]  }
0x360: {  	v36 =	vld [tilespmem:s6+$0x630];
	s19 =	spop (v2sf)  }
0x361: {  	v37 =	vadd.f32 v37, v40;
	v53 =	vld [tilespmem:s19+$0x5B0]  }
0x362: {  	v52 =	vadd.f32 v45, v43;
	s20 =	spop (v2sf);
	v59 =	vld [tilespmem:s19+$0x5A0]  }
0x363: {  	v32 =	vadd.f32 v32, v37;
	v25 =	vadd.f32 v25, v56;
	v57 =	vld [tilespmem:s20+$0x530]  }
0x364: {  	(v2sf) =	vpush v14, $0x2;
	v14 =	vadd.f32 v51, v52;
	s9 =	spop (v2sf);
	v61 =	vld [tilespmem:s20+$0x520]  }
0x365: {  	v26 =	vadd.f32 v26, v32;
	v23 =	vadd.f32 v23, v25;
	v60 =	vld [tilespmem:s9+$0x4B0];
	s21 =	spop (v2sf)  }
0x366: {  	v31 =	vadd.f32 v34, v31;
	v14 =	vadd.f32 v38, v14;
	v62 =	vld [tilespmem:s21+$0x430]  }
0x367: {  	v24 =	vadd.f32 v24, v26;
	v19 =	vadd.f32 v19, v23;
	v63 =	vld [tilespmem:s9+$0x4A0]  }
0x368: {  	v34 =	vadd.f32 v30, v31;
	v14 =	vadd.f32 v33, v14;
	v33 =	vld [tilespmem:s21+$0x420]  }
0x369: {  	v20 =	vadd.f32 v20, v24;
	v15 =	vadd.f32 v15, v19;
	v39 =	vld [tilespmem:s21+$0x410]  }
0x36a: {  	v21 =	vadd.f32 v21, v34;
	v43 =	vld [tilespmem:s9+$0x490];
	v14 =	vadd.f32 v29, v14  }
0x36b: {  	v38 =	vld [tilespmem:s21+$0x400];
	v16 =	vadd.f32 v16, v20;
	v15 =	vadd.f32 v62, v15  }
0x36c: {  	v45 =	vld [tilespmem:s20+$0x510];
	v17 =	vadd.f32 v17, v21;
	v14 =	vadd.f32 v22, v14  }
0x36d: {  	v42 =	vld [tilespmem:s9+$0x480];
	v16 =	vadd.f32 v33, v16;
	v15 =	vadd.f32 v60, v15  }
0x36e: {  	v48 =	vld [tilespmem:s19+$0x590];
	v17 =	vadd.f32 v39, v17;
	v14 =	vadd.f32 v18, v14  }
0x36f: {  	v44 =	vld [tilespmem:s20+$0x500];
	v16 =	vadd.f32 v63, v16;
	v15 =	vadd.f32 v57, v15  }
0x370: {  	v55 =	vld [tilespmem:s6+$0x620];
	v17 =	vadd.f32 v43, v17;
	v14 =	vadd.f32 v38, v14  }
0x371: {  	v50 =	vld [tilespmem:s6+$0x610];
	v16 =	vadd.f32 v61, v16;
	v15 =	vadd.f32 v53, v15  }
0x372: {  	v46 =	vld [tilespmem:s19+$0x580];
	v17 =	vadd.f32 v45, v17;
	v14 =	vadd.f32 v42, v14  }
0x373: {  	v52 =	vld [tilespmem:s18+$0x690];
	v16 =	vadd.f32 v59, v16;
	v15 =	vadd.f32 v36, v15  }
0x374: {  	v49 =	vld [tilespmem:s6+$0x600];
	v17 =	vadd.f32 v48, v17;
	v14 =	vadd.f32 v44, v14  }
0x375: {  	v56 =	vld [tilespmem:s10+$0x10];
	v16 =	vadd.f32 v55, v16;
	v15 =	vadd.f32 v47, v15  }
0x376: {  	v51 =	vld [tilespmem:s18+$0x680];
	v17 =	vadd.f32 v50, v17  }
0x377: {  	v59 =	vld [tilespmem:s23+$0x90];
	v14 =	vadd.f32 v46, v14;
	v16 =	vadd.f32 v41, v16;
	v5 =	vmul.f32 v5, v15  }
0x378: {  	v53 =	vld [tilespmem:s1+$0x180];
	v17 =	vadd.f32 v52, v17;
	v10 =	vmul.f32 v10, v15;
	v4 =	vmul.f32 v4, v15  }
0x379: {  	s22 =	spop (v2sf);
	v55 =	vld [tilespmem:s10+$0x0];
	v14 =	vadd.f32 v49, v14;
	v13 =	vmul.f32 v13, v15;
	v6 =	vmul.f32 v6, v16  }
0x37a: {  	v57 =	vld [tilespmem:s22+$0x100];
	v11 =	vmul.f32 v11, v17;
	v12 =	vmul.f32 v12, v16  }
0x37b: {  	v60 =	vld [tilespmem:s22+$0x110];
	v7 =	vmul.f32 v7, v17;
	v18 =	vmul.f32 v54, v17;
	v14 =	vadd.f32 v51, v14  }
0x37c: {  	v61 =	vld [tilespmem:s23+$0xA0];
	v22 =	vmul.f32 v56, v17;
	v29 =	vmul.f32 v59, v17  }
0x37d: {  	v62 =	vld [tilespmem:s22+$0x120];
	v8 =	vmul.f32 v8, v14;
	v9 =	vmul.f32 v9, v14  }
0x37e: {  	v63 =	vld [tilespmem:s1+$0x1A0];
	v20 =	vmul.f32 v53, v14;
	v21 =	vmul.f32 v55, v14  }
0x37f: {  	v30 =	vld [tilespmem:s22+$0x130];
	v19 =	vmul.f32 v57, v14;
	v14 =	vmul.f32 v58, v14  }
0x380: {  	v31 =	vld [tilespmem:s7+$0x2A0];
	v17 =	vmul.f32 v60, v17;
	v7 =	vadd.f32 v7, v9;
	v8 =	vadd.f32 v11, v8  }
0x381: {  	v34 =	vld [tilespmem:s8+$0x230];
	v33 =	vmul.f32 v61, v16;
	v32 =	vadd.f32 v29, v14;
	v18 =	vadd.f32 v18, v20  }
0x382: {  	v35 =	vmul.f32 v62, v16;
	v21 =	vadd.f32 v22, v21;
	v17 =	vadd.f32 v17, v19  }
0x383: {  	v36 =	vmul.f32 v63, v16;
	v11 =	vadd.f32 v33, v32;
	v6 =	vadd.f32 v6, v7  }
0x384: {  	v39 =	vmul.f32 v30, v15;
	v37 =	vadd.f32 v12, v21;
	v38 =	vadd.f32 v35, v17  }
0x385: {  	v9 =	vmul.f32 v31, v16;
	v40 =	vadd.f32 v36, v18;
	v11 =	vadd.f32 v13, v11  }
0x386: {  	v42 =	vmul.f32 v34, v15;
	v7 =	vadd.f32 v10, v37;
	v41 =	vadd.f32 v39, v38  }
0x387: {  	v8 =	vadd.f32 v9, v8;
	v4 =	vadd.f32 v4, v40;
	v43 =	vperm.xlane v11, v0  }
0x388: {  	v6 =	vadd.f32 v42, v6;
	v44 =	vperm.xlane v7, v0;
	v45 =	vperm.xlane v41, v0  }
0x389: {  	v5 =	vadd.f32 v5, v8;
	v46 =	vperm.xlane v4, v0;
	v11 =	vadd.f32 v11, v43  }
0x38a: {  	v48 =	vperm.xlane v6, v0;
	v7 =	vadd.f32 v7, v44;
	v47 =	vadd.f32 v41, v45  }
0x38b: {  	v50 =	vperm.xlane v5, v0;
	v4 =	vadd.f32 v4, v46;
	v49 =	vperm.xlane v11, v1  }
0x38c: {  	v6 =	vadd.f32 v6, v48;
	v51 =	vperm.xlane v7, v1;
	v52 =	vperm.xlane v47, v1  }
0x38d: {  	v5 =	vadd.f32 v5, v50;
	v54 =	vperm.xlane v4, v1;
	v53 =	vadd.f32 v11, v49  }
0x38e: {  	v55 =	vperm.xlane v6, v1;
	v7 =	vadd.f32 v7, v51;
	v8 =	vadd.f32 v47, v52  }
0x38f: {  	v57 =	vperm.xlane v5, v1;
	v4 =	vadd.f32 v4, v54;
	v56 =	vperm.xlane v53, v2  }
0x390: {  	v6 =	vadd.f32 v6, v55;
	v13 =	vperm.xlane v7, v2;
	v14 =	vperm.xlane v8, v2  }
0x391: {  	v5 =	vadd.f32 v5, v57;
	v58 =	vperm.xlane v4, v2;
	v9 =	vadd.f32 v53, v56  }
0x392: {  	v59 =	vperm.xlane v6, v2;
	v7 =	vadd.f32 v7, v13;
	v8 =	vadd.f32 v8, v14  }
0x393: {  	v60 =	vperm.xlane v5, v2;
	v4 =	vadd.f32 v4, v58;
	v12 =	vperm.xlane v9, v3  }
0x394: {  	v6 =	vadd.f32 v6, v59;
	v13 =	vperm.xlane v7, v3;
	v14 =	vperm.xlane v8, v3  }
0x395: {  	v5 =	vadd.f32 v5, v60;
	v61 =	vperm.xlane v4, v3;
	v9 =	vadd.f32 v9, v12  }
0x396: {  	v62 =	vperm.xlane v6, v3;
	v7 =	vadd.f32 v7, v13;
	v8 =	vadd.f32 v8, v14  }
0x397: {  	v63 =	vperm.xlane v5, v3;
	v4 =	vadd.f32 v4, v61;
	v9 =	vsub.f32 $0.0e+00, v9  }
0x398: {  	v6 =	vadd.f32 v6, v62;
	v7 =	vnsel vm0, $0x0, v7;
	v8 =	vsub.f32 $0.0e+00, v8  }
0x399: {  	v5 =	vadd.f32 v5, v63;
	v4 =	vsub.f32 $0.0e+00, v4;
	v7 =	vsel vm1, v7, v9  }
.Ltmp5:
0x39a: {  	v6 =	vsub.f32 $0.0e+00, v6;
	v7 =	vsel vm2, v7, v8;
	(pc) =	sbr.rel @p0 .LBB2_10-.Ltmp5, $4  }
0x39b: {  	v5 =	vsub.f32 $0.0e+00, v5;
	v4 =	vsel vm3, v7, v4  }
0x39c: {  	v4 =	vsel vm4, v4, v6  }
0x39d: {  	s25 =	sadd.s32 $0x10, s25;
	v4 =	vsel vm5, v4, v5  }
0x39e: {  	[tilespmem:s25+$0x0] =	vst v4  }
0x39f: {  	s1 =	sadd.s32 $0x3, s2  }
0x3a0: {  	s2 =	smul.u32 $0x180, s1;
	_ =	sdelay $0x1  }
0x3a1: {  	s2 =	sshra.s32 s2, $0x2  }
0x3a2: {  	v4 =	vld [tilespmem:s2+$0x0];
	_ =	sdelay $0x4  }
0x3a3: {  	v4 =	vshrl.u32 v4, $0x1  }
0x3a4: {  	[tilespmem:$0x2980] =	vst v4  }
0x3a5: {  	v4 =	vld [tilespmem:s2+$0x10];
	_ =	sdelay $0x4  }
0x3a6: {  	v4 =	vshrl.u32 v4, $0x1  }
0x3a7: {  	[tilespmem:$0x2990] =	vst v4  }
0x3a8: {  	v4 =	vld [tilespmem:s2+$0x20];
	_ =	sdelay $0x4  }
0x3a9: {  	v4 =	vshrl.u32 v4, $0x1  }
0x3aa: {  	[tilespmem:$0x29A0] =	vst v4  }
0x3ab: {  	v4 =	vld [tilespmem:s2+$0x30];
	_ =	sdelay $0x4  }
0x3ac: {  	v4 =	vshrl.u32 v4, $0x1  }
0x3ad: {  	[tilespmem:$0x29B0] =	vst v4  }
0x3ae: {  	v4 =	vld [tilespmem:s2+$0x40];
	_ =	sdelay $0x4  }
0x3af: {  	v4 =	vshrl.u32 v4, $0x1  }
0x3b0: {  	[tilespmem:$0x29C0] =	vst v4  }
0x3b1: {  	v4 =	vld [tilespmem:s2+$0x50];
	_ =	sdelay $0x4  }
0x3b2: {  	s1 =	smul.u32 $0xE0, s1;
	v4 =	vshrl.u32 v4, $0x1  }
0x3b3: {  	[tilespmem:$0x29D0] =	vst v4  }
0x3b4: {  	v4 =	vld [tilespmem:s1+$0xC80];
	_ =	sdelay $0x4  }
0x3b5: {  	v4 =	vshrl.u32 v4, $0x1  }
0x3b6: {  	[tilespmem:$0x2B00] =	vst v4  }
0x3b7: {  	v4 =	vld [tilespmem:s1+$0xC90];
	_ =	sdelay $0x4  }
0x3b8: {  	v4 =	vshrl.u32 v4, $0x1  }
0x3b9: {  	[tilespmem:$0x2B10] =	vst v4  }
0x3ba: {  	v4 =	vld [tilespmem:s1+$0xCA0];
	_ =	sdelay $0x4  }
0x3bb: {  	v4 =	vshrl.u32 v4, $0x1  }
0x3bc: {  	[tilespmem:$0x2B20] =	vst v4  }
0x3bd: {  	v4 =	vld [tilespmem:s1+$0xCB0];
	_ =	sdelay $0x4  }
0x3be: {  	v4 =	vshrl.u32 v4, $0x1  }
0x3bf: {  	[tilespmem:$0x2B30] =	vst v4  }
0x3c0: {  	v4 =	vld [tilespmem:s1+$0xCC0];
	_ =	sdelay $0x4  }
0x3c1: {  	v4 =	vshrl.u32 v4, $0x1  }
0x3c2: {  	[tilespmem:$0x2B40] =	vst v4  }
0x3c3: {  	v4 =	vld [tilespmem:s1+$0xCD0];
	_ =	sdelay $0x4  }
0x3c4: {  	v4 =	vshrl.u32 v4, $0x1  }
0x3c5: {  	[tilespmem:$0x2B50] =	vst v4  }
0x3c6: {  	v4 =	vld [tilespmem:s1+$0xCE0];
	_ =	sdelay $0x4  }
0x3c7: {  	v4 =	vshrl.u32 v4, $0x1  }
0x3c8: {  	[tilespmem:$0x2B60] =	vst v4  }
0x3c9: {  	v4 =	vld [tilespmem:s1+$0xCF0];
	_ =	sdelay $0x4  }
0x3ca: {  	v4 =	vshrl.u32 v4, $0x1  }
0x3cb: {  	s18 =	sand.u32 $0x3FE0, s1;
	[tilespmem:$0x2B70] =	vst v4  }
0x3cc: {  	v4 =	vld [tilespmem:s18+$0xD00];
	_ =	sdelay $0x4  }
0x3cd: {  	v4 =	vshrl.u32 v4, $0x1  }
0x3ce: {  	[tilespmem:$0x2B80] =	vst v4  }
0x3cf: {  	v4 =	vld [tilespmem:s1+$0xD10];
	_ =	sdelay $0x4  }
0x3d0: {  	v4 =	vshrl.u32 v4, $0x1  }
0x3d1: {  	[tilespmem:$0x2B90] =	vst v4  }
0x3d2: {  	v4 =	vld [tilespmem:s1+$0xD20];
	_ =	sdelay $0x4  }
0x3d3: {  	v4 =	vshrl.u32 v4, $0x1  }
0x3d4: {  	[tilespmem:$0x2BA0] =	vst v4  }
0x3d5: {  	v4 =	vld [tilespmem:s1+$0xD30];
	_ =	sdelay $0x4  }
0x3d6: {  	v4 =	vshrl.u32 v4, $0x1  }
0x3d7: {  	[tilespmem:$0x2BB0] =	vst v4  }
0x3d8: {  	v4 =	vld [tilespmem:s1+$0xD40];
	_ =	sdelay $0x4  }
0x3d9: {  	v4 =	vshrl.u32 v4, $0x1  }
0x3da: {  	[tilespmem:$0x2BC0] =	vst v4  }
0x3db: {  	v4 =	vld [tilespmem:s1+$0xD50];
	_ =	sdelay $0x1  }
0x3dc: {  	s19 =	rddreg [dreg:$0x3]  }
0x3dd: {  	s20 =	simm.s32 $0x2980;
	s3 =	simm.s32 $0x5C00;
	s4 =	simm.s32 $0x60  }
0x3de: {  	s21 =	rddreg [dreg:$0x4];
	s22 =	simm.s32 $0xE0;
	s23 =	simm.s32 $0x2B00  }
.Ltmp6:
0x3df: {  	s25 =	simm.s32 $0xFC00;
	s31 =	sadd.s32 $0x1, s31;
	v4 =	vshrl.u32 v4, $0x1;
	(pc) =	sbr.rel .LBB2_2-.Ltmp6, $4  }
0x3e0: {  	s30 =	sadd.s32 $0x200, s30;
	s29 =	sadd.s32 $0xC0, s29;
	s24 =	sadd.s32 $0x1C0, s24;
	[tilespmem:$0x2BD0] =	vst v4  }
0x3e1: {  	[tilespmem:s3], [sflag:$0x2] =	stream.indirect.gather [hbm4b:s19+s4], $0x80, s20, s4, $0xb8;
	[tilespmem:$0x18C00] =	vst v63  }
0x3e2: {  	s0 =	sadd.s32 $0x200, s0;
	s28 =	sadd.s32 $0xC0, s28;
	s26 =	sadd.s32 $0x1C0, s26  }
0x3e3: {  	[tilespmem:s25], [sflag:$0x2] =	stream.indirect.gather [hbm4b:s21+s22], $0x80, s23, s22, $0xb8;
	[tilespmem:$0x18C00] =	vst v63  }
.LBB2_11:
0x3e4: {  	_ =	sfence.sel $0x180000  }
0x3e5: {  	[bflag:$0x0] =	sbarrier.arrive $0xFFFF  }
0x3e6: {  	_ =	strace $0x90000047  }
0x3e7: {  	s0 =	stileid.u32;
	[bflag:$0x2] =	sbarrier.arrive $0xFFFF  }
0x3e8: {  	p0 =	sne.s32 s0, $0x0;
	s0 =	rddreg [dreg:$0x2]  }
0x3e9: {  	s0 =	sadd.s32 @!p0 $0x100000, s0  }
0x3ea: {  	[sflag:s0] =	ssyncadd.tile.s32 @!p0 $0x1;
	_ =	shalt  }
.Lfunc_end2:
_tile_overlayer_lowered:
.L_overlay_start_2:
0x3eb: {  	(tag) =	ssettag $0x2  }
0x3ec: {  	s0 =	rddreg [dreg:$0x0];
	s2 =	stileid.u32  }
0x3ed: {  	s1 =	rddreg [dreg:$0x1];
	p0 =	sne.s32 s2, $0x0  }
0x3ee: {  	s3 =	rddreg [dreg:$0x2];
	[bflag:$0x3] =	sbarrier.arrive $0xFFFF;
	s2 =	simm.s32 @!p0 $0x1C03  }
0x3ef: {  	[timem:s3], [sflag:s2] =	dma.local @!p0 [hbm:s0], s1  }
0x3f0: {  	s0 =	simm.s32 @!p0 $0x3  }
0x3f1: {  	_ =	swait.ge @!p0 [sflag:s0], s1  }
0x3f2: {  	s1 =	ssub.s32 @!p0 $0x0, s1;
	[sflag:s0] =	ssyncset.done @!p0 $0x0  }
0x3f3: {  	[sflag:s0] =	ssyncadd.s32 @!p0 s1  }
0x3f4: {  	[bflag:$0x3] =	sbarrier.arrive $0xFFFF  }
0x3f5: {  	_ =	shalt  }

</sc_bundles>
